<compile_context>
chip_gen: v7x
topology: tpu7x:2x2x1
jax: 0.10.2.dev20260603
libtpu: 0.0.44.dev20260713+nightly
codegen_flags: <defaults>
</compile_context>

<pallas_src>
import functools

import jax
import jax.numpy as jnp
from jax import lax
from jax.experimental import pallas as pl
from jax.experimental.pallas import tpu as pltpu
from jax.experimental.pallas import tpu_sc as plsc

NC = 2
NS = 16
L = 16
NW = NC * NS


def _make_sc_sample(HWdim, Wdim, N, BN, C, G):
    SPT = BN // NW
    n_chunks = SPT // G
    assert n_chunks % 4 == 0 and n_chunks >= 8
    mesh = plsc.VectorSubcoreMesh(
        core_axis_name="c", subcore_axis_name="s",
        num_cores=NC, num_subcores=NS)

    @functools.partial(
        pl.kernel,
        out_type=jax.ShapeDtypeStruct((BN, C), jnp.float32),
        mesh=mesh,
        compiler_params=pltpu.CompilerParams(needs_layout_passes=False),
        scratch_types=[
            pltpu.VMEM((SPT,), jnp.float32),
            pltpu.VMEM((SPT,), jnp.float32),
            [pltpu.VMEM((4 * G,), jnp.int32) for _ in range(2)],
            [[pltpu.VMEM((G,), jnp.float32) for _ in range(4)]
             for _ in range(2)],
            pltpu.VMEM((4 * G, C), jnp.float32),
            pltpu.VMEM((4 * G, C), jnp.float32),
            pltpu.VMEM((G, C), jnp.float32),
            pltpu.VMEM((G, C), jnp.float32),
            pltpu.SemaphoreType.DMA,
            pltpu.SemaphoreType.DMA,
            pltpu.SemaphoreType.DMA,
            pltpu.SemaphoreType.DMA,
        ],
    )
    def body(table, ys, xs, out, y_all, x_all, ia, ws,
             r0, r1, o0, o1, gs0, gs1, os0, os1):
        wid = lax.axis_index("s") * NC + lax.axis_index("c")
        base = wid * SPT
        bbase = (base // N) * HWdim

        pltpu.sync_copy(ys.at[pl.ds(base, SPT)], y_all)
        pltpu.sync_copy(xs.at[pl.ds(base, SPT)], x_all)

        rows = (r0, r1)
        outs = (o0, o1)
        gsem = (gs0, gs1)
        osem = (os0, os1)

        def prep(chunk, s):
            iav = ia[s]
            w1, w2, w3, w4 = ws[s]
            for gg in range(G // L):
                src = pl.ds(chunk * G + gg * L, L)
                sl = pl.ds(gg * L, L)
                y = y_all[src]
                x = x_all[src]
                y0 = y.astype(jnp.int32)
                x0 = x.astype(jnp.int32)
                ay = y - y0.astype(jnp.float32)
                ax = x - x0.astype(jnp.float32)
                i1 = bbase + y0 * Wdim + x0
                iav[pl.ds(0 * G + gg * L, L)] = i1
                iav[pl.ds(1 * G + gg * L, L)] = i1 + Wdim
                iav[pl.ds(2 * G + gg * L, L)] = i1 + 1
                iav[pl.ds(3 * G + gg * L, L)] = i1 + (Wdim + 1)
                oay = 1.0 - ay
                oax = 1.0 - ax
                w1[sl] = oay * oax
                w2[sl] = ay * oax
                w3[sl] = oay * ax
                w4[sl] = ay * ax

        def fire(s4, s2):
            pltpu.async_copy(table.at[ia[s4]], rows[s2], gsem[s2])

        def drain_gather(s4, s2):
            pltpu.make_async_copy(table.at[ia[s4]], rows[s2], gsem[s2]).wait()

        def drain_write(s2):
            pltpu.make_async_copy(outs[s2], out.at[pl.ds(base, G)], osem[s2]).wait()

        def combine(s4, s2):
            r = rows[s2]
            o = outs[s2]
            w1, w2, w3, w4 = ws[s4]

            @plsc.parallel_loop(0, G, step=1, unroll=4)
            def _(g):
                gi = jnp.full((L,), g, jnp.int32)
                s1 = plsc.load_gather(w1, [gi])
                s2 = plsc.load_gather(w2, [gi])
                s3 = plsc.load_gather(w3, [gi])
                s4 = plsc.load_gather(w4, [gi])
                for j in range(C // L):
                    cs = pl.ds(j * L, L)
                    o[g, cs] = ((r[g, cs] * s1 + r[G + g, cs] * s2)
                                + (r[2 * G + g, cs] * s3 + r[3 * G + g, cs] * s4))

        prep(0, 0)
        prep(1, 1)
        fire(0, 0)

        @pl.loop(0, n_chunks, step=2)
        def _(ci):
            for b in range(2):
                chunk = ci + b
                nxt = 1 - b

                @pl.when(chunk < n_chunks - 1)
                def _():
                    fire(nxt, nxt)

                drain_gather(b, b)

                @pl.when(chunk >= 2)
                def _():
                    drain_write(b)

                combine(b, b)
                prep(jnp.minimum(chunk + 2, n_chunks - 1), b)
                pltpu.async_copy(outs[b], out.at[pl.ds(base + chunk * G, G)],
                                 osem[b])

        drain_write(0)
        drain_write(1)

    return body


def kernel(in_tensor, indices):
    B, H, W, C = in_tensor.shape
    _, N, _ = indices.shape
    BN = B * N
    G = 32
    assert BN % (NW * G) == 0 and N % (BN // NW) == 0 and C % L == 0
    table = in_tensor.reshape(B * H * W, C)
    ys = indices[..., 0].reshape(BN)
    xs = indices[..., 1].reshape(BN)
    fn = _make_sc_sample(H * W, W, N, BN, C, G)
    out = fn(table, ys, xs)
    return out.reshape(B, N, C)

# --- scband reference (transcript-rebuilt; emitter-appended) ---
"""Pipeline reference for scband-grid-nd-sample-17961553232033 (READ-ONLY COPY).

The authoritative reference and input builder live on the scoring server;
editing this copy changes nothing except your own understanding.
"""

import jax, jax.numpy as jnp
import numpy as np

B, H, W, C = 4, 224, 224, 384
N = 16384


def setup_inputs(seed: int = 0) -> dict:
    key = jax.random.key(seed)
    k1, k2 = jax.random.split(key)
    in_tensor = jax.random.normal(k1, (B, H, W, C), dtype=jnp.float32)
    # continuous sample coordinates in [0, H-2] so that ceil stays in-bounds
    indices = jax.random.uniform(k2, (B, N, 2), dtype=jnp.float32) * (H - 2)
    return {"in_tensor": in_tensor, "indices": indices}


def _gather_nd_b1(tensor, idx):
    # tensor: [B, H, W, C]; idx: int32 [B, N, 2] -> out [B, N, C]
    def g(t, i):
        return t[i[:, 0], i[:, 1]]
    return jax.vmap(g)(tensor, idx)


def reference(in_tensor, indices):
    interpolation_indices = indices[..., -2:]
    rounded_indices = indices[..., :-2]
    inter_floor = jnp.floor(interpolation_indices)
    inter_ceil = jnp.ceil(interpolation_indices)
    p1_indices = jnp.concatenate([rounded_indices, inter_floor], axis=-1)
    p2_indices = jnp.concatenate([rounded_indices, inter_ceil[..., :1], inter_floor[..., 1:2]], axis=-1)
    p3_indices = jnp.concatenate([rounded_indices, inter_floor[..., :1], inter_ceil[..., 1:2]], axis=-1)
    p4_indices = jnp.concatenate([rounded_indices, inter_ceil], axis=-1)
    mu = interpolation_indices - inter_floor
    p1v = _gather_nd_b1(in_tensor, p1_indices.astype(jnp.int32))
    p2v = _gather_nd_b1(in_tensor, p2_indices.astype(jnp.int32))
    p3v = _gather_nd_b1(in_tensor, p3_indices.astype(jnp.int32))
    p4v = _gather_nd_b1(in_tensor, p4_indices.astype(jnp.int32))
    mu_x = mu[..., 0:1]
    mu_y = mu[..., 1:2]
    p12_interp = p1v * (1 - mu_x) + p2v * mu_x
    p34_interp = p3v * (1 - mu_x) + p4v * mu_x
    vertical_interp = p12_interp * (1 - mu_y) + p34_interp * mu_y
    return vertical_interp

if __name__ == "__main__":
    import jax
    _d = setup_inputs()
    print(jax.jit(kernel)(*tuple(_d.values())))

</pallas_src>

<mosaic_0001>
#map = affine_map<(d0, d1) -> (0, 0)>
#map1 = affine_map<(d0, d1) -> (0)>
module attributes {stable_mosaic.version = 14 : i64} {
  func.func @body(%arg0: i32, %arg1: i32, %arg2: memref<200704x384xf32, #tpu.memory_space<hbm>>, %arg3: memref<65536xf32, #tpu.memory_space<hbm>>, %arg4: memref<65536xf32, #tpu.memory_space<hbm>>, %arg5: memref<65536x384xf32, #tpu.memory_space<hbm>>, %arg6: memref<2048xf32, #tpu.memory_space<vmem>>, %arg7: memref<2048xf32, #tpu.memory_space<vmem>>, %arg8: memref<128xi32, #tpu.memory_space<vmem>>, %arg9: memref<128xi32, #tpu.memory_space<vmem>>, %arg10: memref<32xf32, #tpu.memory_space<vmem>>, %arg11: memref<32xf32, #tpu.memory_space<vmem>>, %arg12: memref<32xf32, #tpu.memory_space<vmem>>, %arg13: memref<32xf32, #tpu.memory_space<vmem>>, %arg14: memref<32xf32, #tpu.memory_space<vmem>>, %arg15: memref<32xf32, #tpu.memory_space<vmem>>, %arg16: memref<32xf32, #tpu.memory_space<vmem>>, %arg17: memref<32xf32, #tpu.memory_space<vmem>>, %arg18: memref<128x384xf32, #tpu.memory_space<vmem>>, %arg19: memref<128x384xf32, #tpu.memory_space<vmem>>, %arg20: memref<32x384xf32, #tpu.memory_space<vmem>>, %arg21: memref<32x384xf32, #tpu.memory_space<vmem>>, %arg22: memref<!tpu.dma_semaphore, #tpu.memory_space<semaphore_mem>>, %arg23: memref<!tpu.dma_semaphore, #tpu.memory_space<semaphore_mem>>, %arg24: memref<!tpu.dma_semaphore, #tpu.memory_space<semaphore_mem>>, %arg25: memref<!tpu.dma_semaphore, #tpu.memory_space<semaphore_mem>>) attributes {dimension_semantics = [#tpu.dimension_semantics<core_parallel>, #tpu.dimension_semantics<subcore_parallel>], iteration_bounds = array<i64: 2, 16>, scalar_prefetch = 0 : i64, scratch_operands = 20 : i64, tpu.core_type = #tpu.core_type<sc_vector_subcore>, window_params = [{transform_indices = #map}, {transform_indices = #map1}, {transform_indices = #map1}, {transform_indices = #map}]} {
    %mul3A = arith.constant 2 : i32
    %mul3A_0 = arith.muli %arg1, %mul3A : i32
    %add3A = arith.addi %mul3A_0, %arg0 : i32
    %mul3A_1 = arith.constant 2048 : i32
    %mul3A_2 = arith.muli %add3A, %mul3A_1 : i32
    %jit3A = arith.constant 16384 : i32
    %div3A = arith.divsi %mul3A_2, %jit3A : i32
    %sign3A = arith.constant 0 : i32
    %sign3A_3 = arith.cmpi sgt, %mul3A_2, %sign3A : i32
    %sign3A_4 = arith.extui %sign3A_3 : i1 to i32
    %sign3A_5 = arith.constant 0 : i32
    %sign3A_6 = arith.cmpi slt, %mul3A_2, %sign3A_5 : i32
    %sign3A_7 = arith.extui %sign3A_6 : i1 to i32
    %sign3A_8 = arith.subi %sign3A_4, %sign3A_7 : i32
    %sign3A_9 = arith.constant 0 : i32
    %sign3A_10 = arith.cmpi sgt, %jit3A, %sign3A_9 : i32
    %sign3A_11 = arith.extui %sign3A_10 : i1 to i32
    %sign3A_12 = arith.constant 0 : i32
    %sign3A_13 = arith.cmpi slt, %jit3A, %sign3A_12 : i32
    %sign3A_14 = arith.extui %sign3A_13 : i1 to i32
    %sign3A_15 = arith.subi %sign3A_11, %sign3A_14 : i32
    %ne3A = arith.cmpi ne, %sign3A_8, %sign3A_15 : i32
    %rem3A = arith.remsi %mul3A_2, %jit3A : i32
    %ne3A_16 = arith.constant 0 : i32
    %ne3A_17 = arith.cmpi ne, %rem3A, %ne3A_16 : i32
    %and3A = arith.andi %ne3A, %ne3A_17 : i1
    %sub3A = arith.constant 1 : i32
    %sub3A_18 = arith.subi %div3A, %sub3A : i32
    %select_n3A = arith.select %and3A, %sub3A_18, %div3A : i32
    %mul3A_19 = arith.constant 50176 : i32
    %mul3A_20 = arith.muli %select_n3A, %mul3A_19 : i32
    "tpu.region"() ({
      %run_scoped3A = tpu.sem_alloc : memref<!tpu.dma_semaphore, #tpu.memory_space<semaphore_mem>>
      %dma_start3A_235 = tpu.memref_slice %arg3[%mul3A_2] : memref<65536xf32, #tpu.memory_space<hbm>> -> memref<2048xf32, #tpu.memory_space<hbm>>
      %dma_start3A_236 = tpu.memref_slice %arg3[%mul3A_2] : memref<65536xf32, #tpu.memory_space<hbm>> -> memref<2048xf32, #tpu.memory_space<hbm>>
      tpu.enqueue_dma source(%dma_start3A_236 : memref<2048xf32, #tpu.memory_space<hbm>>) target(%arg6 : memref<2048xf32, #tpu.memory_space<vmem>>) target_semaphore(%run_scoped3A : memref<!tpu.dma_semaphore, #tpu.memory_space<semaphore_mem>>)
      %dma_wait3A_237 = tpu.memref_slice %arg3[%mul3A_2] : memref<65536xf32, #tpu.memory_space<hbm>> -> memref<2048xf32, #tpu.memory_space<hbm>>
      %dma_wait3A_238 = tpu.memref_slice %arg3[%mul3A_2] : memref<65536xf32, #tpu.memory_space<hbm>> -> memref<2048xf32, #tpu.memory_space<hbm>>
      tpu.wait_dma2 semaphore(%run_scoped3A : memref<!tpu.dma_semaphore, #tpu.memory_space<semaphore_mem>>) src(%dma_wait3A_238 : memref<2048xf32, #tpu.memory_space<hbm>>) dst(%arg6 : memref<2048xf32, #tpu.memory_space<vmem>>)
      tpu.yield
    }) : () -> ()
    "tpu.region"() ({
      %run_scoped3A = tpu.sem_alloc : memref<!tpu.dma_semaphore, #tpu.memory_space<semaphore_mem>>
      %dma_start3A_235 = tpu.memref_slice %arg4[%mul3A_2] : memref<65536xf32, #tpu.memory_space<hbm>> -> memref<2048xf32, #tpu.memory_space<hbm>>
      %dma_start3A_236 = tpu.memref_slice %arg4[%mul3A_2] : memref<65536xf32, #tpu.memory_space<hbm>> -> memref<2048xf32, #tpu.memory_space<hbm>>
      tpu.enqueue_dma source(%dma_start3A_236 : memref<2048xf32, #tpu.memory_space<hbm>>) target(%arg7 : memref<2048xf32, #tpu.memory_space<vmem>>) target_semaphore(%run_scoped3A : memref<!tpu.dma_semaphore, #tpu.memory_space<semaphore_mem>>)
      %dma_wait3A_237 = tpu.memref_slice %arg4[%mul3A_2] : memref<65536xf32, #tpu.memory_space<hbm>> -> memref<2048xf32, #tpu.memory_space<hbm>>
      %dma_wait3A_238 = tpu.memref_slice %arg4[%mul3A_2] : memref<65536xf32, #tpu.memory_space<hbm>> -> memref<2048xf32, #tpu.memory_space<hbm>>
      tpu.wait_dma2 semaphore(%run_scoped3A : memref<!tpu.dma_semaphore, #tpu.memory_space<semaphore_mem>>) src(%dma_wait3A_238 : memref<2048xf32, #tpu.memory_space<hbm>>) dst(%arg7 : memref<2048xf32, #tpu.memory_space<vmem>>)
      tpu.yield
    }) : () -> ()
    %get3A = arith.constant 0 : index
    %get3A_21 = tpu.vector_load %arg6[%get3A] {strides = array<i32>} : memref<2048xf32, #tpu.memory_space<vmem>>, vector<16xf32>,
    %get3A_22 = arith.constant 0 : index
    %get3A_23 = tpu.vector_load %arg7[%get3A_22] {strides = array<i32>} : memref<2048xf32, #tpu.memory_space<vmem>>, vector<16xf32>,
    %convert_element_type3A = arith.fptosi %get3A_21 : vector<16xf32> to vector<16xi32>
    %convert_element_type3A_24 = arith.fptosi %get3A_23 : vector<16xf32> to vector<16xi32>
    %convert_element_type3A_25 = arith.sitofp %convert_element_type3A : vector<16xi32> to vector<16xf32>
    %sub3A_26 = arith.subf %get3A_21, %convert_element_type3A_25 : vector<16xf32>
    %convert_element_type3A_27 = arith.sitofp %convert_element_type3A_24 : vector<16xi32> to vector<16xf32>
    %sub3A_28 = arith.subf %get3A_23, %convert_element_type3A_27 : vector<16xf32>
    %mul3A_29 = arith.constant 224 : i32
    %mul3A_30 = vector.broadcast %mul3A_29 : i32 to vector<16xi32>
    %mul3A_31 = arith.muli %convert_element_type3A, %mul3A_30 : vector<16xi32>
    %add3A_32 = vector.broadcast %mul3A_20 : i32 to vector<16xi32>
    %add3A_33 = arith.addi %add3A_32, %mul3A_31 : vector<16xi32>
    %add3A_34 = arith.addi %add3A_33, %convert_element_type3A_24 : vector<16xi32>
    %swap3A = arith.constant 0 : index
    %swap3A_35 = tpu.vector_load %arg8[%swap3A] {strides = array<i32>} : memref<128xi32, #tpu.memory_space<vmem>>, vector<16xi32>,
    tpu.vector_store %arg8[%swap3A], %add3A_34 {strides = array<i32>} : memref<128xi32, #tpu.memory_space<vmem>>, vector<16xi32>,
    %add3A_36 = arith.constant 224 : i32
    %add3A_37 = vector.broadcast %add3A_36 : i32 to vector<16xi32>
    %add3A_38 = arith.addi %add3A_34, %add3A_37 : vector<16xi32>
    %swap3A_39 = arith.constant 32 : index
    %swap3A_40 = tpu.vector_load %arg8[%swap3A_39] {strides = array<i32>} : memref<128xi32, #tpu.memory_space<vmem>>, vector<16xi32>,
    tpu.vector_store %arg8[%swap3A_39], %add3A_38 {strides = array<i32>} : memref<128xi32, #tpu.memory_space<vmem>>, vector<16xi32>,
    %add3A_41 = arith.constant 1 : i32
    %add3A_42 = vector.broadcast %add3A_41 : i32 to vector<16xi32>
    %add3A_43 = arith.addi %add3A_34, %add3A_42 : vector<16xi32>
    %swap3A_44 = arith.constant 64 : index
    %swap3A_45 = tpu.vector_load %arg8[%swap3A_44] {strides = array<i32>} : memref<128xi32, #tpu.memory_space<vmem>>, vector<16xi32>,
    tpu.vector_store %arg8[%swap3A_44], %add3A_43 {strides = array<i32>} : memref<128xi32, #tpu.memory_space<vmem>>, vector<16xi32>,
    %add3A_46 = arith.constant 225 : i32
    %add3A_47 = vector.broadcast %add3A_46 : i32 to vector<16xi32>
    %add3A_48 = arith.addi %add3A_34, %add3A_47 : vector<16xi32>
    %swap3A_49 = arith.constant 96 : index
    %swap3A_50 = tpu.vector_load %arg8[%swap3A_49] {strides = array<i32>} : memref<128xi32, #tpu.memory_space<vmem>>, vector<16xi32>,
    tpu.vector_store %arg8[%swap3A_49], %add3A_48 {strides = array<i32>} : memref<128xi32, #tpu.memory_space<vmem>>, vector<16xi32>,
    %sub3A_51 = arith.constant 1.000000e+00 : f32
    %sub3A_52 = vector.broadcast %sub3A_51 : f32 to vector<16xf32>
    %sub3A_53 = arith.subf %sub3A_52, %sub3A_26 : vector<16xf32>
    %sub3A_54 = arith.constant 1.000000e+00 : f32
    %sub3A_55 = vector.broadcast %sub3A_54 : f32 to vector<16xf32>
    %sub3A_56 = arith.subf %sub3A_55, %sub3A_28 : vector<16xf32>
    %mul3A_57 = arith.mulf %sub3A_53, %sub3A_56 : vector<16xf32>
    %swap3A_58 = arith.constant 0 : index
    %swap3A_59 = tpu.vector_load %arg10[%swap3A_58] {strides = array<i32>} : memref<32xf32, #tpu.memory_space<vmem>>, vector<16xf32>,
    tpu.vector_store %arg10[%swap3A_58], %mul3A_57 {strides = array<i32>} : memref<32xf32, #tpu.memory_space<vmem>>, vector<16xf32>,
    %mul3A_60 = arith.mulf %sub3A_26, %sub3A_56 : vector<16xf32>
    %swap3A_61 = arith.constant 0 : index
    %swap3A_62 = tpu.vector_load %arg11[%swap3A_61] {strides = array<i32>} : memref<32xf32, #tpu.memory_space<vmem>>, vector<16xf32>,
    tpu.vector_store %arg11[%swap3A_61], %mul3A_60 {strides = array<i32>} : memref<32xf32, #tpu.memory_space<vmem>>, vector<16xf32>,
    %mul3A_63 = arith.mulf %sub3A_53, %sub3A_28 : vector<16xf32>
    %swap3A_64 = arith.constant 0 : index
    %swap3A_65 = tpu.vector_load %arg12[%swap3A_64] {strides = array<i32>} : memref<32xf32, #tpu.memory_space<vmem>>, vector<16xf32>,
    tpu.vector_store %arg12[%swap3A_64], %mul3A_63 {strides = array<i32>} : memref<32xf32, #tpu.memory_space<vmem>>, vector<16xf32>,
    %mul3A_66 = arith.mulf %sub3A_26, %sub3A_28 : vector<16xf32>
    %swap3A_67 = arith.constant 0 : index
    %swap3A_68 = tpu.vector_load %arg13[%swap3A_67] {strides = array<i32>} : memref<32xf32, #tpu.memory_space<vmem>>, vector<16xf32>,
    tpu.vector_store %arg13[%swap3A_67], %mul3A_66 {strides = array<i32>} : memref<32xf32, #tpu.memory_space<vmem>>, vector<16xf32>,
    %get3A_69 = arith.constant 16 : index
    %get3A_70 = tpu.vector_load %arg6[%get3A_69] {strides = array<i32>} : memref<2048xf32, #tpu.memory_space<vmem>>, vector<16xf32>,
    %get3A_71 = arith.constant 16 : index
    %get3A_72 = tpu.vector_load %arg7[%get3A_71] {strides = array<i32>} : memref<2048xf32, #tpu.memory_space<vmem>>, vector<16xf32>,
    %convert_element_type3A_73 = arith.fptosi %get3A_70 : vector<16xf32> to vector<16xi32>
    %convert_element_type3A_74 = arith.fptosi %get3A_72 : vector<16xf32> to vector<16xi32>
    %convert_element_type3A_75 = arith.sitofp %convert_element_type3A_73 : vector<16xi32> to vector<16xf32>
    %sub3A_76 = arith.subf %get3A_70, %convert_element_type3A_75 : vector<16xf32>
    %convert_element_type3A_77 = arith.sitofp %convert_element_type3A_74 : vector<16xi32> to vector<16xf32>
    %sub3A_78 = arith.subf %get3A_72, %convert_element_type3A_77 : vector<16xf32>
    %mul3A_79 = arith.constant 224 : i32
    %mul3A_80 = vector.broadcast %mul3A_79 : i32 to vector<16xi32>
    %mul3A_81 = arith.muli %convert_element_type3A_73, %mul3A_80 : vector<16xi32>
    %add3A_82 = vector.broadcast %mul3A_20 : i32 to vector<16xi32>
    %add3A_83 = arith.addi %add3A_82, %mul3A_81 : vector<16xi32>
    %add3A_84 = arith.addi %add3A_83, %convert_element_type3A_74 : vector<16xi32>
    %swap3A_85 = arith.constant 16 : index
    %swap3A_86 = tpu.vector_load %arg8[%swap3A_85] {strides = array<i32>} : memref<128xi32, #tpu.memory_space<vmem>>, vector<16xi32>,
    tpu.vector_store %arg8[%swap3A_85], %add3A_84 {strides = array<i32>} : memref<128xi32, #tpu.memory_space<vmem>>, vector<16xi32>,
    %add3A_87 = arith.constant 224 : i32
    %add3A_88 = vector.broadcast %add3A_87 : i32 to vector<16xi32>
    %add3A_89 = arith.addi %add3A_84, %add3A_88 : vector<16xi32>
    %swap3A_90 = arith.constant 48 : index
    %swap3A_91 = tpu.vector_load %arg8[%swap3A_90] {strides = array<i32>} : memref<128xi32, #tpu.memory_space<vmem>>, vector<16xi32>,
    tpu.vector_store %arg8[%swap3A_90], %add3A_89 {strides = array<i32>} : memref<128xi32, #tpu.memory_space<vmem>>, vector<16xi32>,
    %add3A_92 = arith.constant 1 : i32
    %add3A_93 = vector.broadcast %add3A_92 : i32 to vector<16xi32>
    %add3A_94 = arith.addi %add3A_84, %add3A_93 : vector<16xi32>
    %swap3A_95 = arith.constant 80 : index
    %swap3A_96 = tpu.vector_load %arg8[%swap3A_95] {strides = array<i32>} : memref<128xi32, #tpu.memory_space<vmem>>, vector<16xi32>,
    tpu.vector_store %arg8[%swap3A_95], %add3A_94 {strides = array<i32>} : memref<128xi32, #tpu.memory_space<vmem>>, vector<16xi32>,
    %add3A_97 = arith.constant 225 : i32
    %add3A_98 = vector.broadcast %add3A_97 : i32 to vector<16xi32>
    %add3A_99 = arith.addi %add3A_84, %add3A_98 : vector<16xi32>
    %swap3A_100 = arith.constant 112 : index
    %swap3A_101 = tpu.vector_load %arg8[%swap3A_100] {strides = array<i32>} : memref<128xi32, #tpu.memory_space<vmem>>, vector<16xi32>,
    tpu.vector_store %arg8[%swap3A_100], %add3A_99 {strides = array<i32>} : memref<128xi32, #tpu.memory_space<vmem>>, vector<16xi32>,
    %sub3A_102 = arith.constant 1.000000e+00 : f32
    %sub3A_103 = vector.broadcast %sub3A_102 : f32 to vector<16xf32>
    %sub3A_104 = arith.subf %sub3A_103, %sub3A_76 : vector<16xf32>
    %sub3A_105 = arith.constant 1.000000e+00 : f32
    %sub3A_106 = vector.broadcast %sub3A_105 : f32 to vector<16xf32>
    %sub3A_107 = arith.subf %sub3A_106, %sub3A_78 : vector<16xf32>
    %mul3A_108 = arith.mulf %sub3A_104, %sub3A_107 : vector<16xf32>
    %swap3A_109 = arith.constant 16 : index
    %swap3A_110 = tpu.vector_load %arg10[%swap3A_109] {strides = array<i32>} : memref<32xf32, #tpu.memory_space<vmem>>, vector<16xf32>,
    tpu.vector_store %arg10[%swap3A_109], %mul3A_108 {strides = array<i32>} : memref<32xf32, #tpu.memory_space<vmem>>, vector<16xf32>,
    %mul3A_111 = arith.mulf %sub3A_76, %sub3A_107 : vector<16xf32>
    %swap3A_112 = arith.constant 16 : index
    %swap3A_113 = tpu.vector_load %arg11[%swap3A_112] {strides = array<i32>} : memref<32xf32, #tpu.memory_space<vmem>>, vector<16xf32>,
    tpu.vector_store %arg11[%swap3A_112], %mul3A_111 {strides = array<i32>} : memref<32xf32, #tpu.memory_space<vmem>>, vector<16xf32>,
    %mul3A_114 = arith.mulf %sub3A_104, %sub3A_78 : vector<16xf32>
    %swap3A_115 = arith.constant 16 : index
    %swap3A_116 = tpu.vector_load %arg12[%swap3A_115] {strides = array<i32>} : memref<32xf32, #tpu.memory_space<vmem>>, vector<16xf32>,
    tpu.vector_store %arg12[%swap3A_115], %mul3A_114 {strides = array<i32>} : memref<32xf32, #tpu.memory_space<vmem>>, vector<16xf32>,
    %mul3A_117 = arith.mulf %sub3A_76, %sub3A_78 : vector<16xf32>
    %swap3A_118 = arith.constant 16 : index
    %swap3A_119 = tpu.vector_load %arg13[%swap3A_118] {strides = array<i32>} : memref<32xf32, #tpu.memory_space<vmem>>, vector<16xf32>,
    tpu.vector_store %arg13[%swap3A_118], %mul3A_117 {strides = array<i32>} : memref<32xf32, #tpu.memory_space<vmem>>, vector<16xf32>,
    %get3A_120 = arith.constant 32 : index
    %get3A_121 = tpu.vector_load %arg6[%get3A_120] {strides = array<i32>} : memref<2048xf32, #tpu.memory_space<vmem>>, vector<16xf32>,
    %get3A_122 = arith.constant 32 : index
    %get3A_123 = tpu.vector_load %arg7[%get3A_122] {strides = array<i32>} : memref<2048xf32, #tpu.memory_space<vmem>>, vector<16xf32>,
    %convert_element_type3A_124 = arith.fptosi %get3A_121 : vector<16xf32> to vector<16xi32>
    %convert_element_type3A_125 = arith.fptosi %get3A_123 : vector<16xf32> to vector<16xi32>
    %convert_element_type3A_126 = arith.sitofp %convert_element_type3A_124 : vector<16xi32> to vector<16xf32>
    %sub3A_127 = arith.subf %get3A_121, %convert_element_type3A_126 : vector<16xf32>
    %convert_element_type3A_128 = arith.sitofp %convert_element_type3A_125 : vector<16xi32> to vector<16xf32>
    %sub3A_129 = arith.subf %get3A_123, %convert_element_type3A_128 : vector<16xf32>
    %mul3A_130 = arith.constant 224 : i32
    %mul3A_131 = vector.broadcast %mul3A_130 : i32 to vector<16xi32>
    %mul3A_132 = arith.muli %convert_element_type3A_124, %mul3A_131 : vector<16xi32>
    %add3A_133 = vector.broadcast %mul3A_20 : i32 to vector<16xi32>
    %add3A_134 = arith.addi %add3A_133, %mul3A_132 : vector<16xi32>
    %add3A_135 = arith.addi %add3A_134, %convert_element_type3A_125 : vector<16xi32>
    %swap3A_136 = arith.constant 0 : index
    %swap3A_137 = tpu.vector_load %arg9[%swap3A_136] {strides = array<i32>} : memref<128xi32, #tpu.memory_space<vmem>>, vector<16xi32>,
    tpu.vector_store %arg9[%swap3A_136], %add3A_135 {strides = array<i32>} : memref<128xi32, #tpu.memory_space<vmem>>, vector<16xi32>,
    %add3A_138 = arith.constant 224 : i32
    %add3A_139 = vector.broadcast %add3A_138 : i32 to vector<16xi32>
    %add3A_140 = arith.addi %add3A_135, %add3A_139 : vector<16xi32>
    %swap3A_141 = arith.constant 32 : index
    %swap3A_142 = tpu.vector_load %arg9[%swap3A_141] {strides = array<i32>} : memref<128xi32, #tpu.memory_space<vmem>>, vector<16xi32>,
    tpu.vector_store %arg9[%swap3A_141], %add3A_140 {strides = array<i32>} : memref<128xi32, #tpu.memory_space<vmem>>, vector<16xi32>,
    %add3A_143 = arith.constant 1 : i32
    %add3A_144 = vector.broadcast %add3A_143 : i32 to vector<16xi32>
    %add3A_145 = arith.addi %add3A_135, %add3A_144 : vector<16xi32>
    %swap3A_146 = arith.constant 64 : index
    %swap3A_147 = tpu.vector_load %arg9[%swap3A_146] {strides = array<i32>} : memref<128xi32, #tpu.memory_space<vmem>>, vector<16xi32>,
    tpu.vector_store %arg9[%swap3A_146], %add3A_145 {strides = array<i32>} : memref<128xi32, #tpu.memory_space<vmem>>, vector<16xi32>,
    %add3A_148 = arith.constant 225 : i32
    %add3A_149 = vector.broadcast %add3A_148 : i32 to vector<16xi32>
    %add3A_150 = arith.addi %add3A_135, %add3A_149 : vector<16xi32>
    %swap3A_151 = arith.constant 96 : index
    %swap3A_152 = tpu.vector_load %arg9[%swap3A_151] {strides = array<i32>} : memref<128xi32, #tpu.memory_space<vmem>>, vector<16xi32>,
    tpu.vector_store %arg9[%swap3A_151], %add3A_150 {strides = array<i32>} : memref<128xi32, #tpu.memory_space<vmem>>, vector<16xi32>,
    %sub3A_153 = arith.constant 1.000000e+00 : f32
    %sub3A_154 = vector.broadcast %sub3A_153 : f32 to vector<16xf32>
    %sub3A_155 = arith.subf %sub3A_154, %sub3A_127 : vector<16xf32>
    %sub3A_156 = arith.constant 1.000000e+00 : f32
    %sub3A_157 = vector.broadcast %sub3A_156 : f32 to vector<16xf32>
    %sub3A_158 = arith.subf %sub3A_157, %sub3A_129 : vector<16xf32>
    %mul3A_159 = arith.mulf %sub3A_155, %sub3A_158 : vector<16xf32>
    %swap3A_160 = arith.constant 0 : index
    %swap3A_161 = tpu.vector_load %arg14[%swap3A_160] {strides = array<i32>} : memref<32xf32, #tpu.memory_space<vmem>>, vector<16xf32>,
    tpu.vector_store %arg14[%swap3A_160], %mul3A_159 {strides = array<i32>} : memref<32xf32, #tpu.memory_space<vmem>>, vector<16xf32>,
    %mul3A_162 = arith.mulf %sub3A_127, %sub3A_158 : vector<16xf32>
    %swap3A_163 = arith.constant 0 : index
    %swap3A_164 = tpu.vector_load %arg15[%swap3A_163] {strides = array<i32>} : memref<32xf32, #tpu.memory_space<vmem>>, vector<16xf32>,
    tpu.vector_store %arg15[%swap3A_163], %mul3A_162 {strides = array<i32>} : memref<32xf32, #tpu.memory_space<vmem>>, vector<16xf32>,
    %mul3A_165 = arith.mulf %sub3A_155, %sub3A_129 : vector<16xf32>
    %swap3A_166 = arith.constant 0 : index
    %swap3A_167 = tpu.vector_load %arg16[%swap3A_166] {strides = array<i32>} : memref<32xf32, #tpu.memory_space<vmem>>, vector<16xf32>,
    tpu.vector_store %arg16[%swap3A_166], %mul3A_165 {strides = array<i32>} : memref<32xf32, #tpu.memory_space<vmem>>, vector<16xf32>,
    %mul3A_168 = arith.mulf %sub3A_127, %sub3A_129 : vector<16xf32>
    %swap3A_169 = arith.constant 0 : index
    %swap3A_170 = tpu.vector_load %arg17[%swap3A_169] {strides = array<i32>} : memref<32xf32, #tpu.memory_space<vmem>>, vector<16xf32>,
    tpu.vector_store %arg17[%swap3A_169], %mul3A_168 {strides = array<i32>} : memref<32xf32, #tpu.memory_space<vmem>>, vector<16xf32>,
    %get3A_171 = arith.constant 48 : index
    %get3A_172 = tpu.vector_load %arg6[%get3A_171] {strides = array<i32>} : memref<2048xf32, #tpu.memory_space<vmem>>, vector<16xf32>,
    %get3A_173 = arith.constant 48 : index
    %get3A_174 = tpu.vector_load %arg7[%get3A_173] {strides = array<i32>} : memref<2048xf32, #tpu.memory_space<vmem>>, vector<16xf32>,
    %convert_element_type3A_175 = arith.fptosi %get3A_172 : vector<16xf32> to vector<16xi32>
    %convert_element_type3A_176 = arith.fptosi %get3A_174 : vector<16xf32> to vector<16xi32>
    %convert_element_type3A_177 = arith.sitofp %convert_element_type3A_175 : vector<16xi32> to vector<16xf32>
    %sub3A_178 = arith.subf %get3A_172, %convert_element_type3A_177 : vector<16xf32>
    %convert_element_type3A_179 = arith.sitofp %convert_element_type3A_176 : vector<16xi32> to vector<16xf32>
    %sub3A_180 = arith.subf %get3A_174, %convert_element_type3A_179 : vector<16xf32>
    %mul3A_181 = arith.constant 224 : i32
    %mul3A_182 = vector.broadcast %mul3A_181 : i32 to vector<16xi32>
    %mul3A_183 = arith.muli %convert_element_type3A_175, %mul3A_182 : vector<16xi32>
    %add3A_184 = vector.broadcast %mul3A_20 : i32 to vector<16xi32>
    %add3A_185 = arith.addi %add3A_184, %mul3A_183 : vector<16xi32>
    %add3A_186 = arith.addi %add3A_185, %convert_element_type3A_176 : vector<16xi32>
    %swap3A_187 = arith.constant 16 : index
    %swap3A_188 = tpu.vector_load %arg9[%swap3A_187] {strides = array<i32>} : memref<128xi32, #tpu.memory_space<vmem>>, vector<16xi32>,
    tpu.vector_store %arg9[%swap3A_187], %add3A_186 {strides = array<i32>} : memref<128xi32, #tpu.memory_space<vmem>>, vector<16xi32>,
    %add3A_189 = arith.constant 224 : i32
    %add3A_190 = vector.broadcast %add3A_189 : i32 to vector<16xi32>
    %add3A_191 = arith.addi %add3A_186, %add3A_190 : vector<16xi32>
    %swap3A_192 = arith.constant 48 : index
    %swap3A_193 = tpu.vector_load %arg9[%swap3A_192] {strides = array<i32>} : memref<128xi32, #tpu.memory_space<vmem>>, vector<16xi32>,
    tpu.vector_store %arg9[%swap3A_192], %add3A_191 {strides = array<i32>} : memref<128xi32, #tpu.memory_space<vmem>>, vector<16xi32>,
    %add3A_194 = arith.constant 1 : i32
    %add3A_195 = vector.broadcast %add3A_194 : i32 to vector<16xi32>
    %add3A_196 = arith.addi %add3A_186, %add3A_195 : vector<16xi32>
    %swap3A_197 = arith.constant 80 : index
    %swap3A_198 = tpu.vector_load %arg9[%swap3A_197] {strides = array<i32>} : memref<128xi32, #tpu.memory_space<vmem>>, vector<16xi32>,
    tpu.vector_store %arg9[%swap3A_197], %add3A_196 {strides = array<i32>} : memref<128xi32, #tpu.memory_space<vmem>>, vector<16xi32>,
    %add3A_199 = arith.constant 225 : i32
    %add3A_200 = vector.broadcast %add3A_199 : i32 to vector<16xi32>
    %add3A_201 = arith.addi %add3A_186, %add3A_200 : vector<16xi32>
    %swap3A_202 = arith.constant 112 : index
    %swap3A_203 = tpu.vector_load %arg9[%swap3A_202] {strides = array<i32>} : memref<128xi32, #tpu.memory_space<vmem>>, vector<16xi32>,
    tpu.vector_store %arg9[%swap3A_202], %add3A_201 {strides = array<i32>} : memref<128xi32, #tpu.memory_space<vmem>>, vector<16xi32>,
    %sub3A_204 = arith.constant 1.000000e+00 : f32
    %sub3A_205 = vector.broadcast %sub3A_204 : f32 to vector<16xf32>
    %sub3A_206 = arith.subf %sub3A_205, %sub3A_178 : vector<16xf32>
    %sub3A_207 = arith.constant 1.000000e+00 : f32
    %sub3A_208 = vector.broadcast %sub3A_207 : f32 to vector<16xf32>
    %sub3A_209 = arith.subf %sub3A_208, %sub3A_180 : vector<16xf32>
    %mul3A_210 = arith.mulf %sub3A_206, %sub3A_209 : vector<16xf32>
    %swap3A_211 = arith.constant 16 : index
    %swap3A_212 = tpu.vector_load %arg14[%swap3A_211] {strides = array<i32>} : memref<32xf32, #tpu.memory_space<vmem>>, vector<16xf32>,
    tpu.vector_store %arg14[%swap3A_211], %mul3A_210 {strides = array<i32>} : memref<32xf32, #tpu.memory_space<vmem>>, vector<16xf32>,
    %mul3A_213 = arith.mulf %sub3A_178, %sub3A_209 : vector<16xf32>
    %swap3A_214 = arith.constant 16 : index
    %swap3A_215 = tpu.vector_load %arg15[%swap3A_214] {strides = array<i32>} : memref<32xf32, #tpu.memory_space<vmem>>, vector<16xf32>,
    tpu.vector_store %arg15[%swap3A_214], %mul3A_213 {strides = array<i32>} : memref<32xf32, #tpu.memory_space<vmem>>, vector<16xf32>,
    %mul3A_216 = arith.mulf %sub3A_206, %sub3A_180 : vector<16xf32>
    %swap3A_217 = arith.constant 16 : index
    %swap3A_218 = tpu.vector_load %arg16[%swap3A_217] {strides = array<i32>} : memref<32xf32, #tpu.memory_space<vmem>>, vector<16xf32>,
    tpu.vector_store %arg16[%swap3A_217], %mul3A_216 {strides = array<i32>} : memref<32xf32, #tpu.memory_space<vmem>>, vector<16xf32>,
    %mul3A_219 = arith.mulf %sub3A_178, %sub3A_180 : vector<16xf32>
    %swap3A_220 = arith.constant 16 : index
    %swap3A_221 = tpu.vector_load %arg17[%swap3A_220] {strides = array<i32>} : memref<32xf32, #tpu.memory_space<vmem>>, vector<16xf32>,
    tpu.vector_store %arg17[%swap3A_220], %mul3A_219 {strides = array<i32>} : memref<32xf32, #tpu.memory_space<vmem>>, vector<16xf32>,
    %dma_start3A = arith.constant 0 : i32
    %dma_start3A_222 = arith.constant 0 : i32
    %dma_start3A_223 = tpu.memref_slice %arg2[%dma_start3A, %dma_start3A_222] : memref<200704x384xf32, #tpu.memory_space<hbm>> -> memref<200704x384xf32, #tpu.memory_space<hbm>>
    tpu.enqueue_indirect_dma source(%dma_start3A_223 : memref<200704x384xf32, #tpu.memory_space<hbm>>) target(%arg18 : memref<128x384xf32, #tpu.memory_space<vmem>>) offsets(%arg8 : memref<128xi32, #tpu.memory_space<vmem>>) semaphore(%arg22 : memref<!tpu.dma_semaphore, #tpu.memory_space<semaphore_mem>>)
    %scan3A = arith.constant 0 : i32
    %scan3A_224 = arith.constant 32 : i32
    %scan3A_225 = arith.addi %scan3A, %scan3A_224 : i32
    %scan3A_226 = arith.constant 1 : i32
    scf.for %scan3A_235 = %scan3A to %scan3A_225 step %scan3A_226  : i32 {
      %mul3A_236 = arith.constant 2 : i32
      %mul3A_237 = arith.muli %scan3A_235, %mul3A_236 : i32
      %add3A_238 = arith.constant 0 : i32
      %add3A_239 = arith.addi %add3A_238, %mul3A_237 : i32
      %add3A_240 = arith.constant 0 : i32
      %add3A_241 = arith.addi %add3A_239, %add3A_240 : i32
      %lt3A = arith.constant 63 : i32
      %lt3A_242 = arith.cmpi slt, %add3A_241, %lt3A : i32
      %convert_element_type3A_243 = arith.extui %lt3A_242 : i1 to i32
      %cond3A = arith.constant 0 : i32
      %cond3A_244 = arith.cmpi ne, %convert_element_type3A_243, %cond3A : i32
      scf.if %cond3A_244 {
        %dma_start3A_513 = arith.constant 0 : i32
        %dma_start3A_514 = arith.constant 0 : i32
        %dma_start3A_515 = tpu.memref_slice %arg2[%dma_start3A_513, %dma_start3A_514] : memref<200704x384xf32, #tpu.memory_space<hbm>> -> memref<200704x384xf32, #tpu.memory_space<hbm>>
        tpu.enqueue_indirect_dma source(%dma_start3A_515 : memref<200704x384xf32, #tpu.memory_space<hbm>>) target(%arg19 : memref<128x384xf32, #tpu.memory_space<vmem>>) offsets(%arg9 : memref<128xi32, #tpu.memory_space<vmem>>) semaphore(%arg23 : memref<!tpu.dma_semaphore, #tpu.memory_space<semaphore_mem>>)
      } else {
      }
      %dma_wait3A_245 = arith.constant 0 : i32
      %dma_wait3A_246 = arith.constant 0 : i32
      %dma_wait3A_247 = tpu.memref_slice %arg2[%dma_wait3A_245, %dma_wait3A_246] : memref<200704x384xf32, #tpu.memory_space<hbm>> -> memref<200704x384xf32, #tpu.memory_space<hbm>>
      tpu.wait_indirect_dma semaphore(%arg22 : memref<!tpu.dma_semaphore, #tpu.memory_space<semaphore_mem>>) src(%dma_wait3A_247 : memref<200704x384xf32, #tpu.memory_space<hbm>>) dst(%arg18 : memref<128x384xf32, #tpu.memory_space<vmem>>)
      %ge3A = arith.constant 2 : i32
      %ge3A_248 = arith.cmpi sge, %add3A_241, %ge3A : i32
      %convert_element_type3A_249 = arith.extui %ge3A_248 : i1 to i32
      %cond3A_250 = arith.constant 0 : i32
      %cond3A_251 = arith.cmpi ne, %convert_element_type3A_249, %cond3A_250 : i32
      scf.if %cond3A_251 {
        %dma_wait3A_513 = arith.constant 0 : i32
        %dma_wait3A_514 = tpu.memref_slice %arg5[%mul3A_2, %dma_wait3A_513] : memref<65536x384xf32, #tpu.memory_space<hbm>> -> memref<32x384xf32, #tpu.memory_space<hbm>>
        %dma_wait3A_515 = arith.constant 0 : i32
        %dma_wait3A_516 = tpu.memref_slice %arg5[%mul3A_2, %dma_wait3A_515] : memref<65536x384xf32, #tpu.memory_space<hbm>> -> memref<32x384xf32, #tpu.memory_space<hbm>>
        tpu.wait_dma2 semaphore(%arg24 : memref<!tpu.dma_semaphore, #tpu.memory_space<semaphore_mem>>) src(%arg20 : memref<32x384xf32, #tpu.memory_space<vmem>>) dst(%dma_wait3A_516 : memref<32x384xf32, #tpu.memory_space<hbm>>)
      } else {
      }
      %parallel_loop3A = arith.constant 0 : i32
      %parallel_loop3A_252 = arith.constant 32 : i32
      %parallel_loop3A_253 = arith.constant 1 : i32
      scf.for %parallel_loop3A_513 = %parallel_loop3A to %parallel_loop3A_252 step %parallel_loop3A_253  : i32 {
        %parallel_loop3A_514 = vector.broadcast %parallel_loop3A_513 : i32 to vector<16xi32>
        %parallel_loop3A_515 = tpu.vector_load_idx %arg10[%parallel_loop3A_514] : memref<32xf32, #tpu.memory_space<vmem>>[vector<16xi32>], vector<16xf32>,
        %parallel_loop3A_516 = tpu.vector_load_idx %arg11[%parallel_loop3A_514] : memref<32xf32, #tpu.memory_space<vmem>>[vector<16xi32>], vector<16xf32>,
        %parallel_loop3A_517 = tpu.vector_load_idx %arg12[%parallel_loop3A_514] : memref<32xf32, #tpu.memory_space<vmem>>[vector<16xi32>], vector<16xf32>,
        %parallel_loop3A_518 = tpu.vector_load_idx %arg13[%parallel_loop3A_514] : memref<32xf32, #tpu.memory_space<vmem>>[vector<16xi32>], vector<16xf32>,
        %parallel_loop3A_519 = arith.index_cast %parallel_loop3A_513 : i32 to index
        %parallel_loop3A_520 = arith.constant 0 : index
        %parallel_loop3A_521 = tpu.vector_load %arg18[%parallel_loop3A_519, %parallel_loop3A_520] {strides = array<i32>} : memref<128x384xf32, #tpu.memory_space<vmem>>, vector<16xf32>,
        %parallel_loop3A_522 = arith.mulf %parallel_loop3A_521, %parallel_loop3A_515 : vector<16xf32>
        %parallel_loop3A_523 = arith.constant 32 : i32
        %parallel_loop3A_524 = arith.addi %parallel_loop3A_523, %parallel_loop3A_513 : i32
        %parallel_loop3A_525 = arith.index_cast %parallel_loop3A_524 : i32 to index
        %parallel_loop3A_526 = arith.constant 0 : index
        %parallel_loop3A_527 = tpu.vector_load %arg18[%parallel_loop3A_525, %parallel_loop3A_526] {strides = array<i32>} : memref<128x384xf32, #tpu.memory_space<vmem>>, vector<16xf32>,
        %parallel_loop3A_528 = arith.mulf %parallel_loop3A_527, %parallel_loop3A_516 : vector<16xf32>
        %parallel_loop3A_529 = arith.addf %parallel_loop3A_522, %parallel_loop3A_528 : vector<16xf32>
        %parallel_loop3A_530 = arith.constant 64 : i32
        %parallel_loop3A_531 = arith.addi %parallel_loop3A_530, %parallel_loop3A_513 : i32
        %parallel_loop3A_532 = arith.index_cast %parallel_loop3A_531 : i32 to index
        %parallel_loop3A_533 = arith.constant 0 : index
        %parallel_loop3A_534 = tpu.vector_load %arg18[%parallel_loop3A_532, %parallel_loop3A_533] {strides = array<i32>} : memref<128x384xf32, #tpu.memory_space<vmem>>, vector<16xf32>,
        %parallel_loop3A_535 = arith.mulf %parallel_loop3A_534, %parallel_loop3A_517 : vector<16xf32>
        %parallel_loop3A_536 = arith.constant 96 : i32
        %parallel_loop3A_537 = arith.addi %parallel_loop3A_536, %parallel_loop3A_513 : i32
        %parallel_loop3A_538 = arith.index_cast %parallel_loop3A_537 : i32 to index
        %parallel_loop3A_539 = arith.constant 0 : index
        %parallel_loop3A_540 = tpu.vector_load %arg18[%parallel_loop3A_538, %parallel_loop3A_539] {strides = array<i32>} : memref<128x384xf32, #tpu.memory_space<vmem>>, vector<16xf32>,
        %parallel_loop3A_541 = arith.mulf %parallel_loop3A_540, %parallel_loop3A_518 : vector<16xf32>
        %parallel_loop3A_542 = arith.addf %parallel_loop3A_535, %parallel_loop3A_541 : vector<16xf32>
        %parallel_loop3A_543 = arith.addf %parallel_loop3A_529, %parallel_loop3A_542 : vector<16xf32>
        %parallel_loop3A_544 = arith.index_cast %parallel_loop3A_513 : i32 to index
        %parallel_loop3A_545 = arith.constant 0 : index
        %parallel_loop3A_546 = tpu.vector_load %arg20[%parallel_loop3A_544, %parallel_loop3A_545] {strides = array<i32>} : memref<32x384xf32, #tpu.memory_space<vmem>>, vector<16xf32>,
        tpu.vector_store %arg20[%parallel_loop3A_544, %parallel_loop3A_545], %parallel_loop3A_543 {strides = array<i32>} : memref<32x384xf32, #tpu.memory_space<vmem>>, vector<16xf32>,
        %parallel_loop3A_547 = arith.index_cast %parallel_loop3A_513 : i32 to index
        %parallel_loop3A_548 = arith.constant 16 : index
        %parallel_loop3A_549 = tpu.vector_load %arg18[%parallel_loop3A_547, %parallel_loop3A_548] {strides = array<i32>} : memref<128x384xf32, #tpu.memory_space<vmem>>, vector<16xf32>,
        %parallel_loop3A_550 = arith.mulf %parallel_loop3A_549, %parallel_loop3A_515 : vector<16xf32>
        %parallel_loop3A_551 = arith.constant 32 : i32
        %parallel_loop3A_552 = arith.addi %parallel_loop3A_551, %parallel_loop3A_513 : i32
        %parallel_loop3A_553 = arith.index_cast %parallel_loop3A_552 : i32 to index
        %parallel_loop3A_554 = arith.constant 16 : index
        %parallel_loop3A_555 = tpu.vector_load %arg18[%parallel_loop3A_553, %parallel_loop3A_554] {strides = array<i32>} : memref<128x384xf32, #tpu.memory_space<vmem>>, vector<16xf32>,
        %parallel_loop3A_556 = arith.mulf %parallel_loop3A_555, %parallel_loop3A_516 : vector<16xf32>
        %parallel_loop3A_557 = arith.addf %parallel_loop3A_550, %parallel_loop3A_556 : vector<16xf32>
        %parallel_loop3A_558 = arith.constant 64 : i32
        %parallel_loop3A_559 = arith.addi %parallel_loop3A_558, %parallel_loop3A_513 : i32
        %parallel_loop3A_560 = arith.index_cast %parallel_loop3A_559 : i32 to index
        %parallel_loop3A_561 = arith.constant 16 : index
        %parallel_loop3A_562 = tpu.vector_load %arg18[%parallel_loop3A_560, %parallel_loop3A_561] {strides = array<i32>} : memref<128x384xf32, #tpu.memory_space<vmem>>, vector<16xf32>,
        %parallel_loop3A_563 = arith.mulf %parallel_loop3A_562, %parallel_loop3A_517 : vector<16xf32>
        %parallel_loop3A_564 = arith.constant 96 : i32
        %parallel_loop3A_565 = arith.addi %parallel_loop3A_564, %parallel_loop3A_513 : i32
        %parallel_loop3A_566 = arith.index_cast %parallel_loop3A_565 : i32 to index
        %parallel_loop3A_567 = arith.constant 16 : index
        %parallel_loop3A_568 = tpu.vector_load %arg18[%parallel_loop3A_566, %parallel_loop3A_567] {strides = array<i32>} : memref<128x384xf32, #tpu.memory_space<vmem>>, vector<16xf32>,
        %parallel_loop3A_569 = arith.mulf %parallel_loop3A_568, %parallel_loop3A_518 : vector<16xf32>
        %parallel_loop3A_570 = arith.addf %parallel_loop3A_563, %parallel_loop3A_569 : vector<16xf32>
        %parallel_loop3A_571 = arith.addf %parallel_loop3A_557, %parallel_loop3A_570 : vector<16xf32>
        %parallel_loop3A_572 = arith.index_cast %parallel_loop3A_513 : i32 to index
        %parallel_loop3A_573 = arith.constant 16 : index
        %parallel_loop3A_574 = tpu.vector_load %arg20[%parallel_loop3A_572, %parallel_loop3A_573] {strides = array<i32>} : memref<32x384xf32, #tpu.memory_space<vmem>>, vector<16xf32>,
        tpu.vector_store %arg20[%parallel_loop3A_572, %parallel_loop3A_573], %parallel_loop3A_571 {strides = array<i32>} : memref<32x384xf32, #tpu.memory_space<vmem>>, vector<16xf32>,
        %parallel_loop3A_575 = arith.index_cast %parallel_loop3A_513 : i32 to index
        %parallel_loop3A_576 = arith.constant 32 : index
        %parallel_loop3A_577 = tpu.vector_load %arg18[%parallel_loop3A_575, %parallel_loop3A_576] {strides = array<i32>} : memref<128x384xf32, #tpu.memory_space<vmem>>, vector<16xf32>,
        %parallel_loop3A_578 = arith.mulf %parallel_loop3A_577, %parallel_loop3A_515 : vector<16xf32>
        %parallel_loop3A_579 = arith.constant 32 : i32
        %parallel_loop3A_580 = arith.addi %parallel_loop3A_579, %parallel_loop3A_513 : i32
        %parallel_loop3A_581 = arith.index_cast %parallel_loop3A_580 : i32 to index
        %parallel_loop3A_582 = arith.constant 32 : index
        %parallel_loop3A_583 = tpu.vector_load %arg18[%parallel_loop3A_581, %parallel_loop3A_582] {strides = array<i32>} : memref<128x384xf32, #tpu.memory_space<vmem>>, vector<16xf32>,
        %parallel_loop3A_584 = arith.mulf %parallel_loop3A_583, %parallel_loop3A_516 : vector<16xf32>
        %parallel_loop3A_585 = arith.addf %parallel_loop3A_578, %parallel_loop3A_584 : vector<16xf32>
        %parallel_loop3A_586 = arith.constant 64 : i32
        %parallel_loop3A_587 = arith.addi %parallel_loop3A_586, %parallel_loop3A_513 : i32
        %parallel_loop3A_588 = arith.index_cast %parallel_loop3A_587 : i32 to index
        %parallel_loop3A_589 = arith.constant 32 : index
        %parallel_loop3A_590 = tpu.vector_load %arg18[%parallel_loop3A_588, %parallel_loop3A_589] {strides = array<i32>} : memref<128x384xf32, #tpu.memory_space<vmem>>, vector<16xf32>,
        %parallel_loop3A_591 = arith.mulf %parallel_loop3A_590, %parallel_loop3A_517 : vector<16xf32>
        %parallel_loop3A_592 = arith.constant 96 : i32
        %parallel_loop3A_593 = arith.addi %parallel_loop3A_592, %parallel_loop3A_513 : i32
        %parallel_loop3A_594 = arith.index_cast %parallel_loop3A_593 : i32 to index
        %parallel_loop3A_595 = arith.constant 32 : index
        %parallel_loop3A_596 = tpu.vector_load %arg18[%parallel_loop3A_594, %parallel_loop3A_595] {strides = array<i32>} : memref<128x384xf32, #tpu.memory_space<vmem>>, vector<16xf32>,
        %parallel_loop3A_597 = arith.mulf %parallel_loop3A_596, %parallel_loop3A_518 : vector<16xf32>
        %parallel_loop3A_598 = arith.addf %parallel_loop3A_591, %parallel_loop3A_597 : vector<16xf32>
        %parallel_loop3A_599 = arith.addf %parallel_loop3A_585, %parallel_loop3A_598 : vector<16xf32>
        %parallel_loop3A_600 = arith.index_cast %parallel_loop3A_513 : i32 to index
        %parallel_loop3A_601 = arith.constant 32 : index
        %parallel_loop3A_602 = tpu.vector_load %arg20[%parallel_loop3A_600, %parallel_loop3A_601] {strides = array<i32>} : memref<32x384xf32, #tpu.memory_space<vmem>>, vector<16xf32>,
        tpu.vector_store %arg20[%parallel_loop3A_600, %parallel_loop3A_601], %parallel_loop3A_599 {strides = array<i32>} : memref<32x384xf32, #tpu.memory_space<vmem>>, vector<16xf32>,
        %parallel_loop3A_603 = arith.index_cast %parallel_loop3A_513 : i32 to index
        %parallel_loop3A_604 = arith.constant 48 : index
        %parallel_loop3A_605 = tpu.vector_load %arg18[%parallel_loop3A_603, %parallel_loop3A_604] {strides = array<i32>} : memref<128x384xf32, #tpu.memory_space<vmem>>, vector<16xf32>,
        %parallel_loop3A_606 = arith.mulf %parallel_loop3A_605, %parallel_loop3A_515 : vector<16xf32>
        %parallel_loop3A_607 = arith.constant 32 : i32
        %parallel_loop3A_608 = arith.addi %parallel_loop3A_607, %parallel_loop3A_513 : i32
        %parallel_loop3A_609 = arith.index_cast %parallel_loop3A_608 : i32 to index
        %parallel_loop3A_610 = arith.constant 48 : index
        %parallel_loop3A_611 = tpu.vector_load %arg18[%parallel_loop3A_609, %parallel_loop3A_610] {strides = array<i32>} : memref<128x384xf32, #tpu.memory_space<vmem>>, vector<16xf32>,
        %parallel_loop3A_612 = arith.mulf %parallel_loop3A_611, %parallel_loop3A_516 : vector<16xf32>
        %parallel_loop3A_613 = arith.addf %parallel_loop3A_606, %parallel_loop3A_612 : vector<16xf32>
        %parallel_loop3A_614 = arith.constant 64 : i32
        %parallel_loop3A_615 = arith.addi %parallel_loop3A_614, %parallel_loop3A_513 : i32
        %parallel_loop3A_616 = arith.index_cast %parallel_loop3A_615 : i32 to index
        %parallel_loop3A_617 = arith.constant 48 : index
        %parallel_loop3A_618 = tpu.vector_load %arg18[%parallel_loop3A_616, %parallel_loop3A_617] {strides = array<i32>} : memref<128x384xf32, #tpu.memory_space<vmem>>, vector<16xf32>,
        %parallel_loop3A_619 = arith.mulf %parallel_loop3A_618, %parallel_loop3A_517 : vector<16xf32>
        %parallel_loop3A_620 = arith.constant 96 : i32
        %parallel_loop3A_621 = arith.addi %parallel_loop3A_620, %parallel_loop3A_513 : i32
        %parallel_loop3A_622 = arith.index_cast %parallel_loop3A_621 : i32 to index
        %parallel_loop3A_623 = arith.constant 48 : index
        %parallel_loop3A_624 = tpu.vector_load %arg18[%parallel_loop3A_622, %parallel_loop3A_623] {strides = array<i32>} : memref<128x384xf32, #tpu.memory_space<vmem>>, vector<16xf32>,
        %parallel_loop3A_625 = arith.mulf %parallel_loop3A_624, %parallel_loop3A_518 : vector<16xf32>
        %parallel_loop3A_626 = arith.addf %parallel_loop3A_619, %parallel_loop3A_625 : vector<16xf32>
        %parallel_loop3A_627 = arith.addf %parallel_loop3A_613, %parallel_loop3A_626 : vector<16xf32>
        %parallel_loop3A_628 = arith.index_cast %parallel_loop3A_513 : i32 to index
        %parallel_loop3A_629 = arith.constant 48 : index
        %parallel_loop3A_630 = tpu.vector_load %arg20[%parallel_loop3A_628, %parallel_loop3A_629] {strides = array<i32>} : memref<32x384xf32, #tpu.memory_space<vmem>>, vector<16xf32>,
        tpu.vector_store %arg20[%parallel_loop3A_628, %parallel_loop3A_629], %parallel_loop3A_627 {strides = array<i32>} : memref<32x384xf32, #tpu.memory_space<vmem>>, vector<16xf32>,
        %parallel_loop3A_631 = arith.index_cast %parallel_loop3A_513 : i32 to index
        %parallel_loop3A_632 = arith.constant 64 : index
        %parallel_loop3A_633 = tpu.vector_load %arg18[%parallel_loop3A_631, %parallel_loop3A_632] {strides = array<i32>} : memref<128x384xf32, #tpu.memory_space<vmem>>, vector<16xf32>,
        %parallel_loop3A_634 = arith.mulf %parallel_loop3A_633, %parallel_loop3A_515 : vector<16xf32>
        %parallel_loop3A_635 = arith.constant 32 : i32
        %parallel_loop3A_636 = arith.addi %parallel_loop3A_635, %parallel_loop3A_513 : i32
        %parallel_loop3A_637 = arith.index_cast %parallel_loop3A_636 : i32 to index
        %parallel_loop3A_638 = arith.constant 64 : index
        %parallel_loop3A_639 = tpu.vector_load %arg18[%parallel_loop3A_637, %parallel_loop3A_638] {strides = array<i32>} : memref<128x384xf32, #tpu.memory_space<vmem>>, vector<16xf32>,
        %parallel_loop3A_640 = arith.mulf %parallel_loop3A_639, %parallel_loop3A_516 : vector<16xf32>
        %parallel_loop3A_641 = arith.addf %parallel_loop3A_634, %parallel_loop3A_640 : vector<16xf32>
        %parallel_loop3A_642 = arith.constant 64 : i32
        %parallel_loop3A_643 = arith.addi %parallel_loop3A_642, %parallel_loop3A_513 : i32
        %parallel_loop3A_644 = arith.index_cast %parallel_loop3A_643 : i32 to index
        %parallel_loop3A_645 = arith.constant 64 : index
        %parallel_loop3A_646 = tpu.vector_load %arg18[%parallel_loop3A_644, %parallel_loop3A_645] {strides = array<i32>} : memref<128x384xf32, #tpu.memory_space<vmem>>, vector<16xf32>,
        %parallel_loop3A_647 = arith.mulf %parallel_loop3A_646, %parallel_loop3A_517 : vector<16xf32>
        %parallel_loop3A_648 = arith.constant 96 : i32
        %parallel_loop3A_649 = arith.addi %parallel_loop3A_648, %parallel_loop3A_513 : i32
        %parallel_loop3A_650 = arith.index_cast %parallel_loop3A_649 : i32 to index
        %parallel_loop3A_651 = arith.constant 64 : index
        %parallel_loop3A_652 = tpu.vector_load %arg18[%parallel_loop3A_650, %parallel_loop3A_651] {strides = array<i32>} : memref<128x384xf32, #tpu.memory_space<vmem>>, vector<16xf32>,
        %parallel_loop3A_653 = arith.mulf %parallel_loop3A_652, %parallel_loop3A_518 : vector<16xf32>
        %parallel_loop3A_654 = arith.addf %parallel_loop3A_647, %parallel_loop3A_653 : vector<16xf32>
        %parallel_loop3A_655 = arith.addf %parallel_loop3A_641, %parallel_loop3A_654 : vector<16xf32>
        %parallel_loop3A_656 = arith.index_cast %parallel_loop3A_513 : i32 to index
        %parallel_loop3A_657 = arith.constant 64 : index
        %parallel_loop3A_658 = tpu.vector_load %arg20[%parallel_loop3A_656, %parallel_loop3A_657] {strides = array<i32>} : memref<32x384xf32, #tpu.memory_space<vmem>>, vector<16xf32>,
        tpu.vector_store %arg20[%parallel_loop3A_656, %parallel_loop3A_657], %parallel_loop3A_655 {strides = array<i32>} : memref<32x384xf32, #tpu.memory_space<vmem>>, vector<16xf32>,
        %parallel_loop3A_659 = arith.index_cast %parallel_loop3A_513 : i32 to index
        %parallel_loop3A_660 = arith.constant 80 : index
        %parallel_loop3A_661 = tpu.vector_load %arg18[%parallel_loop3A_659, %parallel_loop3A_660] {strides = array<i32>} : memref<128x384xf32, #tpu.memory_space<vmem>>, vector<16xf32>,
        %parallel_loop3A_662 = arith.mulf %parallel_loop3A_661, %parallel_loop3A_515 : vector<16xf32>
        %parallel_loop3A_663 = arith.constant 32 : i32
        %parallel_loop3A_664 = arith.addi %parallel_loop3A_663, %parallel_loop3A_513 : i32
        %parallel_loop3A_665 = arith.index_cast %parallel_loop3A_664 : i32 to index
        %parallel_loop3A_666 = arith.constant 80 : index
        %parallel_loop3A_667 = tpu.vector_load %arg18[%parallel_loop3A_665, %parallel_loop3A_666] {strides = array<i32>} : memref<128x384xf32, #tpu.memory_space<vmem>>, vector<16xf32>,
        %parallel_loop3A_668 = arith.mulf %parallel_loop3A_667, %parallel_loop3A_516 : vector<16xf32>
        %parallel_loop3A_669 = arith.addf %parallel_loop3A_662, %parallel_loop3A_668 : vector<16xf32>
        %parallel_loop3A_670 = arith.constant 64 : i32
        %parallel_loop3A_671 = arith.addi %parallel_loop3A_670, %parallel_loop3A_513 : i32
        %parallel_loop3A_672 = arith.index_cast %parallel_loop3A_671 : i32 to index
        %parallel_loop3A_673 = arith.constant 80 : index
        %parallel_loop3A_674 = tpu.vector_load %arg18[%parallel_loop3A_672, %parallel_loop3A_673] {strides = array<i32>} : memref<128x384xf32, #tpu.memory_space<vmem>>, vector<16xf32>,
        %parallel_loop3A_675 = arith.mulf %parallel_loop3A_674, %parallel_loop3A_517 : vector<16xf32>
        %parallel_loop3A_676 = arith.constant 96 : i32
        %parallel_loop3A_677 = arith.addi %parallel_loop3A_676, %parallel_loop3A_513 : i32
        %parallel_loop3A_678 = arith.index_cast %parallel_loop3A_677 : i32 to index
        %parallel_loop3A_679 = arith.constant 80 : index
        %parallel_loop3A_680 = tpu.vector_load %arg18[%parallel_loop3A_678, %parallel_loop3A_679] {strides = array<i32>} : memref<128x384xf32, #tpu.memory_space<vmem>>, vector<16xf32>,
        %parallel_loop3A_681 = arith.mulf %parallel_loop3A_680, %parallel_loop3A_518 : vector<16xf32>
        %parallel_loop3A_682 = arith.addf %parallel_loop3A_675, %parallel_loop3A_681 : vector<16xf32>
        %parallel_loop3A_683 = arith.addf %parallel_loop3A_669, %parallel_loop3A_682 : vector<16xf32>
        %parallel_loop3A_684 = arith.index_cast %parallel_loop3A_513 : i32 to index
        %parallel_loop3A_685 = arith.constant 80 : index
        %parallel_loop3A_686 = tpu.vector_load %arg20[%parallel_loop3A_684, %parallel_loop3A_685] {strides = array<i32>} : memref<32x384xf32, #tpu.memory_space<vmem>>, vector<16xf32>,
        tpu.vector_store %arg20[%parallel_loop3A_684, %parallel_loop3A_685], %parallel_loop3A_683 {strides = array<i32>} : memref<32x384xf32, #tpu.memory_space<vmem>>, vector<16xf32>,
        %parallel_loop3A_687 = arith.index_cast %parallel_loop3A_513 : i32 to index
        %parallel_loop3A_688 = arith.constant 96 : index
        %parallel_loop3A_689 = tpu.vector_load %arg18[%parallel_loop3A_687, %parallel_loop3A_688] {strides = array<i32>} : memref<128x384xf32, #tpu.memory_space<vmem>>, vector<16xf32>,
        %parallel_loop3A_690 = arith.mulf %parallel_loop3A_689, %parallel_loop3A_515 : vector<16xf32>
        %parallel_loop3A_691 = arith.constant 32 : i32
        %parallel_loop3A_692 = arith.addi %parallel_loop3A_691, %parallel_loop3A_513 : i32
        %parallel_loop3A_693 = arith.index_cast %parallel_loop3A_692 : i32 to index
        %parallel_loop3A_694 = arith.constant 96 : index
        %parallel_loop3A_695 = tpu.vector_load %arg18[%parallel_loop3A_693, %parallel_loop3A_694] {strides = array<i32>} : memref<128x384xf32, #tpu.memory_space<vmem>>, vector<16xf32>,
        %parallel_loop3A_696 = arith.mulf %parallel_loop3A_695, %parallel_loop3A_516 : vector<16xf32>
        %parallel_loop3A_697 = arith.addf %parallel_loop3A_690, %parallel_loop3A_696 : vector<16xf32>
        %parallel_loop3A_698 = arith.constant 64 : i32
        %parallel_loop3A_699 = arith.addi %parallel_loop3A_698, %parallel_loop3A_513 : i32
        %parallel_loop3A_700 = arith.index_cast %parallel_loop3A_699 : i32 to index
        %parallel_loop3A_701 = arith.constant 96 : index
        %parallel_loop3A_702 = tpu.vector_load %arg18[%parallel_loop3A_700, %parallel_loop3A_701] {strides = array<i32>} : memref<128x384xf32, #tpu.memory_space<vmem>>, vector<16xf32>,
        %parallel_loop3A_703 = arith.mulf %parallel_loop3A_702, %parallel_loop3A_517 : vector<16xf32>
        %parallel_loop3A_704 = arith.constant 96 : i32
        %parallel_loop3A_705 = arith.addi %parallel_loop3A_704, %parallel_loop3A_513 : i32
        %parallel_loop3A_706 = arith.index_cast %parallel_loop3A_705 : i32 to index
        %parallel_loop3A_707 = arith.constant 96 : index
        %parallel_loop3A_708 = tpu.vector_load %arg18[%parallel_loop3A_706, %parallel_loop3A_707] {strides = array<i32>} : memref<128x384xf32, #tpu.memory_space<vmem>>, vector<16xf32>,
        %parallel_loop3A_709 = arith.mulf %parallel_loop3A_708, %parallel_loop3A_518 : vector<16xf32>
        %parallel_loop3A_710 = arith.addf %parallel_loop3A_703, %parallel_loop3A_709 : vector<16xf32>
        %parallel_loop3A_711 = arith.addf %parallel_loop3A_697, %parallel_loop3A_710 : vector<16xf32>
        %parallel_loop3A_712 = arith.index_cast %parallel_loop3A_513 : i32 to index
        %parallel_loop3A_713 = arith.constant 96 : index
        %parallel_loop3A_714 = tpu.vector_load %arg20[%parallel_loop3A_712, %parallel_loop3A_713] {strides = array<i32>} : memref<32x384xf32, #tpu.memory_space<vmem>>, vector<16xf32>,
        tpu.vector_store %arg20[%parallel_loop3A_712, %parallel_loop3A_713], %parallel_loop3A_711 {strides = array<i32>} : memref<32x384xf32, #tpu.memory_space<vmem>>, vector<16xf32>,
        %parallel_loop3A_715 = arith.index_cast %parallel_loop3A_513 : i32 to index
        %parallel_loop3A_716 = arith.constant 112 : index
        %parallel_loop3A_717 = tpu.vector_load %arg18[%parallel_loop3A_715, %parallel_loop3A_716] {strides = array<i32>} : memref<128x384xf32, #tpu.memory_space<vmem>>, vector<16xf32>,
        %parallel_loop3A_718 = arith.mulf %parallel_loop3A_717, %parallel_loop3A_515 : vector<16xf32>
        %parallel_loop3A_719 = arith.constant 32 : i32
        %parallel_loop3A_720 = arith.addi %parallel_loop3A_719, %parallel_loop3A_513 : i32
        %parallel_loop3A_721 = arith.index_cast %parallel_loop3A_720 : i32 to index
        %parallel_loop3A_722 = arith.constant 112 : index
        %parallel_loop3A_723 = tpu.vector_load %arg18[%parallel_loop3A_721, %parallel_loop3A_722] {strides = array<i32>} : memref<128x384xf32, #tpu.memory_space<vmem>>, vector<16xf32>,
        %parallel_loop3A_724 = arith.mulf %parallel_loop3A_723, %parallel_loop3A_516 : vector<16xf32>
        %parallel_loop3A_725 = arith.addf %parallel_loop3A_718, %parallel_loop3A_724 : vector<16xf32>
        %parallel_loop3A_726 = arith.constant 64 : i32
        %parallel_loop3A_727 = arith.addi %parallel_loop3A_726, %parallel_loop3A_513 : i32
        %parallel_loop3A_728 = arith.index_cast %parallel_loop3A_727 : i32 to index
        %parallel_loop3A_729 = arith.constant 112 : index
        %parallel_loop3A_730 = tpu.vector_load %arg18[%parallel_loop3A_728, %parallel_loop3A_729] {strides = array<i32>} : memref<128x384xf32, #tpu.memory_space<vmem>>, vector<16xf32>,
        %parallel_loop3A_731 = arith.mulf %parallel_loop3A_730, %parallel_loop3A_517 : vector<16xf32>
        %parallel_loop3A_732 = arith.constant 96 : i32
        %parallel_loop3A_733 = arith.addi %parallel_loop3A_732, %parallel_loop3A_513 : i32
        %parallel_loop3A_734 = arith.index_cast %parallel_loop3A_733 : i32 to index
        %parallel_loop3A_735 = arith.constant 112 : index
        %parallel_loop3A_736 = tpu.vector_load %arg18[%parallel_loop3A_734, %parallel_loop3A_735] {strides = array<i32>} : memref<128x384xf32, #tpu.memory_space<vmem>>, vector<16xf32>,
        %parallel_loop3A_737 = arith.mulf %parallel_loop3A_736, %parallel_loop3A_518 : vector<16xf32>
        %parallel_loop3A_738 = arith.addf %parallel_loop3A_731, %parallel_loop3A_737 : vector<16xf32>
        %parallel_loop3A_739 = arith.addf %parallel_loop3A_725, %parallel_loop3A_738 : vector<16xf32>
        %parallel_loop3A_740 = arith.index_cast %parallel_loop3A_513 : i32 to index
        %parallel_loop3A_741 = arith.constant 112 : index
        %parallel_loop3A_742 = tpu.vector_load %arg20[%parallel_loop3A_740, %parallel_loop3A_741] {strides = array<i32>} : memref<32x384xf32, #tpu.memory_space<vmem>>, vector<16xf32>,
        tpu.vector_store %arg20[%parallel_loop3A_740, %parallel_loop3A_741], %parallel_loop3A_739 {strides = array<i32>} : memref<32x384xf32, #tpu.memory_space<vmem>>, vector<16xf32>,
        %parallel_loop3A_743 = arith.index_cast %parallel_loop3A_513 : i32 to index
        %parallel_loop3A_744 = arith.constant 128 : index
        %parallel_loop3A_745 = tpu.vector_load %arg18[%parallel_loop3A_743, %parallel_loop3A_744] {strides = array<i32>} : memref<128x384xf32, #tpu.memory_space<vmem>>, vector<16xf32>,
        %parallel_loop3A_746 = arith.mulf %parallel_loop3A_745, %parallel_loop3A_515 : vector<16xf32>
        %parallel_loop3A_747 = arith.constant 32 : i32
        %parallel_loop3A_748 = arith.addi %parallel_loop3A_747, %parallel_loop3A_513 : i32
        %parallel_loop3A_749 = arith.index_cast %parallel_loop3A_748 : i32 to index
        %parallel_loop3A_750 = arith.constant 128 : index
        %parallel_loop3A_751 = tpu.vector_load %arg18[%parallel_loop3A_749, %parallel_loop3A_750] {strides = array<i32>} : memref<128x384xf32, #tpu.memory_space<vmem>>, vector<16xf32>,
        %parallel_loop3A_752 = arith.mulf %parallel_loop3A_751, %parallel_loop3A_516 : vector<16xf32>
        %parallel_loop3A_753 = arith.addf %parallel_loop3A_746, %parallel_loop3A_752 : vector<16xf32>
        %parallel_loop3A_754 = arith.constant 64 : i32
        %parallel_loop3A_755 = arith.addi %parallel_loop3A_754, %parallel_loop3A_513 : i32
        %parallel_loop3A_756 = arith.index_cast %parallel_loop3A_755 : i32 to index
        %parallel_loop3A_757 = arith.constant 128 : index
        %parallel_loop3A_758 = tpu.vector_load %arg18[%parallel_loop3A_756, %parallel_loop3A_757] {strides = array<i32>} : memref<128x384xf32, #tpu.memory_space<vmem>>, vector<16xf32>,
        %parallel_loop3A_759 = arith.mulf %parallel_loop3A_758, %parallel_loop3A_517 : vector<16xf32>
        %parallel_loop3A_760 = arith.constant 96 : i32
        %parallel_loop3A_761 = arith.addi %parallel_loop3A_760, %parallel_loop3A_513 : i32
        %parallel_loop3A_762 = arith.index_cast %parallel_loop3A_761 : i32 to index
        %parallel_loop3A_763 = arith.constant 128 : index
        %parallel_loop3A_764 = tpu.vector_load %arg18[%parallel_loop3A_762, %parallel_loop3A_763] {strides = array<i32>} : memref<128x384xf32, #tpu.memory_space<vmem>>, vector<16xf32>,
        %parallel_loop3A_765 = arith.mulf %parallel_loop3A_764, %parallel_loop3A_518 : vector<16xf32>
        %parallel_loop3A_766 = arith.addf %parallel_loop3A_759, %parallel_loop3A_765 : vector<16xf32>
        %parallel_loop3A_767 = arith.addf %parallel_loop3A_753, %parallel_loop3A_766 : vector<16xf32>
        %parallel_loop3A_768 = arith.index_cast %parallel_loop3A_513 : i32 to index
        %parallel_loop3A_769 = arith.constant 128 : index
        %parallel_loop3A_770 = tpu.vector_load %arg20[%parallel_loop3A_768, %parallel_loop3A_769] {strides = array<i32>} : memref<32x384xf32, #tpu.memory_space<vmem>>, vector<16xf32>,
        tpu.vector_store %arg20[%parallel_loop3A_768, %parallel_loop3A_769], %parallel_loop3A_767 {strides = array<i32>} : memref<32x384xf32, #tpu.memory_space<vmem>>, vector<16xf32>,
        %parallel_loop3A_771 = arith.index_cast %parallel_loop3A_513 : i32 to index
        %parallel_loop3A_772 = arith.constant 144 : index
        %parallel_loop3A_773 = tpu.vector_load %arg18[%parallel_loop3A_771, %parallel_loop3A_772] {strides = array<i32>} : memref<128x384xf32, #tpu.memory_space<vmem>>, vector<16xf32>,
        %parallel_loop3A_774 = arith.mulf %parallel_loop3A_773, %parallel_loop3A_515 : vector<16xf32>
        %parallel_loop3A_775 = arith.constant 32 : i32
        %parallel_loop3A_776 = arith.addi %parallel_loop3A_775, %parallel_loop3A_513 : i32
        %parallel_loop3A_777 = arith.index_cast %parallel_loop3A_776 : i32 to index
        %parallel_loop3A_778 = arith.constant 144 : index
        %parallel_loop3A_779 = tpu.vector_load %arg18[%parallel_loop3A_777, %parallel_loop3A_778] {strides = array<i32>} : memref<128x384xf32, #tpu.memory_space<vmem>>, vector<16xf32>,
        %parallel_loop3A_780 = arith.mulf %parallel_loop3A_779, %parallel_loop3A_516 : vector<16xf32>
        %parallel_loop3A_781 = arith.addf %parallel_loop3A_774, %parallel_loop3A_780 : vector<16xf32>
        %parallel_loop3A_782 = arith.constant 64 : i32
        %parallel_loop3A_783 = arith.addi %parallel_loop3A_782, %parallel_loop3A_513 : i32
        %parallel_loop3A_784 = arith.index_cast %parallel_loop3A_783 : i32 to index
        %parallel_loop3A_785 = arith.constant 144 : index
        %parallel_loop3A_786 = tpu.vector_load %arg18[%parallel_loop3A_784, %parallel_loop3A_785] {strides = array<i32>} : memref<128x384xf32, #tpu.memory_space<vmem>>, vector<16xf32>,
        %parallel_loop3A_787 = arith.mulf %parallel_loop3A_786, %parallel_loop3A_517 : vector<16xf32>
        %parallel_loop3A_788 = arith.constant 96 : i32
        %parallel_loop3A_789 = arith.addi %parallel_loop3A_788, %parallel_loop3A_513 : i32
        %parallel_loop3A_790 = arith.index_cast %parallel_loop3A_789 : i32 to index
        %parallel_loop3A_791 = arith.constant 144 : index
        %parallel_loop3A_792 = tpu.vector_load %arg18[%parallel_loop3A_790, %parallel_loop3A_791] {strides = array<i32>} : memref<128x384xf32, #tpu.memory_space<vmem>>, vector<16xf32>,
        %parallel_loop3A_793 = arith.mulf %parallel_loop3A_792, %parallel_loop3A_518 : vector<16xf32>
        %parallel_loop3A_794 = arith.addf %parallel_loop3A_787, %parallel_loop3A_793 : vector<16xf32>
        %parallel_loop3A_795 = arith.addf %parallel_loop3A_781, %parallel_loop3A_794 : vector<16xf32>
        %parallel_loop3A_796 = arith.index_cast %parallel_loop3A_513 : i32 to index
        %parallel_loop3A_797 = arith.constant 144 : index
        %parallel_loop3A_798 = tpu.vector_load %arg20[%parallel_loop3A_796, %parallel_loop3A_797] {strides = array<i32>} : memref<32x384xf32, #tpu.memory_space<vmem>>, vector<16xf32>,
        tpu.vector_store %arg20[%parallel_loop3A_796, %parallel_loop3A_797], %parallel_loop3A_795 {strides = array<i32>} : memref<32x384xf32, #tpu.memory_space<vmem>>, vector<16xf32>,
        %parallel_loop3A_799 = arith.index_cast %parallel_loop3A_513 : i32 to index
        %parallel_loop3A_800 = arith.constant 160 : index
        %parallel_loop3A_801 = tpu.vector_load %arg18[%parallel_loop3A_799, %parallel_loop3A_800] {strides = array<i32>} : memref<128x384xf32, #tpu.memory_space<vmem>>, vector<16xf32>,
        %parallel_loop3A_802 = arith.mulf %parallel_loop3A_801, %parallel_loop3A_515 : vector<16xf32>
        %parallel_loop3A_803 = arith.constant 32 : i32
        %parallel_loop3A_804 = arith.addi %parallel_loop3A_803, %parallel_loop3A_513 : i32
        %parallel_loop3A_805 = arith.index_cast %parallel_loop3A_804 : i32 to index
        %parallel_loop3A_806 = arith.constant 160 : index
        %parallel_loop3A_807 = tpu.vector_load %arg18[%parallel_loop3A_805, %parallel_loop3A_806] {strides = array<i32>} : memref<128x384xf32, #tpu.memory_space<vmem>>, vector<16xf32>,
        %parallel_loop3A_808 = arith.mulf %parallel_loop3A_807, %parallel_loop3A_516 : vector<16xf32>
        %parallel_loop3A_809 = arith.addf %parallel_loop3A_802, %parallel_loop3A_808 : vector<16xf32>
        %parallel_loop3A_810 = arith.constant 64 : i32
        %parallel_loop3A_811 = arith.addi %parallel_loop3A_810, %parallel_loop3A_513 : i32
        %parallel_loop3A_812 = arith.index_cast %parallel_loop3A_811 : i32 to index
        %parallel_loop3A_813 = arith.constant 160 : index
        %parallel_loop3A_814 = tpu.vector_load %arg18[%parallel_loop3A_812, %parallel_loop3A_813] {strides = array<i32>} : memref<128x384xf32, #tpu.memory_space<vmem>>, vector<16xf32>,
        %parallel_loop3A_815 = arith.mulf %parallel_loop3A_814, %parallel_loop3A_517 : vector<16xf32>
        %parallel_loop3A_816 = arith.constant 96 : i32
        %parallel_loop3A_817 = arith.addi %parallel_loop3A_816, %parallel_loop3A_513 : i32
        %parallel_loop3A_818 = arith.index_cast %parallel_loop3A_817 : i32 to index
        %parallel_loop3A_819 = arith.constant 160 : index
        %parallel_loop3A_820 = tpu.vector_load %arg18[%parallel_loop3A_818, %parallel_loop3A_819] {strides = array<i32>} : memref<128x384xf32, #tpu.memory_space<vmem>>, vector<16xf32>,
        %parallel_loop3A_821 = arith.mulf %parallel_loop3A_820, %parallel_loop3A_518 : vector<16xf32>
        %parallel_loop3A_822 = arith.addf %parallel_loop3A_815, %parallel_loop3A_821 : vector<16xf32>
        %parallel_loop3A_823 = arith.addf %parallel_loop3A_809, %parallel_loop3A_822 : vector<16xf32>
        %parallel_loop3A_824 = arith.index_cast %parallel_loop3A_513 : i32 to index
        %parallel_loop3A_825 = arith.constant 160 : index
        %parallel_loop3A_826 = tpu.vector_load %arg20[%parallel_loop3A_824, %parallel_loop3A_825] {strides = array<i32>} : memref<32x384xf32, #tpu.memory_space<vmem>>, vector<16xf32>,
        tpu.vector_store %arg20[%parallel_loop3A_824, %parallel_loop3A_825], %parallel_loop3A_823 {strides = array<i32>} : memref<32x384xf32, #tpu.memory_space<vmem>>, vector<16xf32>,
        %parallel_loop3A_827 = arith.index_cast %parallel_loop3A_513 : i32 to index
        %parallel_loop3A_828 = arith.constant 176 : index
        %parallel_loop3A_829 = tpu.vector_load %arg18[%parallel_loop3A_827, %parallel_loop3A_828] {strides = array<i32>} : memref<128x384xf32, #tpu.memory_space<vmem>>, vector<16xf32>,
        %parallel_loop3A_830 = arith.mulf %parallel_loop3A_829, %parallel_loop3A_515 : vector<16xf32>
        %parallel_loop3A_831 = arith.constant 32 : i32
        %parallel_loop3A_832 = arith.addi %parallel_loop3A_831, %parallel_loop3A_513 : i32
        %parallel_loop3A_833 = arith.index_cast %parallel_loop3A_832 : i32 to index
        %parallel_loop3A_834 = arith.constant 176 : index
        %parallel_loop3A_835 = tpu.vector_load %arg18[%parallel_loop3A_833, %parallel_loop3A_834] {strides = array<i32>} : memref<128x384xf32, #tpu.memory_space<vmem>>, vector<16xf32>,
        %parallel_loop3A_836 = arith.mulf %parallel_loop3A_835, %parallel_loop3A_516 : vector<16xf32>
        %parallel_loop3A_837 = arith.addf %parallel_loop3A_830, %parallel_loop3A_836 : vector<16xf32>
        %parallel_loop3A_838 = arith.constant 64 : i32
        %parallel_loop3A_839 = arith.addi %parallel_loop3A_838, %parallel_loop3A_513 : i32
        %parallel_loop3A_840 = arith.index_cast %parallel_loop3A_839 : i32 to index
        %parallel_loop3A_841 = arith.constant 176 : index
        %parallel_loop3A_842 = tpu.vector_load %arg18[%parallel_loop3A_840, %parallel_loop3A_841] {strides = array<i32>} : memref<128x384xf32, #tpu.memory_space<vmem>>, vector<16xf32>,
        %parallel_loop3A_843 = arith.mulf %parallel_loop3A_842, %parallel_loop3A_517 : vector<16xf32>
        %parallel_loop3A_844 = arith.constant 96 : i32
        %parallel_loop3A_845 = arith.addi %parallel_loop3A_844, %parallel_loop3A_513 : i32
        %parallel_loop3A_846 = arith.index_cast %parallel_loop3A_845 : i32 to index
        %parallel_loop3A_847 = arith.constant 176 : index
        %parallel_loop3A_848 = tpu.vector_load %arg18[%parallel_loop3A_846, %parallel_loop3A_847] {strides = array<i32>} : memref<128x384xf32, #tpu.memory_space<vmem>>, vector<16xf32>,
        %parallel_loop3A_849 = arith.mulf %parallel_loop3A_848, %parallel_loop3A_518 : vector<16xf32>
        %parallel_loop3A_850 = arith.addf %parallel_loop3A_843, %parallel_loop3A_849 : vector<16xf32>
        %parallel_loop3A_851 = arith.addf %parallel_loop3A_837, %parallel_loop3A_850 : vector<16xf32>
        %parallel_loop3A_852 = arith.index_cast %parallel_loop3A_513 : i32 to index
        %parallel_loop3A_853 = arith.constant 176 : index
        %parallel_loop3A_854 = tpu.vector_load %arg20[%parallel_loop3A_852, %parallel_loop3A_853] {strides = array<i32>} : memref<32x384xf32, #tpu.memory_space<vmem>>, vector<16xf32>,
        tpu.vector_store %arg20[%parallel_loop3A_852, %parallel_loop3A_853], %parallel_loop3A_851 {strides = array<i32>} : memref<32x384xf32, #tpu.memory_space<vmem>>, vector<16xf32>,
        %parallel_loop3A_855 = arith.index_cast %parallel_loop3A_513 : i32 to index
        %parallel_loop3A_856 = arith.constant 192 : index
        %parallel_loop3A_857 = tpu.vector_load %arg18[%parallel_loop3A_855, %parallel_loop3A_856] {strides = array<i32>} : memref<128x384xf32, #tpu.memory_space<vmem>>, vector<16xf32>,
        %parallel_loop3A_858 = arith.mulf %parallel_loop3A_857, %parallel_loop3A_515 : vector<16xf32>
        %parallel_loop3A_859 = arith.constant 32 : i32
        %parallel_loop3A_860 = arith.addi %parallel_loop3A_859, %parallel_loop3A_513 : i32
        %parallel_loop3A_861 = arith.index_cast %parallel_loop3A_860 : i32 to index
        %parallel_loop3A_862 = arith.constant 192 : index
        %parallel_loop3A_863 = tpu.vector_load %arg18[%parallel_loop3A_861, %parallel_loop3A_862] {strides = array<i32>} : memref<128x384xf32, #tpu.memory_space<vmem>>, vector<16xf32>,
        %parallel_loop3A_864 = arith.mulf %parallel_loop3A_863, %parallel_loop3A_516 : vector<16xf32>
        %parallel_loop3A_865 = arith.addf %parallel_loop3A_858, %parallel_loop3A_864 : vector<16xf32>
        %parallel_loop3A_866 = arith.constant 64 : i32
        %parallel_loop3A_867 = arith.addi %parallel_loop3A_866, %parallel_loop3A_513 : i32
        %parallel_loop3A_868 = arith.index_cast %parallel_loop3A_867 : i32 to index
        %parallel_loop3A_869 = arith.constant 192 : index
        %parallel_loop3A_870 = tpu.vector_load %arg18[%parallel_loop3A_868, %parallel_loop3A_869] {strides = array<i32>} : memref<128x384xf32, #tpu.memory_space<vmem>>, vector<16xf32>,
        %parallel_loop3A_871 = arith.mulf %parallel_loop3A_870, %parallel_loop3A_517 : vector<16xf32>
        %parallel_loop3A_872 = arith.constant 96 : i32
        %parallel_loop3A_873 = arith.addi %parallel_loop3A_872, %parallel_loop3A_513 : i32
        %parallel_loop3A_874 = arith.index_cast %parallel_loop3A_873 : i32 to index
        %parallel_loop3A_875 = arith.constant 192 : index
        %parallel_loop3A_876 = tpu.vector_load %arg18[%parallel_loop3A_874, %parallel_loop3A_875] {strides = array<i32>} : memref<128x384xf32, #tpu.memory_space<vmem>>, vector<16xf32>,
        %parallel_loop3A_877 = arith.mulf %parallel_loop3A_876, %parallel_loop3A_518 : vector<16xf32>
        %parallel_loop3A_878 = arith.addf %parallel_loop3A_871, %parallel_loop3A_877 : vector<16xf32>
        %parallel_loop3A_879 = arith.addf %parallel_loop3A_865, %parallel_loop3A_878 : vector<16xf32>
        %parallel_loop3A_880 = arith.index_cast %parallel_loop3A_513 : i32 to index
        %parallel_loop3A_881 = arith.constant 192 : index
        %parallel_loop3A_882 = tpu.vector_load %arg20[%parallel_loop3A_880, %parallel_loop3A_881] {strides = array<i32>} : memref<32x384xf32, #tpu.memory_space<vmem>>, vector<16xf32>,
        tpu.vector_store %arg20[%parallel_loop3A_880, %parallel_loop3A_881], %parallel_loop3A_879 {strides = array<i32>} : memref<32x384xf32, #tpu.memory_space<vmem>>, vector<16xf32>,
        %parallel_loop3A_883 = arith.index_cast %parallel_loop3A_513 : i32 to index
        %parallel_loop3A_884 = arith.constant 208 : index
        %parallel_loop3A_885 = tpu.vector_load %arg18[%parallel_loop3A_883, %parallel_loop3A_884] {strides = array<i32>} : memref<128x384xf32, #tpu.memory_space<vmem>>, vector<16xf32>,
        %parallel_loop3A_886 = arith.mulf %parallel_loop3A_885, %parallel_loop3A_515 : vector<16xf32>
        %parallel_loop3A_887 = arith.constant 32 : i32
        %parallel_loop3A_888 = arith.addi %parallel_loop3A_887, %parallel_loop3A_513 : i32
        %parallel_loop3A_889 = arith.index_cast %parallel_loop3A_888 : i32 to index
        %parallel_loop3A_890 = arith.constant 208 : index
        %parallel_loop3A_891 = tpu.vector_load %arg18[%parallel_loop3A_889, %parallel_loop3A_890] {strides = array<i32>} : memref<128x384xf32, #tpu.memory_space<vmem>>, vector<16xf32>,
        %parallel_loop3A_892 = arith.mulf %parallel_loop3A_891, %parallel_loop3A_516 : vector<16xf32>
        %parallel_loop3A_893 = arith.addf %parallel_loop3A_886, %parallel_loop3A_892 : vector<16xf32>
        %parallel_loop3A_894 = arith.constant 64 : i32
        %parallel_loop3A_895 = arith.addi %parallel_loop3A_894, %parallel_loop3A_513 : i32
        %parallel_loop3A_896 = arith.index_cast %parallel_loop3A_895 : i32 to index
        %parallel_loop3A_897 = arith.constant 208 : index
        %parallel_loop3A_898 = tpu.vector_load %arg18[%parallel_loop3A_896, %parallel_loop3A_897] {strides = array<i32>} : memref<128x384xf32, #tpu.memory_space<vmem>>, vector<16xf32>,
        %parallel_loop3A_899 = arith.mulf %parallel_loop3A_898, %parallel_loop3A_517 : vector<16xf32>
        %parallel_loop3A_900 = arith.constant 96 : i32
        %parallel_loop3A_901 = arith.addi %parallel_loop3A_900, %parallel_loop3A_513 : i32
        %parallel_loop3A_902 = arith.index_cast %parallel_loop3A_901 : i32 to index
        %parallel_loop3A_903 = arith.constant 208 : index
        %parallel_loop3A_904 = tpu.vector_load %arg18[%parallel_loop3A_902, %parallel_loop3A_903] {strides = array<i32>} : memref<128x384xf32, #tpu.memory_space<vmem>>, vector<16xf32>,
        %parallel_loop3A_905 = arith.mulf %parallel_loop3A_904, %parallel_loop3A_518 : vector<16xf32>
        %parallel_loop3A_906 = arith.addf %parallel_loop3A_899, %parallel_loop3A_905 : vector<16xf32>
        %parallel_loop3A_907 = arith.addf %parallel_loop3A_893, %parallel_loop3A_906 : vector<16xf32>
        %parallel_loop3A_908 = arith.index_cast %parallel_loop3A_513 : i32 to index
        %parallel_loop3A_909 = arith.constant 208 : index
        %parallel_loop3A_910 = tpu.vector_load %arg20[%parallel_loop3A_908, %parallel_loop3A_909] {strides = array<i32>} : memref<32x384xf32, #tpu.memory_space<vmem>>, vector<16xf32>,
        tpu.vector_store %arg20[%parallel_loop3A_908, %parallel_loop3A_909], %parallel_loop3A_907 {strides = array<i32>} : memref<32x384xf32, #tpu.memory_space<vmem>>, vector<16xf32>,
        %parallel_loop3A_911 = arith.index_cast %parallel_loop3A_513 : i32 to index
        %parallel_loop3A_912 = arith.constant 224 : index
        %parallel_loop3A_913 = tpu.vector_load %arg18[%parallel_loop3A_911, %parallel_loop3A_912] {strides = array<i32>} : memref<128x384xf32, #tpu.memory_space<vmem>>, vector<16xf32>,
        %parallel_loop3A_914 = arith.mulf %parallel_loop3A_913, %parallel_loop3A_515 : vector<16xf32>
        %parallel_loop3A_915 = arith.constant 32 : i32
        %parallel_loop3A_916 = arith.addi %parallel_loop3A_915, %parallel_loop3A_513 : i32
        %parallel_loop3A_917 = arith.index_cast %parallel_loop3A_916 : i32 to index
        %parallel_loop3A_918 = arith.constant 224 : index
        %parallel_loop3A_919 = tpu.vector_load %arg18[%parallel_loop3A_917, %parallel_loop3A_918] {strides = array<i32>} : memref<128x384xf32, #tpu.memory_space<vmem>>, vector<16xf32>,
        %parallel_loop3A_920 = arith.mulf %parallel_loop3A_919, %parallel_loop3A_516 : vector<16xf32>
        %parallel_loop3A_921 = arith.addf %parallel_loop3A_914, %parallel_loop3A_920 : vector<16xf32>
        %parallel_loop3A_922 = arith.constant 64 : i32
        %parallel_loop3A_923 = arith.addi %parallel_loop3A_922, %parallel_loop3A_513 : i32
        %parallel_loop3A_924 = arith.index_cast %parallel_loop3A_923 : i32 to index
        %parallel_loop3A_925 = arith.constant 224 : index
        %parallel_loop3A_926 = tpu.vector_load %arg18[%parallel_loop3A_924, %parallel_loop3A_925] {strides = array<i32>} : memref<128x384xf32, #tpu.memory_space<vmem>>, vector<16xf32>,
        %parallel_loop3A_927 = arith.mulf %parallel_loop3A_926, %parallel_loop3A_517 : vector<16xf32>
        %parallel_loop3A_928 = arith.constant 96 : i32
        %parallel_loop3A_929 = arith.addi %parallel_loop3A_928, %parallel_loop3A_513 : i32
        %parallel_loop3A_930 = arith.index_cast %parallel_loop3A_929 : i32 to index
        %parallel_loop3A_931 = arith.constant 224 : index
        %parallel_loop3A_932 = tpu.vector_load %arg18[%parallel_loop3A_930, %parallel_loop3A_931] {strides = array<i32>} : memref<128x384xf32, #tpu.memory_space<vmem>>, vector<16xf32>,
        %parallel_loop3A_933 = arith.mulf %parallel_loop3A_932, %parallel_loop3A_518 : vector<16xf32>
        %parallel_loop3A_934 = arith.addf %parallel_loop3A_927, %parallel_loop3A_933 : vector<16xf32>
        %parallel_loop3A_935 = arith.addf %parallel_loop3A_921, %parallel_loop3A_934 : vector<16xf32>
        %parallel_loop3A_936 = arith.index_cast %parallel_loop3A_513 : i32 to index
        %parallel_loop3A_937 = arith.constant 224 : index
        %parallel_loop3A_938 = tpu.vector_load %arg20[%parallel_loop3A_936, %parallel_loop3A_937] {strides = array<i32>} : memref<32x384xf32, #tpu.memory_space<vmem>>, vector<16xf32>,
        tpu.vector_store %arg20[%parallel_loop3A_936, %parallel_loop3A_937], %parallel_loop3A_935 {strides = array<i32>} : memref<32x384xf32, #tpu.memory_space<vmem>>, vector<16xf32>,
        %parallel_loop3A_939 = arith.index_cast %parallel_loop3A_513 : i32 to index
        %parallel_loop3A_940 = arith.constant 240 : index
        %parallel_loop3A_941 = tpu.vector_load %arg18[%parallel_loop3A_939, %parallel_loop3A_940] {strides = array<i32>} : memref<128x384xf32, #tpu.memory_space<vmem>>, vector<16xf32>,
        %parallel_loop3A_942 = arith.mulf %parallel_loop3A_941, %parallel_loop3A_515 : vector<16xf32>
        %parallel_loop3A_943 = arith.constant 32 : i32
        %parallel_loop3A_944 = arith.addi %parallel_loop3A_943, %parallel_loop3A_513 : i32
        %parallel_loop3A_945 = arith.index_cast %parallel_loop3A_944 : i32 to index
        %parallel_loop3A_946 = arith.constant 240 : index
        %parallel_loop3A_947 = tpu.vector_load %arg18[%parallel_loop3A_945, %parallel_loop3A_946] {strides = array<i32>} : memref<128x384xf32, #tpu.memory_space<vmem>>, vector<16xf32>,
        %parallel_loop3A_948 = arith.mulf %parallel_loop3A_947, %parallel_loop3A_516 : vector<16xf32>
        %parallel_loop3A_949 = arith.addf %parallel_loop3A_942, %parallel_loop3A_948 : vector<16xf32>
        %parallel_loop3A_950 = arith.constant 64 : i32
        %parallel_loop3A_951 = arith.addi %parallel_loop3A_950, %parallel_loop3A_513 : i32
        %parallel_loop3A_952 = arith.index_cast %parallel_loop3A_951 : i32 to index
        %parallel_loop3A_953 = arith.constant 240 : index
        %parallel_loop3A_954 = tpu.vector_load %arg18[%parallel_loop3A_952, %parallel_loop3A_953] {strides = array<i32>} : memref<128x384xf32, #tpu.memory_space<vmem>>, vector<16xf32>,
        %parallel_loop3A_955 = arith.mulf %parallel_loop3A_954, %parallel_loop3A_517 : vector<16xf32>
        %parallel_loop3A_956 = arith.constant 96 : i32
        %parallel_loop3A_957 = arith.addi %parallel_loop3A_956, %parallel_loop3A_513 : i32
        %parallel_loop3A_958 = arith.index_cast %parallel_loop3A_957 : i32 to index
        %parallel_loop3A_959 = arith.constant 240 : index
        %parallel_loop3A_960 = tpu.vector_load %arg18[%parallel_loop3A_958, %parallel_loop3A_959] {strides = array<i32>} : memref<128x384xf32, #tpu.memory_space<vmem>>, vector<16xf32>,
        %parallel_loop3A_961 = arith.mulf %parallel_loop3A_960, %parallel_loop3A_518 : vector<16xf32>
        %parallel_loop3A_962 = arith.addf %parallel_loop3A_955, %parallel_loop3A_961 : vector<16xf32>
        %parallel_loop3A_963 = arith.addf %parallel_loop3A_949, %parallel_loop3A_962 : vector<16xf32>
        %parallel_loop3A_964 = arith.index_cast %parallel_loop3A_513 : i32 to index
        %parallel_loop3A_965 = arith.constant 240 : index
        %parallel_loop3A_966 = tpu.vector_load %arg20[%parallel_loop3A_964, %parallel_loop3A_965] {strides = array<i32>} : memref<32x384xf32, #tpu.memory_space<vmem>>, vector<16xf32>,
        tpu.vector_store %arg20[%parallel_loop3A_964, %parallel_loop3A_965], %parallel_loop3A_963 {strides = array<i32>} : memref<32x384xf32, #tpu.memory_space<vmem>>, vector<16xf32>,
        %parallel_loop3A_967 = arith.index_cast %parallel_loop3A_513 : i32 to index
        %parallel_loop3A_968 = arith.constant 256 : index
        %parallel_loop3A_969 = tpu.vector_load %arg18[%parallel_loop3A_967, %parallel_loop3A_968] {strides = array<i32>} : memref<128x384xf32, #tpu.memory_space<vmem>>, vector<16xf32>,
        %parallel_loop3A_970 = arith.mulf %parallel_loop3A_969, %parallel_loop3A_515 : vector<16xf32>
        %parallel_loop3A_971 = arith.constant 32 : i32
        %parallel_loop3A_972 = arith.addi %parallel_loop3A_971, %parallel_loop3A_513 : i32
        %parallel_loop3A_973 = arith.index_cast %parallel_loop3A_972 : i32 to index
        %parallel_loop3A_974 = arith.constant 256 : index
        %parallel_loop3A_975 = tpu.vector_load %arg18[%parallel_loop3A_973, %parallel_loop3A_974] {strides = array<i32>} : memref<128x384xf32, #tpu.memory_space<vmem>>, vector<16xf32>,
        %parallel_loop3A_976 = arith.mulf %parallel_loop3A_975, %parallel_loop3A_516 : vector<16xf32>
        %parallel_loop3A_977 = arith.addf %parallel_loop3A_970, %parallel_loop3A_976 : vector<16xf32>
        %parallel_loop3A_978 = arith.constant 64 : i32
        %parallel_loop3A_979 = arith.addi %parallel_loop3A_978, %parallel_loop3A_513 : i32
        %parallel_loop3A_980 = arith.index_cast %parallel_loop3A_979 : i32 to index
        %parallel_loop3A_981 = arith.constant 256 : index
        %parallel_loop3A_982 = tpu.vector_load %arg18[%parallel_loop3A_980, %parallel_loop3A_981] {strides = array<i32>} : memref<128x384xf32, #tpu.memory_space<vmem>>, vector<16xf32>,
        %parallel_loop3A_983 = arith.mulf %parallel_loop3A_982, %parallel_loop3A_517 : vector<16xf32>
        %parallel_loop3A_984 = arith.constant 96 : i32
        %parallel_loop3A_985 = arith.addi %parallel_loop3A_984, %parallel_loop3A_513 : i32
        %parallel_loop3A_986 = arith.index_cast %parallel_loop3A_985 : i32 to index
        %parallel_loop3A_987 = arith.constant 256 : index
        %parallel_loop3A_988 = tpu.vector_load %arg18[%parallel_loop3A_986, %parallel_loop3A_987] {strides = array<i32>} : memref<128x384xf32, #tpu.memory_space<vmem>>, vector<16xf32>,
        %parallel_loop3A_989 = arith.mulf %parallel_loop3A_988, %parallel_loop3A_518 : vector<16xf32>
        %parallel_loop3A_990 = arith.addf %parallel_loop3A_983, %parallel_loop3A_989 : vector<16xf32>
        %parallel_loop3A_991 = arith.addf %parallel_loop3A_977, %parallel_loop3A_990 : vector<16xf32>
        %parallel_loop3A_992 = arith.index_cast %parallel_loop3A_513 : i32 to index
        %parallel_loop3A_993 = arith.constant 256 : index
        %parallel_loop3A_994 = tpu.vector_load %arg20[%parallel_loop3A_992, %parallel_loop3A_993] {strides = array<i32>} : memref<32x384xf32, #tpu.memory_space<vmem>>, vector<16xf32>,
        tpu.vector_store %arg20[%parallel_loop3A_992, %parallel_loop3A_993], %parallel_loop3A_991 {strides = array<i32>} : memref<32x384xf32, #tpu.memory_space<vmem>>, vector<16xf32>,
        %parallel_loop3A_995 = arith.index_cast %parallel_loop3A_513 : i32 to index
        %parallel_loop3A_996 = arith.constant 272 : index
        %parallel_loop3A_997 = tpu.vector_load %arg18[%parallel_loop3A_995, %parallel_loop3A_996] {strides = array<i32>} : memref<128x384xf32, #tpu.memory_space<vmem>>, vector<16xf32>,
        %parallel_loop3A_998 = arith.mulf %parallel_loop3A_997, %parallel_loop3A_515 : vector<16xf32>
        %parallel_loop3A_999 = arith.constant 32 : i32
        %parallel_loop3A_1000 = arith.addi %parallel_loop3A_999, %parallel_loop3A_513 : i32
        %parallel_loop3A_1001 = arith.index_cast %parallel_loop3A_1000 : i32 to index
        %parallel_loop3A_1002 = arith.constant 272 : index
        %parallel_loop3A_1003 = tpu.vector_load %arg18[%parallel_loop3A_1001, %parallel_loop3A_1002] {strides = array<i32>} : memref<128x384xf32, #tpu.memory_space<vmem>>, vector<16xf32>,
        %parallel_loop3A_1004 = arith.mulf %parallel_loop3A_1003, %parallel_loop3A_516 : vector<16xf32>
        %parallel_loop3A_1005 = arith.addf %parallel_loop3A_998, %parallel_loop3A_1004 : vector<16xf32>
        %parallel_loop3A_1006 = arith.constant 64 : i32
        %parallel_loop3A_1007 = arith.addi %parallel_loop3A_1006, %parallel_loop3A_513 : i32
        %parallel_loop3A_1008 = arith.index_cast %parallel_loop3A_1007 : i32 to index
        %parallel_loop3A_1009 = arith.constant 272 : index
        %parallel_loop3A_1010 = tpu.vector_load %arg18[%parallel_loop3A_1008, %parallel_loop3A_1009] {strides = array<i32>} : memref<128x384xf32, #tpu.memory_space<vmem>>, vector<16xf32>,
        %parallel_loop3A_1011 = arith.mulf %parallel_loop3A_1010, %parallel_loop3A_517 : vector<16xf32>
        %parallel_loop3A_1012 = arith.constant 96 : i32
        %parallel_loop3A_1013 = arith.addi %parallel_loop3A_1012, %parallel_loop3A_513 : i32
        %parallel_loop3A_1014 = arith.index_cast %parallel_loop3A_1013 : i32 to index
        %parallel_loop3A_1015 = arith.constant 272 : index
        %parallel_loop3A_1016 = tpu.vector_load %arg18[%parallel_loop3A_1014, %parallel_loop3A_1015] {strides = array<i32>} : memref<128x384xf32, #tpu.memory_space<vmem>>, vector<16xf32>,
        %parallel_loop3A_1017 = arith.mulf %parallel_loop3A_1016, %parallel_loop3A_518 : vector<16xf32>
        %parallel_loop3A_1018 = arith.addf %parallel_loop3A_1011, %parallel_loop3A_1017 : vector<16xf32>
        %parallel_loop3A_1019 = arith.addf %parallel_loop3A_1005, %parallel_loop3A_1018 : vector<16xf32>
        %parallel_loop3A_1020 = arith.index_cast %parallel_loop3A_513 : i32 to index
        %parallel_loop3A_1021 = arith.constant 272 : index
        %parallel_loop3A_1022 = tpu.vector_load %arg20[%parallel_loop3A_1020, %parallel_loop3A_1021] {strides = array<i32>} : memref<32x384xf32, #tpu.memory_space<vmem>>, vector<16xf32>,
        tpu.vector_store %arg20[%parallel_loop3A_1020, %parallel_loop3A_1021], %parallel_loop3A_1019 {strides = array<i32>} : memref<32x384xf32, #tpu.memory_space<vmem>>, vector<16xf32>,
        %parallel_loop3A_1023 = arith.index_cast %parallel_loop3A_513 : i32 to index
        %parallel_loop3A_1024 = arith.constant 288 : index
        %parallel_loop3A_1025 = tpu.vector_load %arg18[%parallel_loop3A_1023, %parallel_loop3A_1024] {strides = array<i32>} : memref<128x384xf32, #tpu.memory_space<vmem>>, vector<16xf32>,
        %parallel_loop3A_1026 = arith.mulf %parallel_loop3A_1025, %parallel_loop3A_515 : vector<16xf32>
        %parallel_loop3A_1027 = arith.constant 32 : i32
        %parallel_loop3A_1028 = arith.addi %parallel_loop3A_1027, %parallel_loop3A_513 : i32
        %parallel_loop3A_1029 = arith.index_cast %parallel_loop3A_1028 : i32 to index
        %parallel_loop3A_1030 = arith.constant 288 : index
        %parallel_loop3A_1031 = tpu.vector_load %arg18[%parallel_loop3A_1029, %parallel_loop3A_1030] {strides = array<i32>} : memref<128x384xf32, #tpu.memory_space<vmem>>, vector<16xf32>,
        %parallel_loop3A_1032 = arith.mulf %parallel_loop3A_1031, %parallel_loop3A_516 : vector<16xf32>
        %parallel_loop3A_1033 = arith.addf %parallel_loop3A_1026, %parallel_loop3A_1032 : vector<16xf32>
        %parallel_loop3A_1034 = arith.constant 64 : i32
        %parallel_loop3A_1035 = arith.addi %parallel_loop3A_1034, %parallel_loop3A_513 : i32
        %parallel_loop3A_1036 = arith.index_cast %parallel_loop3A_1035 : i32 to index
        %parallel_loop3A_1037 = arith.constant 288 : index
        %parallel_loop3A_1038 = tpu.vector_load %arg18[%parallel_loop3A_1036, %parallel_loop3A_1037] {strides = array<i32>} : memref<128x384xf32, #tpu.memory_space<vmem>>, vector<16xf32>,
        %parallel_loop3A_1039 = arith.mulf %parallel_loop3A_1038, %parallel_loop3A_517 : vector<16xf32>
        %parallel_loop3A_1040 = arith.constant 96 : i32
        %parallel_loop3A_1041 = arith.addi %parallel_loop3A_1040, %parallel_loop3A_513 : i32
        %parallel_loop3A_1042 = arith.index_cast %parallel_loop3A_1041 : i32 to index
        %parallel_loop3A_1043 = arith.constant 288 : index
        %parallel_loop3A_1044 = tpu.vector_load %arg18[%parallel_loop3A_1042, %parallel_loop3A_1043] {strides = array<i32>} : memref<128x384xf32, #tpu.memory_space<vmem>>, vector<16xf32>,
        %parallel_loop3A_1045 = arith.mulf %parallel_loop3A_1044, %parallel_loop3A_518 : vector<16xf32>
        %parallel_loop3A_1046 = arith.addf %parallel_loop3A_1039, %parallel_loop3A_1045 : vector<16xf32>
        %parallel_loop3A_1047 = arith.addf %parallel_loop3A_1033, %parallel_loop3A_1046 : vector<16xf32>
        %parallel_loop3A_1048 = arith.index_cast %parallel_loop3A_513 : i32 to index
        %parallel_loop3A_1049 = arith.constant 288 : index
        %parallel_loop3A_1050 = tpu.vector_load %arg20[%parallel_loop3A_1048, %parallel_loop3A_1049] {strides = array<i32>} : memref<32x384xf32, #tpu.memory_space<vmem>>, vector<16xf32>,
        tpu.vector_store %arg20[%parallel_loop3A_1048, %parallel_loop3A_1049], %parallel_loop3A_1047 {strides = array<i32>} : memref<32x384xf32, #tpu.memory_space<vmem>>, vector<16xf32>,
        %parallel_loop3A_1051 = arith.index_cast %parallel_loop3A_513 : i32 to index
        %parallel_loop3A_1052 = arith.constant 304 : index
        %parallel_loop3A_1053 = tpu.vector_load %arg18[%parallel_loop3A_1051, %parallel_loop3A_1052] {strides = array<i32>} : memref<128x384xf32, #tpu.memory_space<vmem>>, vector<16xf32>,
        %parallel_loop3A_1054 = arith.mulf %parallel_loop3A_1053, %parallel_loop3A_515 : vector<16xf32>
        %parallel_loop3A_1055 = arith.constant 32 : i32
        %parallel_loop3A_1056 = arith.addi %parallel_loop3A_1055, %parallel_loop3A_513 : i32
        %parallel_loop3A_1057 = arith.index_cast %parallel_loop3A_1056 : i32 to index
        %parallel_loop3A_1058 = arith.constant 304 : index
        %parallel_loop3A_1059 = tpu.vector_load %arg18[%parallel_loop3A_1057, %parallel_loop3A_1058] {strides = array<i32>} : memref<128x384xf32, #tpu.memory_space<vmem>>, vector<16xf32>,
        %parallel_loop3A_1060 = arith.mulf %parallel_loop3A_1059, %parallel_loop3A_516 : vector<16xf32>
        %parallel_loop3A_1061 = arith.addf %parallel_loop3A_1054, %parallel_loop3A_1060 : vector<16xf32>
        %parallel_loop3A_1062 = arith.constant 64 : i32
        %parallel_loop3A_1063 = arith.addi %parallel_loop3A_1062, %parallel_loop3A_513 : i32
        %parallel_loop3A_1064 = arith.index_cast %parallel_loop3A_1063 : i32 to index
        %parallel_loop3A_1065 = arith.constant 304 : index
        %parallel_loop3A_1066 = tpu.vector_load %arg18[%parallel_loop3A_1064, %parallel_loop3A_1065] {strides = array<i32>} : memref<128x384xf32, #tpu.memory_space<vmem>>, vector<16xf32>,
        %parallel_loop3A_1067 = arith.mulf %parallel_loop3A_1066, %parallel_loop3A_517 : vector<16xf32>
        %parallel_loop3A_1068 = arith.constant 96 : i32
        %parallel_loop3A_1069 = arith.addi %parallel_loop3A_1068, %parallel_loop3A_513 : i32
        %parallel_loop3A_1070 = arith.index_cast %parallel_loop3A_1069 : i32 to index
        %parallel_loop3A_1071 = arith.constant 304 : index
        %parallel_loop3A_1072 = tpu.vector_load %arg18[%parallel_loop3A_1070, %parallel_loop3A_1071] {strides = array<i32>} : memref<128x384xf32, #tpu.memory_space<vmem>>, vector<16xf32>,
        %parallel_loop3A_1073 = arith.mulf %parallel_loop3A_1072, %parallel_loop3A_518 : vector<16xf32>
        %parallel_loop3A_1074 = arith.addf %parallel_loop3A_1067, %parallel_loop3A_1073 : vector<16xf32>
        %parallel_loop3A_1075 = arith.addf %parallel_loop3A_1061, %parallel_loop3A_1074 : vector<16xf32>
        %parallel_loop3A_1076 = arith.index_cast %parallel_loop3A_513 : i32 to index
        %parallel_loop3A_1077 = arith.constant 304 : index
        %parallel_loop3A_1078 = tpu.vector_load %arg20[%parallel_loop3A_1076, %parallel_loop3A_1077] {strides = array<i32>} : memref<32x384xf32, #tpu.memory_space<vmem>>, vector<16xf32>,
        tpu.vector_store %arg20[%parallel_loop3A_1076, %parallel_loop3A_1077], %parallel_loop3A_1075 {strides = array<i32>} : memref<32x384xf32, #tpu.memory_space<vmem>>, vector<16xf32>,
        %parallel_loop3A_1079 = arith.index_cast %parallel_loop3A_513 : i32 to index
        %parallel_loop3A_1080 = arith.constant 320 : index
        %parallel_loop3A_1081 = tpu.vector_load %arg18[%parallel_loop3A_1079, %parallel_loop3A_1080] {strides = array<i32>} : memref<128x384xf32, #tpu.memory_space<vmem>>, vector<16xf32>,
        %parallel_loop3A_1082 = arith.mulf %parallel_loop3A_1081, %parallel_loop3A_515 : vector<16xf32>
        %parallel_loop3A_1083 = arith.constant 32 : i32
        %parallel_loop3A_1084 = arith.addi %parallel_loop3A_1083, %parallel_loop3A_513 : i32
        %parallel_loop3A_1085 = arith.index_cast %parallel_loop3A_1084 : i32 to index
        %parallel_loop3A_1086 = arith.constant 320 : index
        %parallel_loop3A_1087 = tpu.vector_load %arg18[%parallel_loop3A_1085, %parallel_loop3A_1086] {strides = array<i32>} : memref<128x384xf32, #tpu.memory_space<vmem>>, vector<16xf32>,
        %parallel_loop3A_1088 = arith.mulf %parallel_loop3A_1087, %parallel_loop3A_516 : vector<16xf32>
        %parallel_loop3A_1089 = arith.addf %parallel_loop3A_1082, %parallel_loop3A_1088 : vector<16xf32>
        %parallel_loop3A_1090 = arith.constant 64 : i32
        %parallel_loop3A_1091 = arith.addi %parallel_loop3A_1090, %parallel_loop3A_513 : i32
        %parallel_loop3A_1092 = arith.index_cast %parallel_loop3A_1091 : i32 to index
        %parallel_loop3A_1093 = arith.constant 320 : index
        %parallel_loop3A_1094 = tpu.vector_load %arg18[%parallel_loop3A_1092, %parallel_loop3A_1093] {strides = array<i32>} : memref<128x384xf32, #tpu.memory_space<vmem>>, vector<16xf32>,
        %parallel_loop3A_1095 = arith.mulf %parallel_loop3A_1094, %parallel_loop3A_517 : vector<16xf32>
        %parallel_loop3A_1096 = arith.constant 96 : i32
        %parallel_loop3A_1097 = arith.addi %parallel_loop3A_1096, %parallel_loop3A_513 : i32
        %parallel_loop3A_1098 = arith.index_cast %parallel_loop3A_1097 : i32 to index
        %parallel_loop3A_1099 = arith.constant 320 : index
        %parallel_loop3A_1100 = tpu.vector_load %arg18[%parallel_loop3A_1098, %parallel_loop3A_1099] {strides = array<i32>} : memref<128x384xf32, #tpu.memory_space<vmem>>, vector<16xf32>,
        %parallel_loop3A_1101 = arith.mulf %parallel_loop3A_1100, %parallel_loop3A_518 : vector<16xf32>
        %parallel_loop3A_1102 = arith.addf %parallel_loop3A_1095, %parallel_loop3A_1101 : vector<16xf32>
        %parallel_loop3A_1103 = arith.addf %parallel_loop3A_1089, %parallel_loop3A_1102 : vector<16xf32>
        %parallel_loop3A_1104 = arith.index_cast %parallel_loop3A_513 : i32 to index
        %parallel_loop3A_1105 = arith.constant 320 : index
        %parallel_loop3A_1106 = tpu.vector_load %arg20[%parallel_loop3A_1104, %parallel_loop3A_1105] {strides = array<i32>} : memref<32x384xf32, #tpu.memory_space<vmem>>, vector<16xf32>,
        tpu.vector_store %arg20[%parallel_loop3A_1104, %parallel_loop3A_1105], %parallel_loop3A_1103 {strides = array<i32>} : memref<32x384xf32, #tpu.memory_space<vmem>>, vector<16xf32>,
        %parallel_loop3A_1107 = arith.index_cast %parallel_loop3A_513 : i32 to index
        %parallel_loop3A_1108 = arith.constant 336 : index
        %parallel_loop3A_1109 = tpu.vector_load %arg18[%parallel_loop3A_1107, %parallel_loop3A_1108] {strides = array<i32>} : memref<128x384xf32, #tpu.memory_space<vmem>>, vector<16xf32>,
        %parallel_loop3A_1110 = arith.mulf %parallel_loop3A_1109, %parallel_loop3A_515 : vector<16xf32>
        %parallel_loop3A_1111 = arith.constant 32 : i32
        %parallel_loop3A_1112 = arith.addi %parallel_loop3A_1111, %parallel_loop3A_513 : i32
        %parallel_loop3A_1113 = arith.index_cast %parallel_loop3A_1112 : i32 to index
        %parallel_loop3A_1114 = arith.constant 336 : index
        %parallel_loop3A_1115 = tpu.vector_load %arg18[%parallel_loop3A_1113, %parallel_loop3A_1114] {strides = array<i32>} : memref<128x384xf32, #tpu.memory_space<vmem>>, vector<16xf32>,
        %parallel_loop3A_1116 = arith.mulf %parallel_loop3A_1115, %parallel_loop3A_516 : vector<16xf32>
        %parallel_loop3A_1117 = arith.addf %parallel_loop3A_1110, %parallel_loop3A_1116 : vector<16xf32>
        %parallel_loop3A_1118 = arith.constant 64 : i32
        %parallel_loop3A_1119 = arith.addi %parallel_loop3A_1118, %parallel_loop3A_513 : i32
        %parallel_loop3A_1120 = arith.index_cast %parallel_loop3A_1119 : i32 to index
        %parallel_loop3A_1121 = arith.constant 336 : index
        %parallel_loop3A_1122 = tpu.vector_load %arg18[%parallel_loop3A_1120, %parallel_loop3A_1121] {strides = array<i32>} : memref<128x384xf32, #tpu.memory_space<vmem>>, vector<16xf32>,
        %parallel_loop3A_1123 = arith.mulf %parallel_loop3A_1122, %parallel_loop3A_517 : vector<16xf32>
        %parallel_loop3A_1124 = arith.constant 96 : i32
        %parallel_loop3A_1125 = arith.addi %parallel_loop3A_1124, %parallel_loop3A_513 : i32
        %parallel_loop3A_1126 = arith.index_cast %parallel_loop3A_1125 : i32 to index
        %parallel_loop3A_1127 = arith.constant 336 : index
        %parallel_loop3A_1128 = tpu.vector_load %arg18[%parallel_loop3A_1126, %parallel_loop3A_1127] {strides = array<i32>} : memref<128x384xf32, #tpu.memory_space<vmem>>, vector<16xf32>,
        %parallel_loop3A_1129 = arith.mulf %parallel_loop3A_1128, %parallel_loop3A_518 : vector<16xf32>
        %parallel_loop3A_1130 = arith.addf %parallel_loop3A_1123, %parallel_loop3A_1129 : vector<16xf32>
        %parallel_loop3A_1131 = arith.addf %parallel_loop3A_1117, %parallel_loop3A_1130 : vector<16xf32>
        %parallel_loop3A_1132 = arith.index_cast %parallel_loop3A_513 : i32 to index
        %parallel_loop3A_1133 = arith.constant 336 : index
        %parallel_loop3A_1134 = tpu.vector_load %arg20[%parallel_loop3A_1132, %parallel_loop3A_1133] {strides = array<i32>} : memref<32x384xf32, #tpu.memory_space<vmem>>, vector<16xf32>,
        tpu.vector_store %arg20[%parallel_loop3A_1132, %parallel_loop3A_1133], %parallel_loop3A_1131 {strides = array<i32>} : memref<32x384xf32, #tpu.memory_space<vmem>>, vector<16xf32>,
        %parallel_loop3A_1135 = arith.index_cast %parallel_loop3A_513 : i32 to index
        %parallel_loop3A_1136 = arith.constant 352 : index
        %parallel_loop3A_1137 = tpu.vector_load %arg18[%parallel_loop3A_1135, %parallel_loop3A_1136] {strides = array<i32>} : memref<128x384xf32, #tpu.memory_space<vmem>>, vector<16xf32>,
        %parallel_loop3A_1138 = arith.mulf %parallel_loop3A_1137, %parallel_loop3A_515 : vector<16xf32>
        %parallel_loop3A_1139 = arith.constant 32 : i32
        %parallel_loop3A_1140 = arith.addi %parallel_loop3A_1139, %parallel_loop3A_513 : i32
        %parallel_loop3A_1141 = arith.index_cast %parallel_loop3A_1140 : i32 to index
        %parallel_loop3A_1142 = arith.constant 352 : index
        %parallel_loop3A_1143 = tpu.vector_load %arg18[%parallel_loop3A_1141, %parallel_loop3A_1142] {strides = array<i32>} : memref<128x384xf32, #tpu.memory_space<vmem>>, vector<16xf32>,
        %parallel_loop3A_1144 = arith.mulf %parallel_loop3A_1143, %parallel_loop3A_516 : vector<16xf32>
        %parallel_loop3A_1145 = arith.addf %parallel_loop3A_1138, %parallel_loop3A_1144 : vector<16xf32>
        %parallel_loop3A_1146 = arith.constant 64 : i32
        %parallel_loop3A_1147 = arith.addi %parallel_loop3A_1146, %parallel_loop3A_513 : i32
        %parallel_loop3A_1148 = arith.index_cast %parallel_loop3A_1147 : i32 to index
        %parallel_loop3A_1149 = arith.constant 352 : index
        %parallel_loop3A_1150 = tpu.vector_load %arg18[%parallel_loop3A_1148, %parallel_loop3A_1149] {strides = array<i32>} : memref<128x384xf32, #tpu.memory_space<vmem>>, vector<16xf32>,
        %parallel_loop3A_1151 = arith.mulf %parallel_loop3A_1150, %parallel_loop3A_517 : vector<16xf32>
        %parallel_loop3A_1152 = arith.constant 96 : i32
        %parallel_loop3A_1153 = arith.addi %parallel_loop3A_1152, %parallel_loop3A_513 : i32
        %parallel_loop3A_1154 = arith.index_cast %parallel_loop3A_1153 : i32 to index
        %parallel_loop3A_1155 = arith.constant 352 : index
        %parallel_loop3A_1156 = tpu.vector_load %arg18[%parallel_loop3A_1154, %parallel_loop3A_1155] {strides = array<i32>} : memref<128x384xf32, #tpu.memory_space<vmem>>, vector<16xf32>,
        %parallel_loop3A_1157 = arith.mulf %parallel_loop3A_1156, %parallel_loop3A_518 : vector<16xf32>
        %parallel_loop3A_1158 = arith.addf %parallel_loop3A_1151, %parallel_loop3A_1157 : vector<16xf32>
        %parallel_loop3A_1159 = arith.addf %parallel_loop3A_1145, %parallel_loop3A_1158 : vector<16xf32>
        %parallel_loop3A_1160 = arith.index_cast %parallel_loop3A_513 : i32 to index
        %parallel_loop3A_1161 = arith.constant 352 : index
        %parallel_loop3A_1162 = tpu.vector_load %arg20[%parallel_loop3A_1160, %parallel_loop3A_1161] {strides = array<i32>} : memref<32x384xf32, #tpu.memory_space<vmem>>, vector<16xf32>,
        tpu.vector_store %arg20[%parallel_loop3A_1160, %parallel_loop3A_1161], %parallel_loop3A_1159 {strides = array<i32>} : memref<32x384xf32, #tpu.memory_space<vmem>>, vector<16xf32>,
        %parallel_loop3A_1163 = arith.index_cast %parallel_loop3A_513 : i32 to index
        %parallel_loop3A_1164 = arith.constant 368 : index
        %parallel_loop3A_1165 = tpu.vector_load %arg18[%parallel_loop3A_1163, %parallel_loop3A_1164] {strides = array<i32>} : memref<128x384xf32, #tpu.memory_space<vmem>>, vector<16xf32>,
        %parallel_loop3A_1166 = arith.mulf %parallel_loop3A_1165, %parallel_loop3A_515 : vector<16xf32>
        %parallel_loop3A_1167 = arith.constant 32 : i32
        %parallel_loop3A_1168 = arith.addi %parallel_loop3A_1167, %parallel_loop3A_513 : i32
        %parallel_loop3A_1169 = arith.index_cast %parallel_loop3A_1168 : i32 to index
        %parallel_loop3A_1170 = arith.constant 368 : index
        %parallel_loop3A_1171 = tpu.vector_load %arg18[%parallel_loop3A_1169, %parallel_loop3A_1170] {strides = array<i32>} : memref<128x384xf32, #tpu.memory_space<vmem>>, vector<16xf32>,
        %parallel_loop3A_1172 = arith.mulf %parallel_loop3A_1171, %parallel_loop3A_516 : vector<16xf32>
        %parallel_loop3A_1173 = arith.addf %parallel_loop3A_1166, %parallel_loop3A_1172 : vector<16xf32>
        %parallel_loop3A_1174 = arith.constant 64 : i32
        %parallel_loop3A_1175 = arith.addi %parallel_loop3A_1174, %parallel_loop3A_513 : i32
        %parallel_loop3A_1176 = arith.index_cast %parallel_loop3A_1175 : i32 to index
        %parallel_loop3A_1177 = arith.constant 368 : index
        %parallel_loop3A_1178 = tpu.vector_load %arg18[%parallel_loop3A_1176, %parallel_loop3A_1177] {strides = array<i32>} : memref<128x384xf32, #tpu.memory_space<vmem>>, vector<16xf32>,
        %parallel_loop3A_1179 = arith.mulf %parallel_loop3A_1178, %parallel_loop3A_517 : vector<16xf32>
        %parallel_loop3A_1180 = arith.constant 96 : i32
        %parallel_loop3A_1181 = arith.addi %parallel_loop3A_1180, %parallel_loop3A_513 : i32
        %parallel_loop3A_1182 = arith.index_cast %parallel_loop3A_1181 : i32 to index
        %parallel_loop3A_1183 = arith.constant 368 : index
        %parallel_loop3A_1184 = tpu.vector_load %arg18[%parallel_loop3A_1182, %parallel_loop3A_1183] {strides = array<i32>} : memref<128x384xf32, #tpu.memory_space<vmem>>, vector<16xf32>,
        %parallel_loop3A_1185 = arith.mulf %parallel_loop3A_1184, %parallel_loop3A_518 : vector<16xf32>
        %parallel_loop3A_1186 = arith.addf %parallel_loop3A_1179, %parallel_loop3A_1185 : vector<16xf32>
        %parallel_loop3A_1187 = arith.addf %parallel_loop3A_1173, %parallel_loop3A_1186 : vector<16xf32>
        %parallel_loop3A_1188 = arith.index_cast %parallel_loop3A_513 : i32 to index
        %parallel_loop3A_1189 = arith.constant 368 : index
        %parallel_loop3A_1190 = tpu.vector_load %arg20[%parallel_loop3A_1188, %parallel_loop3A_1189] {strides = array<i32>} : memref<32x384xf32, #tpu.memory_space<vmem>>, vector<16xf32>,
        tpu.vector_store %arg20[%parallel_loop3A_1188, %parallel_loop3A_1189], %parallel_loop3A_1187 {strides = array<i32>} : memref<32x384xf32, #tpu.memory_space<vmem>>, vector<16xf32>,
      } {sc.loop_unroll_factor = 4 : i64, sc.parallel_access}
      %add3A_254 = arith.constant 2 : i32
      %add3A_255 = arith.addi %add3A_241, %add3A_254 : i32
      %min3A = arith.constant 63 : i32
      %min3A_256 = arith.minsi %add3A_255, %min3A : i32
      %mul3A_257 = arith.constant 32 : i32
      %mul3A_258 = arith.muli %min3A_256, %mul3A_257 : i32
      %add3A_259 = arith.constant 0 : i32
      %add3A_260 = arith.addi %mul3A_258, %add3A_259 : i32
      %get3A_261 = arith.index_cast %add3A_260 : i32 to index
      %get3A_262 = tpu.vector_load %arg6[%get3A_261] {strides = array<i32>} : memref<2048xf32, #tpu.memory_space<vmem>>, vector<16xf32>,
      %get3A_263 = arith.index_cast %add3A_260 : i32 to index
      %get3A_264 = tpu.vector_load %arg7[%get3A_263] {strides = array<i32>} : memref<2048xf32, #tpu.memory_space<vmem>>, vector<16xf32>,
      %convert_element_type3A_265 = arith.fptosi %get3A_262 : vector<16xf32> to vector<16xi32>
      %convert_element_type3A_266 = arith.fptosi %get3A_264 : vector<16xf32> to vector<16xi32>
      %convert_element_type3A_267 = arith.sitofp %convert_element_type3A_265 : vector<16xi32> to vector<16xf32>
      %sub3A_268 = arith.subf %get3A_262, %convert_element_type3A_267 : vector<16xf32>
      %convert_element_type3A_269 = arith.sitofp %convert_element_type3A_266 : vector<16xi32> to vector<16xf32>
      %sub3A_270 = arith.subf %get3A_264, %convert_element_type3A_269 : vector<16xf32>
      %mul3A_271 = arith.constant 224 : i32
      %mul3A_272 = vector.broadcast %mul3A_271 : i32 to vector<16xi32>
      %mul3A_273 = arith.muli %convert_element_type3A_265, %mul3A_272 : vector<16xi32>
      %add3A_274 = vector.broadcast %mul3A_20 : i32 to vector<16xi32>
      %add3A_275 = arith.addi %add3A_274, %mul3A_273 : vector<16xi32>
      %add3A_276 = arith.addi %add3A_275, %convert_element_type3A_266 : vector<16xi32>
      %swap3A_277 = arith.constant 0 : index
      %swap3A_278 = tpu.vector_load %arg8[%swap3A_277] {strides = array<i32>} : memref<128xi32, #tpu.memory_space<vmem>>, vector<16xi32>,
      tpu.vector_store %arg8[%swap3A_277], %add3A_276 {strides = array<i32>} : memref<128xi32, #tpu.memory_space<vmem>>, vector<16xi32>,
      %add3A_279 = arith.constant 224 : i32
      %add3A_280 = vector.broadcast %add3A_279 : i32 to vector<16xi32>
      %add3A_281 = arith.addi %add3A_276, %add3A_280 : vector<16xi32>
      %swap3A_282 = arith.constant 32 : index
      %swap3A_283 = tpu.vector_load %arg8[%swap3A_282] {strides = array<i32>} : memref<128xi32, #tpu.memory_space<vmem>>, vector<16xi32>,
      tpu.vector_store %arg8[%swap3A_282], %add3A_281 {strides = array<i32>} : memref<128xi32, #tpu.memory_space<vmem>>, vector<16xi32>,
      %add3A_284 = arith.constant 1 : i32
      %add3A_285 = vector.broadcast %add3A_284 : i32 to vector<16xi32>
      %add3A_286 = arith.addi %add3A_276, %add3A_285 : vector<16xi32>
      %swap3A_287 = arith.constant 64 : index
      %swap3A_288 = tpu.vector_load %arg8[%swap3A_287] {strides = array<i32>} : memref<128xi32, #tpu.memory_space<vmem>>, vector<16xi32>,
      tpu.vector_store %arg8[%swap3A_287], %add3A_286 {strides = array<i32>} : memref<128xi32, #tpu.memory_space<vmem>>, vector<16xi32>,
      %add3A_289 = arith.constant 225 : i32
      %add3A_290 = vector.broadcast %add3A_289 : i32 to vector<16xi32>
      %add3A_291 = arith.addi %add3A_276, %add3A_290 : vector<16xi32>
      %swap3A_292 = arith.constant 96 : index
      %swap3A_293 = tpu.vector_load %arg8[%swap3A_292] {strides = array<i32>} : memref<128xi32, #tpu.memory_space<vmem>>, vector<16xi32>,
      tpu.vector_store %arg8[%swap3A_292], %add3A_291 {strides = array<i32>} : memref<128xi32, #tpu.memory_space<vmem>>, vector<16xi32>,
      %sub3A_294 = arith.constant 1.000000e+00 : f32
      %sub3A_295 = vector.broadcast %sub3A_294 : f32 to vector<16xf32>
      %sub3A_296 = arith.subf %sub3A_295, %sub3A_268 : vector<16xf32>
      %sub3A_297 = arith.constant 1.000000e+00 : f32
      %sub3A_298 = vector.broadcast %sub3A_297 : f32 to vector<16xf32>
      %sub3A_299 = arith.subf %sub3A_298, %sub3A_270 : vector<16xf32>
      %mul3A_300 = arith.mulf %sub3A_296, %sub3A_299 : vector<16xf32>
      %swap3A_301 = arith.constant 0 : index
      %swap3A_302 = tpu.vector_load %arg10[%swap3A_301] {strides = array<i32>} : memref<32xf32, #tpu.memory_space<vmem>>, vector<16xf32>,
      tpu.vector_store %arg10[%swap3A_301], %mul3A_300 {strides = array<i32>} : memref<32xf32, #tpu.memory_space<vmem>>, vector<16xf32>,
      %mul3A_303 = arith.mulf %sub3A_268, %sub3A_299 : vector<16xf32>
      %swap3A_304 = arith.constant 0 : index
      %swap3A_305 = tpu.vector_load %arg11[%swap3A_304] {strides = array<i32>} : memref<32xf32, #tpu.memory_space<vmem>>, vector<16xf32>,
      tpu.vector_store %arg11[%swap3A_304], %mul3A_303 {strides = array<i32>} : memref<32xf32, #tpu.memory_space<vmem>>, vector<16xf32>,
      %mul3A_306 = arith.mulf %sub3A_296, %sub3A_270 : vector<16xf32>
      %swap3A_307 = arith.constant 0 : index
      %swap3A_308 = tpu.vector_load %arg12[%swap3A_307] {strides = array<i32>} : memref<32xf32, #tpu.memory_space<vmem>>, vector<16xf32>,
      tpu.vector_store %arg12[%swap3A_307], %mul3A_306 {strides = array<i32>} : memref<32xf32, #tpu.memory_space<vmem>>, vector<16xf32>,
      %mul3A_309 = arith.mulf %sub3A_268, %sub3A_270 : vector<16xf32>
      %swap3A_310 = arith.constant 0 : index
      %swap3A_311 = tpu.vector_load %arg13[%swap3A_310] {strides = array<i32>} : memref<32xf32, #tpu.memory_space<vmem>>, vector<16xf32>,
      tpu.vector_store %arg13[%swap3A_310], %mul3A_309 {strides = array<i32>} : memref<32xf32, #tpu.memory_space<vmem>>, vector<16xf32>,
      %mul3A_312 = arith.constant 32 : i32
      %mul3A_313 = arith.muli %min3A_256, %mul3A_312 : i32
      %add3A_314 = arith.constant 16 : i32
      %add3A_315 = arith.addi %mul3A_313, %add3A_314 : i32
      %get3A_316 = arith.index_cast %add3A_315 : i32 to index
      %get3A_317 = tpu.vector_load %arg6[%get3A_316] {strides = array<i32>} : memref<2048xf32, #tpu.memory_space<vmem>>, vector<16xf32>,
      %get3A_318 = arith.index_cast %add3A_315 : i32 to index
      %get3A_319 = tpu.vector_load %arg7[%get3A_318] {strides = array<i32>} : memref<2048xf32, #tpu.memory_space<vmem>>, vector<16xf32>,
      %convert_element_type3A_320 = arith.fptosi %get3A_317 : vector<16xf32> to vector<16xi32>
      %convert_element_type3A_321 = arith.fptosi %get3A_319 : vector<16xf32> to vector<16xi32>
      %convert_element_type3A_322 = arith.sitofp %convert_element_type3A_320 : vector<16xi32> to vector<16xf32>
      %sub3A_323 = arith.subf %get3A_317, %convert_element_type3A_322 : vector<16xf32>
      %convert_element_type3A_324 = arith.sitofp %convert_element_type3A_321 : vector<16xi32> to vector<16xf32>
      %sub3A_325 = arith.subf %get3A_319, %convert_element_type3A_324 : vector<16xf32>
      %mul3A_326 = arith.constant 224 : i32
      %mul3A_327 = vector.broadcast %mul3A_326 : i32 to vector<16xi32>
      %mul3A_328 = arith.muli %convert_element_type3A_320, %mul3A_327 : vector<16xi32>
      %add3A_329 = vector.broadcast %mul3A_20 : i32 to vector<16xi32>
      %add3A_330 = arith.addi %add3A_329, %mul3A_328 : vector<16xi32>
      %add3A_331 = arith.addi %add3A_330, %convert_element_type3A_321 : vector<16xi32>
      %swap3A_332 = arith.constant 16 : index
      %swap3A_333 = tpu.vector_load %arg8[%swap3A_332] {strides = array<i32>} : memref<128xi32, #tpu.memory_space<vmem>>, vector<16xi32>,
      tpu.vector_store %arg8[%swap3A_332], %add3A_331 {strides = array<i32>} : memref<128xi32, #tpu.memory_space<vmem>>, vector<16xi32>,
      %add3A_334 = arith.constant 224 : i32
      %add3A_335 = vector.broadcast %add3A_334 : i32 to vector<16xi32>
      %add3A_336 = arith.addi %add3A_331, %add3A_335 : vector<16xi32>
      %swap3A_337 = arith.constant 48 : index
      %swap3A_338 = tpu.vector_load %arg8[%swap3A_337] {strides = array<i32>} : memref<128xi32, #tpu.memory_space<vmem>>, vector<16xi32>,
      tpu.vector_store %arg8[%swap3A_337], %add3A_336 {strides = array<i32>} : memref<128xi32, #tpu.memory_space<vmem>>, vector<16xi32>,
      %add3A_339 = arith.constant 1 : i32
      %add3A_340 = vector.broadcast %add3A_339 : i32 to vector<16xi32>
      %add3A_341 = arith.addi %add3A_331, %add3A_340 : vector<16xi32>
      %swap3A_342 = arith.constant 80 : index
      %swap3A_343 = tpu.vector_load %arg8[%swap3A_342] {strides = array<i32>} : memref<128xi32, #tpu.memory_space<vmem>>, vector<16xi32>,
      tpu.vector_store %arg8[%swap3A_342], %add3A_341 {strides = array<i32>} : memref<128xi32, #tpu.memory_space<vmem>>, vector<16xi32>,
      %add3A_344 = arith.constant 225 : i32
      %add3A_345 = vector.broadcast %add3A_344 : i32 to vector<16xi32>
      %add3A_346 = arith.addi %add3A_331, %add3A_345 : vector<16xi32>
      %swap3A_347 = arith.constant 112 : index
      %swap3A_348 = tpu.vector_load %arg8[%swap3A_347] {strides = array<i32>} : memref<128xi32, #tpu.memory_space<vmem>>, vector<16xi32>,
      tpu.vector_store %arg8[%swap3A_347], %add3A_346 {strides = array<i32>} : memref<128xi32, #tpu.memory_space<vmem>>, vector<16xi32>,
      %sub3A_349 = arith.constant 1.000000e+00 : f32
      %sub3A_350 = vector.broadcast %sub3A_349 : f32 to vector<16xf32>
      %sub3A_351 = arith.subf %sub3A_350, %sub3A_323 : vector<16xf32>
      %sub3A_352 = arith.constant 1.000000e+00 : f32
      %sub3A_353 = vector.broadcast %sub3A_352 : f32 to vector<16xf32>
      %sub3A_354 = arith.subf %sub3A_353, %sub3A_325 : vector<16xf32>
      %mul3A_355 = arith.mulf %sub3A_351, %sub3A_354 : vector<16xf32>
      %swap3A_356 = arith.constant 16 : index
      %swap3A_357 = tpu.vector_load %arg10[%swap3A_356] {strides = array<i32>} : memref<32xf32, #tpu.memory_space<vmem>>, vector<16xf32>,
      tpu.vector_store %arg10[%swap3A_356], %mul3A_355 {strides = array<i32>} : memref<32xf32, #tpu.memory_space<vmem>>, vector<16xf32>,
      %mul3A_358 = arith.mulf %sub3A_323, %sub3A_354 : vector<16xf32>
      %swap3A_359 = arith.constant 16 : index
      %swap3A_360 = tpu.vector_load %arg11[%swap3A_359] {strides = array<i32>} : memref<32xf32, #tpu.memory_space<vmem>>, vector<16xf32>,
      tpu.vector_store %arg11[%swap3A_359], %mul3A_358 {strides = array<i32>} : memref<32xf32, #tpu.memory_space<vmem>>, vector<16xf32>,
      %mul3A_361 = arith.mulf %sub3A_351, %sub3A_325 : vector<16xf32>
      %swap3A_362 = arith.constant 16 : index
      %swap3A_363 = tpu.vector_load %arg12[%swap3A_362] {strides = array<i32>} : memref<32xf32, #tpu.memory_space<vmem>>, vector<16xf32>,
      tpu.vector_store %arg12[%swap3A_362], %mul3A_361 {strides = array<i32>} : memref<32xf32, #tpu.memory_space<vmem>>, vector<16xf32>,
      %mul3A_364 = arith.mulf %sub3A_323, %sub3A_325 : vector<16xf32>
      %swap3A_365 = arith.constant 16 : index
      %swap3A_366 = tpu.vector_load %arg13[%swap3A_365] {strides = array<i32>} : memref<32xf32, #tpu.memory_space<vmem>>, vector<16xf32>,
      tpu.vector_store %arg13[%swap3A_365], %mul3A_364 {strides = array<i32>} : memref<32xf32, #tpu.memory_space<vmem>>, vector<16xf32>,
      %mul3A_367 = arith.constant 32 : i32
      %mul3A_368 = arith.muli %add3A_241, %mul3A_367 : i32
      %add3A_369 = arith.addi %mul3A_2, %mul3A_368 : i32
      %dma_start3A_370 = arith.constant 0 : i32
      %dma_start3A_371 = tpu.memref_slice %arg5[%add3A_369, %dma_start3A_370] : memref<65536x384xf32, #tpu.memory_space<hbm>> -> memref<32x384xf32, #tpu.memory_space<hbm>>
      %dma_start3A_372 = arith.constant 0 : i32
      %dma_start3A_373 = tpu.memref_slice %arg5[%add3A_369, %dma_start3A_372] : memref<65536x384xf32, #tpu.memory_space<hbm>> -> memref<32x384xf32, #tpu.memory_space<hbm>>
      tpu.enqueue_dma source(%arg20 : memref<32x384xf32, #tpu.memory_space<vmem>>) target(%dma_start3A_373 : memref<32x384xf32, #tpu.memory_space<hbm>>) target_semaphore(%arg24 : memref<!tpu.dma_semaphore, #tpu.memory_space<semaphore_mem>>)
      %add3A_374 = arith.constant 1 : i32
      %add3A_375 = arith.addi %add3A_239, %add3A_374 : i32
      %lt3A_376 = arith.constant 63 : i32
      %lt3A_377 = arith.cmpi slt, %add3A_375, %lt3A_376 : i32
      %convert_element_type3A_378 = arith.extui %lt3A_377 : i1 to i32
      %cond3A_379 = arith.constant 0 : i32
      %cond3A_380 = arith.cmpi ne, %convert_element_type3A_378, %cond3A_379 : i32
      scf.if %cond3A_380 {
        %dma_start3A_513 = arith.constant 0 : i32
        %dma_start3A_514 = arith.constant 0 : i32
        %dma_start3A_515 = tpu.memref_slice %arg2[%dma_start3A_513, %dma_start3A_514] : memref<200704x384xf32, #tpu.memory_space<hbm>> -> memref<200704x384xf32, #tpu.memory_space<hbm>>
        tpu.enqueue_indirect_dma source(%dma_start3A_515 : memref<200704x384xf32, #tpu.memory_space<hbm>>) target(%arg18 : memref<128x384xf32, #tpu.memory_space<vmem>>) offsets(%arg8 : memref<128xi32, #tpu.memory_space<vmem>>) semaphore(%arg22 : memref<!tpu.dma_semaphore, #tpu.memory_space<semaphore_mem>>)
      } else {
      }
      %dma_wait3A_381 = arith.constant 0 : i32
      %dma_wait3A_382 = arith.constant 0 : i32
      %dma_wait3A_383 = tpu.memref_slice %arg2[%dma_wait3A_381, %dma_wait3A_382] : memref<200704x384xf32, #tpu.memory_space<hbm>> -> memref<200704x384xf32, #tpu.memory_space<hbm>>
      tpu.wait_indirect_dma semaphore(%arg23 : memref<!tpu.dma_semaphore, #tpu.memory_space<semaphore_mem>>) src(%dma_wait3A_383 : memref<200704x384xf32, #tpu.memory_space<hbm>>) dst(%arg19 : memref<128x384xf32, #tpu.memory_space<vmem>>)
      %ge3A_384 = arith.constant 2 : i32
      %ge3A_385 = arith.cmpi sge, %add3A_375, %ge3A_384 : i32
      %convert_element_type3A_386 = arith.extui %ge3A_385 : i1 to i32
      %cond3A_387 = arith.constant 0 : i32
      %cond3A_388 = arith.cmpi ne, %convert_element_type3A_386, %cond3A_387 : i32
      scf.if %cond3A_388 {
        %dma_wait3A_513 = arith.constant 0 : i32
        %dma_wait3A_514 = tpu.memref_slice %arg5[%mul3A_2, %dma_wait3A_513] : memref<65536x384xf32, #tpu.memory_space<hbm>> -> memref<32x384xf32, #tpu.memory_space<hbm>>
        %dma_wait3A_515 = arith.constant 0 : i32
        %dma_wait3A_516 = tpu.memref_slice %arg5[%mul3A_2, %dma_wait3A_515] : memref<65536x384xf32, #tpu.memory_space<hbm>> -> memref<32x384xf32, #tpu.memory_space<hbm>>
        tpu.wait_dma2 semaphore(%arg25 : memref<!tpu.dma_semaphore, #tpu.memory_space<semaphore_mem>>) src(%arg21 : memref<32x384xf32, #tpu.memory_space<vmem>>) dst(%dma_wait3A_516 : memref<32x384xf32, #tpu.memory_space<hbm>>)
      } else {
      }
      %parallel_loop3A_389 = arith.constant 0 : i32
      %parallel_loop3A_390 = arith.constant 32 : i32
      %parallel_loop3A_391 = arith.constant 1 : i32
      scf.for %parallel_loop3A_513 = %parallel_loop3A_389 to %parallel_loop3A_390 step %parallel_loop3A_391  : i32 {
        %parallel_loop3A_514 = vector.broadcast %parallel_loop3A_513 : i32 to vector<16xi32>
        %parallel_loop3A_515 = tpu.vector_load_idx %arg14[%parallel_loop3A_514] : memref<32xf32, #tpu.memory_space<vmem>>[vector<16xi32>], vector<16xf32>,
        %parallel_loop3A_516 = tpu.vector_load_idx %arg15[%parallel_loop3A_514] : memref<32xf32, #tpu.memory_space<vmem>>[vector<16xi32>], vector<16xf32>,
        %parallel_loop3A_517 = tpu.vector_load_idx %arg16[%parallel_loop3A_514] : memref<32xf32, #tpu.memory_space<vmem>>[vector<16xi32>], vector<16xf32>,
        %parallel_loop3A_518 = tpu.vector_load_idx %arg17[%parallel_loop3A_514] : memref<32xf32, #tpu.memory_space<vmem>>[vector<16xi32>], vector<16xf32>,
        %parallel_loop3A_519 = arith.index_cast %parallel_loop3A_513 : i32 to index
        %parallel_loop3A_520 = arith.constant 0 : index
        %parallel_loop3A_521 = tpu.vector_load %arg19[%parallel_loop3A_519, %parallel_loop3A_520] {strides = array<i32>} : memref<128x384xf32, #tpu.memory_space<vmem>>, vector<16xf32>,
        %parallel_loop3A_522 = arith.mulf %parallel_loop3A_521, %parallel_loop3A_515 : vector<16xf32>
        %parallel_loop3A_523 = arith.constant 32 : i32
        %parallel_loop3A_524 = arith.addi %parallel_loop3A_523, %parallel_loop3A_513 : i32
        %parallel_loop3A_525 = arith.index_cast %parallel_loop3A_524 : i32 to index
        %parallel_loop3A_526 = arith.constant 0 : index
        %parallel_loop3A_527 = tpu.vector_load %arg19[%parallel_loop3A_525, %parallel_loop3A_526] {strides = array<i32>} : memref<128x384xf32, #tpu.memory_space<vmem>>, vector<16xf32>,
        %parallel_loop3A_528 = arith.mulf %parallel_loop3A_527, %parallel_loop3A_516 : vector<16xf32>
        %parallel_loop3A_529 = arith.addf %parallel_loop3A_522, %parallel_loop3A_528 : vector<16xf32>
        %parallel_loop3A_530 = arith.constant 64 : i32
        %parallel_loop3A_531 = arith.addi %parallel_loop3A_530, %parallel_loop3A_513 : i32
        %parallel_loop3A_532 = arith.index_cast %parallel_loop3A_531 : i32 to index
        %parallel_loop3A_533 = arith.constant 0 : index
        %parallel_loop3A_534 = tpu.vector_load %arg19[%parallel_loop3A_532, %parallel_loop3A_533] {strides = array<i32>} : memref<128x384xf32, #tpu.memory_space<vmem>>, vector<16xf32>,
        %parallel_loop3A_535 = arith.mulf %parallel_loop3A_534, %parallel_loop3A_517 : vector<16xf32>
        %parallel_loop3A_536 = arith.constant 96 : i32
        %parallel_loop3A_537 = arith.addi %parallel_loop3A_536, %parallel_loop3A_513 : i32
        %parallel_loop3A_538 = arith.index_cast %parallel_loop3A_537 : i32 to index
        %parallel_loop3A_539 = arith.constant 0 : index
        %parallel_loop3A_540 = tpu.vector_load %arg19[%parallel_loop3A_538, %parallel_loop3A_539] {strides = array<i32>} : memref<128x384xf32, #tpu.memory_space<vmem>>, vector<16xf32>,
        %parallel_loop3A_541 = arith.mulf %parallel_loop3A_540, %parallel_loop3A_518 : vector<16xf32>
        %parallel_loop3A_542 = arith.addf %parallel_loop3A_535, %parallel_loop3A_541 : vector<16xf32>
        %parallel_loop3A_543 = arith.addf %parallel_loop3A_529, %parallel_loop3A_542 : vector<16xf32>
        %parallel_loop3A_544 = arith.index_cast %parallel_loop3A_513 : i32 to index
        %parallel_loop3A_545 = arith.constant 0 : index
        %parallel_loop3A_546 = tpu.vector_load %arg21[%parallel_loop3A_544, %parallel_loop3A_545] {strides = array<i32>} : memref<32x384xf32, #tpu.memory_space<vmem>>, vector<16xf32>,
        tpu.vector_store %arg21[%parallel_loop3A_544, %parallel_loop3A_545], %parallel_loop3A_543 {strides = array<i32>} : memref<32x384xf32, #tpu.memory_space<vmem>>, vector<16xf32>,
        %parallel_loop3A_547 = arith.index_cast %parallel_loop3A_513 : i32 to index
        %parallel_loop3A_548 = arith.constant 16 : index
        %parallel_loop3A_549 = tpu.vector_load %arg19[%parallel_loop3A_547, %parallel_loop3A_548] {strides = array<i32>} : memref<128x384xf32, #tpu.memory_space<vmem>>, vector<16xf32>,
        %parallel_loop3A_550 = arith.mulf %parallel_loop3A_549, %parallel_loop3A_515 : vector<16xf32>
        %parallel_loop3A_551 = arith.constant 32 : i32
        %parallel_loop3A_552 = arith.addi %parallel_loop3A_551, %parallel_loop3A_513 : i32
        %parallel_loop3A_553 = arith.index_cast %parallel_loop3A_552 : i32 to index
        %parallel_loop3A_554 = arith.constant 16 : index
        %parallel_loop3A_555 = tpu.vector_load %arg19[%parallel_loop3A_553, %parallel_loop3A_554] {strides = array<i32>} : memref<128x384xf32, #tpu.memory_space<vmem>>, vector<16xf32>,
        %parallel_loop3A_556 = arith.mulf %parallel_loop3A_555, %parallel_loop3A_516 : vector<16xf32>
        %parallel_loop3A_557 = arith.addf %parallel_loop3A_550, %parallel_loop3A_556 : vector<16xf32>
        %parallel_loop3A_558 = arith.constant 64 : i32
        %parallel_loop3A_559 = arith.addi %parallel_loop3A_558, %parallel_loop3A_513 : i32
        %parallel_loop3A_560 = arith.index_cast %parallel_loop3A_559 : i32 to index
        %parallel_loop3A_561 = arith.constant 16 : index
        %parallel_loop3A_562 = tpu.vector_load %arg19[%parallel_loop3A_560, %parallel_loop3A_561] {strides = array<i32>} : memref<128x384xf32, #tpu.memory_space<vmem>>, vector<16xf32>,
        %parallel_loop3A_563 = arith.mulf %parallel_loop3A_562, %parallel_loop3A_517 : vector<16xf32>
        %parallel_loop3A_564 = arith.constant 96 : i32
        %parallel_loop3A_565 = arith.addi %parallel_loop3A_564, %parallel_loop3A_513 : i32
        %parallel_loop3A_566 = arith.index_cast %parallel_loop3A_565 : i32 to index
        %parallel_loop3A_567 = arith.constant 16 : index
        %parallel_loop3A_568 = tpu.vector_load %arg19[%parallel_loop3A_566, %parallel_loop3A_567] {strides = array<i32>} : memref<128x384xf32, #tpu.memory_space<vmem>>, vector<16xf32>,
        %parallel_loop3A_569 = arith.mulf %parallel_loop3A_568, %parallel_loop3A_518 : vector<16xf32>
        %parallel_loop3A_570 = arith.addf %parallel_loop3A_563, %parallel_loop3A_569 : vector<16xf32>
        %parallel_loop3A_571 = arith.addf %parallel_loop3A_557, %parallel_loop3A_570 : vector<16xf32>
        %parallel_loop3A_572 = arith.index_cast %parallel_loop3A_513 : i32 to index
        %parallel_loop3A_573 = arith.constant 16 : index
        %parallel_loop3A_574 = tpu.vector_load %arg21[%parallel_loop3A_572, %parallel_loop3A_573] {strides = array<i32>} : memref<32x384xf32, #tpu.memory_space<vmem>>, vector<16xf32>,
        tpu.vector_store %arg21[%parallel_loop3A_572, %parallel_loop3A_573], %parallel_loop3A_571 {strides = array<i32>} : memref<32x384xf32, #tpu.memory_space<vmem>>, vector<16xf32>,
        %parallel_loop3A_575 = arith.index_cast %parallel_loop3A_513 : i32 to index
        %parallel_loop3A_576 = arith.constant 32 : index
        %parallel_loop3A_577 = tpu.vector_load %arg19[%parallel_loop3A_575, %parallel_loop3A_576] {strides = array<i32>} : memref<128x384xf32, #tpu.memory_space<vmem>>, vector<16xf32>,
        %parallel_loop3A_578 = arith.mulf %parallel_loop3A_577, %parallel_loop3A_515 : vector<16xf32>
        %parallel_loop3A_579 = arith.constant 32 : i32
        %parallel_loop3A_580 = arith.addi %parallel_loop3A_579, %parallel_loop3A_513 : i32
        %parallel_loop3A_581 = arith.index_cast %parallel_loop3A_580 : i32 to index
        %parallel_loop3A_582 = arith.constant 32 : index
        %parallel_loop3A_583 = tpu.vector_load %arg19[%parallel_loop3A_581, %parallel_loop3A_582] {strides = array<i32>} : memref<128x384xf32, #tpu.memory_space<vmem>>, vector<16xf32>,
        %parallel_loop3A_584 = arith.mulf %parallel_loop3A_583, %parallel_loop3A_516 : vector<16xf32>
        %parallel_loop3A_585 = arith.addf %parallel_loop3A_578, %parallel_loop3A_584 : vector<16xf32>
        %parallel_loop3A_586 = arith.constant 64 : i32
        %parallel_loop3A_587 = arith.addi %parallel_loop3A_586, %parallel_loop3A_513 : i32
        %parallel_loop3A_588 = arith.index_cast %parallel_loop3A_587 : i32 to index
        %parallel_loop3A_589 = arith.constant 32 : index
        %parallel_loop3A_590 = tpu.vector_load %arg19[%parallel_loop3A_588, %parallel_loop3A_589] {strides = array<i32>} : memref<128x384xf32, #tpu.memory_space<vmem>>, vector<16xf32>,
        %parallel_loop3A_591 = arith.mulf %parallel_loop3A_590, %parallel_loop3A_517 : vector<16xf32>
        %parallel_loop3A_592 = arith.constant 96 : i32
        %parallel_loop3A_593 = arith.addi %parallel_loop3A_592, %parallel_loop3A_513 : i32
        %parallel_loop3A_594 = arith.index_cast %parallel_loop3A_593 : i32 to index
        %parallel_loop3A_595 = arith.constant 32 : index
        %parallel_loop3A_596 = tpu.vector_load %arg19[%parallel_loop3A_594, %parallel_loop3A_595] {strides = array<i32>} : memref<128x384xf32, #tpu.memory_space<vmem>>, vector<16xf32>,
        %parallel_loop3A_597 = arith.mulf %parallel_loop3A_596, %parallel_loop3A_518 : vector<16xf32>
        %parallel_loop3A_598 = arith.addf %parallel_loop3A_591, %parallel_loop3A_597 : vector<16xf32>
        %parallel_loop3A_599 = arith.addf %parallel_loop3A_585, %parallel_loop3A_598 : vector<16xf32>
        %parallel_loop3A_600 = arith.index_cast %parallel_loop3A_513 : i32 to index
        %parallel_loop3A_601 = arith.constant 32 : index
        %parallel_loop3A_602 = tpu.vector_load %arg21[%parallel_loop3A_600, %parallel_loop3A_601] {strides = array<i32>} : memref<32x384xf32, #tpu.memory_space<vmem>>, vector<16xf32>,
        tpu.vector_store %arg21[%parallel_loop3A_600, %parallel_loop3A_601], %parallel_loop3A_599 {strides = array<i32>} : memref<32x384xf32, #tpu.memory_space<vmem>>, vector<16xf32>,
        %parallel_loop3A_603 = arith.index_cast %parallel_loop3A_513 : i32 to index
        %parallel_loop3A_604 = arith.constant 48 : index
        %parallel_loop3A_605 = tpu.vector_load %arg19[%parallel_loop3A_603, %parallel_loop3A_604] {strides = array<i32>} : memref<128x384xf32, #tpu.memory_space<vmem>>, vector<16xf32>,
        %parallel_loop3A_606 = arith.mulf %parallel_loop3A_605, %parallel_loop3A_515 : vector<16xf32>
        %parallel_loop3A_607 = arith.constant 32 : i32
        %parallel_loop3A_608 = arith.addi %parallel_loop3A_607, %parallel_loop3A_513 : i32
        %parallel_loop3A_609 = arith.index_cast %parallel_loop3A_608 : i32 to index
        %parallel_loop3A_610 = arith.constant 48 : index
        %parallel_loop3A_611 = tpu.vector_load %arg19[%parallel_loop3A_609, %parallel_loop3A_610] {strides = array<i32>} : memref<128x384xf32, #tpu.memory_space<vmem>>, vector<16xf32>,
        %parallel_loop3A_612 = arith.mulf %parallel_loop3A_611, %parallel_loop3A_516 : vector<16xf32>
        %parallel_loop3A_613 = arith.addf %parallel_loop3A_606, %parallel_loop3A_612 : vector<16xf32>
        %parallel_loop3A_614 = arith.constant 64 : i32
        %parallel_loop3A_615 = arith.addi %parallel_loop3A_614, %parallel_loop3A_513 : i32
        %parallel_loop3A_616 = arith.index_cast %parallel_loop3A_615 : i32 to index
        %parallel_loop3A_617 = arith.constant 48 : index
        %parallel_loop3A_618 = tpu.vector_load %arg19[%parallel_loop3A_616, %parallel_loop3A_617] {strides = array<i32>} : memref<128x384xf32, #tpu.memory_space<vmem>>, vector<16xf32>,
        %parallel_loop3A_619 = arith.mulf %parallel_loop3A_618, %parallel_loop3A_517 : vector<16xf32>
        %parallel_loop3A_620 = arith.constant 96 : i32
        %parallel_loop3A_621 = arith.addi %parallel_loop3A_620, %parallel_loop3A_513 : i32
        %parallel_loop3A_622 = arith.index_cast %parallel_loop3A_621 : i32 to index
        %parallel_loop3A_623 = arith.constant 48 : index
        %parallel_loop3A_624 = tpu.vector_load %arg19[%parallel_loop3A_622, %parallel_loop3A_623] {strides = array<i32>} : memref<128x384xf32, #tpu.memory_space<vmem>>, vector<16xf32>,
        %parallel_loop3A_625 = arith.mulf %parallel_loop3A_624, %parallel_loop3A_518 : vector<16xf32>
        %parallel_loop3A_626 = arith.addf %parallel_loop3A_619, %parallel_loop3A_625 : vector<16xf32>
        %parallel_loop3A_627 = arith.addf %parallel_loop3A_613, %parallel_loop3A_626 : vector<16xf32>
        %parallel_loop3A_628 = arith.index_cast %parallel_loop3A_513 : i32 to index
        %parallel_loop3A_629 = arith.constant 48 : index
        %parallel_loop3A_630 = tpu.vector_load %arg21[%parallel_loop3A_628, %parallel_loop3A_629] {strides = array<i32>} : memref<32x384xf32, #tpu.memory_space<vmem>>, vector<16xf32>,
        tpu.vector_store %arg21[%parallel_loop3A_628, %parallel_loop3A_629], %parallel_loop3A_627 {strides = array<i32>} : memref<32x384xf32, #tpu.memory_space<vmem>>, vector<16xf32>,
        %parallel_loop3A_631 = arith.index_cast %parallel_loop3A_513 : i32 to index
        %parallel_loop3A_632 = arith.constant 64 : index
        %parallel_loop3A_633 = tpu.vector_load %arg19[%parallel_loop3A_631, %parallel_loop3A_632] {strides = array<i32>} : memref<128x384xf32, #tpu.memory_space<vmem>>, vector<16xf32>,
        %parallel_loop3A_634 = arith.mulf %parallel_loop3A_633, %parallel_loop3A_515 : vector<16xf32>
        %parallel_loop3A_635 = arith.constant 32 : i32
        %parallel_loop3A_636 = arith.addi %parallel_loop3A_635, %parallel_loop3A_513 : i32
        %parallel_loop3A_637 = arith.index_cast %parallel_loop3A_636 : i32 to index
        %parallel_loop3A_638 = arith.constant 64 : index
        %parallel_loop3A_639 = tpu.vector_load %arg19[%parallel_loop3A_637, %parallel_loop3A_638] {strides = array<i32>} : memref<128x384xf32, #tpu.memory_space<vmem>>, vector<16xf32>,
        %parallel_loop3A_640 = arith.mulf %parallel_loop3A_639, %parallel_loop3A_516 : vector<16xf32>
        %parallel_loop3A_641 = arith.addf %parallel_loop3A_634, %parallel_loop3A_640 : vector<16xf32>
        %parallel_loop3A_642 = arith.constant 64 : i32
        %parallel_loop3A_643 = arith.addi %parallel_loop3A_642, %parallel_loop3A_513 : i32
        %parallel_loop3A_644 = arith.index_cast %parallel_loop3A_643 : i32 to index
        %parallel_loop3A_645 = arith.constant 64 : index
        %parallel_loop3A_646 = tpu.vector_load %arg19[%parallel_loop3A_644, %parallel_loop3A_645] {strides = array<i32>} : memref<128x384xf32, #tpu.memory_space<vmem>>, vector<16xf32>,
        %parallel_loop3A_647 = arith.mulf %parallel_loop3A_646, %parallel_loop3A_517 : vector<16xf32>
        %parallel_loop3A_648 = arith.constant 96 : i32
        %parallel_loop3A_649 = arith.addi %parallel_loop3A_648, %parallel_loop3A_513 : i32
        %parallel_loop3A_650 = arith.index_cast %parallel_loop3A_649 : i32 to index
        %parallel_loop3A_651 = arith.constant 64 : index
        %parallel_loop3A_652 = tpu.vector_load %arg19[%parallel_loop3A_650, %parallel_loop3A_651] {strides = array<i32>} : memref<128x384xf32, #tpu.memory_space<vmem>>, vector<16xf32>,
        %parallel_loop3A_653 = arith.mulf %parallel_loop3A_652, %parallel_loop3A_518 : vector<16xf32>
        %parallel_loop3A_654 = arith.addf %parallel_loop3A_647, %parallel_loop3A_653 : vector<16xf32>
        %parallel_loop3A_655 = arith.addf %parallel_loop3A_641, %parallel_loop3A_654 : vector<16xf32>
        %parallel_loop3A_656 = arith.index_cast %parallel_loop3A_513 : i32 to index
        %parallel_loop3A_657 = arith.constant 64 : index
        %parallel_loop3A_658 = tpu.vector_load %arg21[%parallel_loop3A_656, %parallel_loop3A_657] {strides = array<i32>} : memref<32x384xf32, #tpu.memory_space<vmem>>, vector<16xf32>,
        tpu.vector_store %arg21[%parallel_loop3A_656, %parallel_loop3A_657], %parallel_loop3A_655 {strides = array<i32>} : memref<32x384xf32, #tpu.memory_space<vmem>>, vector<16xf32>,
        %parallel_loop3A_659 = arith.index_cast %parallel_loop3A_513 : i32 to index
        %parallel_loop3A_660 = arith.constant 80 : index
        %parallel_loop3A_661 = tpu.vector_load %arg19[%parallel_loop3A_659, %parallel_loop3A_660] {strides = array<i32>} : memref<128x384xf32, #tpu.memory_space<vmem>>, vector<16xf32>,
        %parallel_loop3A_662 = arith.mulf %parallel_loop3A_661, %parallel_loop3A_515 : vector<16xf32>
        %parallel_loop3A_663 = arith.constant 32 : i32
        %parallel_loop3A_664 = arith.addi %parallel_loop3A_663, %parallel_loop3A_513 : i32
        %parallel_loop3A_665 = arith.index_cast %parallel_loop3A_664 : i32 to index
        %parallel_loop3A_666 = arith.constant 80 : index
        %parallel_loop3A_667 = tpu.vector_load %arg19[%parallel_loop3A_665, %parallel_loop3A_666] {strides = array<i32>} : memref<128x384xf32, #tpu.memory_space<vmem>>, vector<16xf32>,
        %parallel_loop3A_668 = arith.mulf %parallel_loop3A_667, %parallel_loop3A_516 : vector<16xf32>
        %parallel_loop3A_669 = arith.addf %parallel_loop3A_662, %parallel_loop3A_668 : vector<16xf32>
        %parallel_loop3A_670 = arith.constant 64 : i32
        %parallel_loop3A_671 = arith.addi %parallel_loop3A_670, %parallel_loop3A_513 : i32
        %parallel_loop3A_672 = arith.index_cast %parallel_loop3A_671 : i32 to index
        %parallel_loop3A_673 = arith.constant 80 : index
        %parallel_loop3A_674 = tpu.vector_load %arg19[%parallel_loop3A_672, %parallel_loop3A_673] {strides = array<i32>} : memref<128x384xf32, #tpu.memory_space<vmem>>, vector<16xf32>,
        %parallel_loop3A_675 = arith.mulf %parallel_loop3A_674, %parallel_loop3A_517 : vector<16xf32>
        %parallel_loop3A_676 = arith.constant 96 : i32
        %parallel_loop3A_677 = arith.addi %parallel_loop3A_676, %parallel_loop3A_513 : i32
        %parallel_loop3A_678 = arith.index_cast %parallel_loop3A_677 : i32 to index
        %parallel_loop3A_679 = arith.constant 80 : index
        %parallel_loop3A_680 = tpu.vector_load %arg19[%parallel_loop3A_678, %parallel_loop3A_679] {strides = array<i32>} : memref<128x384xf32, #tpu.memory_space<vmem>>, vector<16xf32>,
        %parallel_loop3A_681 = arith.mulf %parallel_loop3A_680, %parallel_loop3A_518 : vector<16xf32>
        %parallel_loop3A_682 = arith.addf %parallel_loop3A_675, %parallel_loop3A_681 : vector<16xf32>
        %parallel_loop3A_683 = arith.addf %parallel_loop3A_669, %parallel_loop3A_682 : vector<16xf32>
        %parallel_loop3A_684 = arith.index_cast %parallel_loop3A_513 : i32 to index
        %parallel_loop3A_685 = arith.constant 80 : index
        %parallel_loop3A_686 = tpu.vector_load %arg21[%parallel_loop3A_684, %parallel_loop3A_685] {strides = array<i32>} : memref<32x384xf32, #tpu.memory_space<vmem>>, vector<16xf32>,
        tpu.vector_store %arg21[%parallel_loop3A_684, %parallel_loop3A_685], %parallel_loop3A_683 {strides = array<i32>} : memref<32x384xf32, #tpu.memory_space<vmem>>, vector<16xf32>,
        %parallel_loop3A_687 = arith.index_cast %parallel_loop3A_513 : i32 to index
        %parallel_loop3A_688 = arith.constant 96 : index
        %parallel_loop3A_689 = tpu.vector_load %arg19[%parallel_loop3A_687, %parallel_loop3A_688] {strides = array<i32>} : memref<128x384xf32, #tpu.memory_space<vmem>>, vector<16xf32>,
        %parallel_loop3A_690 = arith.mulf %parallel_loop3A_689, %parallel_loop3A_515 : vector<16xf32>
        %parallel_loop3A_691 = arith.constant 32 : i32
        %parallel_loop3A_692 = arith.addi %parallel_loop3A_691, %parallel_loop3A_513 : i32
        %parallel_loop3A_693 = arith.index_cast %parallel_loop3A_692 : i32 to index
        %parallel_loop3A_694 = arith.constant 96 : index
        %parallel_loop3A_695 = tpu.vector_load %arg19[%parallel_loop3A_693, %parallel_loop3A_694] {strides = array<i32>} : memref<128x384xf32, #tpu.memory_space<vmem>>, vector<16xf32>,
        %parallel_loop3A_696 = arith.mulf %parallel_loop3A_695, %parallel_loop3A_516 : vector<16xf32>
        %parallel_loop3A_697 = arith.addf %parallel_loop3A_690, %parallel_loop3A_696 : vector<16xf32>
        %parallel_loop3A_698 = arith.constant 64 : i32
        %parallel_loop3A_699 = arith.addi %parallel_loop3A_698, %parallel_loop3A_513 : i32
        %parallel_loop3A_700 = arith.index_cast %parallel_loop3A_699 : i32 to index
        %parallel_loop3A_701 = arith.constant 96 : index
        %parallel_loop3A_702 = tpu.vector_load %arg19[%parallel_loop3A_700, %parallel_loop3A_701] {strides = array<i32>} : memref<128x384xf32, #tpu.memory_space<vmem>>, vector<16xf32>,
        %parallel_loop3A_703 = arith.mulf %parallel_loop3A_702, %parallel_loop3A_517 : vector<16xf32>
        %parallel_loop3A_704 = arith.constant 96 : i32
        %parallel_loop3A_705 = arith.addi %parallel_loop3A_704, %parallel_loop3A_513 : i32
        %parallel_loop3A_706 = arith.index_cast %parallel_loop3A_705 : i32 to index
        %parallel_loop3A_707 = arith.constant 96 : index
        %parallel_loop3A_708 = tpu.vector_load %arg19[%parallel_loop3A_706, %parallel_loop3A_707] {strides = array<i32>} : memref<128x384xf32, #tpu.memory_space<vmem>>, vector<16xf32>,
        %parallel_loop3A_709 = arith.mulf %parallel_loop3A_708, %parallel_loop3A_518 : vector<16xf32>
        %parallel_loop3A_710 = arith.addf %parallel_loop3A_703, %parallel_loop3A_709 : vector<16xf32>
        %parallel_loop3A_711 = arith.addf %parallel_loop3A_697, %parallel_loop3A_710 : vector<16xf32>
        %parallel_loop3A_712 = arith.index_cast %parallel_loop3A_513 : i32 to index
        %parallel_loop3A_713 = arith.constant 96 : index
        %parallel_loop3A_714 = tpu.vector_load %arg21[%parallel_loop3A_712, %parallel_loop3A_713] {strides = array<i32>} : memref<32x384xf32, #tpu.memory_space<vmem>>, vector<16xf32>,
        tpu.vector_store %arg21[%parallel_loop3A_712, %parallel_loop3A_713], %parallel_loop3A_711 {strides = array<i32>} : memref<32x384xf32, #tpu.memory_space<vmem>>, vector<16xf32>,
        %parallel_loop3A_715 = arith.index_cast %parallel_loop3A_513 : i32 to index
        %parallel_loop3A_716 = arith.constant 112 : index
        %parallel_loop3A_717 = tpu.vector_load %arg19[%parallel_loop3A_715, %parallel_loop3A_716] {strides = array<i32>} : memref<128x384xf32, #tpu.memory_space<vmem>>, vector<16xf32>,
        %parallel_loop3A_718 = arith.mulf %parallel_loop3A_717, %parallel_loop3A_515 : vector<16xf32>
        %parallel_loop3A_719 = arith.constant 32 : i32
        %parallel_loop3A_720 = arith.addi %parallel_loop3A_719, %parallel_loop3A_513 : i32
        %parallel_loop3A_721 = arith.index_cast %parallel_loop3A_720 : i32 to index
        %parallel_loop3A_722 = arith.constant 112 : index
        %parallel_loop3A_723 = tpu.vector_load %arg19[%parallel_loop3A_721, %parallel_loop3A_722] {strides = array<i32>} : memref<128x384xf32, #tpu.memory_space<vmem>>, vector<16xf32>,
        %parallel_loop3A_724 = arith.mulf %parallel_loop3A_723, %parallel_loop3A_516 : vector<16xf32>
        %parallel_loop3A_725 = arith.addf %parallel_loop3A_718, %parallel_loop3A_724 : vector<16xf32>
        %parallel_loop3A_726 = arith.constant 64 : i32
        %parallel_loop3A_727 = arith.addi %parallel_loop3A_726, %parallel_loop3A_513 : i32
        %parallel_loop3A_728 = arith.index_cast %parallel_loop3A_727 : i32 to index
        %parallel_loop3A_729 = arith.constant 112 : index
        %parallel_loop3A_730 = tpu.vector_load %arg19[%parallel_loop3A_728, %parallel_loop3A_729] {strides = array<i32>} : memref<128x384xf32, #tpu.memory_space<vmem>>, vector<16xf32>,
        %parallel_loop3A_731 = arith.mulf %parallel_loop3A_730, %parallel_loop3A_517 : vector<16xf32>
        %parallel_loop3A_732 = arith.constant 96 : i32
        %parallel_loop3A_733 = arith.addi %parallel_loop3A_732, %parallel_loop3A_513 : i32
        %parallel_loop3A_734 = arith.index_cast %parallel_loop3A_733 : i32 to index
        %parallel_loop3A_735 = arith.constant 112 : index
        %parallel_loop3A_736 = tpu.vector_load %arg19[%parallel_loop3A_734, %parallel_loop3A_735] {strides = array<i32>} : memref<128x384xf32, #tpu.memory_space<vmem>>, vector<16xf32>,
        %parallel_loop3A_737 = arith.mulf %parallel_loop3A_736, %parallel_loop3A_518 : vector<16xf32>
        %parallel_loop3A_738 = arith.addf %parallel_loop3A_731, %parallel_loop3A_737 : vector<16xf32>
        %parallel_loop3A_739 = arith.addf %parallel_loop3A_725, %parallel_loop3A_738 : vector<16xf32>
        %parallel_loop3A_740 = arith.index_cast %parallel_loop3A_513 : i32 to index
        %parallel_loop3A_741 = arith.constant 112 : index
        %parallel_loop3A_742 = tpu.vector_load %arg21[%parallel_loop3A_740, %parallel_loop3A_741] {strides = array<i32>} : memref<32x384xf32, #tpu.memory_space<vmem>>, vector<16xf32>,
        tpu.vector_store %arg21[%parallel_loop3A_740, %parallel_loop3A_741], %parallel_loop3A_739 {strides = array<i32>} : memref<32x384xf32, #tpu.memory_space<vmem>>, vector<16xf32>,
        %parallel_loop3A_743 = arith.index_cast %parallel_loop3A_513 : i32 to index
        %parallel_loop3A_744 = arith.constant 128 : index
        %parallel_loop3A_745 = tpu.vector_load %arg19[%parallel_loop3A_743, %parallel_loop3A_744] {strides = array<i32>} : memref<128x384xf32, #tpu.memory_space<vmem>>, vector<16xf32>,
        %parallel_loop3A_746 = arith.mulf %parallel_loop3A_745, %parallel_loop3A_515 : vector<16xf32>
        %parallel_loop3A_747 = arith.constant 32 : i32
        %parallel_loop3A_748 = arith.addi %parallel_loop3A_747, %parallel_loop3A_513 : i32
        %parallel_loop3A_749 = arith.index_cast %parallel_loop3A_748 : i32 to index
        %parallel_loop3A_750 = arith.constant 128 : index
        %parallel_loop3A_751 = tpu.vector_load %arg19[%parallel_loop3A_749, %parallel_loop3A_750] {strides = array<i32>} : memref<128x384xf32, #tpu.memory_space<vmem>>, vector<16xf32>,
        %parallel_loop3A_752 = arith.mulf %parallel_loop3A_751, %parallel_loop3A_516 : vector<16xf32>
        %parallel_loop3A_753 = arith.addf %parallel_loop3A_746, %parallel_loop3A_752 : vector<16xf32>
        %parallel_loop3A_754 = arith.constant 64 : i32
        %parallel_loop3A_755 = arith.addi %parallel_loop3A_754, %parallel_loop3A_513 : i32
        %parallel_loop3A_756 = arith.index_cast %parallel_loop3A_755 : i32 to index
        %parallel_loop3A_757 = arith.constant 128 : index
        %parallel_loop3A_758 = tpu.vector_load %arg19[%parallel_loop3A_756, %parallel_loop3A_757] {strides = array<i32>} : memref<128x384xf32, #tpu.memory_space<vmem>>, vector<16xf32>,
        %parallel_loop3A_759 = arith.mulf %parallel_loop3A_758, %parallel_loop3A_517 : vector<16xf32>
        %parallel_loop3A_760 = arith.constant 96 : i32
        %parallel_loop3A_761 = arith.addi %parallel_loop3A_760, %parallel_loop3A_513 : i32
        %parallel_loop3A_762 = arith.index_cast %parallel_loop3A_761 : i32 to index
        %parallel_loop3A_763 = arith.constant 128 : index
        %parallel_loop3A_764 = tpu.vector_load %arg19[%parallel_loop3A_762, %parallel_loop3A_763] {strides = array<i32>} : memref<128x384xf32, #tpu.memory_space<vmem>>, vector<16xf32>,
        %parallel_loop3A_765 = arith.mulf %parallel_loop3A_764, %parallel_loop3A_518 : vector<16xf32>
        %parallel_loop3A_766 = arith.addf %parallel_loop3A_759, %parallel_loop3A_765 : vector<16xf32>
        %parallel_loop3A_767 = arith.addf %parallel_loop3A_753, %parallel_loop3A_766 : vector<16xf32>
        %parallel_loop3A_768 = arith.index_cast %parallel_loop3A_513 : i32 to index
        %parallel_loop3A_769 = arith.constant 128 : index
        %parallel_loop3A_770 = tpu.vector_load %arg21[%parallel_loop3A_768, %parallel_loop3A_769] {strides = array<i32>} : memref<32x384xf32, #tpu.memory_space<vmem>>, vector<16xf32>,
        tpu.vector_store %arg21[%parallel_loop3A_768, %parallel_loop3A_769], %parallel_loop3A_767 {strides = array<i32>} : memref<32x384xf32, #tpu.memory_space<vmem>>, vector<16xf32>,
        %parallel_loop3A_771 = arith.index_cast %parallel_loop3A_513 : i32 to index
        %parallel_loop3A_772 = arith.constant 144 : index
        %parallel_loop3A_773 = tpu.vector_load %arg19[%parallel_loop3A_771, %parallel_loop3A_772] {strides = array<i32>} : memref<128x384xf32, #tpu.memory_space<vmem>>, vector<16xf32>,
        %parallel_loop3A_774 = arith.mulf %parallel_loop3A_773, %parallel_loop3A_515 : vector<16xf32>
        %parallel_loop3A_775 = arith.constant 32 : i32
        %parallel_loop3A_776 = arith.addi %parallel_loop3A_775, %parallel_loop3A_513 : i32
        %parallel_loop3A_777 = arith.index_cast %parallel_loop3A_776 : i32 to index
        %parallel_loop3A_778 = arith.constant 144 : index
        %parallel_loop3A_779 = tpu.vector_load %arg19[%parallel_loop3A_777, %parallel_loop3A_778] {strides = array<i32>} : memref<128x384xf32, #tpu.memory_space<vmem>>, vector<16xf32>,
        %parallel_loop3A_780 = arith.mulf %parallel_loop3A_779, %parallel_loop3A_516 : vector<16xf32>
        %parallel_loop3A_781 = arith.addf %parallel_loop3A_774, %parallel_loop3A_780 : vector<16xf32>
        %parallel_loop3A_782 = arith.constant 64 : i32
        %parallel_loop3A_783 = arith.addi %parallel_loop3A_782, %parallel_loop3A_513 : i32
        %parallel_loop3A_784 = arith.index_cast %parallel_loop3A_783 : i32 to index
        %parallel_loop3A_785 = arith.constant 144 : index
        %parallel_loop3A_786 = tpu.vector_load %arg19[%parallel_loop3A_784, %parallel_loop3A_785] {strides = array<i32>} : memref<128x384xf32, #tpu.memory_space<vmem>>, vector<16xf32>,
        %parallel_loop3A_787 = arith.mulf %parallel_loop3A_786, %parallel_loop3A_517 : vector<16xf32>
        %parallel_loop3A_788 = arith.constant 96 : i32
        %parallel_loop3A_789 = arith.addi %parallel_loop3A_788, %parallel_loop3A_513 : i32
        %parallel_loop3A_790 = arith.index_cast %parallel_loop3A_789 : i32 to index
        %parallel_loop3A_791 = arith.constant 144 : index
        %parallel_loop3A_792 = tpu.vector_load %arg19[%parallel_loop3A_790, %parallel_loop3A_791] {strides = array<i32>} : memref<128x384xf32, #tpu.memory_space<vmem>>, vector<16xf32>,
        %parallel_loop3A_793 = arith.mulf %parallel_loop3A_792, %parallel_loop3A_518 : vector<16xf32>
        %parallel_loop3A_794 = arith.addf %parallel_loop3A_787, %parallel_loop3A_793 : vector<16xf32>
        %parallel_loop3A_795 = arith.addf %parallel_loop3A_781, %parallel_loop3A_794 : vector<16xf32>
        %parallel_loop3A_796 = arith.index_cast %parallel_loop3A_513 : i32 to index
        %parallel_loop3A_797 = arith.constant 144 : index
        %parallel_loop3A_798 = tpu.vector_load %arg21[%parallel_loop3A_796, %parallel_loop3A_797] {strides = array<i32>} : memref<32x384xf32, #tpu.memory_space<vmem>>, vector<16xf32>,
        tpu.vector_store %arg21[%parallel_loop3A_796, %parallel_loop3A_797], %parallel_loop3A_795 {strides = array<i32>} : memref<32x384xf32, #tpu.memory_space<vmem>>, vector<16xf32>,
        %parallel_loop3A_799 = arith.index_cast %parallel_loop3A_513 : i32 to index
        %parallel_loop3A_800 = arith.constant 160 : index
        %parallel_loop3A_801 = tpu.vector_load %arg19[%parallel_loop3A_799, %parallel_loop3A_800] {strides = array<i32>} : memref<128x384xf32, #tpu.memory_space<vmem>>, vector<16xf32>,
        %parallel_loop3A_802 = arith.mulf %parallel_loop3A_801, %parallel_loop3A_515 : vector<16xf32>
        %parallel_loop3A_803 = arith.constant 32 : i32
        %parallel_loop3A_804 = arith.addi %parallel_loop3A_803, %parallel_loop3A_513 : i32
        %parallel_loop3A_805 = arith.index_cast %parallel_loop3A_804 : i32 to index
        %parallel_loop3A_806 = arith.constant 160 : index
        %parallel_loop3A_807 = tpu.vector_load %arg19[%parallel_loop3A_805, %parallel_loop3A_806] {strides = array<i32>} : memref<128x384xf32, #tpu.memory_space<vmem>>, vector<16xf32>,
        %parallel_loop3A_808 = arith.mulf %parallel_loop3A_807, %parallel_loop3A_516 : vector<16xf32>
        %parallel_loop3A_809 = arith.addf %parallel_loop3A_802, %parallel_loop3A_808 : vector<16xf32>
        %parallel_loop3A_810 = arith.constant 64 : i32
        %parallel_loop3A_811 = arith.addi %parallel_loop3A_810, %parallel_loop3A_513 : i32
        %parallel_loop3A_812 = arith.index_cast %parallel_loop3A_811 : i32 to index
        %parallel_loop3A_813 = arith.constant 160 : index
        %parallel_loop3A_814 = tpu.vector_load %arg19[%parallel_loop3A_812, %parallel_loop3A_813] {strides = array<i32>} : memref<128x384xf32, #tpu.memory_space<vmem>>, vector<16xf32>,
        %parallel_loop3A_815 = arith.mulf %parallel_loop3A_814, %parallel_loop3A_517 : vector<16xf32>
        %parallel_loop3A_816 = arith.constant 96 : i32
        %parallel_loop3A_817 = arith.addi %parallel_loop3A_816, %parallel_loop3A_513 : i32
        %parallel_loop3A_818 = arith.index_cast %parallel_loop3A_817 : i32 to index
        %parallel_loop3A_819 = arith.constant 160 : index
        %parallel_loop3A_820 = tpu.vector_load %arg19[%parallel_loop3A_818, %parallel_loop3A_819] {strides = array<i32>} : memref<128x384xf32, #tpu.memory_space<vmem>>, vector<16xf32>,
        %parallel_loop3A_821 = arith.mulf %parallel_loop3A_820, %parallel_loop3A_518 : vector<16xf32>
        %parallel_loop3A_822 = arith.addf %parallel_loop3A_815, %parallel_loop3A_821 : vector<16xf32>
        %parallel_loop3A_823 = arith.addf %parallel_loop3A_809, %parallel_loop3A_822 : vector<16xf32>
        %parallel_loop3A_824 = arith.index_cast %parallel_loop3A_513 : i32 to index
        %parallel_loop3A_825 = arith.constant 160 : index
        %parallel_loop3A_826 = tpu.vector_load %arg21[%parallel_loop3A_824, %parallel_loop3A_825] {strides = array<i32>} : memref<32x384xf32, #tpu.memory_space<vmem>>, vector<16xf32>,
        tpu.vector_store %arg21[%parallel_loop3A_824, %parallel_loop3A_825], %parallel_loop3A_823 {strides = array<i32>} : memref<32x384xf32, #tpu.memory_space<vmem>>, vector<16xf32>,
        %parallel_loop3A_827 = arith.index_cast %parallel_loop3A_513 : i32 to index
        %parallel_loop3A_828 = arith.constant 176 : index
        %parallel_loop3A_829 = tpu.vector_load %arg19[%parallel_loop3A_827, %parallel_loop3A_828] {strides = array<i32>} : memref<128x384xf32, #tpu.memory_space<vmem>>, vector<16xf32>,
        %parallel_loop3A_830 = arith.mulf %parallel_loop3A_829, %parallel_loop3A_515 : vector<16xf32>
        %parallel_loop3A_831 = arith.constant 32 : i32
        %parallel_loop3A_832 = arith.addi %parallel_loop3A_831, %parallel_loop3A_513 : i32
        %parallel_loop3A_833 = arith.index_cast %parallel_loop3A_832 : i32 to index
        %parallel_loop3A_834 = arith.constant 176 : index
        %parallel_loop3A_835 = tpu.vector_load %arg19[%parallel_loop3A_833, %parallel_loop3A_834] {strides = array<i32>} : memref<128x384xf32, #tpu.memory_space<vmem>>, vector<16xf32>,
        %parallel_loop3A_836 = arith.mulf %parallel_loop3A_835, %parallel_loop3A_516 : vector<16xf32>
        %parallel_loop3A_837 = arith.addf %parallel_loop3A_830, %parallel_loop3A_836 : vector<16xf32>
        %parallel_loop3A_838 = arith.constant 64 : i32
        %parallel_loop3A_839 = arith.addi %parallel_loop3A_838, %parallel_loop3A_513 : i32
        %parallel_loop3A_840 = arith.index_cast %parallel_loop3A_839 : i32 to index
        %parallel_loop3A_841 = arith.constant 176 : index
        %parallel_loop3A_842 = tpu.vector_load %arg19[%parallel_loop3A_840, %parallel_loop3A_841] {strides = array<i32>} : memref<128x384xf32, #tpu.memory_space<vmem>>, vector<16xf32>,
        %parallel_loop3A_843 = arith.mulf %parallel_loop3A_842, %parallel_loop3A_517 : vector<16xf32>
        %parallel_loop3A_844 = arith.constant 96 : i32
        %parallel_loop3A_845 = arith.addi %parallel_loop3A_844, %parallel_loop3A_513 : i32
        %parallel_loop3A_846 = arith.index_cast %parallel_loop3A_845 : i32 to index
        %parallel_loop3A_847 = arith.constant 176 : index
        %parallel_loop3A_848 = tpu.vector_load %arg19[%parallel_loop3A_846, %parallel_loop3A_847] {strides = array<i32>} : memref<128x384xf32, #tpu.memory_space<vmem>>, vector<16xf32>,
        %parallel_loop3A_849 = arith.mulf %parallel_loop3A_848, %parallel_loop3A_518 : vector<16xf32>
        %parallel_loop3A_850 = arith.addf %parallel_loop3A_843, %parallel_loop3A_849 : vector<16xf32>
        %parallel_loop3A_851 = arith.addf %parallel_loop3A_837, %parallel_loop3A_850 : vector<16xf32>
        %parallel_loop3A_852 = arith.index_cast %parallel_loop3A_513 : i32 to index
        %parallel_loop3A_853 = arith.constant 176 : index
        %parallel_loop3A_854 = tpu.vector_load %arg21[%parallel_loop3A_852, %parallel_loop3A_853] {strides = array<i32>} : memref<32x384xf32, #tpu.memory_space<vmem>>, vector<16xf32>,
        tpu.vector_store %arg21[%parallel_loop3A_852, %parallel_loop3A_853], %parallel_loop3A_851 {strides = array<i32>} : memref<32x384xf32, #tpu.memory_space<vmem>>, vector<16xf32>,
        %parallel_loop3A_855 = arith.index_cast %parallel_loop3A_513 : i32 to index
        %parallel_loop3A_856 = arith.constant 192 : index
        %parallel_loop3A_857 = tpu.vector_load %arg19[%parallel_loop3A_855, %parallel_loop3A_856] {strides = array<i32>} : memref<128x384xf32, #tpu.memory_space<vmem>>, vector<16xf32>,
        %parallel_loop3A_858 = arith.mulf %parallel_loop3A_857, %parallel_loop3A_515 : vector<16xf32>
        %parallel_loop3A_859 = arith.constant 32 : i32
        %parallel_loop3A_860 = arith.addi %parallel_loop3A_859, %parallel_loop3A_513 : i32
        %parallel_loop3A_861 = arith.index_cast %parallel_loop3A_860 : i32 to index
        %parallel_loop3A_862 = arith.constant 192 : index
        %parallel_loop3A_863 = tpu.vector_load %arg19[%parallel_loop3A_861, %parallel_loop3A_862] {strides = array<i32>} : memref<128x384xf32, #tpu.memory_space<vmem>>, vector<16xf32>,
        %parallel_loop3A_864 = arith.mulf %parallel_loop3A_863, %parallel_loop3A_516 : vector<16xf32>
        %parallel_loop3A_865 = arith.addf %parallel_loop3A_858, %parallel_loop3A_864 : vector<16xf32>
        %parallel_loop3A_866 = arith.constant 64 : i32
        %parallel_loop3A_867 = arith.addi %parallel_loop3A_866, %parallel_loop3A_513 : i32
        %parallel_loop3A_868 = arith.index_cast %parallel_loop3A_867 : i32 to index
        %parallel_loop3A_869 = arith.constant 192 : index
        %parallel_loop3A_870 = tpu.vector_load %arg19[%parallel_loop3A_868, %parallel_loop3A_869] {strides = array<i32>} : memref<128x384xf32, #tpu.memory_space<vmem>>, vector<16xf32>,
        %parallel_loop3A_871 = arith.mulf %parallel_loop3A_870, %parallel_loop3A_517 : vector<16xf32>
        %parallel_loop3A_872 = arith.constant 96 : i32
        %parallel_loop3A_873 = arith.addi %parallel_loop3A_872, %parallel_loop3A_513 : i32
        %parallel_loop3A_874 = arith.index_cast %parallel_loop3A_873 : i32 to index
        %parallel_loop3A_875 = arith.constant 192 : index
        %parallel_loop3A_876 = tpu.vector_load %arg19[%parallel_loop3A_874, %parallel_loop3A_875] {strides = array<i32>} : memref<128x384xf32, #tpu.memory_space<vmem>>, vector<16xf32>,
        %parallel_loop3A_877 = arith.mulf %parallel_loop3A_876, %parallel_loop3A_518 : vector<16xf32>
        %parallel_loop3A_878 = arith.addf %parallel_loop3A_871, %parallel_loop3A_877 : vector<16xf32>
        %parallel_loop3A_879 = arith.addf %parallel_loop3A_865, %parallel_loop3A_878 : vector<16xf32>
        %parallel_loop3A_880 = arith.index_cast %parallel_loop3A_513 : i32 to index
        %parallel_loop3A_881 = arith.constant 192 : index
        %parallel_loop3A_882 = tpu.vector_load %arg21[%parallel_loop3A_880, %parallel_loop3A_881] {strides = array<i32>} : memref<32x384xf32, #tpu.memory_space<vmem>>, vector<16xf32>,
        tpu.vector_store %arg21[%parallel_loop3A_880, %parallel_loop3A_881], %parallel_loop3A_879 {strides = array<i32>} : memref<32x384xf32, #tpu.memory_space<vmem>>, vector<16xf32>,
        %parallel_loop3A_883 = arith.index_cast %parallel_loop3A_513 : i32 to index
        %parallel_loop3A_884 = arith.constant 208 : index
        %parallel_loop3A_885 = tpu.vector_load %arg19[%parallel_loop3A_883, %parallel_loop3A_884] {strides = array<i32>} : memref<128x384xf32, #tpu.memory_space<vmem>>, vector<16xf32>,
        %parallel_loop3A_886 = arith.mulf %parallel_loop3A_885, %parallel_loop3A_515 : vector<16xf32>
        %parallel_loop3A_887 = arith.constant 32 : i32
        %parallel_loop3A_888 = arith.addi %parallel_loop3A_887, %parallel_loop3A_513 : i32
        %parallel_loop3A_889 = arith.index_cast %parallel_loop3A_888 : i32 to index
        %parallel_loop3A_890 = arith.constant 208 : index
        %parallel_loop3A_891 = tpu.vector_load %arg19[%parallel_loop3A_889, %parallel_loop3A_890] {strides = array<i32>} : memref<128x384xf32, #tpu.memory_space<vmem>>, vector<16xf32>,
        %parallel_loop3A_892 = arith.mulf %parallel_loop3A_891, %parallel_loop3A_516 : vector<16xf32>
        %parallel_loop3A_893 = arith.addf %parallel_loop3A_886, %parallel_loop3A_892 : vector<16xf32>
        %parallel_loop3A_894 = arith.constant 64 : i32
        %parallel_loop3A_895 = arith.addi %parallel_loop3A_894, %parallel_loop3A_513 : i32
        %parallel_loop3A_896 = arith.index_cast %parallel_loop3A_895 : i32 to index
        %parallel_loop3A_897 = arith.constant 208 : index
        %parallel_loop3A_898 = tpu.vector_load %arg19[%parallel_loop3A_896, %parallel_loop3A_897] {strides = array<i32>} : memref<128x384xf32, #tpu.memory_space<vmem>>, vector<16xf32>,
        %parallel_loop3A_899 = arith.mulf %parallel_loop3A_898, %parallel_loop3A_517 : vector<16xf32>
        %parallel_loop3A_900 = arith.constant 96 : i32
        %parallel_loop3A_901 = arith.addi %parallel_loop3A_900, %parallel_loop3A_513 : i32
        %parallel_loop3A_902 = arith.index_cast %parallel_loop3A_901 : i32 to index
        %parallel_loop3A_903 = arith.constant 208 : index
        %parallel_loop3A_904 = tpu.vector_load %arg19[%parallel_loop3A_902, %parallel_loop3A_903] {strides = array<i32>} : memref<128x384xf32, #tpu.memory_space<vmem>>, vector<16xf32>,
        %parallel_loop3A_905 = arith.mulf %parallel_loop3A_904, %parallel_loop3A_518 : vector<16xf32>
        %parallel_loop3A_906 = arith.addf %parallel_loop3A_899, %parallel_loop3A_905 : vector<16xf32>
        %parallel_loop3A_907 = arith.addf %parallel_loop3A_893, %parallel_loop3A_906 : vector<16xf32>
        %parallel_loop3A_908 = arith.index_cast %parallel_loop3A_513 : i32 to index
        %parallel_loop3A_909 = arith.constant 208 : index
        %parallel_loop3A_910 = tpu.vector_load %arg21[%parallel_loop3A_908, %parallel_loop3A_909] {strides = array<i32>} : memref<32x384xf32, #tpu.memory_space<vmem>>, vector<16xf32>,
        tpu.vector_store %arg21[%parallel_loop3A_908, %parallel_loop3A_909], %parallel_loop3A_907 {strides = array<i32>} : memref<32x384xf32, #tpu.memory_space<vmem>>, vector<16xf32>,
        %parallel_loop3A_911 = arith.index_cast %parallel_loop3A_513 : i32 to index
        %parallel_loop3A_912 = arith.constant 224 : index
        %parallel_loop3A_913 = tpu.vector_load %arg19[%parallel_loop3A_911, %parallel_loop3A_912] {strides = array<i32>} : memref<128x384xf32, #tpu.memory_space<vmem>>, vector<16xf32>,
        %parallel_loop3A_914 = arith.mulf %parallel_loop3A_913, %parallel_loop3A_515 : vector<16xf32>
        %parallel_loop3A_915 = arith.constant 32 : i32
        %parallel_loop3A_916 = arith.addi %parallel_loop3A_915, %parallel_loop3A_513 : i32
        %parallel_loop3A_917 = arith.index_cast %parallel_loop3A_916 : i32 to index
        %parallel_loop3A_918 = arith.constant 224 : index
        %parallel_loop3A_919 = tpu.vector_load %arg19[%parallel_loop3A_917, %parallel_loop3A_918] {strides = array<i32>} : memref<128x384xf32, #tpu.memory_space<vmem>>, vector<16xf32>,
        %parallel_loop3A_920 = arith.mulf %parallel_loop3A_919, %parallel_loop3A_516 : vector<16xf32>
        %parallel_loop3A_921 = arith.addf %parallel_loop3A_914, %parallel_loop3A_920 : vector<16xf32>
        %parallel_loop3A_922 = arith.constant 64 : i32
        %parallel_loop3A_923 = arith.addi %parallel_loop3A_922, %parallel_loop3A_513 : i32
        %parallel_loop3A_924 = arith.index_cast %parallel_loop3A_923 : i32 to index
        %parallel_loop3A_925 = arith.constant 224 : index
        %parallel_loop3A_926 = tpu.vector_load %arg19[%parallel_loop3A_924, %parallel_loop3A_925] {strides = array<i32>} : memref<128x384xf32, #tpu.memory_space<vmem>>, vector<16xf32>,
        %parallel_loop3A_927 = arith.mulf %parallel_loop3A_926, %parallel_loop3A_517 : vector<16xf32>
        %parallel_loop3A_928 = arith.constant 96 : i32
        %parallel_loop3A_929 = arith.addi %parallel_loop3A_928, %parallel_loop3A_513 : i32
        %parallel_loop3A_930 = arith.index_cast %parallel_loop3A_929 : i32 to index
        %parallel_loop3A_931 = arith.constant 224 : index
        %parallel_loop3A_932 = tpu.vector_load %arg19[%parallel_loop3A_930, %parallel_loop3A_931] {strides = array<i32>} : memref<128x384xf32, #tpu.memory_space<vmem>>, vector<16xf32>,
        %parallel_loop3A_933 = arith.mulf %parallel_loop3A_932, %parallel_loop3A_518 : vector<16xf32>
        %parallel_loop3A_934 = arith.addf %parallel_loop3A_927, %parallel_loop3A_933 : vector<16xf32>
        %parallel_loop3A_935 = arith.addf %parallel_loop3A_921, %parallel_loop3A_934 : vector<16xf32>
        %parallel_loop3A_936 = arith.index_cast %parallel_loop3A_513 : i32 to index
        %parallel_loop3A_937 = arith.constant 224 : index
        %parallel_loop3A_938 = tpu.vector_load %arg21[%parallel_loop3A_936, %parallel_loop3A_937] {strides = array<i32>} : memref<32x384xf32, #tpu.memory_space<vmem>>, vector<16xf32>,
        tpu.vector_store %arg21[%parallel_loop3A_936, %parallel_loop3A_937], %parallel_loop3A_935 {strides = array<i32>} : memref<32x384xf32, #tpu.memory_space<vmem>>, vector<16xf32>,
        %parallel_loop3A_939 = arith.index_cast %parallel_loop3A_513 : i32 to index
        %parallel_loop3A_940 = arith.constant 240 : index
        %parallel_loop3A_941 = tpu.vector_load %arg19[%parallel_loop3A_939, %parallel_loop3A_940] {strides = array<i32>} : memref<128x384xf32, #tpu.memory_space<vmem>>, vector<16xf32>,
        %parallel_loop3A_942 = arith.mulf %parallel_loop3A_941, %parallel_loop3A_515 : vector<16xf32>
        %parallel_loop3A_943 = arith.constant 32 : i32
        %parallel_loop3A_944 = arith.addi %parallel_loop3A_943, %parallel_loop3A_513 : i32
        %parallel_loop3A_945 = arith.index_cast %parallel_loop3A_944 : i32 to index
        %parallel_loop3A_946 = arith.constant 240 : index
        %parallel_loop3A_947 = tpu.vector_load %arg19[%parallel_loop3A_945, %parallel_loop3A_946] {strides = array<i32>} : memref<128x384xf32, #tpu.memory_space<vmem>>, vector<16xf32>,
        %parallel_loop3A_948 = arith.mulf %parallel_loop3A_947, %parallel_loop3A_516 : vector<16xf32>
        %parallel_loop3A_949 = arith.addf %parallel_loop3A_942, %parallel_loop3A_948 : vector<16xf32>
        %parallel_loop3A_950 = arith.constant 64 : i32
        %parallel_loop3A_951 = arith.addi %parallel_loop3A_950, %parallel_loop3A_513 : i32
        %parallel_loop3A_952 = arith.index_cast %parallel_loop3A_951 : i32 to index
        %parallel_loop3A_953 = arith.constant 240 : index
        %parallel_loop3A_954 = tpu.vector_load %arg19[%parallel_loop3A_952, %parallel_loop3A_953] {strides = array<i32>} : memref<128x384xf32, #tpu.memory_space<vmem>>, vector<16xf32>,
        %parallel_loop3A_955 = arith.mulf %parallel_loop3A_954, %parallel_loop3A_517 : vector<16xf32>
        %parallel_loop3A_956 = arith.constant 96 : i32
        %parallel_loop3A_957 = arith.addi %parallel_loop3A_956, %parallel_loop3A_513 : i32
        %parallel_loop3A_958 = arith.index_cast %parallel_loop3A_957 : i32 to index
        %parallel_loop3A_959 = arith.constant 240 : index
        %parallel_loop3A_960 = tpu.vector_load %arg19[%parallel_loop3A_958, %parallel_loop3A_959] {strides = array<i32>} : memref<128x384xf32, #tpu.memory_space<vmem>>, vector<16xf32>,
        %parallel_loop3A_961 = arith.mulf %parallel_loop3A_960, %parallel_loop3A_518 : vector<16xf32>
        %parallel_loop3A_962 = arith.addf %parallel_loop3A_955, %parallel_loop3A_961 : vector<16xf32>
        %parallel_loop3A_963 = arith.addf %parallel_loop3A_949, %parallel_loop3A_962 : vector<16xf32>
        %parallel_loop3A_964 = arith.index_cast %parallel_loop3A_513 : i32 to index
        %parallel_loop3A_965 = arith.constant 240 : index
        %parallel_loop3A_966 = tpu.vector_load %arg21[%parallel_loop3A_964, %parallel_loop3A_965] {strides = array<i32>} : memref<32x384xf32, #tpu.memory_space<vmem>>, vector<16xf32>,
        tpu.vector_store %arg21[%parallel_loop3A_964, %parallel_loop3A_965], %parallel_loop3A_963 {strides = array<i32>} : memref<32x384xf32, #tpu.memory_space<vmem>>, vector<16xf32>,
        %parallel_loop3A_967 = arith.index_cast %parallel_loop3A_513 : i32 to index
        %parallel_loop3A_968 = arith.constant 256 : index
        %parallel_loop3A_969 = tpu.vector_load %arg19[%parallel_loop3A_967, %parallel_loop3A_968] {strides = array<i32>} : memref<128x384xf32, #tpu.memory_space<vmem>>, vector<16xf32>,
        %parallel_loop3A_970 = arith.mulf %parallel_loop3A_969, %parallel_loop3A_515 : vector<16xf32>
        %parallel_loop3A_971 = arith.constant 32 : i32
        %parallel_loop3A_972 = arith.addi %parallel_loop3A_971, %parallel_loop3A_513 : i32
        %parallel_loop3A_973 = arith.index_cast %parallel_loop3A_972 : i32 to index
        %parallel_loop3A_974 = arith.constant 256 : index
        %parallel_loop3A_975 = tpu.vector_load %arg19[%parallel_loop3A_973, %parallel_loop3A_974] {strides = array<i32>} : memref<128x384xf32, #tpu.memory_space<vmem>>, vector<16xf32>,
        %parallel_loop3A_976 = arith.mulf %parallel_loop3A_975, %parallel_loop3A_516 : vector<16xf32>
        %parallel_loop3A_977 = arith.addf %parallel_loop3A_970, %parallel_loop3A_976 : vector<16xf32>
        %parallel_loop3A_978 = arith.constant 64 : i32
        %parallel_loop3A_979 = arith.addi %parallel_loop3A_978, %parallel_loop3A_513 : i32
        %parallel_loop3A_980 = arith.index_cast %parallel_loop3A_979 : i32 to index
        %parallel_loop3A_981 = arith.constant 256 : index
        %parallel_loop3A_982 = tpu.vector_load %arg19[%parallel_loop3A_980, %parallel_loop3A_981] {strides = array<i32>} : memref<128x384xf32, #tpu.memory_space<vmem>>, vector<16xf32>,
        %parallel_loop3A_983 = arith.mulf %parallel_loop3A_982, %parallel_loop3A_517 : vector<16xf32>
        %parallel_loop3A_984 = arith.constant 96 : i32
        %parallel_loop3A_985 = arith.addi %parallel_loop3A_984, %parallel_loop3A_513 : i32
        %parallel_loop3A_986 = arith.index_cast %parallel_loop3A_985 : i32 to index
        %parallel_loop3A_987 = arith.constant 256 : index
        %parallel_loop3A_988 = tpu.vector_load %arg19[%parallel_loop3A_986, %parallel_loop3A_987] {strides = array<i32>} : memref<128x384xf32, #tpu.memory_space<vmem>>, vector<16xf32>,
        %parallel_loop3A_989 = arith.mulf %parallel_loop3A_988, %parallel_loop3A_518 : vector<16xf32>
        %parallel_loop3A_990 = arith.addf %parallel_loop3A_983, %parallel_loop3A_989 : vector<16xf32>
        %parallel_loop3A_991 = arith.addf %parallel_loop3A_977, %parallel_loop3A_990 : vector<16xf32>
        %parallel_loop3A_992 = arith.index_cast %parallel_loop3A_513 : i32 to index
        %parallel_loop3A_993 = arith.constant 256 : index
        %parallel_loop3A_994 = tpu.vector_load %arg21[%parallel_loop3A_992, %parallel_loop3A_993] {strides = array<i32>} : memref<32x384xf32, #tpu.memory_space<vmem>>, vector<16xf32>,
        tpu.vector_store %arg21[%parallel_loop3A_992, %parallel_loop3A_993], %parallel_loop3A_991 {strides = array<i32>} : memref<32x384xf32, #tpu.memory_space<vmem>>, vector<16xf32>,
        %parallel_loop3A_995 = arith.index_cast %parallel_loop3A_513 : i32 to index
        %parallel_loop3A_996 = arith.constant 272 : index
        %parallel_loop3A_997 = tpu.vector_load %arg19[%parallel_loop3A_995, %parallel_loop3A_996] {strides = array<i32>} : memref<128x384xf32, #tpu.memory_space<vmem>>, vector<16xf32>,
        %parallel_loop3A_998 = arith.mulf %parallel_loop3A_997, %parallel_loop3A_515 : vector<16xf32>
        %parallel_loop3A_999 = arith.constant 32 : i32
        %parallel_loop3A_1000 = arith.addi %parallel_loop3A_999, %parallel_loop3A_513 : i32
        %parallel_loop3A_1001 = arith.index_cast %parallel_loop3A_1000 : i32 to index
        %parallel_loop3A_1002 = arith.constant 272 : index
        %parallel_loop3A_1003 = tpu.vector_load %arg19[%parallel_loop3A_1001, %parallel_loop3A_1002] {strides = array<i32>} : memref<128x384xf32, #tpu.memory_space<vmem>>, vector<16xf32>,
        %parallel_loop3A_1004 = arith.mulf %parallel_loop3A_1003, %parallel_loop3A_516 : vector<16xf32>
        %parallel_loop3A_1005 = arith.addf %parallel_loop3A_998, %parallel_loop3A_1004 : vector<16xf32>
        %parallel_loop3A_1006 = arith.constant 64 : i32
        %parallel_loop3A_1007 = arith.addi %parallel_loop3A_1006, %parallel_loop3A_513 : i32
        %parallel_loop3A_1008 = arith.index_cast %parallel_loop3A_1007 : i32 to index
        %parallel_loop3A_1009 = arith.constant 272 : index
        %parallel_loop3A_1010 = tpu.vector_load %arg19[%parallel_loop3A_1008, %parallel_loop3A_1009] {strides = array<i32>} : memref<128x384xf32, #tpu.memory_space<vmem>>, vector<16xf32>,
        %parallel_loop3A_1011 = arith.mulf %parallel_loop3A_1010, %parallel_loop3A_517 : vector<16xf32>
        %parallel_loop3A_1012 = arith.constant 96 : i32
        %parallel_loop3A_1013 = arith.addi %parallel_loop3A_1012, %parallel_loop3A_513 : i32
        %parallel_loop3A_1014 = arith.index_cast %parallel_loop3A_1013 : i32 to index
        %parallel_loop3A_1015 = arith.constant 272 : index
        %parallel_loop3A_1016 = tpu.vector_load %arg19[%parallel_loop3A_1014, %parallel_loop3A_1015] {strides = array<i32>} : memref<128x384xf32, #tpu.memory_space<vmem>>, vector<16xf32>,
        %parallel_loop3A_1017 = arith.mulf %parallel_loop3A_1016, %parallel_loop3A_518 : vector<16xf32>
        %parallel_loop3A_1018 = arith.addf %parallel_loop3A_1011, %parallel_loop3A_1017 : vector<16xf32>
        %parallel_loop3A_1019 = arith.addf %parallel_loop3A_1005, %parallel_loop3A_1018 : vector<16xf32>
        %parallel_loop3A_1020 = arith.index_cast %parallel_loop3A_513 : i32 to index
        %parallel_loop3A_1021 = arith.constant 272 : index
        %parallel_loop3A_1022 = tpu.vector_load %arg21[%parallel_loop3A_1020, %parallel_loop3A_1021] {strides = array<i32>} : memref<32x384xf32, #tpu.memory_space<vmem>>, vector<16xf32>,
        tpu.vector_store %arg21[%parallel_loop3A_1020, %parallel_loop3A_1021], %parallel_loop3A_1019 {strides = array<i32>} : memref<32x384xf32, #tpu.memory_space<vmem>>, vector<16xf32>,
        %parallel_loop3A_1023 = arith.index_cast %parallel_loop3A_513 : i32 to index
        %parallel_loop3A_1024 = arith.constant 288 : index
        %parallel_loop3A_1025 = tpu.vector_load %arg19[%parallel_loop3A_1023, %parallel_loop3A_1024] {strides = array<i32>} : memref<128x384xf32, #tpu.memory_space<vmem>>, vector<16xf32>,
        %parallel_loop3A_1026 = arith.mulf %parallel_loop3A_1025, %parallel_loop3A_515 : vector<16xf32>
        %parallel_loop3A_1027 = arith.constant 32 : i32
        %parallel_loop3A_1028 = arith.addi %parallel_loop3A_1027, %parallel_loop3A_513 : i32
        %parallel_loop3A_1029 = arith.index_cast %parallel_loop3A_1028 : i32 to index
        %parallel_loop3A_1030 = arith.constant 288 : index
        %parallel_loop3A_1031 = tpu.vector_load %arg19[%parallel_loop3A_1029, %parallel_loop3A_1030] {strides = array<i32>} : memref<128x384xf32, #tpu.memory_space<vmem>>, vector<16xf32>,
        %parallel_loop3A_1032 = arith.mulf %parallel_loop3A_1031, %parallel_loop3A_516 : vector<16xf32>
        %parallel_loop3A_1033 = arith.addf %parallel_loop3A_1026, %parallel_loop3A_1032 : vector<16xf32>
        %parallel_loop3A_1034 = arith.constant 64 : i32
        %parallel_loop3A_1035 = arith.addi %parallel_loop3A_1034, %parallel_loop3A_513 : i32
        %parallel_loop3A_1036 = arith.index_cast %parallel_loop3A_1035 : i32 to index
        %parallel_loop3A_1037 = arith.constant 288 : index
        %parallel_loop3A_1038 = tpu.vector_load %arg19[%parallel_loop3A_1036, %parallel_loop3A_1037] {strides = array<i32>} : memref<128x384xf32, #tpu.memory_space<vmem>>, vector<16xf32>,
        %parallel_loop3A_1039 = arith.mulf %parallel_loop3A_1038, %parallel_loop3A_517 : vector<16xf32>
        %parallel_loop3A_1040 = arith.constant 96 : i32
        %parallel_loop3A_1041 = arith.addi %parallel_loop3A_1040, %parallel_loop3A_513 : i32
        %parallel_loop3A_1042 = arith.index_cast %parallel_loop3A_1041 : i32 to index
        %parallel_loop3A_1043 = arith.constant 288 : index
        %parallel_loop3A_1044 = tpu.vector_load %arg19[%parallel_loop3A_1042, %parallel_loop3A_1043] {strides = array<i32>} : memref<128x384xf32, #tpu.memory_space<vmem>>, vector<16xf32>,
        %parallel_loop3A_1045 = arith.mulf %parallel_loop3A_1044, %parallel_loop3A_518 : vector<16xf32>
        %parallel_loop3A_1046 = arith.addf %parallel_loop3A_1039, %parallel_loop3A_1045 : vector<16xf32>
        %parallel_loop3A_1047 = arith.addf %parallel_loop3A_1033, %parallel_loop3A_1046 : vector<16xf32>
        %parallel_loop3A_1048 = arith.index_cast %parallel_loop3A_513 : i32 to index
        %parallel_loop3A_1049 = arith.constant 288 : index
        %parallel_loop3A_1050 = tpu.vector_load %arg21[%parallel_loop3A_1048, %parallel_loop3A_1049] {strides = array<i32>} : memref<32x384xf32, #tpu.memory_space<vmem>>, vector<16xf32>,
        tpu.vector_store %arg21[%parallel_loop3A_1048, %parallel_loop3A_1049], %parallel_loop3A_1047 {strides = array<i32>} : memref<32x384xf32, #tpu.memory_space<vmem>>, vector<16xf32>,
        %parallel_loop3A_1051 = arith.index_cast %parallel_loop3A_513 : i32 to index
        %parallel_loop3A_1052 = arith.constant 304 : index
        %parallel_loop3A_1053 = tpu.vector_load %arg19[%parallel_loop3A_1051, %parallel_loop3A_1052] {strides = array<i32>} : memref<128x384xf32, #tpu.memory_space<vmem>>, vector<16xf32>,
        %parallel_loop3A_1054 = arith.mulf %parallel_loop3A_1053, %parallel_loop3A_515 : vector<16xf32>
        %parallel_loop3A_1055 = arith.constant 32 : i32
        %parallel_loop3A_1056 = arith.addi %parallel_loop3A_1055, %parallel_loop3A_513 : i32
        %parallel_loop3A_1057 = arith.index_cast %parallel_loop3A_1056 : i32 to index
        %parallel_loop3A_1058 = arith.constant 304 : index
        %parallel_loop3A_1059 = tpu.vector_load %arg19[%parallel_loop3A_1057, %parallel_loop3A_1058] {strides = array<i32>} : memref<128x384xf32, #tpu.memory_space<vmem>>, vector<16xf32>,
        %parallel_loop3A_1060 = arith.mulf %parallel_loop3A_1059, %parallel_loop3A_516 : vector<16xf32>
        %parallel_loop3A_1061 = arith.addf %parallel_loop3A_1054, %parallel_loop3A_1060 : vector<16xf32>
        %parallel_loop3A_1062 = arith.constant 64 : i32
        %parallel_loop3A_1063 = arith.addi %parallel_loop3A_1062, %parallel_loop3A_513 : i32
        %parallel_loop3A_1064 = arith.index_cast %parallel_loop3A_1063 : i32 to index
        %parallel_loop3A_1065 = arith.constant 304 : index
        %parallel_loop3A_1066 = tpu.vector_load %arg19[%parallel_loop3A_1064, %parallel_loop3A_1065] {strides = array<i32>} : memref<128x384xf32, #tpu.memory_space<vmem>>, vector<16xf32>,
        %parallel_loop3A_1067 = arith.mulf %parallel_loop3A_1066, %parallel_loop3A_517 : vector<16xf32>
        %parallel_loop3A_1068 = arith.constant 96 : i32
        %parallel_loop3A_1069 = arith.addi %parallel_loop3A_1068, %parallel_loop3A_513 : i32
        %parallel_loop3A_1070 = arith.index_cast %parallel_loop3A_1069 : i32 to index
        %parallel_loop3A_1071 = arith.constant 304 : index
        %parallel_loop3A_1072 = tpu.vector_load %arg19[%parallel_loop3A_1070, %parallel_loop3A_1071] {strides = array<i32>} : memref<128x384xf32, #tpu.memory_space<vmem>>, vector<16xf32>,
        %parallel_loop3A_1073 = arith.mulf %parallel_loop3A_1072, %parallel_loop3A_518 : vector<16xf32>
        %parallel_loop3A_1074 = arith.addf %parallel_loop3A_1067, %parallel_loop3A_1073 : vector<16xf32>
        %parallel_loop3A_1075 = arith.addf %parallel_loop3A_1061, %parallel_loop3A_1074 : vector<16xf32>
        %parallel_loop3A_1076 = arith.index_cast %parallel_loop3A_513 : i32 to index
        %parallel_loop3A_1077 = arith.constant 304 : index
        %parallel_loop3A_1078 = tpu.vector_load %arg21[%parallel_loop3A_1076, %parallel_loop3A_1077] {strides = array<i32>} : memref<32x384xf32, #tpu.memory_space<vmem>>, vector<16xf32>,
        tpu.vector_store %arg21[%parallel_loop3A_1076, %parallel_loop3A_1077], %parallel_loop3A_1075 {strides = array<i32>} : memref<32x384xf32, #tpu.memory_space<vmem>>, vector<16xf32>,
        %parallel_loop3A_1079 = arith.index_cast %parallel_loop3A_513 : i32 to index
        %parallel_loop3A_1080 = arith.constant 320 : index
        %parallel_loop3A_1081 = tpu.vector_load %arg19[%parallel_loop3A_1079, %parallel_loop3A_1080] {strides = array<i32>} : memref<128x384xf32, #tpu.memory_space<vmem>>, vector<16xf32>,
        %parallel_loop3A_1082 = arith.mulf %parallel_loop3A_1081, %parallel_loop3A_515 : vector<16xf32>
        %parallel_loop3A_1083 = arith.constant 32 : i32
        %parallel_loop3A_1084 = arith.addi %parallel_loop3A_1083, %parallel_loop3A_513 : i32
        %parallel_loop3A_1085 = arith.index_cast %parallel_loop3A_1084 : i32 to index
        %parallel_loop3A_1086 = arith.constant 320 : index
        %parallel_loop3A_1087 = tpu.vector_load %arg19[%parallel_loop3A_1085, %parallel_loop3A_1086] {strides = array<i32>} : memref<128x384xf32, #tpu.memory_space<vmem>>, vector<16xf32>,
        %parallel_loop3A_1088 = arith.mulf %parallel_loop3A_1087, %parallel_loop3A_516 : vector<16xf32>
        %parallel_loop3A_1089 = arith.addf %parallel_loop3A_1082, %parallel_loop3A_1088 : vector<16xf32>
        %parallel_loop3A_1090 = arith.constant 64 : i32
        %parallel_loop3A_1091 = arith.addi %parallel_loop3A_1090, %parallel_loop3A_513 : i32
        %parallel_loop3A_1092 = arith.index_cast %parallel_loop3A_1091 : i32 to index
        %parallel_loop3A_1093 = arith.constant 320 : index
        %parallel_loop3A_1094 = tpu.vector_load %arg19[%parallel_loop3A_1092, %parallel_loop3A_1093] {strides = array<i32>} : memref<128x384xf32, #tpu.memory_space<vmem>>, vector<16xf32>,
        %parallel_loop3A_1095 = arith.mulf %parallel_loop3A_1094, %parallel_loop3A_517 : vector<16xf32>
        %parallel_loop3A_1096 = arith.constant 96 : i32
        %parallel_loop3A_1097 = arith.addi %parallel_loop3A_1096, %parallel_loop3A_513 : i32
        %parallel_loop3A_1098 = arith.index_cast %parallel_loop3A_1097 : i32 to index
        %parallel_loop3A_1099 = arith.constant 320 : index
        %parallel_loop3A_1100 = tpu.vector_load %arg19[%parallel_loop3A_1098, %parallel_loop3A_1099] {strides = array<i32>} : memref<128x384xf32, #tpu.memory_space<vmem>>, vector<16xf32>,
        %parallel_loop3A_1101 = arith.mulf %parallel_loop3A_1100, %parallel_loop3A_518 : vector<16xf32>
        %parallel_loop3A_1102 = arith.addf %parallel_loop3A_1095, %parallel_loop3A_1101 : vector<16xf32>
        %parallel_loop3A_1103 = arith.addf %parallel_loop3A_1089, %parallel_loop3A_1102 : vector<16xf32>
        %parallel_loop3A_1104 = arith.index_cast %parallel_loop3A_513 : i32 to index
        %parallel_loop3A_1105 = arith.constant 320 : index
        %parallel_loop3A_1106 = tpu.vector_load %arg21[%parallel_loop3A_1104, %parallel_loop3A_1105] {strides = array<i32>} : memref<32x384xf32, #tpu.memory_space<vmem>>, vector<16xf32>,
        tpu.vector_store %arg21[%parallel_loop3A_1104, %parallel_loop3A_1105], %parallel_loop3A_1103 {strides = array<i32>} : memref<32x384xf32, #tpu.memory_space<vmem>>, vector<16xf32>,
        %parallel_loop3A_1107 = arith.index_cast %parallel_loop3A_513 : i32 to index
        %parallel_loop3A_1108 = arith.constant 336 : index
        %parallel_loop3A_1109 = tpu.vector_load %arg19[%parallel_loop3A_1107, %parallel_loop3A_1108] {strides = array<i32>} : memref<128x384xf32, #tpu.memory_space<vmem>>, vector<16xf32>,
        %parallel_loop3A_1110 = arith.mulf %parallel_loop3A_1109, %parallel_loop3A_515 : vector<16xf32>
        %parallel_loop3A_1111 = arith.constant 32 : i32
        %parallel_loop3A_1112 = arith.addi %parallel_loop3A_1111, %parallel_loop3A_513 : i32
        %parallel_loop3A_1113 = arith.index_cast %parallel_loop3A_1112 : i32 to index
        %parallel_loop3A_1114 = arith.constant 336 : index
        %parallel_loop3A_1115 = tpu.vector_load %arg19[%parallel_loop3A_1113, %parallel_loop3A_1114] {strides = array<i32>} : memref<128x384xf32, #tpu.memory_space<vmem>>, vector<16xf32>,
        %parallel_loop3A_1116 = arith.mulf %parallel_loop3A_1115, %parallel_loop3A_516 : vector<16xf32>
        %parallel_loop3A_1117 = arith.addf %parallel_loop3A_1110, %parallel_loop3A_1116 : vector<16xf32>
        %parallel_loop3A_1118 = arith.constant 64 : i32
        %parallel_loop3A_1119 = arith.addi %parallel_loop3A_1118, %parallel_loop3A_513 : i32
        %parallel_loop3A_1120 = arith.index_cast %parallel_loop3A_1119 : i32 to index
        %parallel_loop3A_1121 = arith.constant 336 : index
        %parallel_loop3A_1122 = tpu.vector_load %arg19[%parallel_loop3A_1120, %parallel_loop3A_1121] {strides = array<i32>} : memref<128x384xf32, #tpu.memory_space<vmem>>, vector<16xf32>,
        %parallel_loop3A_1123 = arith.mulf %parallel_loop3A_1122, %parallel_loop3A_517 : vector<16xf32>
        %parallel_loop3A_1124 = arith.constant 96 : i32
        %parallel_loop3A_1125 = arith.addi %parallel_loop3A_1124, %parallel_loop3A_513 : i32
        %parallel_loop3A_1126 = arith.index_cast %parallel_loop3A_1125 : i32 to index
        %parallel_loop3A_1127 = arith.constant 336 : index
        %parallel_loop3A_1128 = tpu.vector_load %arg19[%parallel_loop3A_1126, %parallel_loop3A_1127] {strides = array<i32>} : memref<128x384xf32, #tpu.memory_space<vmem>>, vector<16xf32>,
        %parallel_loop3A_1129 = arith.mulf %parallel_loop3A_1128, %parallel_loop3A_518 : vector<16xf32>
        %parallel_loop3A_1130 = arith.addf %parallel_loop3A_1123, %parallel_loop3A_1129 : vector<16xf32>
        %parallel_loop3A_1131 = arith.addf %parallel_loop3A_1117, %parallel_loop3A_1130 : vector<16xf32>
        %parallel_loop3A_1132 = arith.index_cast %parallel_loop3A_513 : i32 to index
        %parallel_loop3A_1133 = arith.constant 336 : index
        %parallel_loop3A_1134 = tpu.vector_load %arg21[%parallel_loop3A_1132, %parallel_loop3A_1133] {strides = array<i32>} : memref<32x384xf32, #tpu.memory_space<vmem>>, vector<16xf32>,
        tpu.vector_store %arg21[%parallel_loop3A_1132, %parallel_loop3A_1133], %parallel_loop3A_1131 {strides = array<i32>} : memref<32x384xf32, #tpu.memory_space<vmem>>, vector<16xf32>,
        %parallel_loop3A_1135 = arith.index_cast %parallel_loop3A_513 : i32 to index
        %parallel_loop3A_1136 = arith.constant 352 : index
        %parallel_loop3A_1137 = tpu.vector_load %arg19[%parallel_loop3A_1135, %parallel_loop3A_1136] {strides = array<i32>} : memref<128x384xf32, #tpu.memory_space<vmem>>, vector<16xf32>,
        %parallel_loop3A_1138 = arith.mulf %parallel_loop3A_1137, %parallel_loop3A_515 : vector<16xf32>
        %parallel_loop3A_1139 = arith.constant 32 : i32
        %parallel_loop3A_1140 = arith.addi %parallel_loop3A_1139, %parallel_loop3A_513 : i32
        %parallel_loop3A_1141 = arith.index_cast %parallel_loop3A_1140 : i32 to index
        %parallel_loop3A_1142 = arith.constant 352 : index
        %parallel_loop3A_1143 = tpu.vector_load %arg19[%parallel_loop3A_1141, %parallel_loop3A_1142] {strides = array<i32>} : memref<128x384xf32, #tpu.memory_space<vmem>>, vector<16xf32>,
        %parallel_loop3A_1144 = arith.mulf %parallel_loop3A_1143, %parallel_loop3A_516 : vector<16xf32>
        %parallel_loop3A_1145 = arith.addf %parallel_loop3A_1138, %parallel_loop3A_1144 : vector<16xf32>
        %parallel_loop3A_1146 = arith.constant 64 : i32
        %parallel_loop3A_1147 = arith.addi %parallel_loop3A_1146, %parallel_loop3A_513 : i32
        %parallel_loop3A_1148 = arith.index_cast %parallel_loop3A_1147 : i32 to index
        %parallel_loop3A_1149 = arith.constant 352 : index
        %parallel_loop3A_1150 = tpu.vector_load %arg19[%parallel_loop3A_1148, %parallel_loop3A_1149] {strides = array<i32>} : memref<128x384xf32, #tpu.memory_space<vmem>>, vector<16xf32>,
        %parallel_loop3A_1151 = arith.mulf %parallel_loop3A_1150, %parallel_loop3A_517 : vector<16xf32>
        %parallel_loop3A_1152 = arith.constant 96 : i32
        %parallel_loop3A_1153 = arith.addi %parallel_loop3A_1152, %parallel_loop3A_513 : i32
        %parallel_loop3A_1154 = arith.index_cast %parallel_loop3A_1153 : i32 to index
        %parallel_loop3A_1155 = arith.constant 352 : index
        %parallel_loop3A_1156 = tpu.vector_load %arg19[%parallel_loop3A_1154, %parallel_loop3A_1155] {strides = array<i32>} : memref<128x384xf32, #tpu.memory_space<vmem>>, vector<16xf32>,
        %parallel_loop3A_1157 = arith.mulf %parallel_loop3A_1156, %parallel_loop3A_518 : vector<16xf32>
        %parallel_loop3A_1158 = arith.addf %parallel_loop3A_1151, %parallel_loop3A_1157 : vector<16xf32>
        %parallel_loop3A_1159 = arith.addf %parallel_loop3A_1145, %parallel_loop3A_1158 : vector<16xf32>
        %parallel_loop3A_1160 = arith.index_cast %parallel_loop3A_513 : i32 to index
        %parallel_loop3A_1161 = arith.constant 352 : index
        %parallel_loop3A_1162 = tpu.vector_load %arg21[%parallel_loop3A_1160, %parallel_loop3A_1161] {strides = array<i32>} : memref<32x384xf32, #tpu.memory_space<vmem>>, vector<16xf32>,
        tpu.vector_store %arg21[%parallel_loop3A_1160, %parallel_loop3A_1161], %parallel_loop3A_1159 {strides = array<i32>} : memref<32x384xf32, #tpu.memory_space<vmem>>, vector<16xf32>,
        %parallel_loop3A_1163 = arith.index_cast %parallel_loop3A_513 : i32 to index
        %parallel_loop3A_1164 = arith.constant 368 : index
        %parallel_loop3A_1165 = tpu.vector_load %arg19[%parallel_loop3A_1163, %parallel_loop3A_1164] {strides = array<i32>} : memref<128x384xf32, #tpu.memory_space<vmem>>, vector<16xf32>,
        %parallel_loop3A_1166 = arith.mulf %parallel_loop3A_1165, %parallel_loop3A_515 : vector<16xf32>
        %parallel_loop3A_1167 = arith.constant 32 : i32
        %parallel_loop3A_1168 = arith.addi %parallel_loop3A_1167, %parallel_loop3A_513 : i32
        %parallel_loop3A_1169 = arith.index_cast %parallel_loop3A_1168 : i32 to index
        %parallel_loop3A_1170 = arith.constant 368 : index
        %parallel_loop3A_1171 = tpu.vector_load %arg19[%parallel_loop3A_1169, %parallel_loop3A_1170] {strides = array<i32>} : memref<128x384xf32, #tpu.memory_space<vmem>>, vector<16xf32>,
        %parallel_loop3A_1172 = arith.mulf %parallel_loop3A_1171, %parallel_loop3A_516 : vector<16xf32>
        %parallel_loop3A_1173 = arith.addf %parallel_loop3A_1166, %parallel_loop3A_1172 : vector<16xf32>
        %parallel_loop3A_1174 = arith.constant 64 : i32
        %parallel_loop3A_1175 = arith.addi %parallel_loop3A_1174, %parallel_loop3A_513 : i32
        %parallel_loop3A_1176 = arith.index_cast %parallel_loop3A_1175 : i32 to index
        %parallel_loop3A_1177 = arith.constant 368 : index
        %parallel_loop3A_1178 = tpu.vector_load %arg19[%parallel_loop3A_1176, %parallel_loop3A_1177] {strides = array<i32>} : memref<128x384xf32, #tpu.memory_space<vmem>>, vector<16xf32>,
        %parallel_loop3A_1179 = arith.mulf %parallel_loop3A_1178, %parallel_loop3A_517 : vector<16xf32>
        %parallel_loop3A_1180 = arith.constant 96 : i32
        %parallel_loop3A_1181 = arith.addi %parallel_loop3A_1180, %parallel_loop3A_513 : i32
        %parallel_loop3A_1182 = arith.index_cast %parallel_loop3A_1181 : i32 to index
        %parallel_loop3A_1183 = arith.constant 368 : index
        %parallel_loop3A_1184 = tpu.vector_load %arg19[%parallel_loop3A_1182, %parallel_loop3A_1183] {strides = array<i32>} : memref<128x384xf32, #tpu.memory_space<vmem>>, vector<16xf32>,
        %parallel_loop3A_1185 = arith.mulf %parallel_loop3A_1184, %parallel_loop3A_518 : vector<16xf32>
        %parallel_loop3A_1186 = arith.addf %parallel_loop3A_1179, %parallel_loop3A_1185 : vector<16xf32>
        %parallel_loop3A_1187 = arith.addf %parallel_loop3A_1173, %parallel_loop3A_1186 : vector<16xf32>
        %parallel_loop3A_1188 = arith.index_cast %parallel_loop3A_513 : i32 to index
        %parallel_loop3A_1189 = arith.constant 368 : index
        %parallel_loop3A_1190 = tpu.vector_load %arg21[%parallel_loop3A_1188, %parallel_loop3A_1189] {strides = array<i32>} : memref<32x384xf32, #tpu.memory_space<vmem>>, vector<16xf32>,
        tpu.vector_store %arg21[%parallel_loop3A_1188, %parallel_loop3A_1189], %parallel_loop3A_1187 {strides = array<i32>} : memref<32x384xf32, #tpu.memory_space<vmem>>, vector<16xf32>,
      } {sc.loop_unroll_factor = 4 : i64, sc.parallel_access}
      %add3A_392 = arith.constant 2 : i32
      %add3A_393 = arith.addi %add3A_375, %add3A_392 : i32
      %min3A_394 = arith.constant 63 : i32
      %min3A_395 = arith.minsi %add3A_393, %min3A_394 : i32
      %mul3A_396 = arith.constant 32 : i32
      %mul3A_397 = arith.muli %min3A_395, %mul3A_396 : i32
      %add3A_398 = arith.constant 0 : i32
      %add3A_399 = arith.addi %mul3A_397, %add3A_398 : i32
      %get3A_400 = arith.index_cast %add3A_399 : i32 to index
      %get3A_401 = tpu.vector_load %arg6[%get3A_400] {strides = array<i32>} : memref<2048xf32, #tpu.memory_space<vmem>>, vector<16xf32>,
      %get3A_402 = arith.index_cast %add3A_399 : i32 to index
      %get3A_403 = tpu.vector_load %arg7[%get3A_402] {strides = array<i32>} : memref<2048xf32, #tpu.memory_space<vmem>>, vector<16xf32>,
      %convert_element_type3A_404 = arith.fptosi %get3A_401 : vector<16xf32> to vector<16xi32>
      %convert_element_type3A_405 = arith.fptosi %get3A_403 : vector<16xf32> to vector<16xi32>
      %convert_element_type3A_406 = arith.sitofp %convert_element_type3A_404 : vector<16xi32> to vector<16xf32>
      %sub3A_407 = arith.subf %get3A_401, %convert_element_type3A_406 : vector<16xf32>
      %convert_element_type3A_408 = arith.sitofp %convert_element_type3A_405 : vector<16xi32> to vector<16xf32>
      %sub3A_409 = arith.subf %get3A_403, %convert_element_type3A_408 : vector<16xf32>
      %mul3A_410 = arith.constant 224 : i32
      %mul3A_411 = vector.broadcast %mul3A_410 : i32 to vector<16xi32>
      %mul3A_412 = arith.muli %convert_element_type3A_404, %mul3A_411 : vector<16xi32>
      %add3A_413 = vector.broadcast %mul3A_20 : i32 to vector<16xi32>
      %add3A_414 = arith.addi %add3A_413, %mul3A_412 : vector<16xi32>
      %add3A_415 = arith.addi %add3A_414, %convert_element_type3A_405 : vector<16xi32>
      %swap3A_416 = arith.constant 0 : index
      %swap3A_417 = tpu.vector_load %arg9[%swap3A_416] {strides = array<i32>} : memref<128xi32, #tpu.memory_space<vmem>>, vector<16xi32>,
      tpu.vector_store %arg9[%swap3A_416], %add3A_415 {strides = array<i32>} : memref<128xi32, #tpu.memory_space<vmem>>, vector<16xi32>,
      %add3A_418 = arith.constant 224 : i32
      %add3A_419 = vector.broadcast %add3A_418 : i32 to vector<16xi32>
      %add3A_420 = arith.addi %add3A_415, %add3A_419 : vector<16xi32>
      %swap3A_421 = arith.constant 32 : index
      %swap3A_422 = tpu.vector_load %arg9[%swap3A_421] {strides = array<i32>} : memref<128xi32, #tpu.memory_space<vmem>>, vector<16xi32>,
      tpu.vector_store %arg9[%swap3A_421], %add3A_420 {strides = array<i32>} : memref<128xi32, #tpu.memory_space<vmem>>, vector<16xi32>,
      %add3A_423 = arith.constant 1 : i32
      %add3A_424 = vector.broadcast %add3A_423 : i32 to vector<16xi32>
      %add3A_425 = arith.addi %add3A_415, %add3A_424 : vector<16xi32>
      %swap3A_426 = arith.constant 64 : index
      %swap3A_427 = tpu.vector_load %arg9[%swap3A_426] {strides = array<i32>} : memref<128xi32, #tpu.memory_space<vmem>>, vector<16xi32>,
      tpu.vector_store %arg9[%swap3A_426], %add3A_425 {strides = array<i32>} : memref<128xi32, #tpu.memory_space<vmem>>, vector<16xi32>,
      %add3A_428 = arith.constant 225 : i32
      %add3A_429 = vector.broadcast %add3A_428 : i32 to vector<16xi32>
      %add3A_430 = arith.addi %add3A_415, %add3A_429 : vector<16xi32>
      %swap3A_431 = arith.constant 96 : index
      %swap3A_432 = tpu.vector_load %arg9[%swap3A_431] {strides = array<i32>} : memref<128xi32, #tpu.memory_space<vmem>>, vector<16xi32>,
      tpu.vector_store %arg9[%swap3A_431], %add3A_430 {strides = array<i32>} : memref<128xi32, #tpu.memory_space<vmem>>, vector<16xi32>,
      %sub3A_433 = arith.constant 1.000000e+00 : f32
      %sub3A_434 = vector.broadcast %sub3A_433 : f32 to vector<16xf32>
      %sub3A_435 = arith.subf %sub3A_434, %sub3A_407 : vector<16xf32>
      %sub3A_436 = arith.constant 1.000000e+00 : f32
      %sub3A_437 = vector.broadcast %sub3A_436 : f32 to vector<16xf32>
      %sub3A_438 = arith.subf %sub3A_437, %sub3A_409 : vector<16xf32>
      %mul3A_439 = arith.mulf %sub3A_435, %sub3A_438 : vector<16xf32>
      %swap3A_440 = arith.constant 0 : index
      %swap3A_441 = tpu.vector_load %arg14[%swap3A_440] {strides = array<i32>} : memref<32xf32, #tpu.memory_space<vmem>>, vector<16xf32>,
      tpu.vector_store %arg14[%swap3A_440], %mul3A_439 {strides = array<i32>} : memref<32xf32, #tpu.memory_space<vmem>>, vector<16xf32>,
      %mul3A_442 = arith.mulf %sub3A_407, %sub3A_438 : vector<16xf32>
      %swap3A_443 = arith.constant 0 : index
      %swap3A_444 = tpu.vector_load %arg15[%swap3A_443] {strides = array<i32>} : memref<32xf32, #tpu.memory_space<vmem>>, vector<16xf32>,
      tpu.vector_store %arg15[%swap3A_443], %mul3A_442 {strides = array<i32>} : memref<32xf32, #tpu.memory_space<vmem>>, vector<16xf32>,
      %mul3A_445 = arith.mulf %sub3A_435, %sub3A_409 : vector<16xf32>
      %swap3A_446 = arith.constant 0 : index
      %swap3A_447 = tpu.vector_load %arg16[%swap3A_446] {strides = array<i32>} : memref<32xf32, #tpu.memory_space<vmem>>, vector<16xf32>,
      tpu.vector_store %arg16[%swap3A_446], %mul3A_445 {strides = array<i32>} : memref<32xf32, #tpu.memory_space<vmem>>, vector<16xf32>,
      %mul3A_448 = arith.mulf %sub3A_407, %sub3A_409 : vector<16xf32>
      %swap3A_449 = arith.constant 0 : index
      %swap3A_450 = tpu.vector_load %arg17[%swap3A_449] {strides = array<i32>} : memref<32xf32, #tpu.memory_space<vmem>>, vector<16xf32>,
      tpu.vector_store %arg17[%swap3A_449], %mul3A_448 {strides = array<i32>} : memref<32xf32, #tpu.memory_space<vmem>>, vector<16xf32>,
      %mul3A_451 = arith.constant 32 : i32
      %mul3A_452 = arith.muli %min3A_395, %mul3A_451 : i32
      %add3A_453 = arith.constant 16 : i32
      %add3A_454 = arith.addi %mul3A_452, %add3A_453 : i32
      %get3A_455 = arith.index_cast %add3A_454 : i32 to index
      %get3A_456 = tpu.vector_load %arg6[%get3A_455] {strides = array<i32>} : memref<2048xf32, #tpu.memory_space<vmem>>, vector<16xf32>,
      %get3A_457 = arith.index_cast %add3A_454 : i32 to index
      %get3A_458 = tpu.vector_load %arg7[%get3A_457] {strides = array<i32>} : memref<2048xf32, #tpu.memory_space<vmem>>, vector<16xf32>,
      %convert_element_type3A_459 = arith.fptosi %get3A_456 : vector<16xf32> to vector<16xi32>
      %convert_element_type3A_460 = arith.fptosi %get3A_458 : vector<16xf32> to vector<16xi32>
      %convert_element_type3A_461 = arith.sitofp %convert_element_type3A_459 : vector<16xi32> to vector<16xf32>
      %sub3A_462 = arith.subf %get3A_456, %convert_element_type3A_461 : vector<16xf32>
      %convert_element_type3A_463 = arith.sitofp %convert_element_type3A_460 : vector<16xi32> to vector<16xf32>
      %sub3A_464 = arith.subf %get3A_458, %convert_element_type3A_463 : vector<16xf32>
      %mul3A_465 = arith.constant 224 : i32
      %mul3A_466 = vector.broadcast %mul3A_465 : i32 to vector<16xi32>
      %mul3A_467 = arith.muli %convert_element_type3A_459, %mul3A_466 : vector<16xi32>
      %add3A_468 = vector.broadcast %mul3A_20 : i32 to vector<16xi32>
      %add3A_469 = arith.addi %add3A_468, %mul3A_467 : vector<16xi32>
      %add3A_470 = arith.addi %add3A_469, %convert_element_type3A_460 : vector<16xi32>
      %swap3A_471 = arith.constant 16 : index
      %swap3A_472 = tpu.vector_load %arg9[%swap3A_471] {strides = array<i32>} : memref<128xi32, #tpu.memory_space<vmem>>, vector<16xi32>,
      tpu.vector_store %arg9[%swap3A_471], %add3A_470 {strides = array<i32>} : memref<128xi32, #tpu.memory_space<vmem>>, vector<16xi32>,
      %add3A_473 = arith.constant 224 : i32
      %add3A_474 = vector.broadcast %add3A_473 : i32 to vector<16xi32>
      %add3A_475 = arith.addi %add3A_470, %add3A_474 : vector<16xi32>
      %swap3A_476 = arith.constant 48 : index
      %swap3A_477 = tpu.vector_load %arg9[%swap3A_476] {strides = array<i32>} : memref<128xi32, #tpu.memory_space<vmem>>, vector<16xi32>,
      tpu.vector_store %arg9[%swap3A_476], %add3A_475 {strides = array<i32>} : memref<128xi32, #tpu.memory_space<vmem>>, vector<16xi32>,
      %add3A_478 = arith.constant 1 : i32
      %add3A_479 = vector.broadcast %add3A_478 : i32 to vector<16xi32>
      %add3A_480 = arith.addi %add3A_470, %add3A_479 : vector<16xi32>
      %swap3A_481 = arith.constant 80 : index
      %swap3A_482 = tpu.vector_load %arg9[%swap3A_481] {strides = array<i32>} : memref<128xi32, #tpu.memory_space<vmem>>, vector<16xi32>,
      tpu.vector_store %arg9[%swap3A_481], %add3A_480 {strides = array<i32>} : memref<128xi32, #tpu.memory_space<vmem>>, vector<16xi32>,
      %add3A_483 = arith.constant 225 : i32
      %add3A_484 = vector.broadcast %add3A_483 : i32 to vector<16xi32>
      %add3A_485 = arith.addi %add3A_470, %add3A_484 : vector<16xi32>
      %swap3A_486 = arith.constant 112 : index
      %swap3A_487 = tpu.vector_load %arg9[%swap3A_486] {strides = array<i32>} : memref<128xi32, #tpu.memory_space<vmem>>, vector<16xi32>,
      tpu.vector_store %arg9[%swap3A_486], %add3A_485 {strides = array<i32>} : memref<128xi32, #tpu.memory_space<vmem>>, vector<16xi32>,
      %sub3A_488 = arith.constant 1.000000e+00 : f32
      %sub3A_489 = vector.broadcast %sub3A_488 : f32 to vector<16xf32>
      %sub3A_490 = arith.subf %sub3A_489, %sub3A_462 : vector<16xf32>
      %sub3A_491 = arith.constant 1.000000e+00 : f32
      %sub3A_492 = vector.broadcast %sub3A_491 : f32 to vector<16xf32>
      %sub3A_493 = arith.subf %sub3A_492, %sub3A_464 : vector<16xf32>
      %mul3A_494 = arith.mulf %sub3A_490, %sub3A_493 : vector<16xf32>
      %swap3A_495 = arith.constant 16 : index
      %swap3A_496 = tpu.vector_load %arg14[%swap3A_495] {strides = array<i32>} : memref<32xf32, #tpu.memory_space<vmem>>, vector<16xf32>,
      tpu.vector_store %arg14[%swap3A_495], %mul3A_494 {strides = array<i32>} : memref<32xf32, #tpu.memory_space<vmem>>, vector<16xf32>,
      %mul3A_497 = arith.mulf %sub3A_462, %sub3A_493 : vector<16xf32>
      %swap3A_498 = arith.constant 16 : index
      %swap3A_499 = tpu.vector_load %arg15[%swap3A_498] {strides = array<i32>} : memref<32xf32, #tpu.memory_space<vmem>>, vector<16xf32>,
      tpu.vector_store %arg15[%swap3A_498], %mul3A_497 {strides = array<i32>} : memref<32xf32, #tpu.memory_space<vmem>>, vector<16xf32>,
      %mul3A_500 = arith.mulf %sub3A_490, %sub3A_464 : vector<16xf32>
      %swap3A_501 = arith.constant 16 : index
      %swap3A_502 = tpu.vector_load %arg16[%swap3A_501] {strides = array<i32>} : memref<32xf32, #tpu.memory_space<vmem>>, vector<16xf32>,
      tpu.vector_store %arg16[%swap3A_501], %mul3A_500 {strides = array<i32>} : memref<32xf32, #tpu.memory_space<vmem>>, vector<16xf32>,
      %mul3A_503 = arith.mulf %sub3A_462, %sub3A_464 : vector<16xf32>
      %swap3A_504 = arith.constant 16 : index
      %swap3A_505 = tpu.vector_load %arg17[%swap3A_504] {strides = array<i32>} : memref<32xf32, #tpu.memory_space<vmem>>, vector<16xf32>,
      tpu.vector_store %arg17[%swap3A_504], %mul3A_503 {strides = array<i32>} : memref<32xf32, #tpu.memory_space<vmem>>, vector<16xf32>,
      %mul3A_506 = arith.constant 32 : i32
      %mul3A_507 = arith.muli %add3A_375, %mul3A_506 : i32
      %add3A_508 = arith.addi %mul3A_2, %mul3A_507 : i32
      %dma_start3A_509 = arith.constant 0 : i32
      %dma_start3A_510 = tpu.memref_slice %arg5[%add3A_508, %dma_start3A_509] : memref<65536x384xf32, #tpu.memory_space<hbm>> -> memref<32x384xf32, #tpu.memory_space<hbm>>
      %dma_start3A_511 = arith.constant 0 : i32
      %dma_start3A_512 = tpu.memref_slice %arg5[%add3A_508, %dma_start3A_511] : memref<65536x384xf32, #tpu.memory_space<hbm>> -> memref<32x384xf32, #tpu.memory_space<hbm>>
      tpu.enqueue_dma source(%arg21 : memref<32x384xf32, #tpu.memory_space<vmem>>) target(%dma_start3A_512 : memref<32x384xf32, #tpu.memory_space<hbm>>) target_semaphore(%arg25 : memref<!tpu.dma_semaphore, #tpu.memory_space<semaphore_mem>>)
    }
    %scan3A_227 = arith.constant 32 : i32
    %dma_wait3A = arith.constant 0 : i32
    %dma_wait3A_228 = tpu.memref_slice %arg5[%mul3A_2, %dma_wait3A] : memref<65536x384xf32, #tpu.memory_space<hbm>> -> memref<32x384xf32, #tpu.memory_space<hbm>>
    %dma_wait3A_229 = arith.constant 0 : i32
    %dma_wait3A_230 = tpu.memref_slice %arg5[%mul3A_2, %dma_wait3A_229] : memref<65536x384xf32, #tpu.memory_space<hbm>> -> memref<32x384xf32, #tpu.memory_space<hbm>>
    tpu.wait_dma2 semaphore(%arg24 : memref<!tpu.dma_semaphore, #tpu.memory_space<semaphore_mem>>) src(%arg20 : memref<32x384xf32, #tpu.memory_space<vmem>>) dst(%dma_wait3A_230 : memref<32x384xf32, #tpu.memory_space<hbm>>)
    %dma_wait3A_231 = arith.constant 0 : i32
    %dma_wait3A_232 = tpu.memref_slice %arg5[%mul3A_2, %dma_wait3A_231] : memref<65536x384xf32, #tpu.memory_space<hbm>> -> memref<32x384xf32, #tpu.memory_space<hbm>>
    %dma_wait3A_233 = arith.constant 0 : i32
    %dma_wait3A_234 = tpu.memref_slice %arg5[%mul3A_2, %dma_wait3A_233] : memref<65536x384xf32, #tpu.memory_space<hbm>> -> memref<32x384xf32, #tpu.memory_space<hbm>>
    tpu.wait_dma2 semaphore(%arg25 : memref<!tpu.dma_semaphore, #tpu.memory_space<semaphore_mem>>) src(%arg21 : memref<32x384xf32, #tpu.memory_space<vmem>>) dst(%dma_wait3A_234 : memref<32x384xf32, #tpu.memory_space<hbm>>)
    return
  }
}

</mosaic_0001>

<sc_bundles>
// kernel: kernel.3.cloned.1.call-start
scs
__scs_entry_jumppad:
0x0: {  	(pc) =	sbr.rel $0x88, $3  }
0x1: {  	(tag) =	ssettag $0x0;
	lr =	simm.s32 $0x1  }
0x2: {  	[smem:$0x3F9F] =	sst lr;
	_ =	strace $0xD0000000  }
0x3: {  	_ = 	snop  }
0x4: {  	_ = 	snop  }
0x5: {  	_ = 	snop  }
0x6: {  	_ = 	snop  }
0x7: {  	_ = 	snop  }
__scs_overlays_trampoline_lowered:
0x8: {  	[smem:$0x3FAE] =	sst s0  }
0x9: {  	[smem:$0x3FAF] =	sst s1  }
0xa: {  	[smem:$0x3FB0] =	sst s2  }
0xb: {  	[smem:$0x3FB1] =	sst s3  }
0xc: {  	[smem:$0x3FB2] =	sst s4  }
0xd: {  	[smem:$0x3FB3] =	sst s5  }
0xe: {  	[smem:$0x3FB4] =	sst s6  }
0xf: {  	[smem:$0x3FB5] =	sst s7  }
0x10: {  	[smem:$0x3FB6] =	sst s8  }
0x11: {  	[smem:$0x3FB7] =	sst s9;
	s0 =	simm.s32 @!p0 $0x0  }
0x12: {  	s1 =	sld [smem:$0x3F9D];
	s0 =	simm.s32 @p0 $0x1  }
0x13: {  	[smem:$0x3FB8] =	sst s0;
	s0 =	simm.s32 @!p1 $0x0  }
0x14: {  	s2 =	sld [smem:$0x3F9C];
	s0 =	simm.s32 @p1 $0x1  }
0x15: {  	[smem:$0x3FB9] =	sst s0;
	s0 =	simm.s32 @!p2 $0x0  }
0x16: {  	s3 =	sld [smem:$0x3FDB];
	s0 =	simm.s32 @p2 $0x1  }
0x17: {  	s4 =	simm.s32 $0x1BF5;
	[smem:$0x3FBB] =	sst s0  }
0x18: {  	s0 =	sld [smem:$0x3F9E];
	_ =	swait.ge [sflag:s4], $0x0  }
0x19: {  	s7 =	sld [smem:$0x3F9F]  }
0x1a: {  	s8 =	sadd.s32 $0xFFFFE003, lr  }
0x1b: {  	s9 =	sadd.s32 $0xFFFFFEF7, lr;
	s5 =	simm.s32 $0xFFFFFFFF;
	p2 =	slt.u32 s8, $0xFFFFF086  }
0x1c: {  	p1 =	slt.u32 s9, $0xF7A;
	s5 =	simm.s32 @!p2 $0x0  }
0x1d: {  	s5 =	simm.s32 @p1 $0x1;
	p0 =	seq.s32 s7, s2  }
0x1e: {  	s7 =	smul.u32 @!p0 $0xF7A, s2;
	p2 =	seq.s32 @!p0 s5, $0x0  }
0x1f: {  	s9 =	smul.u32 $0xF7A, s1;
	s8 =	simm.s32 @!p0 $0x1BF5;
	p2 =	por !p2, p0  }
0x20: {  	[sflag:s8] =	ssyncset.s32 @!p0 $0xFFFFF086;
	s6 =	sadd.s32 @!p0 s3, s7;
	s7 =	simm.s32 @!p0 $0x108  }
0x21: {  	s3 =	sadd.s32 s3, s9;
	s6 =	sadd.s32 @!p0 $0x88, s6;
	s7 =	simm.s32 @p2 $0x1082  }
0x22: {  	[simem:s7], [sflag:s8] =	dma.local @!p0 [hbm:s6], $0xF7A  }
0x23: {  	s9 =	sor.u32 $0xD0000000, s2;
	s6 =	simm.s32 $0x108;
	_ =	swait.ge @!p0 [sflag:s8], $0x0  }
0x24: {  	s3 =	sadd.s32 $0x88, s3;
	s6 =	simm.s32 @!p1 $0x1082;
	[sflag:s4] =	ssyncset.s32 $0xFFFFF086  }
0x25: {  	[simem:s6], [sflag:s4] =	dma.local [hbm:s3], $0xF7A  }
0x26: {  	[smem:$0x3F9F] =	sst s1;
	(tag) =	ssettag s2;
	_ =	strace s9  }
0x27: {  	s1 =	sld [smem:$0x3FAF]  }
0x28: {  	s2 =	sld [smem:$0x3FB0]  }
0x29: {  	s4 =	sld [smem:$0x3FB2]  }
0x2a: {  	p0 =	seq.s32 s5, $0x0;
	s5 =	sld [smem:$0x3FB3]  }
0x2b: {  	s6 =	sld [smem:$0x3FB4]  }
0x2c: {  	s7 =	sld [smem:$0x3FB5]  }
0x2d: {  	s3 =	simm.s32 $0x108;
	s8 =	sld [smem:$0x3FB6]  }
0x2e: {  	s3 =	simm.s32 @!p0 $0x1082;
	s9 =	sld [smem:$0x3FB7]  }
0x2f: {  	lr =	sadd.s32 s0, s3;
	s0 =	sld [smem:$0x3FAE]  }
0x30: {  	s3 =	sld [smem:$0x3FB1]  }
0x31: {  	[smem:$0x3FBA] =	sst s10  }
0x32: {  	s10 =	sld [smem:$0x3FB8];
	_ =	sdelay $0x3  }
0x33: {  	p0 =	seq.s32 s10, $0x1;
	s10 =	sld [smem:$0x3FBA];
	_ =	sdelay $0x3  }
0x34: {  	[smem:$0x3FBA] =	sst s10  }
0x35: {  	s10 =	sld [smem:$0x3FB9];
	_ =	sdelay $0x3  }
0x36: {  	p1 =	seq.s32 s10, $0x1;
	s10 =	sld [smem:$0x3FBA];
	_ =	sdelay $0x3  }
0x37: {  	[smem:$0x3FBA] =	sst s10  }
0x38: {  	s10 =	sld [smem:$0x3FBB]  }
0x39: {  	_ = 	snop;
	(pc) =	sbr.ind lr, $3  }
0x3a: {  	_ = 	snop  }
0x3b: {  	_ = 	snop  }
0x3c: {  	p2 =	seq.s32 s10, $0x1;
	s10 =	sld [smem:$0x3FBA]  }
0x3d: {  	_ =	shalt  }
0x3e: {  	_ =	shalt  }
0x3f: {  	_ =	shalt  }
0x40: {  	_ =	shalt  }
0x41: {  	_ =	shalt  }
0x42: {  	_ =	shalt  }
0x43: {  	_ =	shalt  }
0x44: {  	_ =	shalt  }
0x45: {  	_ =	shalt  }
0x46: {  	_ =	shalt  }
0x47: {  	_ =	shalt  }
0x48: {  	_ =	shalt  }
0x49: {  	_ =	shalt  }
0x4a: {  	_ =	shalt  }
0x4b: {  	_ =	shalt  }
0x4c: {  	_ =	shalt  }
0x4d: {  	_ =	shalt  }
0x4e: {  	_ =	shalt  }
0x4f: {  	_ =	shalt  }
0x50: {  	_ =	shalt  }
0x51: {  	_ =	shalt  }
0x52: {  	_ =	shalt  }
0x53: {  	_ =	shalt  }
0x54: {  	_ =	shalt  }
0x55: {  	_ =	shalt  }
0x56: {  	_ =	shalt  }
0x57: {  	_ =	shalt  }
0x58: {  	_ =	shalt  }
0x59: {  	_ =	shalt  }
0x5a: {  	_ =	shalt  }
0x5b: {  	_ =	shalt  }
0x5c: {  	_ =	shalt  }
0x5d: {  	_ =	shalt  }
0x5e: {  	_ =	shalt  }
0x5f: {  	_ =	shalt  }
0x60: {  	_ =	shalt  }
0x61: {  	_ =	shalt  }
0x62: {  	_ =	shalt  }
0x63: {  	_ =	shalt  }
0x64: {  	_ =	shalt  }
0x65: {  	_ =	shalt  }
0x66: {  	_ =	shalt  }
0x67: {  	_ =	shalt  }
0x68: {  	_ =	shalt  }
0x69: {  	_ =	shalt  }
0x6a: {  	_ =	shalt  }
0x6b: {  	_ =	shalt  }
0x6c: {  	_ =	shalt  }
0x6d: {  	_ =	shalt  }
0x6e: {  	_ =	shalt  }
0x6f: {  	_ =	shalt  }
0x70: {  	_ =	shalt  }
0x71: {  	_ =	shalt  }
0x72: {  	_ =	shalt  }
0x73: {  	_ =	shalt  }
0x74: {  	_ =	shalt  }
0x75: {  	_ =	shalt  }
0x76: {  	_ =	shalt  }
0x77: {  	_ =	shalt  }
0x78: {  	_ =	shalt  }
0x79: {  	_ =	shalt  }
0x7a: {  	_ =	shalt  }
0x7b: {  	_ =	shalt  }
0x7c: {  	_ =	shalt  }
0x7d: {  	_ =	shalt  }
0x7e: {  	_ =	shalt  }
0x7f: {  	_ =	shalt  }
0x80: {  	_ =	shalt  }
0x81: {  	_ =	shalt  }
0x82: {  	_ =	shalt  }
0x83: {  	_ =	shalt  }
0x84: {  	_ =	shalt  }
0x85: {  	_ =	shalt  }
0x86: {  	_ =	shalt  }
0x87: {  	_ =	shalt  }
.Lfunc_end0:
.L_simem_size_0:
called_computation_lowered:
.L_overlay_start_0:
0x88: {  	s2 =	sld [smem:$0x3FD9]  }
0x89: {  	s3 =	sld [smem:$0x3FFE];
	_ =	sdelay $0x1  }
0x8a: {  	s1 =	srdreg.scid  }
0x8b: {  	s0 =	sand.u32 $0x1, s1  }
0x8c: {  	s17 =	sshll.u32 s0, $0xA;
	s2 =	sadd.s32 s3, s2  }
0x8d: {  	s2 =	sadd.s32 s2, s17  }
0x8e: {  	[smem:$0x3FC6] =	sst s2  }
0x8f: {  	_ = 	snop  }
0x90: {  	s2 =	sld [smem:$0x3FC9]  }
0x91: {  	s18 =	sld [smem:$0x3FD0];
	(tm) =	ssettm $0x1  }
0x92: {  	s4 =	sld [smem:$0x3FFB];
	_ =	sdelay $0x3  }
0x93: {  	_ =	strace s4  }
0x94: {  	s4 =	sld [smem:$0x3FFC];
	_ =	sdelay $0x3  }
0x95: {  	_ =	strace s4  }
0x96: {  	s4 =	sld [smem:$0x3FFD];
	_ =	sdelay $0x3  }
0x97: {  	_ =	strace s4  }
0x98: {  	_ =	strace $0x8FFFFFFF  }
0x99: {  	s19 =	sld [smem:$0x3FDB];
	_ =	sdelay $0x1  }
0x9a: {  	s5 =	simm.s32 $_scs_section_size  }
0x9b: {  	s6 =	simm.s32 $_size__tile_overlayer_lowered;
	s7 =	simm.s32 $_tile_overlayer_lowered  }
0x9c: {  	s22 =	simm.s32 $0x1BFF;
	s21 =	sshll.u32 s7, $0x1;
	s4 =	sadd.s32 s5, s19  }
0x9d: {  	s8 =	simm.s32 $0x0;
	s20 =	sshll.u32 s6, $0x1;
	s6 =	sadd.s32 s21, s4  }
0x9e: {  	[timem:s8], [sflag:s22] =	dma.local [hbm:s6], s20  }
0x9f: {  	_ =	swait.ge [sflag:s22], s20  }
0xa0: {  	s5 =	ssub.s32 $0x0, s20;
	[sflag:s22] =	ssyncset.done $0x0  }
0xa1: {  	[sflag:s22] =	ssyncadd.s32 s5;
	_ =	sdelay $0x1  }
0xa2: {  	s23 =	simm.s32 $0x1B8B  }
0xa3: {  	_ =	swait.ge [sflag:s23], $0x1  }
0xa4: {  	[sflag:s23] =	ssyncset.done $0x0  }
0xa5: {  	s25 =	simm.s32 $0x1B8E;
	s24 =	sld [smem:$0x3FFE];
	[sflag:s23] =	ssyncadd.s32 $0xFFFFFFFF  }
0xa6: {  	s26 =	simm.s32 $execute0_lowered;
	[smem:$0x3FD2] =	sst s25  }
0xa7: {  	s6 =	sshll.u32 s26, $0x1;
	_ =	strace $0x80000046;
	[dreg:$0x1] =	wrdreg $0xFFFFFFFF  }
0xa8: {  	s28 =	simm.s32 $_size_execute0_lowered;
	s4 =	sadd.s32 s4, s6;
	[dreg:$0x0] =	wrdreg $0x0  }
0xa9: {  	s6 =	sshll.u32 s28, $0x1;
	[dreg:$0x2] =	wrdreg s4  }
0xaa: {  	[dreg:$0x3] =	wrdreg s6  }
0xab: {  	[dreg:$0x4] =	wrdreg $0xC0  }
0xac: {  	_ =	task [dreg:s8], $0x5FFFF  }
0xad: {  	[dreg:$0x1] =	wrdreg $0xFFFFFFFF  }
0xae: {  	[dreg:$0x0] =	wrdreg $0x60  }
0xaf: {  	[dreg:$0x2] =	wrdreg s2  }
0xb0: {  	[dreg:$0x3] =	wrdreg s24  }
0xb1: {  	[dreg:$0x4] =	wrdreg s18  }
0xb2: {  	[dreg:$0x5] =	wrdreg $0x9  }
0xb3: {  	_ =	task.clear_ibuf [dreg:s8], $0x6FFFF;
	_ =	strace $0x90000046  }
0xb4: {  	s29 =	simm.s32 $0x9;
	_ =	strace $0x80000048  }
0xb5: {  	_ =	swait.ge [sflag:s29], $0x1  }
0xb6: {  	[sflag:s29] =	ssyncadd.s32 $0xFFFFFFFF  }
0xb7: {  	_ =	strace $0x90000048  }
0xb8: {  	_ =	sfence  }
0xb9: {  	s30 =	sld [smem:$0x0];
	_ =	sdelay $0x2  }
0xba: {  	s31 =	sshll.u32 s1, $0xD;
	s1 =	sshrl.u32 s1, $0x2  }
0xbb: {  	s3 =	sand.u32 $0x4000, s31;
	s1 =	sadd.s32 s1, s30  }
0xbc: {  	s0 =	sor.u32 s3, s0;
	s1 =	sshll.u32 s1, $0x11  }
0xbd: {  	s0 =	sor.u32 s1, s0  }
0xbe: {  	s0 =	sadd.s32 $0x8F2B, s0  }
0xbf: {  	[sflag:s0] =	ssyncadd.remote.s32 $0x1  }
0xc0: {  	_ =	sfence.sel $0xFFFF  }
0xc1: {  	[dreg:$0x0] =	wrdreg $0xFFFFFFFF;
	(pc) =	sbr.abs _section_cstart, $3  }
0xc2: {  	[dreg:$0x1] =	wrdreg $0xFFFFFFFF  }
0xc3: {  	_ =	task.clear_ibuf [dreg:s8], $0x2FFFF;
	_ =	strace $0x9FFFFFFF  }
0xc4: {  	(tm) =	ssettm $0x7FFFFFFF  }
0xc5: {  	_ =	shalt  }
tec
execute0_lowered:
.L_overlay_start_1:
0x0: {  	(tag) =	ssettag $0x1  }
0x1: {  	s4 =	rddreg [dreg:$0x0]  }
0x2: {  	s0 =	rddreg [dreg:$0x1];
	s1 =	srdreg.scid  }
0x3: {  	s5 =	stileid.u32;
	s28 =	simm.s32 $0x0;
	s25 =	simm.s32 $0x1200  }
0x4: {  	s7 =	simm.s32 $0x1280;
	s11 =	simm.s32 $0x1400;
	s6 =	simm.s32 $0x1480  }
0x5: {  	s1 =	sand.u32 $0x1, s1;
	s2 =	sshll.u32 s5, $0xC;
	[smem:$0x7FF] =	sst s28  }
0x6: {  	s23 =	sshrl.u32 s5, $0x2;
	s30 =	sadd.s32 $0x100, s4;
	s3 =	sshll.u32 s1, $0xB  }
0x7: {  	s4 =	simm.s32 $0x0;
	_ =	strace $0x80000047;
	s29 =	sor.u32 s3, s2  }
0x8: {  	s1 =	ssub.s32 $0x2, s1;
	s24 =	smul.u32 $0xC400, s23;
	s2 =	sshrl.u32 s29, $0x3  }
0x9: {  	[dreg:$0x7] =	wrdreg s30;
	s23 =	simm.s32 $0x1180;
	s0 =	sadd.s32 s2, s0  }
0xa: {  	s22 =	sshrl.u32 s1, $0x1;
	[dreg:$0x4] =	wrdreg s29;
	s26 =	sadd.s32 $0x2600, s0  }
0xb: {  	v3 =	vlaneseq.u32;
	vm0 =	vmmov $0xffff;
	s2 =	ssub.s32 s1, s22;
	s0 =	sadd.s32 $0x600, s0;
	[dreg:$0x5] =	wrdreg s26  }
0xc: {  	vm1 =	vmmov $0xff;
	v2 =	vshrl.u32 v3, $0x3;
	v1 =	vand.u32 $0x7, v3;
	s22 =	simm.s32 $0x1100;
	s31 =	smax.u32 s2, $0x1;
	[dreg:$0x6] =	wrdreg s0  }
0xd: {  	v3 =	vor.u32 $0x8, v3;
	v2 =	vmul.u32 $0x8, v2;
	v0 =	vmov s24;
	s2 =	simm.s32 $0x1380;
	[dreg:$0x8] =	wrdreg s31;
	s0 =	simm.s32 $0x1300  }
.LBB2_1:
0xe: {  	[dreg:$0x9] =	wrdreg s4  }
0xf: {  	s1 =	rddreg [dreg:$0x5];
	s3 =	simm.s32 $0x5  }
0x10: {  	[tilespmem:s28], [sflag:$0x5] =	stream.linear.gather [hbm4b:s1+s28], $0x800, $0x38;
	[tilespmem:$0x1F500] =	vst v63  }
0x11: {  	_ =	swait.ge [sflag:s3], $0x800  }
0x12: {  	[sflag:s3] =	ssyncset.done $0x0  }
0x13: {  	s10 =	simm.s32 $0x800;
	s9 =	rddreg [dreg:$0x6];
	[sflag:s3] =	ssyncadd.s32 $0xFFFFF800  }
0x14: {  	[tilespmem:s10], [sflag:$0x5] =	stream.linear.gather [hbm4b:s9+s28], $0x800, $0x38;
	[tilespmem:$0x1F500] =	vst v63  }
0x15: {  	_ =	swait.ge [sflag:s3], $0x800  }
0x16: {  	[sflag:s3] =	ssyncset.done $0x0  }
0x17: {  	[sflag:s3] =	ssyncadd.s32 $0xFFFFF800  }
0x18: {  	v4 =	vld [tilespmem:$0x0]  }
0x19: {  	v5 =	vld [tilespmem:$0x800];
	_ =	sdelay $0x4  }
0x1a: {  	v6 =	vtrunc.f32 v4;
	v7 =	vtrunc.f32 v5  }
0x1b: {  	v10 =	vld [tilespmem:$0x810];
	v6 =	vcvt.f32.s32 v6;
	v7 =	vcvt.f32.s32 v7;
	_ =	sdelay $0x1  }
0x1c: {  	v8 =	vld [tilespmem:$0x10];
	v9 =	vcvt.s32.f32 v6;
	v6 =	vmul.u32 $0xE0, v6;
	v11 =	vcvt.s32.f32 v7;
	_ =	sdelay $0x1  }
0x1d: {  	v4 =	vsub.f32 v4, v9;
	v6 =	vadd.s32 v0, v6;
	v5 =	vsub.f32 v5, v11  }
0x1e: {  	v13 =	vtrunc.f32 v10;
	v6 =	vadd.s32 v7, v6  }
0x1f: {  	v7 =	vadd.s32 $0xE0, v6;
	v9 =	vsub.f32 $1.000000000e+00, v4;
	[tilespmem:$0x1000] =	vst v6;
	v12 =	vsub.f32 $1.000000000e+00, v5  }
0x20: {  	v29 =	vtrunc.f32 v8;
	v13 =	vcvt.f32.s32 v13;
	v30 =	vadd.s32 $0x1, v6;
	[tilespmem:$0x1020] =	vst v7  }
0x21: {  	v14 =	vld [tilespmem:$0x20];
	v11 =	vcvt.f32.s32 v29;
	v6 =	vadd.s32 $0xE1, v6;
	[tilespmem:$0x1040] =	vst v30;
	v31 =	vmul.f32 v12, v9  }
0x22: {  	v33 =	vcvt.s32.f32 v13;
	[tilespmem:$0x1060] =	vst v6;
	v32 =	vmul.f32 v12, v4  }
0x23: {  	v16 =	vld [tilespmem:$0x820];
	v15 =	vcvt.s32.f32 v11;
	v11 =	vmul.u32 $0xE0, v11;
	v34 =	vmul.f32 v5, v9;
	[tilespmem:$0x1100] =	vst v31  }
0x24: {  	v4 =	vmul.f32 v5, v4;
	[tilespmem:$0x1180] =	vst v32  }
0x25: {  	v8 =	vsub.f32 v8, v15;
	v5 =	vsub.f32 v10, v33;
	v35 =	vadd.s32 v0, v11;
	[tilespmem:$0x1200] =	vst v34  }
0x26: {  	v37 =	vtrunc.f32 v14;
	v6 =	vadd.s32 v13, v35;
	[tilespmem:$0x1280] =	vst v4  }
0x27: {  	v36 =	vsub.f32 $1.000000000e+00, v8;
	v4 =	vsub.f32 $1.000000000e+00, v5;
	[tilespmem:$0x1010] =	vst v6;
	v39 =	vadd.s32 $0xE0, v6  }
0x28: {  	v38 =	vtrunc.f32 v16;
	v9 =	vcvt.f32.s32 v37;
	v40 =	vadd.s32 $0x1, v6;
	[tilespmem:$0x1030] =	vst v39  }
0x29: {  	v45 =	vld [tilespmem:$0x30];
	v10 =	vcvt.f32.s32 v38;
	v6 =	vadd.s32 $0xE1, v6;
	[tilespmem:$0x1050] =	vst v40;
	v41 =	vmul.f32 v4, v36  }
0x2a: {  	v47 =	vld [tilespmem:$0x830];
	[tilespmem:$0x1070] =	vst v6;
	v4 =	vmul.f32 v4, v8  }
0x2b: {  	v43 =	vcvt.s32.f32 v10;
	v44 =	vmul.u32 $0xE0, v9;
	v7 =	vmul.f32 v5, v36;
	[tilespmem:$0x1110] =	vst v41  }
0x2c: {  	v52 =	vld [tilespmem:$0x1000];
	v42 =	vcvt.s32.f32 v9;
	[tilespmem:$0x1190] =	vst v4;
	v4 =	vmul.f32 v5, v8  }
0x2d: {  	v46 =	vsub.f32 v16, v43;
	v5 =	vadd.s32 v0, v44;
	[tilespmem:$0x1210] =	vst v7  }
0x2e: {  	v51 =	vtrunc.f32 v45;
	v11 =	vsub.f32 v14, v42;
	v5 =	vadd.s32 v10, v5;
	[tilespmem:$0x1290] =	vst v4  }
0x2f: {  	v53 =	vtrunc.f32 v47;
	v49 =	vsub.f32 $1.000000000e+00, v46;
	v4 =	vadd.s32 $0xE0, v5;
	[tilespmem:$0x1080] =	vst v5  }
0x30: {  	v55 =	vmul.f32 v46, v11;
	v10 =	vcvt.f32.s32 v53;
	[tilespmem:$0x10A0] =	vst v4;
	v4 =	vadd.s32 $0x1, v5  }
0x31: {  	v57 =	vshrl.u32 v52, $0x3;
	v48 =	vsub.f32 $1.000000000e+00, v11;
	[tilespmem:$0x10C0] =	vst v4;
	v4 =	vcvt.f32.s32 v51  }
0x32: {  	v7 =	vmul.f32 v49, v11;
	[tilespmem:$0x1480] =	vst v55;
	v5 =	vadd.s32 $0xE1, v5;
	v56 =	vcvt.s32.f32 v10  }
0x33: {  	[tilespmem:$0x10E0] =	vst v5;
	v5 =	vmul.f32 v46, v48;
	v54 =	vcvt.s32.f32 v4;
	v4 =	vmul.u32 $0xE0, v4  }
0x34: {  	v50 =	vmul.f32 v49, v48;
	[tilespmem:$0x1380] =	vst v7;
	v7 =	vmul.u32 $0x18, v57  }
0x35: {  	v59 =	vand.u32 $0x7, v52;
	[tilespmem:$0x1400] =	vst v5;
	v5 =	vsub.f32 v47, v56;
	v4 =	vadd.s32 v0, v4  }
0x36: {  	[tilespmem:$0x1300] =	vst v50;
	v7 =	vor.u32 v59, v7;
	v6 =	vsub.f32 v45, v54;
	v4 =	vadd.s32 v10, v4  }
0x37: {  	v9 =	vperm.xlane v7, v1;
	v11 =	vsub.f32 $1.000000000e+00, v5;
	v58 =	vadd.s32 $0xE0, v4;
	[tilespmem:$0x1090] =	vst v4  }
0x38: {  	v60 =	vsub.f32 $1.000000000e+00, v6;
	v61 =	vadd.s32 $0x1, v4;
	v4 =	vadd.s32 $0xE1, v4;
	[tilespmem:$0x10B0] =	vst v58  }
0x39: {  	[tilespmem:$0x10F0] =	vst v4;
	v4 =	vmul.f32 v11, v6  }
0x3a: {  	v9 =	vadd.s32 v2, v9;
	[tilespmem:$0x10D0] =	vst v61;
	v62 =	vmul.f32 v11, v60  }
0x3b: {  	v63 =	vmul.f32 v5, v60;
	[tilespmem:$0x1390] =	vst v4  }
0x3c: {  	v4 =	vmul.f32 v5, v6;
	v5 =	vperm.xlane v7, v3;
	[tilespmem:$0x1310] =	vst v62  }
0x3d: {  	[tilespmem:$0x1410] =	vst v63  }
0x3e: {  	s12 =	simm.s32 $0x1500;
	s1 =	rddreg [dreg:$0x0];
	[tilespmem:$0x1490] =	vst v4;
	v4 =	vadd.s32 v2, v5  }
0x3f: {  	[tilespmem:s12], [sflag:$0x1] =	stream.indirect_vreg.gather [hbm4b:s1+s28], $0x80, v9, vm0, $0xb8;
	[tilespmem:$0x1F500] =	vst v63  }
0x40: {  	s13 =	simm.s32 $0x1D00;
	s3 =	rddreg [dreg:$0x7]  }
0x41: {  	[tilespmem:s13], [sflag:$0x1] =	stream.indirect_vreg.gather [hbm4b:s3+s28], $0x80, v9, vm1, $0xb8;
	[tilespmem:$0x1F500] =	vst v63  }
0x42: {  	s14 =	simm.s32 $0x2100  }
0x43: {  	[tilespmem:s14], [sflag:$0x1] =	stream.indirect_vreg.gather [hbm4b:s1+s28], $0x80, v4, vm0, $0xb8;
	[tilespmem:$0x1F500] =	vst v63  }
0x44: {  	s15 =	simm.s32 $0x2900  }
0x45: {  	[tilespmem:s15], [sflag:$0x1] =	stream.indirect_vreg.gather [hbm4b:s3+s28], $0x80, v4, vm1, $0xb8;
	[tilespmem:$0x1F500] =	vst v63  }
0x46: {  	v4 =	vld [tilespmem:$0x1010];
	_ =	sdelay $0x4  }
0x47: {  	v5 =	vshrl.u32 v4, $0x3  }
0x48: {  	v5 =	vmul.u32 $0x18, v5  }
0x49: {  	v4 =	vand.u32 $0x7, v4  }
0x4a: {  	v4 =	vor.u32 v4, v5  }
0x4b: {  	v5 =	vperm.xlane v4, v1;
	_ =	sdelay $0x1  }
0x4c: {  	v5 =	vadd.s32 v2, v5;
	_ =	sdelay $0x1  }
0x4d: {  	v4 =	vperm.xlane v4, v3;
	_ =	sdelay $0x1  }
0x4e: {  	s16 =	simm.s32 $0x2D00;
	v4 =	vadd.s32 v2, v4  }
0x4f: {  	[tilespmem:s16], [sflag:$0x1] =	stream.indirect_vreg.gather [hbm4b:s1+s28], $0x80, v5, vm0, $0xb8;
	[tilespmem:$0x1F500] =	vst v63  }
0x50: {  	s17 =	simm.s32 $0x3500  }
0x51: {  	[tilespmem:s17], [sflag:$0x1] =	stream.indirect_vreg.gather [hbm4b:s3+s28], $0x80, v5, vm1, $0xb8;
	[tilespmem:$0x1F500] =	vst v63  }
0x52: {  	s18 =	simm.s32 $0x3900  }
0x53: {  	[tilespmem:s18], [sflag:$0x1] =	stream.indirect_vreg.gather [hbm4b:s1+s28], $0x80, v4, vm0, $0xb8;
	[tilespmem:$0x1F500] =	vst v63  }
0x54: {  	s19 =	simm.s32 $0x4100  }
0x55: {  	[tilespmem:s19], [sflag:$0x1] =	stream.indirect_vreg.gather [hbm4b:s3+s28], $0x80, v4, vm1, $0xb8;
	[tilespmem:$0x1F500] =	vst v63  }
0x56: {  	v4 =	vld [tilespmem:$0x1020];
	_ =	sdelay $0x4  }
0x57: {  	v5 =	vshrl.u32 v4, $0x3  }
0x58: {  	v5 =	vmul.u32 $0x18, v5  }
0x59: {  	v4 =	vand.u32 $0x7, v4  }
0x5a: {  	v4 =	vor.u32 v4, v5  }
0x5b: {  	v5 =	vperm.xlane v4, v1;
	_ =	sdelay $0x1  }
0x5c: {  	v5 =	vadd.s32 v2, v5;
	_ =	sdelay $0x1  }
0x5d: {  	v4 =	vperm.xlane v4, v3;
	_ =	sdelay $0x1  }
0x5e: {  	s20 =	simm.s32 $0x4500;
	v4 =	vadd.s32 v2, v4  }
0x5f: {  	[tilespmem:s20], [sflag:$0x1] =	stream.indirect_vreg.gather [hbm4b:s1+s28], $0x80, v5, vm0, $0xb8;
	[tilespmem:$0x1F500] =	vst v63  }
0x60: {  	s21 =	simm.s32 $0x4D00  }
0x61: {  	[tilespmem:s21], [sflag:$0x1] =	stream.indirect_vreg.gather [hbm4b:s3+s28], $0x80, v5, vm1, $0xb8;
	[tilespmem:$0x1F500] =	vst v63  }
0x62: {  	s24 =	simm.s32 $0x5100  }
0x63: {  	[tilespmem:s24], [sflag:$0x1] =	stream.indirect_vreg.gather [hbm4b:s1+s28], $0x80, v4, vm0, $0xb8;
	[tilespmem:$0x1F500] =	vst v63  }
0x64: {  	s26 =	simm.s32 $0x5900  }
0x65: {  	[tilespmem:s26], [sflag:$0x1] =	stream.indirect_vreg.gather [hbm4b:s3+s28], $0x80, v4, vm1, $0xb8;
	[tilespmem:$0x1F500] =	vst v63  }
0x66: {  	v4 =	vld [tilespmem:$0x1030];
	_ =	sdelay $0x4  }
0x67: {  	v5 =	vshrl.u32 v4, $0x3  }
0x68: {  	v5 =	vmul.u32 $0x18, v5  }
0x69: {  	v4 =	vand.u32 $0x7, v4  }
0x6a: {  	v4 =	vor.u32 v4, v5  }
0x6b: {  	v5 =	vperm.xlane v4, v1;
	_ =	sdelay $0x1  }
0x6c: {  	v5 =	vadd.s32 v2, v5;
	_ =	sdelay $0x1  }
0x6d: {  	v4 =	vperm.xlane v4, v3;
	_ =	sdelay $0x1  }
0x6e: {  	s30 =	simm.s32 $0x5D00;
	v4 =	vadd.s32 v2, v4  }
0x6f: {  	[tilespmem:s30], [sflag:$0x1] =	stream.indirect_vreg.gather [hbm4b:s1+s28], $0x80, v5, vm0, $0xb8;
	[tilespmem:$0x1F500] =	vst v63  }
0x70: {  	s31 =	simm.s32 $0x6500  }
0x71: {  	[tilespmem:s31], [sflag:$0x1] =	stream.indirect_vreg.gather [hbm4b:s3+s28], $0x80, v5, vm1, $0xb8;
	[tilespmem:$0x1F500] =	vst v63  }
0x72: {  	s5 =	simm.s32 $0x6900  }
0x73: {  	[tilespmem:s5], [sflag:$0x1] =	stream.indirect_vreg.gather [hbm4b:s1+s28], $0x80, v4, vm0, $0xb8;
	[tilespmem:$0x1F500] =	vst v63  }
0x74: {  	s8 =	simm.s32 $0x7100  }
0x75: {  	[tilespmem:s8], [sflag:$0x1] =	stream.indirect_vreg.gather [hbm4b:s3+s28], $0x80, v4, vm1, $0xb8;
	[tilespmem:$0x1F500] =	vst v63  }
0x76: {  	v4 =	vld [tilespmem:$0x1040];
	_ =	sdelay $0x4  }
0x77: {  	v5 =	vshrl.u32 v4, $0x3  }
0x78: {  	v5 =	vmul.u32 $0x18, v5  }
0x79: {  	v4 =	vand.u32 $0x7, v4  }
0x7a: {  	v4 =	vor.u32 v4, v5  }
0x7b: {  	v5 =	vperm.xlane v4, v1;
	_ =	sdelay $0x1  }
0x7c: {  	v5 =	vadd.s32 v2, v5;
	_ =	sdelay $0x1  }
0x7d: {  	v4 =	vperm.xlane v4, v3;
	_ =	sdelay $0x1  }
0x7e: {  	s9 =	simm.s32 $0x7500;
	v4 =	vadd.s32 v2, v4  }
0x7f: {  	[tilespmem:s9], [sflag:$0x1] =	stream.indirect_vreg.gather [hbm4b:s1+s28], $0x80, v5, vm0, $0xb8;
	[tilespmem:$0x1F500] =	vst v63  }
0x80: {  	s10 =	simm.s32 $0x7D00  }
0x81: {  	[tilespmem:s10], [sflag:$0x1] =	stream.indirect_vreg.gather [hbm4b:s3+s28], $0x80, v5, vm1, $0xb8;
	[tilespmem:$0x1F500] =	vst v63  }
0x82: {  	s12 =	simm.s32 $0x8100  }
0x83: {  	[tilespmem:s12], [sflag:$0x1] =	stream.indirect_vreg.gather [hbm4b:s1+s28], $0x80, v4, vm0, $0xb8;
	[tilespmem:$0x1F500] =	vst v63  }
0x84: {  	s13 =	simm.s32 $0x8900  }
0x85: {  	[tilespmem:s13], [sflag:$0x1] =	stream.indirect_vreg.gather [hbm4b:s3+s28], $0x80, v4, vm1, $0xb8;
	[tilespmem:$0x1F500] =	vst v63  }
0x86: {  	v4 =	vld [tilespmem:$0x1050];
	_ =	sdelay $0x4  }
0x87: {  	v5 =	vshrl.u32 v4, $0x3  }
0x88: {  	v5 =	vmul.u32 $0x18, v5  }
0x89: {  	v4 =	vand.u32 $0x7, v4  }
0x8a: {  	v4 =	vor.u32 v4, v5  }
0x8b: {  	v5 =	vperm.xlane v4, v1;
	_ =	sdelay $0x1  }
0x8c: {  	v5 =	vadd.s32 v2, v5;
	_ =	sdelay $0x1  }
0x8d: {  	v4 =	vperm.xlane v4, v3;
	_ =	sdelay $0x1  }
0x8e: {  	s14 =	simm.s32 $0x8D00;
	v4 =	vadd.s32 v2, v4  }
0x8f: {  	[tilespmem:s14], [sflag:$0x1] =	stream.indirect_vreg.gather [hbm4b:s1+s28], $0x80, v5, vm0, $0xb8;
	[tilespmem:$0x1F500] =	vst v63  }
0x90: {  	s15 =	simm.s32 $0x9500  }
0x91: {  	[tilespmem:s15], [sflag:$0x1] =	stream.indirect_vreg.gather [hbm4b:s3+s28], $0x80, v5, vm1, $0xb8;
	[tilespmem:$0x1F500] =	vst v63  }
0x92: {  	s16 =	simm.s32 $0x9900  }
0x93: {  	[tilespmem:s16], [sflag:$0x1] =	stream.indirect_vreg.gather [hbm4b:s1+s28], $0x80, v4, vm0, $0xb8;
	[tilespmem:$0x1F500] =	vst v63  }
0x94: {  	s17 =	simm.s32 $0xA100  }
0x95: {  	[tilespmem:s17], [sflag:$0x1] =	stream.indirect_vreg.gather [hbm4b:s3+s28], $0x80, v4, vm1, $0xb8;
	[tilespmem:$0x1F500] =	vst v63  }
0x96: {  	v4 =	vld [tilespmem:$0x1060];
	_ =	sdelay $0x4  }
0x97: {  	v5 =	vshrl.u32 v4, $0x3  }
0x98: {  	v5 =	vmul.u32 $0x18, v5  }
0x99: {  	v4 =	vand.u32 $0x7, v4  }
0x9a: {  	v4 =	vor.u32 v4, v5  }
0x9b: {  	v5 =	vperm.xlane v4, v1;
	_ =	sdelay $0x1  }
0x9c: {  	v5 =	vadd.s32 v2, v5;
	_ =	sdelay $0x1  }
0x9d: {  	v4 =	vperm.xlane v4, v3;
	_ =	sdelay $0x1  }
0x9e: {  	s18 =	simm.s32 $0xA500;
	v4 =	vadd.s32 v2, v4  }
0x9f: {  	[tilespmem:s18], [sflag:$0x1] =	stream.indirect_vreg.gather [hbm4b:s1+s28], $0x80, v5, vm0, $0xb8;
	[tilespmem:$0x1F500] =	vst v63  }
0xa0: {  	s19 =	simm.s32 $0xAD00  }
0xa1: {  	[tilespmem:s19], [sflag:$0x1] =	stream.indirect_vreg.gather [hbm4b:s3+s28], $0x80, v5, vm1, $0xb8;
	[tilespmem:$0x1F500] =	vst v63  }
0xa2: {  	s20 =	simm.s32 $0xB100  }
0xa3: {  	[tilespmem:s20], [sflag:$0x1] =	stream.indirect_vreg.gather [hbm4b:s1+s28], $0x80, v4, vm0, $0xb8;
	[tilespmem:$0x1F500] =	vst v63  }
0xa4: {  	s21 =	simm.s32 $0xB900  }
0xa5: {  	[tilespmem:s21], [sflag:$0x1] =	stream.indirect_vreg.gather [hbm4b:s3+s28], $0x80, v4, vm1, $0xb8;
	[tilespmem:$0x1F500] =	vst v63  }
0xa6: {  	v4 =	vld [tilespmem:$0x1070];
	_ =	sdelay $0x4  }
0xa7: {  	v5 =	vshrl.u32 v4, $0x3  }
0xa8: {  	v5 =	vmul.u32 $0x18, v5  }
0xa9: {  	v4 =	vand.u32 $0x7, v4  }
0xaa: {  	v4 =	vor.u32 v4, v5  }
0xab: {  	v5 =	vperm.xlane v4, v1;
	_ =	sdelay $0x1  }
0xac: {  	v5 =	vadd.s32 v2, v5;
	_ =	sdelay $0x1  }
0xad: {  	v4 =	vperm.xlane v4, v3;
	_ =	sdelay $0x1  }
0xae: {  	s24 =	simm.s32 $0xBD00;
	v4 =	vadd.s32 v2, v4  }
0xaf: {  	[tilespmem:s24], [sflag:$0x1] =	stream.indirect_vreg.gather [hbm4b:s1+s28], $0x80, v5, vm0, $0xb8;
	[tilespmem:$0x1F500] =	vst v63  }
0xb0: {  	s26 =	simm.s32 $0xC500  }
0xb1: {  	[tilespmem:s26], [sflag:$0x1] =	stream.indirect_vreg.gather [hbm4b:s3+s28], $0x80, v5, vm1, $0xb8;
	[tilespmem:$0x1F500] =	vst v63  }
0xb2: {  	s30 =	simm.s32 $0xC900  }
0xb3: {  	[tilespmem:s30], [sflag:$0x1] =	stream.indirect_vreg.gather [hbm4b:s1+s28], $0x80, v4, vm0, $0xb8;
	[tilespmem:$0x1F500] =	vst v63  }
0xb4: {  	s31 =	simm.s32 $0xD100;
	s5 =	simm.s32 $0x0  }
0xb5: {  	[tilespmem:s31], [sflag:$0x1] =	stream.indirect_vreg.gather [hbm4b:s3+s28], $0x80, v4, vm1, $0xb8;
	[tilespmem:$0x1F500] =	vst v63  }
.LBB2_2:
0xb6: {  	v4 =	vld [tilespmem:$0x1080];
	_ =	sdelay $0x4  }
0xb7: {  	v5 =	vshrl.u32 v4, $0x3  }
0xb8: {  	v5 =	vmul.u32 $0x18, v5  }
0xb9: {  	v4 =	vand.u32 $0x7, v4  }
0xba: {  	v4 =	vor.u32 v4, v5  }
0xbb: {  	v5 =	vperm.xlane v4, v1;
	_ =	sdelay $0x1  }
0xbc: {  	v5 =	vadd.s32 v2, v5;
	_ =	sdelay $0x1  }
0xbd: {  	v4 =	vperm.xlane v4, v3;
	_ =	sdelay $0x1  }
0xbe: {  	s1 =	rddreg [dreg:$0x0];
	s3 =	simm.s32 $0xD500;
	v4 =	vadd.s32 v2, v4  }
0xbf: {  	[tilespmem:s3], [sflag:$0x2] =	stream.indirect_vreg.gather [hbm4b:s1+s28], $0x80, v5, vm0, $0xb8;
	[tilespmem:$0x1F500] =	vst v63  }
0xc0: {  	s4 =	simm.s32 $0xDD00;
	s3 =	rddreg [dreg:$0x7]  }
0xc1: {  	[tilespmem:s4], [sflag:$0x2] =	stream.indirect_vreg.gather [hbm4b:s3+s28], $0x80, v5, vm1, $0xb8;
	[tilespmem:$0x1F500] =	vst v63  }
0xc2: {  	s10 =	simm.s32 $0xE100  }
0xc3: {  	[tilespmem:s10], [sflag:$0x2] =	stream.indirect_vreg.gather [hbm4b:s1+s28], $0x80, v4, vm0, $0xb8;
	[tilespmem:$0x1F500] =	vst v63  }
0xc4: {  	s12 =	simm.s32 $0xE900  }
0xc5: {  	[tilespmem:s12], [sflag:$0x2] =	stream.indirect_vreg.gather [hbm4b:s3+s28], $0x80, v4, vm1, $0xb8;
	[tilespmem:$0x1F500] =	vst v63  }
0xc6: {  	v4 =	vld [tilespmem:$0x1090];
	_ =	sdelay $0x4  }
0xc7: {  	v5 =	vshrl.u32 v4, $0x3  }
0xc8: {  	v5 =	vmul.u32 $0x18, v5  }
0xc9: {  	v4 =	vand.u32 $0x7, v4  }
0xca: {  	v4 =	vor.u32 v4, v5  }
0xcb: {  	v5 =	vperm.xlane v4, v1;
	_ =	sdelay $0x1  }
0xcc: {  	v5 =	vadd.s32 v2, v5;
	_ =	sdelay $0x1  }
0xcd: {  	v4 =	vperm.xlane v4, v3;
	_ =	sdelay $0x1  }
0xce: {  	s13 =	simm.s32 $0xED00;
	v4 =	vadd.s32 v2, v4  }
0xcf: {  	[tilespmem:s13], [sflag:$0x2] =	stream.indirect_vreg.gather [hbm4b:s1+s28], $0x80, v5, vm0, $0xb8;
	[tilespmem:$0x1F500] =	vst v63  }
0xd0: {  	s14 =	simm.s32 $0xF500  }
0xd1: {  	[tilespmem:s14], [sflag:$0x2] =	stream.indirect_vreg.gather [hbm4b:s3+s28], $0x80, v5, vm1, $0xb8;
	[tilespmem:$0x1F500] =	vst v63  }
0xd2: {  	s15 =	simm.s32 $0xF900  }
0xd3: {  	[tilespmem:s15], [sflag:$0x2] =	stream.indirect_vreg.gather [hbm4b:s1+s28], $0x80, v4, vm0, $0xb8;
	[tilespmem:$0x1F500] =	vst v63  }
0xd4: {  	s16 =	simm.s32 $0x10100  }
0xd5: {  	[tilespmem:s16], [sflag:$0x2] =	stream.indirect_vreg.gather [hbm4b:s3+s28], $0x80, v4, vm1, $0xb8;
	[tilespmem:$0x1F500] =	vst v63  }
0xd6: {  	v4 =	vld [tilespmem:$0x10A0];
	_ =	sdelay $0x4  }
0xd7: {  	v5 =	vshrl.u32 v4, $0x3  }
0xd8: {  	v5 =	vmul.u32 $0x18, v5  }
0xd9: {  	v4 =	vand.u32 $0x7, v4  }
0xda: {  	v4 =	vor.u32 v4, v5  }
0xdb: {  	v5 =	vperm.xlane v4, v1;
	_ =	sdelay $0x1  }
0xdc: {  	v5 =	vadd.s32 v2, v5;
	_ =	sdelay $0x1  }
0xdd: {  	v4 =	vperm.xlane v4, v3;
	_ =	sdelay $0x1  }
0xde: {  	s17 =	simm.s32 $0x10500;
	v4 =	vadd.s32 v2, v4  }
0xdf: {  	[tilespmem:s17], [sflag:$0x2] =	stream.indirect_vreg.gather [hbm4b:s1+s28], $0x80, v5, vm0, $0xb8;
	[tilespmem:$0x1F500] =	vst v63  }
0xe0: {  	s18 =	simm.s32 $0x10D00  }
0xe1: {  	[tilespmem:s18], [sflag:$0x2] =	stream.indirect_vreg.gather [hbm4b:s3+s28], $0x80, v5, vm1, $0xb8;
	[tilespmem:$0x1F500] =	vst v63  }
0xe2: {  	s19 =	simm.s32 $0x11100  }
0xe3: {  	[tilespmem:s19], [sflag:$0x2] =	stream.indirect_vreg.gather [hbm4b:s1+s28], $0x80, v4, vm0, $0xb8;
	[tilespmem:$0x1F500] =	vst v63  }
0xe4: {  	s20 =	simm.s32 $0x11900  }
0xe5: {  	[tilespmem:s20], [sflag:$0x2] =	stream.indirect_vreg.gather [hbm4b:s3+s28], $0x80, v4, vm1, $0xb8;
	[tilespmem:$0x1F500] =	vst v63  }
0xe6: {  	v4 =	vld [tilespmem:$0x10B0];
	_ =	sdelay $0x4  }
0xe7: {  	v5 =	vshrl.u32 v4, $0x3  }
0xe8: {  	v5 =	vmul.u32 $0x18, v5  }
0xe9: {  	v4 =	vand.u32 $0x7, v4  }
0xea: {  	v4 =	vor.u32 v4, v5  }
0xeb: {  	v5 =	vperm.xlane v4, v1;
	_ =	sdelay $0x1  }
0xec: {  	v5 =	vadd.s32 v2, v5;
	_ =	sdelay $0x1  }
0xed: {  	v4 =	vperm.xlane v4, v3;
	_ =	sdelay $0x1  }
0xee: {  	s21 =	simm.s32 $0x11D00;
	v4 =	vadd.s32 v2, v4  }
0xef: {  	[tilespmem:s21], [sflag:$0x2] =	stream.indirect_vreg.gather [hbm4b:s1+s28], $0x80, v5, vm0, $0xb8;
	[tilespmem:$0x1F500] =	vst v63  }
0xf0: {  	s24 =	simm.s32 $0x12500  }
0xf1: {  	[tilespmem:s24], [sflag:$0x2] =	stream.indirect_vreg.gather [hbm4b:s3+s28], $0x80, v5, vm1, $0xb8;
	[tilespmem:$0x1F500] =	vst v63  }
0xf2: {  	s26 =	simm.s32 $0x12900  }
0xf3: {  	[tilespmem:s26], [sflag:$0x2] =	stream.indirect_vreg.gather [hbm4b:s1+s28], $0x80, v4, vm0, $0xb8;
	[tilespmem:$0x1F500] =	vst v63  }
0xf4: {  	s30 =	simm.s32 $0x13100  }
0xf5: {  	[tilespmem:s30], [sflag:$0x2] =	stream.indirect_vreg.gather [hbm4b:s3+s28], $0x80, v4, vm1, $0xb8;
	[tilespmem:$0x1F500] =	vst v63  }
0xf6: {  	v4 =	vld [tilespmem:$0x10C0];
	_ =	sdelay $0x4  }
0xf7: {  	v5 =	vshrl.u32 v4, $0x3  }
0xf8: {  	v5 =	vmul.u32 $0x18, v5  }
0xf9: {  	v4 =	vand.u32 $0x7, v4  }
0xfa: {  	v4 =	vor.u32 v4, v5  }
0xfb: {  	v5 =	vperm.xlane v4, v1;
	_ =	sdelay $0x1  }
0xfc: {  	v5 =	vadd.s32 v2, v5;
	_ =	sdelay $0x1  }
0xfd: {  	v4 =	vperm.xlane v4, v3;
	_ =	sdelay $0x1  }
0xfe: {  	s31 =	simm.s32 $0x13500;
	v4 =	vadd.s32 v2, v4  }
0xff: {  	[tilespmem:s31], [sflag:$0x2] =	stream.indirect_vreg.gather [hbm4b:s1+s28], $0x80, v5, vm0, $0xb8;
	[tilespmem:$0x1F500] =	vst v63  }
0x100: {  	s8 =	simm.s32 $0x13D00  }
0x101: {  	[tilespmem:s8], [sflag:$0x2] =	stream.indirect_vreg.gather [hbm4b:s3+s28], $0x80, v5, vm1, $0xb8;
	[tilespmem:$0x1F500] =	vst v63  }
0x102: {  	s9 =	simm.s32 $0x14100  }
0x103: {  	[tilespmem:s9], [sflag:$0x2] =	stream.indirect_vreg.gather [hbm4b:s1+s28], $0x80, v4, vm0, $0xb8;
	[tilespmem:$0x1F500] =	vst v63  }
0x104: {  	s10 =	simm.s32 $0x14900  }
0x105: {  	[tilespmem:s10], [sflag:$0x2] =	stream.indirect_vreg.gather [hbm4b:s3+s28], $0x80, v4, vm1, $0xb8;
	[tilespmem:$0x1F500] =	vst v63  }
0x106: {  	v4 =	vld [tilespmem:$0x10D0];
	_ =	sdelay $0x4  }
0x107: {  	v5 =	vshrl.u32 v4, $0x3  }
0x108: {  	v5 =	vmul.u32 $0x18, v5  }
0x109: {  	v4 =	vand.u32 $0x7, v4  }
0x10a: {  	v4 =	vor.u32 v4, v5  }
0x10b: {  	v5 =	vperm.xlane v4, v1;
	_ =	sdelay $0x1  }
0x10c: {  	v5 =	vadd.s32 v2, v5;
	_ =	sdelay $0x1  }
0x10d: {  	v4 =	vperm.xlane v4, v3;
	_ =	sdelay $0x1  }
0x10e: {  	s12 =	simm.s32 $0x14D00;
	v4 =	vadd.s32 v2, v4  }
0x10f: {  	[tilespmem:s12], [sflag:$0x2] =	stream.indirect_vreg.gather [hbm4b:s1+s28], $0x80, v5, vm0, $0xb8;
	[tilespmem:$0x1F500] =	vst v63  }
0x110: {  	s13 =	simm.s32 $0x15500  }
0x111: {  	[tilespmem:s13], [sflag:$0x2] =	stream.indirect_vreg.gather [hbm4b:s3+s28], $0x80, v5, vm1, $0xb8;
	[tilespmem:$0x1F500] =	vst v63  }
0x112: {  	s14 =	simm.s32 $0x15900  }
0x113: {  	[tilespmem:s14], [sflag:$0x2] =	stream.indirect_vreg.gather [hbm4b:s1+s28], $0x80, v4, vm0, $0xb8;
	[tilespmem:$0x1F500] =	vst v63  }
0x114: {  	s15 =	simm.s32 $0x16100  }
0x115: {  	[tilespmem:s15], [sflag:$0x2] =	stream.indirect_vreg.gather [hbm4b:s3+s28], $0x80, v4, vm1, $0xb8;
	[tilespmem:$0x1F500] =	vst v63  }
0x116: {  	v4 =	vld [tilespmem:$0x10E0];
	_ =	sdelay $0x4  }
0x117: {  	v5 =	vshrl.u32 v4, $0x3  }
0x118: {  	v5 =	vmul.u32 $0x18, v5  }
0x119: {  	v4 =	vand.u32 $0x7, v4  }
0x11a: {  	v4 =	vor.u32 v4, v5  }
0x11b: {  	v5 =	vperm.xlane v4, v1;
	_ =	sdelay $0x1  }
0x11c: {  	v5 =	vadd.s32 v2, v5;
	_ =	sdelay $0x1  }
0x11d: {  	v4 =	vperm.xlane v4, v3;
	_ =	sdelay $0x1  }
0x11e: {  	s16 =	simm.s32 $0x16500;
	v4 =	vadd.s32 v2, v4  }
0x11f: {  	[tilespmem:s16], [sflag:$0x2] =	stream.indirect_vreg.gather [hbm4b:s1+s28], $0x80, v5, vm0, $0xb8;
	[tilespmem:$0x1F500] =	vst v63  }
0x120: {  	s17 =	simm.s32 $0x16D00  }
0x121: {  	[tilespmem:s17], [sflag:$0x2] =	stream.indirect_vreg.gather [hbm4b:s3+s28], $0x80, v5, vm1, $0xb8;
	[tilespmem:$0x1F500] =	vst v63  }
0x122: {  	s18 =	simm.s32 $0x17100  }
0x123: {  	[tilespmem:s18], [sflag:$0x2] =	stream.indirect_vreg.gather [hbm4b:s1+s28], $0x80, v4, vm0, $0xb8;
	[tilespmem:$0x1F500] =	vst v63  }
0x124: {  	s19 =	simm.s32 $0x17900  }
0x125: {  	[tilespmem:s19], [sflag:$0x2] =	stream.indirect_vreg.gather [hbm4b:s3+s28], $0x80, v4, vm1, $0xb8;
	[tilespmem:$0x1F500] =	vst v63  }
0x126: {  	v4 =	vld [tilespmem:$0x10F0];
	_ =	sdelay $0x4  }
0x127: {  	v5 =	vshrl.u32 v4, $0x3  }
0x128: {  	v5 =	vmul.u32 $0x18, v5  }
0x129: {  	v4 =	vand.u32 $0x7, v4  }
0x12a: {  	v4 =	vor.u32 v4, v5  }
0x12b: {  	v5 =	vperm.xlane v4, v1;
	_ =	sdelay $0x1  }
0x12c: {  	v5 =	vadd.s32 v2, v5;
	_ =	sdelay $0x1  }
0x12d: {  	v4 =	vperm.xlane v4, v3;
	_ =	sdelay $0x1  }
0x12e: {  	s20 =	simm.s32 $0x17D00;
	v4 =	vadd.s32 v2, v4  }
0x12f: {  	[tilespmem:s20], [sflag:$0x2] =	stream.indirect_vreg.gather [hbm4b:s1+s28], $0x80, v5, vm0, $0xb8;
	[tilespmem:$0x1F500] =	vst v63  }
0x130: {  	s21 =	simm.s32 $0x18500  }
0x131: {  	[tilespmem:s21], [sflag:$0x2] =	stream.indirect_vreg.gather [hbm4b:s3+s28], $0x80, v5, vm1, $0xb8;
	[tilespmem:$0x1F500] =	vst v63  }
0x132: {  	s24 =	simm.s32 $0x18900  }
0x133: {  	[tilespmem:s24], [sflag:$0x2] =	stream.indirect_vreg.gather [hbm4b:s1+s28], $0x80, v4, vm0, $0xb8;
	[tilespmem:$0x1F500] =	vst v63  }
0x134: {  	s26 =	simm.s32 $0x19100;
	s30 =	simm.s32 $0x1  }
0x135: {  	[tilespmem:s26], [sflag:$0x2] =	stream.indirect_vreg.gather [hbm4b:s3+s28], $0x80, v4, vm1, $0xb8;
	[tilespmem:$0x1F500] =	vst v63  }
0x136: {  	_ =	swait.ge [sflag:s30], $0xC000  }
0x137: {  	p0 =	seq.s32 s5, $0x0;
	[sflag:s30] =	ssyncset.done $0x0  }
0x138: {  	s1 =	simm.s32 @!p0 $0x3;
	[sflag:s30] =	ssyncadd.s32 $0xFFFF4000  }
0x139: {  	s31 =	sshll.u32 s5, $0x1;
	_ =	swait.ge @!p0 [sflag:s1], $0x3000  }
0x13a: {  	s12 =	simm.s32 $0x0;
	[dreg:$0xa] =	wrdreg s5;
	[sflag:s1] =	ssyncset.done @!p0 $0x0  }
0x13b: {  	s13 =	simm.s32 $0x0;
	[dreg:$0xb] =	wrdreg s31;
	[sflag:s1] =	ssyncadd.s32 @!p0 $0xFFFFD000  }
.LBB2_3:
0x13c: {  	s1 =	sshrl.u32 s13, $0x3  }
0x13d: {  	s24 =	smul.u32 $0xC00, s1  }
0x13e: {  	s5 =	sand.u32 $0x200, s12  }
0x13f: {  	s14 =	sor.u32 s5, s24  }
0x140: {  	v8 =	vld [tilespmem:s14+$0x1500]  }
0x141: {  	v9 =	vld [tilespmem:s14+$0x4500]  }
0x142: {  	v10 =	vld [tilespmem:s14+$0x7500]  }
0x143: {  	v11 =	vld [tilespmem:s14+$0xA500]  }
0x144: {  	v12 =	vld [tilespmem:s14+$0x1510]  }
0x145: {  	v13 =	vld [tilespmem:s14+$0x4510]  }
0x146: {  	v14 =	vld [tilespmem:s14+$0x7510]  }
0x147: {  	v4 =	vmov s13;
	v15 =	vld [tilespmem:s14+$0xA510]  }
0x148: {  	v4 =	vand.u32 $0xFFFFFFFC, v4;
	v16 =	vld [tilespmem:s14+$0x1520]  }
0x149: {  	v7 =	vbroadcast v4, $0x0;
	v17 =	vld [tilespmem:s14+$0x4520]  }
0x14a: {  	v18 =	vld [tilespmem:s14+$0x7520]  }
0x14b: {  	v19 =	vld [tilespmem:s14+$0xA520]  }
0x14c: {  	v21 =	vld [tilespmem:s14+$0x4530]  }
0x14d: {  	v23 =	vld [tilespmem:s14+$0xA530]  }
0x14e: {  	v25 =	vld [tilespmem:s14+$0x4540]  }
0x14f: {  	v4 =	vld.idx.msk [tilespmem:v7+s22+$0x0], $0xffff  }
0x150: {  	v5 =	vld.idx.msk [tilespmem:v7+s23+$0x0], $0xffff  }
0x151: {  	v6 =	vld.idx.msk [tilespmem:v7+s25+$0x0], $0xffff  }
0x152: {  	v7 =	vld.idx.msk [tilespmem:v7+s7+$0x0], $0xffff  }
0x153: {  	v26 =	vld [tilespmem:s14+$0x7540]  }
0x154: {  	v27 =	vld [tilespmem:s14+$0xA540]  }
0x155: {  	v28 =	vld [tilespmem:s14+$0x1550];
	v8 =	vmul.f32 v8, v4  }
0x156: {  	v35 =	vld [tilespmem:s14+$0x4550];
	v9 =	vmul.f32 v9, v5;
	v10 =	vmul.f32 v10, v6  }
0x157: {  	v38 =	vld [tilespmem:s14+$0x7550];
	v11 =	vmul.f32 v11, v7;
	v33 =	vmul.f32 v12, v4  }
0x158: {  	v41 =	vld [tilespmem:s14+$0xA550];
	v34 =	vmul.f32 v13, v5;
	v36 =	vmul.f32 v14, v6  }
0x159: {  	v44 =	vld [tilespmem:s14+$0x1560];
	v37 =	vmul.f32 v15, v7;
	v39 =	vmul.f32 v16, v4  }
0x15a: {  	v47 =	vld [tilespmem:s14+$0x4560];
	v40 =	vmul.f32 v17, v5;
	v42 =	vmul.f32 v18, v6  }
0x15b: {  	v50 =	vld [tilespmem:s14+$0x7560];
	v43 =	vmul.f32 v19, v7;
	v46 =	vmul.f32 v21, v5  }
0x15c: {  	v51 =	vld [tilespmem:s14+$0xA560];
	v49 =	vmul.f32 v23, v7;
	v54 =	vmul.f32 v25, v5  }
0x15d: {  	v52 =	vld [tilespmem:s14+$0x1570];
	v56 =	vmul.f32 v26, v6;
	v57 =	vmul.f32 v27, v7  }
0x15e: {  	v55 =	vld [tilespmem:s14+$0x4570];
	v59 =	vmul.f32 v28, v4;
	v13 =	vmul.f32 v35, v5  }
0x15f: {  	v58 =	vld [tilespmem:s14+$0x7570];
	v15 =	vmul.f32 v38, v6;
	v17 =	vmul.f32 v41, v7  }
0x160: {  	v60 =	vld [tilespmem:s14+$0xA570];
	v19 =	vmul.f32 v44, v4;
	v61 =	vmul.f32 v47, v5  }
0x161: {  	v20 =	vld [tilespmem:s14+$0x1530];
	v62 =	vmul.f32 v50, v6;
	v16 =	vmul.f32 v51, v7;
	v8 =	vadd.f32 v9, v8  }
0x162: {  	v22 =	vld [tilespmem:s14+$0x7530];
	v21 =	vmul.f32 v52, v4;
	v10 =	vadd.f32 v11, v10;
	v9 =	vadd.f32 v34, v33  }
0x163: {  	v24 =	vld [tilespmem:s14+$0x1540];
	v23 =	vmul.f32 v55, v5;
	v11 =	vadd.f32 v37, v36;
	v12 =	vadd.f32 v40, v39  }
0x164: {  	v25 =	vmul.f32 v58, v6;
	v14 =	vadd.f32 v43, v42;
	v13 =	vadd.f32 v13, v59  }
0x165: {  	v26 =	vmul.f32 v60, v7;
	v15 =	vadd.f32 v17, v15;
	v27 =	vadd.f32 v61, v19  }
0x166: {  	v45 =	vmul.f32 v20, v4;
	v16 =	vadd.f32 v16, v62;
	v28 =	vadd.f32 v23, v21  }
0x167: {  	v48 =	vmul.f32 v22, v6;
	v29 =	vadd.f32 v26, v25;
	v8 =	vadd.f32 v10, v8  }
0x168: {  	v53 =	vmul.f32 v24, v4;
	v9 =	vadd.f32 v11, v9;
	v10 =	vadd.f32 v46, v45  }
0x169: {  	v11 =	vadd.f32 v49, v48;
	v12 =	vadd.f32 v14, v12;
	[tilespmem:s14+$0x19500] =	vst v8  }
0x16a: {  	v14 =	vadd.f32 v54, v53;
	v24 =	vadd.f32 v15, v13;
	[tilespmem:s14+$0x19510] =	vst v9  }
0x16b: {  	v30 =	vadd.f32 v16, v27;
	v31 =	vadd.f32 v29, v28;
	[tilespmem:s14+$0x19520] =	vst v12  }
0x16c: {  	v10 =	vadd.f32 v11, v10;
	v11 =	vadd.f32 v57, v56;
	[tilespmem:s14+$0x19550] =	vst v24  }
0x16d: {  	[tilespmem:s14+$0x19560] =	vst v30  }
0x16e: {  	v32 =	vld [tilespmem:s14+$0x4900];
	[tilespmem:s14+$0x19570] =	vst v31;
	v63 =	vadd.f32 v11, v14  }
0x16f: {  	s10 =	sadd.s32 $0x400, s24;
	v33 =	vld [tilespmem:s14+$0x7900];
	[tilespmem:s14+$0x19530] =	vst v10  }
0x170: {  	s31 =	sor.u32 s5, s10;
	v34 =	vld [tilespmem:s14+$0xA900];
	[tilespmem:s14+$0x19540] =	vst v63  }
0x171: {  	v8 =	vld [tilespmem:s31+$0x1500];
	_ =	sdelay $0x3  }
0x172: {  	v9 =	vmul.f32 v32, v5;
	v10 =	vmul.f32 v33, v6  }
0x173: {  	v11 =	vmul.f32 v34, v7;
	v8 =	vmul.f32 v8, v4;
	_ =	sdelay $0x1  }
0x174: {  	v35 =	vadd.f32 v11, v10;
	v8 =	vadd.f32 v9, v8  }
0x175: {  	s15 =	sadd.s32 $0x1, s13;
	s16 =	sadd.s32 $0x80, s12;
	s3 =	sadd.s32 $0x21, s13  }
0x176: {  	s4 =	sadd.s32 $0x1080, s12;
	s17 =	sadd.s32 $0x41, s13;
	s8 =	sadd.s32 $0x2, s13;
	v8 =	vadd.f32 v35, v8  }
0x177: {  	s9 =	sadd.s32 $0x61, s13;
	s19 =	sadd.s32 $0x2080, s12;
	s3 =	sshrl.u32 s3, $0x3  }
0x178: {  	s21 =	sadd.s32 $0x3080, s12;
	s18 =	sshrl.u32 s9, $0x3;
	s3 =	smul.u32 $0x3000, s3;
	v36 =	vld [tilespmem:s31+$0x1510];
	[tilespmem:s31+$0x19500] =	vst v8  }
0x179: {  	s30 =	sand.u32 $0x280, s16;
	s20 =	smul.u32 $0x3000, s18;
	s7 =	sshrl.u32 s17, $0x3;
	v37 =	vld [tilespmem:s14+$0x4910]  }
0x17a: {  	s4 =	sand.u32 $0x280, s4;
	s9 =	sadd.s32 $0x100, s12;
	s7 =	smul.u32 $0x3000, s7;
	v38 =	vld [tilespmem:s14+$0x7910]  }
0x17b: {  	s18 =	sadd.s32 $0x22, s13;
	s1 =	sor.u32 s24, s30;
	s3 =	sshra.s32 s3, $0x2;
	v39 =	vld [tilespmem:s14+$0xA910]  }
0x17c: {  	s7 =	sshra.s32 s7, $0x2;
	v46 =	vmov s15;
	s15 =	sor.u32 s4, s3;
	s3 =	sand.u32 $0x280, s19  }
0x17d: {  	v53 =	vmov s8;
	s8 =	sand.u32 $0x280, s21;
	s4 =	sshra.s32 s20, $0x2;
	s19 =	sshrl.u32 s18, $0x3  }
0x17e: {  	v55 =	vld [tilespmem:s1+$0x1500];
	s20 =	sadd.s32 $0x1100, s12;
	s21 =	sadd.s32 $0x42, s13;
	s18 =	sadd.s32 $0x62, s13  }
0x17f: {  	v59 =	vld [tilespmem:s1+$0x1510];
	s16 =	sor.u32 s3, s7;
	s17 =	sor.u32 s8, s4;
	s7 =	sand.u32 $0x300, s9;
	v8 =	vmul.f32 v36, v4;
	v9 =	vmul.f32 v37, v5  }
0x180: {  	s3 =	smul.u32 $0x3000, s19;
	s8 =	sand.u32 $0x300, s20;
	s9 =	sshrl.u32 s21, $0x3;
	v56 =	vld [tilespmem:s15+$0x1500];
	v10 =	vmul.f32 v38, v6;
	v11 =	vmul.f32 v39, v7  }
0x181: {  	s19 =	sadd.s32 $0x2100, s12;
	s18 =	sshrl.u32 s18, $0x3;
	v57 =	vld [tilespmem:s16+$0x1500];
	s9 =	smul.u32 $0x3000, s9  }
0x182: {  	s20 =	sadd.s32 $0x3, s13;
	v58 =	vld [tilespmem:s17+$0x1500];
	s4 =	sor.u32 s24, s7;
	s3 =	sshra.s32 s3, $0x2;
	v8 =	vadd.f32 v9, v8;
	v40 =	vadd.f32 v11, v10  }
0x183: {  	s19 =	sand.u32 $0x300, s19;
	v60 =	vmov s20;
	v61 =	vld [tilespmem:s4+$0x1500];
	s9 =	sshra.s32 s9, $0x2;
	s20 =	sor.u32 s8, s3  }
0x184: {  	s21 =	smul.u32 $0x3000, s18;
	s18 =	sor.u32 s19, s9;
	v62 =	vld [tilespmem:s20+$0x1500];
	v8 =	vadd.f32 v40, v8  }
0x185: {  	v29 =	vld [tilespmem:s18+$0x1500]  }
0x186: {  	v41 =	vld [tilespmem:s31+$0x1520];
	[tilespmem:s31+$0x19510] =	vst v8  }
0x187: {  	v42 =	vld [tilespmem:s14+$0x4920]  }
0x188: {  	v12 =	vand.u32 $0xFFFFFFFE, v53;
	v43 =	vld [tilespmem:s14+$0x7920]  }
0x189: {  	v54 =	vbroadcast v12, $0x0;
	v44 =	vld [tilespmem:s14+$0xA920]  }
0x18a: {  	v47 =	vand.u32 $0xFFFFFFFD, v46;
	v49 =	vld [tilespmem:s31+$0x1530]  }
0x18b: {  	v48 =	vbroadcast v47, $0x0;
	s9 =	sadd.s32 $0x3100, s12;
	v16 =	vld.idx.msk [tilespmem:v60+s22+$0x0], $0xffff  }
0x18c: {  	s19 =	sshra.s32 s21, $0x2;
	s3 =	sand.u32 $0x300, s9;
	v17 =	vld.idx.msk [tilespmem:v60+s23+$0x0], $0xffff  }
0x18d: {  	s19 =	sor.u32 s3, s19;
	v18 =	vld.idx.msk [tilespmem:v60+s25+$0x0], $0xffff;
	v8 =	vmul.f32 v41, v4;
	v9 =	vmul.f32 v42, v5  }
0x18e: {  	v30 =	vld [tilespmem:s19+$0x1500];
	v10 =	vmul.f32 v43, v6;
	v11 =	vmul.f32 v44, v7  }
0x18f: {  	v12 =	vld.idx.msk [tilespmem:v54+s22+$0x0], $0xffff  }
0x190: {  	v13 =	vld.idx.msk [tilespmem:v54+s23+$0x0], $0xffff;
	v8 =	vadd.f32 v9, v8;
	v45 =	vadd.f32 v11, v10  }
0x191: {  	s21 =	sadd.s32 $0x180, s12;
	v9 =	vld.idx.msk [tilespmem:v48+s23+$0x0], $0xffff  }
0x192: {  	s26 =	simm.s32 $0x1280;
	s3 =	sand.u32 $0x380, s21;
	s21 =	sadd.s32 $0x23, s13;
	v10 =	vld.idx.msk [tilespmem:v48+s25+$0x0], $0xffff;
	v8 =	vadd.f32 v45, v8  }
0x193: {  	s9 =	sshrl.u32 s21, $0x3;
	v11 =	vld.idx.msk [tilespmem:v48+s26+$0x0], $0xffff  }
0x194: {  	s9 =	smul.u32 $0x3000, s9;
	[tilespmem:s31+$0x19520] =	vst v8;
	v8 =	vld.idx.msk [tilespmem:v48+s22+$0x0], $0xffff  }
0x195: {  	s8 =	sor.u32 s24, s3;
	s21 =	sadd.s32 $0x1180, s12;
	v14 =	vld.idx.msk [tilespmem:v54+s25+$0x0], $0xffff  }
0x196: {  	v15 =	vld.idx.msk [tilespmem:v54+s26+$0x0], $0xffff;
	s21 =	sand.u32 $0x380, s21;
	s9 =	sshra.s32 s9, $0x2;
	s22 =	sadd.s32 $0x43, s13  }
0x197: {  	s21 =	sor.u32 s21, s9;
	v38 =	vld [tilespmem:s8+$0x1500];
	s23 =	sadd.s32 $0x63, s13;
	s22 =	sshrl.u32 s22, $0x3  }
0x198: {  	v39 =	vld [tilespmem:s21+$0x1500];
	s23 =	sshrl.u32 s23, $0x3;
	v33 =	vmul.f32 v57, v10;
	v19 =	vmul.f32 v58, v11;
	s22 =	smul.u32 $0x3000, s22  }
0x199: {  	s25 =	sadd.s32 $0x2180, s12;
	s23 =	smul.u32 $0x3000, s23;
	v50 =	vld [tilespmem:s14+$0x4930];
	v32 =	vmul.f32 v56, v9;
	v31 =	vmul.f32 v55, v8  }
0x19a: {  	s9 =	sand.u32 $0x380, s25;
	v63 =	vadd.f32 v19, v33;
	v19 =	vld.idx.msk [tilespmem:v60+s26+$0x0], $0xffff;
	s26 =	sadd.s32 $0x3180, s12;
	s22 =	sshra.s32 s22, $0x2  }
0x19b: {  	s23 =	sshra.s32 s23, $0x2;
	v51 =	vld [tilespmem:s14+$0x7930];
	s26 =	sand.u32 $0x380, s26;
	s22 =	sor.u32 s9, s22;
	v31 =	vadd.f32 v32, v31  }
0x19c: {  	v29 =	vmul.f32 v29, v14;
	v30 =	vmul.f32 v30, v15;
	s23 =	sor.u32 s26, s23;
	v40 =	vld [tilespmem:s22+$0x1500]  }
0x19d: {  	v36 =	vmul.f32 v61, v12;
	v37 =	vmul.f32 v62, v13;
	v42 =	vld [tilespmem:s23+$0x1500];
	v31 =	vadd.f32 v63, v31  }
0x19e: {  	v52 =	vld [tilespmem:s14+$0xA930]  }
0x19f: {  	v46 =	vld [tilespmem:s4+$0x1510];
	v26 =	vadd.f32 v37, v36;
	v41 =	vadd.f32 v30, v29;
	[tilespmem:s1+$0x19500] =	vst v31  }
0x1a0: {  	v21 =	vmul.f32 v49, v4;
	v47 =	vmul.f32 v38, v16;
	v43 =	vld [tilespmem:s15+$0x1510]  }
0x1a1: {  	v26 =	vadd.f32 v41, v26;
	v48 =	vmul.f32 v39, v17;
	v22 =	vmul.f32 v50, v5;
	v31 =	vld [tilespmem:s16+$0x1510]  }
0x1a2: {  	v50 =	vmul.f32 v40, v18;
	v29 =	vmul.f32 v42, v19;
	v45 =	vld [tilespmem:s17+$0x1510]  }
0x1a3: {  	v20 =	vld [tilespmem:s31+$0x1540];
	[tilespmem:s4+$0x19500] =	vst v26;
	v23 =	vmul.f32 v51, v6;
	v24 =	vmul.f32 v52, v7  }
0x1a4: {  	v49 =	vld [tilespmem:s20+$0x1510];
	v26 =	vadd.f32 v48, v47;
	v54 =	vadd.f32 v29, v50  }
0x1a5: {  	v53 =	vld [tilespmem:s19+$0x1510];
	v21 =	vadd.f32 v22, v21;
	v44 =	vadd.f32 v24, v23  }
0x1a6: {  	v58 =	vld [tilespmem:s1+$0x1520];
	v25 =	vmul.f32 v59, v8;
	v26 =	vadd.f32 v54, v26;
	v52 =	vmul.f32 v43, v9  }
0x1a7: {  	v51 =	vld [tilespmem:s18+$0x1510];
	v21 =	vadd.f32 v44, v21;
	v56 =	vmul.f32 v31, v10;
	v23 =	vmul.f32 v45, v11  }
0x1a8: {  	v59 =	vld [tilespmem:s8+$0x1510];
	[tilespmem:s8+$0x19500] =	vst v26  }
0x1a9: {  	[tilespmem:s31+$0x19530] =	vst v21;
	v62 =	vld [tilespmem:s21+$0x1510];
	v21 =	vadd.f32 v52, v25;
	v23 =	vadd.f32 v23, v56  }
0x1aa: {  	v63 =	vld [tilespmem:s22+$0x1510]  }
0x1ab: {  	v61 =	vmul.f32 v53, v15;
	v24 =	vmul.f32 v46, v12;
	v36 =	vld [tilespmem:s23+$0x1510];
	v21 =	vadd.f32 v23, v21  }
0x1ac: {  	v22 =	vmul.f32 v49, v13;
	v60 =	vmul.f32 v51, v14;
	v40 =	vld [tilespmem:s4+$0x1520]  }
0x1ad: {  	v55 =	vld [tilespmem:s14+$0x4940];
	[tilespmem:s1+$0x19510] =	vst v21  }
0x1ae: {  	v34 =	vadd.f32 v22, v24;
	v35 =	vadd.f32 v61, v60;
	v37 =	vld [tilespmem:s15+$0x1520]  }
0x1af: {  	v26 =	vmul.f32 v59, v16;
	v29 =	vmul.f32 v62, v17;
	v38 =	vld [tilespmem:s16+$0x1520]  }
0x1b0: {  	v21 =	vadd.f32 v35, v34;
	v30 =	vmul.f32 v63, v18;
	v23 =	vmul.f32 v36, v19;
	v39 =	vld [tilespmem:s17+$0x1520]  }
0x1b1: {  	v57 =	vld [tilespmem:s14+$0x7940]  }
0x1b2: {  	v44 =	vld [tilespmem:s14+$0xA940];
	[tilespmem:s4+$0x19510] =	vst v21;
	v26 =	vadd.f32 v29, v26;
	v23 =	vadd.f32 v23, v30  }
0x1b3: {  	v41 =	vld [tilespmem:s20+$0x1520]  }
0x1b4: {  	v25 =	vmul.f32 v58, v8;
	v42 =	vld [tilespmem:s18+$0x1520];
	v23 =	vadd.f32 v23, v26;
	v24 =	vmul.f32 v37, v9  }
0x1b5: {  	v43 =	vld [tilespmem:s19+$0x1520];
	v27 =	vmul.f32 v38, v10;
	v22 =	vmul.f32 v39, v11  }
0x1b6: {  	v20 =	vmul.f32 v20, v4;
	v47 =	vld [tilespmem:s8+$0x1520];
	[tilespmem:s8+$0x19510] =	vst v23  }
0x1b7: {  	v28 =	vmul.f32 v55, v5;
	v49 =	vld [tilespmem:s21+$0x1520];
	v24 =	vadd.f32 v24, v25;
	v22 =	vadd.f32 v22, v27  }
0x1b8: {  	v53 =	vmul.f32 v57, v6;
	v54 =	vmul.f32 v44, v7;
	v50 =	vld [tilespmem:s22+$0x1520]  }
0x1b9: {  	v21 =	vmul.f32 v40, v12;
	v52 =	vld [tilespmem:s23+$0x1520];
	v46 =	vmul.f32 v41, v13;
	v22 =	vadd.f32 v22, v24  }
0x1ba: {  	v45 =	vld [tilespmem:s1+$0x1530];
	v48 =	vmul.f32 v42, v14;
	v29 =	vmul.f32 v43, v15  }
0x1bb: {  	v59 =	vld [tilespmem:s4+$0x1530];
	v20 =	vadd.f32 v28, v20;
	v57 =	vadd.f32 v54, v53;
	[tilespmem:s1+$0x19520] =	vst v22  }
0x1bc: {  	v21 =	vadd.f32 v46, v21;
	v51 =	vadd.f32 v29, v48;
	v55 =	vld [tilespmem:s15+$0x1530]  }
0x1bd: {  	v20 =	vadd.f32 v57, v20;
	v23 =	vmul.f32 v47, v16;
	v60 =	vmul.f32 v49, v17;
	v56 =	vld [tilespmem:s16+$0x1530]  }
0x1be: {  	v21 =	vadd.f32 v51, v21;
	v62 =	vmul.f32 v50, v18;
	v24 =	vmul.f32 v52, v19;
	v58 =	vld [tilespmem:s17+$0x1530]  }
0x1bf: {  	v53 =	vld [tilespmem:s4+$0x1540];
	[tilespmem:s31+$0x19540] =	vst v20  }
0x1c0: {  	v57 =	vld [tilespmem:s14+$0xA950];
	[tilespmem:s4+$0x19520] =	vst v21;
	v23 =	vadd.f32 v60, v23;
	v24 =	vadd.f32 v24, v62  }
0x1c1: {  	v61 =	vld [tilespmem:s20+$0x1530]  }
0x1c2: {  	v25 =	vmul.f32 v45, v8;
	v63 =	vld [tilespmem:s18+$0x1530];
	v23 =	vadd.f32 v24, v23;
	v35 =	vmul.f32 v55, v9  }
0x1c3: {  	v36 =	vld [tilespmem:s19+$0x1530];
	v38 =	vmul.f32 v56, v10;
	v27 =	vmul.f32 v58, v11  }
0x1c4: {  	v42 =	vld [tilespmem:s8+$0x1530];
	[tilespmem:s8+$0x19520] =	vst v23  }
0x1c5: {  	v45 =	vld [tilespmem:s21+$0x1530];
	v20 =	vadd.f32 v35, v25;
	v40 =	vadd.f32 v27, v38  }
0x1c6: {  	v46 =	vld [tilespmem:s22+$0x1530]  }
0x1c7: {  	v21 =	vmul.f32 v59, v12;
	v49 =	vld [tilespmem:s23+$0x1530];
	v22 =	vmul.f32 v61, v13;
	v20 =	vadd.f32 v40, v20  }
0x1c8: {  	v26 =	vld [tilespmem:s31+$0x1550];
	v43 =	vmul.f32 v63, v14;
	v44 =	vmul.f32 v36, v15  }
0x1c9: {  	v41 =	vld [tilespmem:s1+$0x1540];
	[tilespmem:s1+$0x19530] =	vst v20  }
0x1ca: {  	v47 =	vadd.f32 v22, v21;
	v48 =	vadd.f32 v44, v43;
	v50 =	vld [tilespmem:s15+$0x1540]  }
0x1cb: {  	v23 =	vmul.f32 v42, v16;
	v29 =	vmul.f32 v45, v17;
	v51 =	vld [tilespmem:s16+$0x1540]  }
0x1cc: {  	v20 =	vadd.f32 v48, v47;
	v30 =	vmul.f32 v46, v18;
	v22 =	vmul.f32 v49, v19;
	v52 =	vld [tilespmem:s17+$0x1540]  }
0x1cd: {  	v37 =	vld [tilespmem:s14+$0x4950]  }
0x1ce: {  	v39 =	vld [tilespmem:s14+$0x7950];
	[tilespmem:s4+$0x19530] =	vst v20;
	v23 =	vadd.f32 v29, v23;
	v22 =	vadd.f32 v22, v30  }
0x1cf: {  	v54 =	vld [tilespmem:s20+$0x1540]  }
0x1d0: {  	v25 =	vmul.f32 v41, v8;
	v55 =	vld [tilespmem:s18+$0x1540];
	v22 =	vadd.f32 v22, v23;
	v24 =	vmul.f32 v50, v9  }
0x1d1: {  	v56 =	vld [tilespmem:s19+$0x1540];
	v27 =	vmul.f32 v51, v10;
	v21 =	vmul.f32 v52, v11  }
0x1d2: {  	v60 =	vld [tilespmem:s8+$0x1540];
	[tilespmem:s8+$0x19530] =	vst v22  }
0x1d3: {  	v62 =	vld [tilespmem:s21+$0x1540];
	v24 =	vadd.f32 v24, v25;
	v21 =	vadd.f32 v21, v27  }
0x1d4: {  	v28 =	vmul.f32 v37, v5;
	v63 =	vld [tilespmem:s22+$0x1540]  }
0x1d5: {  	v20 =	vmul.f32 v53, v12;
	v37 =	vld [tilespmem:s23+$0x1540];
	v59 =	vmul.f32 v54, v13;
	v21 =	vadd.f32 v21, v24  }
0x1d6: {  	v58 =	vld [tilespmem:s1+$0x1550];
	v61 =	vmul.f32 v55, v14;
	v29 =	vmul.f32 v56, v15  }
0x1d7: {  	v38 =	vmul.f32 v39, v6;
	v39 =	vmul.f32 v57, v7;
	v57 =	vld [tilespmem:s8+$0x1550];
	[tilespmem:s1+$0x19540] =	vst v21  }
0x1d8: {  	v20 =	vadd.f32 v59, v20;
	v36 =	vadd.f32 v29, v61;
	v40 =	vld [tilespmem:s15+$0x1550]  }
0x1d9: {  	v22 =	vmul.f32 v60, v16;
	v46 =	vmul.f32 v62, v17;
	v41 =	vld [tilespmem:s16+$0x1550]  }
0x1da: {  	v20 =	vadd.f32 v36, v20;
	v48 =	vmul.f32 v63, v18;
	v24 =	vmul.f32 v37, v19;
	v44 =	vld [tilespmem:s17+$0x1550]  }
0x1db: {  	v26 =	vmul.f32 v26, v4;
	v43 =	vadd.f32 v39, v38;
	v39 =	vld [tilespmem:s4+$0x1560]  }
0x1dc: {  	v45 =	vld [tilespmem:s4+$0x1550];
	[tilespmem:s4+$0x19540] =	vst v20;
	v22 =	vadd.f32 v46, v22;
	v24 =	vadd.f32 v24, v48  }
0x1dd: {  	v42 =	vadd.f32 v28, v26;
	v47 =	vld [tilespmem:s20+$0x1550]  }
0x1de: {  	v25 =	vmul.f32 v58, v8;
	v49 =	vld [tilespmem:s18+$0x1550];
	v22 =	vadd.f32 v24, v22;
	v50 =	vmul.f32 v40, v9  }
0x1df: {  	v21 =	vadd.f32 v43, v42;
	v51 =	vld [tilespmem:s19+$0x1550];
	v53 =	vmul.f32 v41, v10;
	v27 =	vmul.f32 v44, v11  }
0x1e0: {  	v23 =	vld [tilespmem:s31+$0x1560];
	[tilespmem:s8+$0x19540] =	vst v22  }
0x1e1: {  	[tilespmem:s31+$0x19550] =	vst v21;
	v60 =	vld [tilespmem:s21+$0x1550];
	v21 =	vadd.f32 v50, v25;
	v55 =	vadd.f32 v27, v53  }
0x1e2: {  	v61 =	vld [tilespmem:s22+$0x1550]  }
0x1e3: {  	v20 =	vmul.f32 v45, v12;
	v63 =	vld [tilespmem:s23+$0x1550];
	v26 =	vmul.f32 v47, v13;
	v21 =	vadd.f32 v55, v21  }
0x1e4: {  	v56 =	vld [tilespmem:s1+$0x1560];
	v58 =	vmul.f32 v49, v14;
	v59 =	vmul.f32 v51, v15  }
0x1e5: {  	v46 =	vld [tilespmem:s8+$0x1560];
	[tilespmem:s1+$0x19550] =	vst v21  }
0x1e6: {  	v20 =	vadd.f32 v26, v20;
	v62 =	vadd.f32 v59, v58;
	v36 =	vld [tilespmem:s15+$0x1560]  }
0x1e7: {  	v22 =	vmul.f32 v57, v16;
	v29 =	vmul.f32 v60, v17;
	v37 =	vld [tilespmem:s16+$0x1560]  }
0x1e8: {  	v20 =	vadd.f32 v62, v20;
	v30 =	vmul.f32 v61, v18;
	v24 =	vmul.f32 v63, v19;
	v38 =	vld [tilespmem:s17+$0x1560]  }
0x1e9: {  	v52 =	vld [tilespmem:s14+$0x4960]  }
0x1ea: {  	v54 =	vld [tilespmem:s14+$0x7960];
	[tilespmem:s4+$0x19550] =	vst v20;
	v22 =	vadd.f32 v29, v22;
	v24 =	vadd.f32 v24, v30  }
0x1eb: {  	v40 =	vld [tilespmem:s20+$0x1560]  }
0x1ec: {  	v25 =	vmul.f32 v56, v8;
	v41 =	vld [tilespmem:s18+$0x1560];
	v22 =	vadd.f32 v24, v22;
	v26 =	vmul.f32 v36, v9  }
0x1ed: {  	v42 =	vld [tilespmem:s19+$0x1560];
	v27 =	vmul.f32 v37, v10;
	v21 =	vmul.f32 v38, v11  }
0x1ee: {  	v43 =	vld [tilespmem:s14+$0xA960];
	[tilespmem:s8+$0x19550] =	vst v22  }
0x1ef: {  	v48 =	vld [tilespmem:s21+$0x1560];
	v25 =	vadd.f32 v26, v25;
	v21 =	vadd.f32 v21, v27  }
0x1f0: {  	v23 =	vmul.f32 v23, v4;
	v49 =	vld [tilespmem:s22+$0x1560]  }
0x1f1: {  	v20 =	vmul.f32 v39, v12;
	v51 =	vld [tilespmem:s23+$0x1560];
	v45 =	vmul.f32 v40, v13;
	v21 =	vadd.f32 v21, v25  }
0x1f2: {  	v44 =	vld [tilespmem:s1+$0x1570];
	v47 =	vmul.f32 v41, v14;
	v29 =	vmul.f32 v42, v15  }
0x1f3: {  	v28 =	vmul.f32 v52, v5;
	v52 =	vmul.f32 v54, v6;
	v59 =	vld [tilespmem:s4+$0x1570];
	[tilespmem:s1+$0x19560] =	vst v21  }
0x1f4: {  	v53 =	vmul.f32 v43, v7;
	v20 =	vadd.f32 v45, v20;
	v50 =	vadd.f32 v29, v47;
	v54 =	vld [tilespmem:s15+$0x1570]  }
0x1f5: {  	v22 =	vmul.f32 v46, v16;
	v60 =	vmul.f32 v48, v17;
	v55 =	vld [tilespmem:s16+$0x1570]  }
0x1f6: {  	v20 =	vadd.f32 v50, v20;
	v62 =	vmul.f32 v49, v18;
	v25 =	vmul.f32 v51, v19;
	v58 =	vld [tilespmem:s17+$0x1570]  }
0x1f7: {  	v56 =	vadd.f32 v28, v23;
	v57 =	vadd.f32 v53, v52;
	v24 =	vld [tilespmem:s31+$0x1570]  }
0x1f8: {  	v42 =	vld [tilespmem:s8+$0x1570];
	[tilespmem:s4+$0x19560] =	vst v20;
	v22 =	vadd.f32 v60, v22;
	v25 =	vadd.f32 v25, v62  }
0x1f9: {  	v21 =	vadd.f32 v57, v56;
	v61 =	vld [tilespmem:s20+$0x1570]  }
0x1fa: {  	v26 =	vmul.f32 v44, v8;
	v63 =	vld [tilespmem:s18+$0x1570];
	v22 =	vadd.f32 v25, v22;
	v35 =	vmul.f32 v54, v9  }
0x1fb: {  	[tilespmem:s31+$0x19560] =	vst v21;
	v36 =	vld [tilespmem:s19+$0x1570];
	v38 =	vmul.f32 v55, v10;
	v27 =	vmul.f32 v58, v11  }
0x1fc: {  	v37 =	vld [tilespmem:s14+$0x4970];
	[tilespmem:s8+$0x19560] =	vst v22  }
0x1fd: {  	v45 =	vld [tilespmem:s21+$0x1570];
	v21 =	vadd.f32 v35, v26;
	v41 =	vadd.f32 v27, v38  }
0x1fe: {  	v46 =	vld [tilespmem:s22+$0x1570]  }
0x1ff: {  	v20 =	vmul.f32 v59, v12;
	v48 =	vld [tilespmem:s23+$0x1570];
	v23 =	vmul.f32 v61, v13;
	v21 =	vadd.f32 v41, v21  }
0x200: {  	v39 =	vld [tilespmem:s14+$0x7970];
	v43 =	vmul.f32 v63, v14;
	v44 =	vmul.f32 v36, v15  }
0x201: {  	v40 =	vld [tilespmem:s14+$0xA970];
	[tilespmem:s1+$0x19570] =	vst v21;
	s1 =	sor.u32 s30, s10  }
0x202: {  	v24 =	vmul.f32 v24, v4;
	v20 =	vadd.f32 v23, v20;
	v47 =	vadd.f32 v44, v43;
	v50 =	vld [tilespmem:s1+$0x1500]  }
0x203: {  	v56 =	vmul.f32 v42, v16;
	v57 =	vmul.f32 v45, v17;
	v52 =	vld [tilespmem:s15+$0x1900]  }
0x204: {  	v20 =	vadd.f32 v47, v20;
	v59 =	vmul.f32 v46, v18;
	v23 =	vmul.f32 v48, v19;
	v54 =	vld [tilespmem:s16+$0x1900]  }
0x205: {  	v49 =	vmul.f32 v37, v5;
	v51 =	vmul.f32 v39, v6;
	v55 =	vld [tilespmem:s17+$0x1900]  }
0x206: {  	s9 =	sor.u32 s7, s10;
	v25 =	vmul.f32 v40, v7;
	v37 =	vld [tilespmem:s1+$0x1510];
	[tilespmem:s4+$0x19570] =	vst v20;
	v20 =	vadd.f32 v57, v56;
	v62 =	vadd.f32 v23, v59  }
0x207: {  	v53 =	vadd.f32 v49, v24;
	v58 =	vld [tilespmem:s9+$0x1500]  }
0x208: {  	v25 =	vadd.f32 v25, v51;
	v60 =	vld [tilespmem:s20+$0x1900];
	v20 =	vadd.f32 v62, v20  }
0x209: {  	v61 =	vld [tilespmem:s18+$0x1900];
	v63 =	vmul.f32 v50, v8;
	v32 =	vmul.f32 v52, v9  }
0x20a: {  	s26 =	sor.u32 s3, s10;
	v21 =	vadd.f32 v25, v53;
	v33 =	vld [tilespmem:s19+$0x1900];
	v34 =	vmul.f32 v54, v10;
	v35 =	vmul.f32 v55, v11;
	[tilespmem:s8+$0x19570] =	vst v20  }
0x20b: {  	v39 =	vld [tilespmem:s26+$0x1500]  }
0x20c: {  	[tilespmem:s31+$0x19570] =	vst v21;
	v42 =	vld [tilespmem:s21+$0x1900];
	v36 =	vadd.f32 v32, v63;
	v21 =	vadd.f32 v35, v34  }
0x20d: {  	v43 =	vld [tilespmem:s22+$0x1900]  }
0x20e: {  	v45 =	vld [tilespmem:s23+$0x1900];
	v38 =	vmul.f32 v58, v12;
	v25 =	vmul.f32 v60, v13;
	v20 =	vadd.f32 v21, v36  }
0x20f: {  	v49 =	vld [tilespmem:s9+$0x1510];
	v40 =	vmul.f32 v61, v14;
	v41 =	vmul.f32 v33, v15  }
0x210: {  	v53 =	vld [tilespmem:s14+$0x4D00];
	[tilespmem:s1+$0x19500] =	vst v20  }
0x211: {  	v44 =	vadd.f32 v25, v38;
	v21 =	vadd.f32 v41, v40;
	v46 =	vld [tilespmem:s15+$0x1910]  }
0x212: {  	s4 =	sadd.s32 $0x800, s24;
	v26 =	vmul.f32 v39, v16;
	v28 =	vmul.f32 v42, v17;
	v47 =	vld [tilespmem:s16+$0x1910]  }
0x213: {  	s24 =	sor.u32 s5, s4;
	v20 =	vadd.f32 v21, v44;
	v29 =	vmul.f32 v43, v18;
	v24 =	vmul.f32 v45, v19;
	v48 =	vld [tilespmem:s17+$0x1910]  }
0x214: {  	v22 =	vld [tilespmem:s24+$0x1500]  }
0x215: {  	v54 =	vld [tilespmem:s14+$0x7D00];
	[tilespmem:s9+$0x19500] =	vst v20;
	v26 =	vadd.f32 v28, v26;
	v24 =	vadd.f32 v24, v29  }
0x216: {  	v50 =	vld [tilespmem:s20+$0x1910]  }
0x217: {  	v23 =	vmul.f32 v37, v8;
	v51 =	vld [tilespmem:s18+$0x1910];
	v24 =	vadd.f32 v24, v26;
	v25 =	vmul.f32 v46, v9  }
0x218: {  	v52 =	vld [tilespmem:s19+$0x1910];
	v27 =	vmul.f32 v47, v10;
	v21 =	vmul.f32 v48, v11  }
0x219: {  	v57 =	vld [tilespmem:s26+$0x1510];
	[tilespmem:s26+$0x19500] =	vst v24  }
0x21a: {  	v60 =	vld [tilespmem:s21+$0x1910];
	v23 =	vadd.f32 v25, v23;
	v21 =	vadd.f32 v21, v27  }
0x21b: {  	v61 =	vld [tilespmem:s22+$0x1910]  }
0x21c: {  	v20 =	vmul.f32 v49, v12;
	v63 =	vld [tilespmem:s23+$0x1910];
	v56 =	vmul.f32 v50, v13;
	v21 =	vadd.f32 v21, v23  }
0x21d: {  	v55 =	vld [tilespmem:s1+$0x1520];
	v58 =	vmul.f32 v51, v14;
	v59 =	vmul.f32 v52, v15  }
0x21e: {  	v39 =	vld [tilespmem:s9+$0x1520];
	[tilespmem:s1+$0x19510] =	vst v21  }
0x21f: {  	v20 =	vadd.f32 v56, v20;
	v62 =	vadd.f32 v59, v58;
	v36 =	vld [tilespmem:s15+$0x1920]  }
0x220: {  	v24 =	vmul.f32 v57, v16;
	v30 =	vmul.f32 v60, v17;
	v37 =	vld [tilespmem:s16+$0x1920]  }
0x221: {  	v20 =	vadd.f32 v62, v20;
	v31 =	vmul.f32 v61, v18;
	v23 =	vmul.f32 v63, v19;
	v38 =	vld [tilespmem:s17+$0x1920]  }
0x222: {  	v43 =	vld [tilespmem:s14+$0xAD00]  }
0x223: {  	v44 =	vld [tilespmem:s1+$0x1530];
	[tilespmem:s9+$0x19510] =	vst v20;
	v24 =	vadd.f32 v30, v24;
	v23 =	vadd.f32 v23, v31  }
0x224: {  	v40 =	vld [tilespmem:s20+$0x1920]  }
0x225: {  	v25 =	vmul.f32 v55, v8;
	v41 =	vld [tilespmem:s18+$0x1920];
	v23 =	vadd.f32 v23, v24;
	v26 =	vmul.f32 v36, v9  }
0x226: {  	v42 =	vld [tilespmem:s19+$0x1920];
	v27 =	vmul.f32 v37, v10;
	v21 =	vmul.f32 v38, v11  }
0x227: {  	v46 =	vld [tilespmem:s26+$0x1520];
	[tilespmem:s26+$0x19510] =	vst v23  }
0x228: {  	v28 =	vmul.f32 v53, v5;
	v48 =	vld [tilespmem:s21+$0x1920];
	v25 =	vadd.f32 v26, v25;
	v21 =	vadd.f32 v21, v27  }
0x229: {  	v53 =	vmul.f32 v43, v7;
	v52 =	vmul.f32 v54, v6;
	v49 =	vld [tilespmem:s22+$0x1920]  }
0x22a: {  	v20 =	vmul.f32 v39, v12;
	v51 =	vld [tilespmem:s23+$0x1920];
	v45 =	vmul.f32 v40, v13;
	v21 =	vadd.f32 v21, v25  }
0x22b: {  	v59 =	vld [tilespmem:s9+$0x1530];
	v47 =	vmul.f32 v41, v14;
	v30 =	vmul.f32 v42, v15  }
0x22c: {  	v57 =	vadd.f32 v53, v52;
	v52 =	vld [tilespmem:s9+$0x1540];
	[tilespmem:s1+$0x19520] =	vst v21  }
0x22d: {  	v20 =	vadd.f32 v45, v20;
	v50 =	vadd.f32 v30, v47;
	v54 =	vld [tilespmem:s15+$0x1930]  }
0x22e: {  	v23 =	vmul.f32 v46, v16;
	v60 =	vmul.f32 v48, v17;
	v55 =	vld [tilespmem:s16+$0x1930]  }
0x22f: {  	v20 =	vadd.f32 v50, v20;
	v62 =	vmul.f32 v49, v18;
	v25 =	vmul.f32 v51, v19;
	v58 =	vld [tilespmem:s17+$0x1930]  }
0x230: {  	v22 =	vmul.f32 v22, v4;
	v24 =	vld [tilespmem:s24+$0x1510]  }
0x231: {  	v41 =	vld [tilespmem:s1+$0x1540];
	[tilespmem:s9+$0x19520] =	vst v20;
	v23 =	vadd.f32 v60, v23;
	v25 =	vadd.f32 v25, v62  }
0x232: {  	v56 =	vadd.f32 v28, v22;
	v61 =	vld [tilespmem:s20+$0x1930]  }
0x233: {  	v26 =	vmul.f32 v44, v8;
	v63 =	vld [tilespmem:s18+$0x1930];
	v23 =	vadd.f32 v25, v23;
	v35 =	vmul.f32 v54, v9  }
0x234: {  	v21 =	vadd.f32 v57, v56;
	v36 =	vld [tilespmem:s19+$0x1930];
	v38 =	vmul.f32 v55, v10;
	v27 =	vmul.f32 v58, v11  }
0x235: {  	v42 =	vld [tilespmem:s26+$0x1530];
	[tilespmem:s26+$0x19520] =	vst v23  }
0x236: {  	[tilespmem:s24+$0x19500] =	vst v21;
	v45 =	vld [tilespmem:s21+$0x1930];
	v21 =	vadd.f32 v35, v26;
	v40 =	vadd.f32 v27, v38  }
0x237: {  	v46 =	vld [tilespmem:s22+$0x1930]  }
0x238: {  	v20 =	vmul.f32 v59, v12;
	v48 =	vld [tilespmem:s23+$0x1930];
	v22 =	vmul.f32 v61, v13;
	v21 =	vadd.f32 v40, v21  }
0x239: {  	v57 =	vld [tilespmem:s1+$0x1550];
	v43 =	vmul.f32 v63, v14;
	v44 =	vmul.f32 v36, v15  }
0x23a: {  	v59 =	vld [tilespmem:s26+$0x1540];
	[tilespmem:s1+$0x19530] =	vst v21  }
0x23b: {  	v20 =	vadd.f32 v22, v20;
	v47 =	vadd.f32 v44, v43;
	v49 =	vld [tilespmem:s15+$0x1940]  }
0x23c: {  	v23 =	vmul.f32 v42, v16;
	v29 =	vmul.f32 v45, v17;
	v50 =	vld [tilespmem:s16+$0x1940]  }
0x23d: {  	v20 =	vadd.f32 v47, v20;
	v30 =	vmul.f32 v46, v18;
	v22 =	vmul.f32 v48, v19;
	v51 =	vld [tilespmem:s17+$0x1940]  }
0x23e: {  	v39 =	vld [tilespmem:s14+$0x7D10]  }
0x23f: {  	v56 =	vld [tilespmem:s14+$0xAD10];
	[tilespmem:s9+$0x19530] =	vst v20;
	v23 =	vadd.f32 v29, v23;
	v22 =	vadd.f32 v22, v30  }
0x240: {  	v53 =	vld [tilespmem:s20+$0x1940]  }
0x241: {  	v26 =	vmul.f32 v41, v8;
	v54 =	vld [tilespmem:s18+$0x1940];
	v22 =	vadd.f32 v22, v23;
	v25 =	vmul.f32 v49, v9  }
0x242: {  	v55 =	vld [tilespmem:s19+$0x1940];
	v27 =	vmul.f32 v50, v10;
	v21 =	vmul.f32 v51, v11  }
0x243: {  	v37 =	vld [tilespmem:s14+$0x4D10];
	[tilespmem:s26+$0x19530] =	vst v22  }
0x244: {  	v61 =	vld [tilespmem:s21+$0x1940];
	v25 =	vadd.f32 v25, v26;
	v21 =	vadd.f32 v21, v27  }
0x245: {  	v35 =	vmul.f32 v39, v6;
	v36 =	vmul.f32 v56, v7;
	v62 =	vld [tilespmem:s22+$0x1940]  }
0x246: {  	v20 =	vmul.f32 v52, v12;
	v34 =	vld [tilespmem:s23+$0x1940];
	v58 =	vmul.f32 v53, v13;
	v21 =	vadd.f32 v21, v25  }
0x247: {  	v42 =	vld [tilespmem:s9+$0x1550];
	v60 =	vmul.f32 v54, v14;
	v29 =	vmul.f32 v55, v15  }
0x248: {  	v40 =	vadd.f32 v36, v35;
	v36 =	vld [tilespmem:s9+$0x1560];
	[tilespmem:s1+$0x19540] =	vst v21  }
0x249: {  	v28 =	vmul.f32 v37, v5;
	v20 =	vadd.f32 v58, v20;
	v63 =	vadd.f32 v29, v60;
	v37 =	vld [tilespmem:s15+$0x1950]  }
0x24a: {  	v22 =	vmul.f32 v59, v16;
	v43 =	vmul.f32 v61, v17;
	v38 =	vld [tilespmem:s16+$0x1950]  }
0x24b: {  	v20 =	vadd.f32 v63, v20;
	v45 =	vmul.f32 v62, v18;
	v25 =	vmul.f32 v34, v19;
	v41 =	vld [tilespmem:s17+$0x1950]  }
0x24c: {  	v24 =	vmul.f32 v24, v4;
	v23 =	vld [tilespmem:s24+$0x1520]  }
0x24d: {  	v53 =	vld [tilespmem:s1+$0x1560];
	[tilespmem:s9+$0x19540] =	vst v20;
	v22 =	vadd.f32 v43, v22;
	v25 =	vadd.f32 v25, v45  }
0x24e: {  	v39 =	vadd.f32 v28, v24;
	v44 =	vld [tilespmem:s20+$0x1950]  }
0x24f: {  	v26 =	vmul.f32 v57, v8;
	v46 =	vld [tilespmem:s18+$0x1950];
	v22 =	vadd.f32 v25, v22;
	v47 =	vmul.f32 v37, v9  }
0x250: {  	v21 =	vadd.f32 v40, v39;
	v48 =	vld [tilespmem:s19+$0x1950];
	v50 =	vmul.f32 v38, v10;
	v27 =	vmul.f32 v41, v11  }
0x251: {  	v54 =	vld [tilespmem:s26+$0x1550];
	[tilespmem:s26+$0x19540] =	vst v22  }
0x252: {  	[tilespmem:s24+$0x19510] =	vst v21;
	v57 =	vld [tilespmem:s21+$0x1950];
	v21 =	vadd.f32 v47, v26;
	v52 =	vadd.f32 v27, v50  }
0x253: {  	v58 =	vld [tilespmem:s22+$0x1950]  }
0x254: {  	v20 =	vmul.f32 v42, v12;
	v60 =	vld [tilespmem:s23+$0x1950];
	v24 =	vmul.f32 v44, v13;
	v21 =	vadd.f32 v52, v21  }
0x255: {  	v34 =	vld [tilespmem:s26+$0x1570];
	v55 =	vmul.f32 v46, v14;
	v56 =	vmul.f32 v48, v15  }
0x256: {  	v43 =	vld [tilespmem:s26+$0x1560];
	[tilespmem:s1+$0x19550] =	vst v21  }
0x257: {  	v20 =	vadd.f32 v24, v20;
	v59 =	vadd.f32 v56, v55;
	v61 =	vld [tilespmem:s15+$0x1960]  }
0x258: {  	v22 =	vmul.f32 v54, v16;
	v29 =	vmul.f32 v57, v17;
	v62 =	vld [tilespmem:s16+$0x1960]  }
0x259: {  	v20 =	vadd.f32 v59, v20;
	v30 =	vmul.f32 v58, v18;
	v24 =	vmul.f32 v60, v19;
	v63 =	vld [tilespmem:s17+$0x1960]  }
0x25a: {  	v49 =	vld [tilespmem:s14+$0x4D20]  }
0x25b: {  	v51 =	vld [tilespmem:s14+$0x7D20];
	[tilespmem:s9+$0x19550] =	vst v20;
	v22 =	vadd.f32 v29, v22;
	v24 =	vadd.f32 v24, v30  }
0x25c: {  	v37 =	vld [tilespmem:s20+$0x1960]  }
0x25d: {  	v26 =	vmul.f32 v53, v8;
	v38 =	vld [tilespmem:s18+$0x1960];
	v22 =	vadd.f32 v24, v22;
	v25 =	vmul.f32 v61, v9  }
0x25e: {  	v39 =	vld [tilespmem:s19+$0x1960];
	v27 =	vmul.f32 v62, v10;
	v21 =	vmul.f32 v63, v11  }
0x25f: {  	v40 =	vld [tilespmem:s14+$0xAD20];
	[tilespmem:s26+$0x19550] =	vst v22  }
0x260: {  	v45 =	vld [tilespmem:s21+$0x1960];
	v25 =	vadd.f32 v25, v26;
	v21 =	vadd.f32 v21, v27  }
0x261: {  	v23 =	vmul.f32 v23, v4;
	v46 =	vld [tilespmem:s22+$0x1960]  }
0x262: {  	v20 =	vmul.f32 v36, v12;
	v48 =	vld [tilespmem:s23+$0x1960];
	v42 =	vmul.f32 v37, v13;
	v21 =	vadd.f32 v21, v25  }
0x263: {  	v41 =	vld [tilespmem:s1+$0x1570];
	v44 =	vmul.f32 v38, v14;
	v29 =	vmul.f32 v39, v15  }
0x264: {  	v47 =	vmul.f32 v49, v5;
	v49 =	vmul.f32 v51, v6;
	v55 =	vld [tilespmem:s9+$0x1570];
	[tilespmem:s1+$0x19560] =	vst v21  }
0x265: {  	v50 =	vmul.f32 v40, v7;
	v20 =	vadd.f32 v42, v20;
	v25 =	vadd.f32 v29, v44;
	v51 =	vld [tilespmem:s15+$0x1970]  }
0x266: {  	v22 =	vmul.f32 v43, v16;
	v56 =	vmul.f32 v45, v17;
	v52 =	vld [tilespmem:s16+$0x1970]  }
0x267: {  	v20 =	vadd.f32 v25, v20;
	v58 =	vmul.f32 v46, v18;
	v27 =	vmul.f32 v48, v19;
	v54 =	vld [tilespmem:s17+$0x1970]  }
0x268: {  	v53 =	vadd.f32 v50, v49;
	v24 =	vld [tilespmem:s24+$0x1530];
	v21 =	vadd.f32 v47, v23  }
0x269: {  	[tilespmem:s9+$0x19560] =	vst v20;
	v22 =	vadd.f32 v56, v22;
	v27 =	vadd.f32 v27, v58;
	v56 =	vld [tilespmem:s24+$0x1540]  }
0x26a: {  	v21 =	vadd.f32 v53, v21;
	v57 =	vld [tilespmem:s20+$0x1970]  }
0x26b: {  	v26 =	vmul.f32 v41, v8;
	v59 =	vld [tilespmem:s18+$0x1970];
	v22 =	vadd.f32 v27, v22;
	v60 =	vmul.f32 v51, v9  }
0x26c: {  	v61 =	vld [tilespmem:s19+$0x1970];
	[tilespmem:s24+$0x19520] =	vst v21;
	v25 =	vmul.f32 v52, v10;
	v28 =	vmul.f32 v54, v11  }
0x26d: {  	v62 =	vld [tilespmem:s14+$0x4D30];
	[tilespmem:s26+$0x19560] =	vst v22  }
0x26e: {  	v37 =	vld [tilespmem:s21+$0x1970];
	v21 =	vadd.f32 v60, v26;
	v25 =	vadd.f32 v28, v25  }
0x26f: {  	v38 =	vld [tilespmem:s22+$0x1970]  }
0x270: {  	v20 =	vmul.f32 v55, v12;
	v40 =	vld [tilespmem:s23+$0x1970];
	v23 =	vmul.f32 v57, v13;
	v21 =	vadd.f32 v25, v21  }
0x271: {  	v63 =	vld [tilespmem:s14+$0x7D30];
	v35 =	vmul.f32 v59, v14;
	v36 =	vmul.f32 v61, v15  }
0x272: {  	s30 =	sor.u32 s30, s4;
	v33 =	vld [tilespmem:s14+$0xAD30];
	[tilespmem:s1+$0x19570] =	vst v21  }
0x273: {  	v20 =	vadd.f32 v23, v20;
	v39 =	vadd.f32 v36, v35;
	v42 =	vld [tilespmem:s30+$0x1500]  }
0x274: {  	v22 =	vmul.f32 v34, v16;
	v49 =	vmul.f32 v37, v17;
	v44 =	vld [tilespmem:s15+$0x1D00]  }
0x275: {  	v20 =	vadd.f32 v39, v20;
	v51 =	vmul.f32 v38, v18;
	v23 =	vmul.f32 v40, v19;
	v46 =	vld [tilespmem:s16+$0x1D00]  }
0x276: {  	v48 =	vld [tilespmem:s17+$0x1D00]  }
0x277: {  	s31 =	sor.u32 s7, s4;
	v59 =	vld [tilespmem:s30+$0x1510];
	[tilespmem:s9+$0x19570] =	vst v20;
	v22 =	vadd.f32 v49, v22;
	v23 =	vadd.f32 v23, v51  }
0x278: {  	v50 =	vld [tilespmem:s31+$0x1500]  }
0x279: {  	v24 =	vmul.f32 v24, v4;
	v41 =	vmul.f32 v62, v5;
	v52 =	vld [tilespmem:s20+$0x1D00];
	v22 =	vadd.f32 v23, v22  }
0x27a: {  	v43 =	vmul.f32 v63, v6;
	v27 =	vmul.f32 v33, v7;
	v53 =	vld [tilespmem:s18+$0x1D00]  }
0x27b: {  	s3 =	sor.u32 s3, s4;
	v45 =	vadd.f32 v41, v24;
	v55 =	vld [tilespmem:s19+$0x1D00];
	[tilespmem:s26+$0x19570] =	vst v22  }
0x27c: {  	v47 =	vadd.f32 v27, v43;
	v26 =	vmul.f32 v42, v8;
	v54 =	vmul.f32 v44, v9;
	v61 =	vld [tilespmem:s3+$0x1500]  }
0x27d: {  	v24 =	vmul.f32 v46, v10;
	v25 =	vmul.f32 v48, v11;
	v33 =	vld [tilespmem:s21+$0x1D00]  }
0x27e: {  	v20 =	vadd.f32 v47, v45;
	v34 =	vld [tilespmem:s22+$0x1D00];
	v58 =	vadd.f32 v54, v26  }
0x27f: {  	v36 =	vld [tilespmem:s23+$0x1D00];
	v24 =	vadd.f32 v25, v24;
	v60 =	vmul.f32 v50, v12;
	v21 =	vmul.f32 v52, v13  }
0x280: {  	v40 =	vld [tilespmem:s31+$0x1510];
	[tilespmem:s24+$0x19530] =	vst v20;
	v62 =	vmul.f32 v53, v14;
	v63 =	vmul.f32 v55, v15  }
0x281: {  	v57 =	vld [tilespmem:s14+$0x4D40];
	v22 =	vadd.f32 v24, v58  }
0x282: {  	v45 =	vld [tilespmem:s14+$0xAD40];
	v21 =	vadd.f32 v21, v60;
	v35 =	vadd.f32 v63, v62  }
0x283: {  	v44 =	vld [tilespmem:s14+$0x7D40];
	[tilespmem:s30+$0x19500] =	vst v22;
	v27 =	vmul.f32 v61, v16;
	v29 =	vmul.f32 v33, v17  }
0x284: {  	v21 =	vadd.f32 v35, v21;
	v30 =	vmul.f32 v34, v18;
	v24 =	vmul.f32 v36, v19;
	v37 =	vld [tilespmem:s15+$0x1D10]  }
0x285: {  	v38 =	vld [tilespmem:s16+$0x1D10]  }
0x286: {  	v39 =	vld [tilespmem:s17+$0x1D10];
	[tilespmem:s31+$0x19500] =	vst v21;
	v27 =	vadd.f32 v29, v27;
	v24 =	vadd.f32 v24, v30  }
0x287: {  	v41 =	vld [tilespmem:s20+$0x1D10]  }
0x288: {  	v42 =	vld [tilespmem:s18+$0x1D10];
	v24 =	vadd.f32 v24, v27  }
0x289: {  	v43 =	vld [tilespmem:s19+$0x1D10]  }
0x28a: {  	v48 =	vld [tilespmem:s3+$0x1510];
	v25 =	vmul.f32 v59, v8;
	v26 =	vmul.f32 v37, v9;
	[tilespmem:s3+$0x19500] =	vst v24  }
0x28b: {  	v28 =	vmul.f32 v38, v10;
	v22 =	vmul.f32 v39, v11;
	v50 =	vld [tilespmem:s21+$0x1D10]  }
0x28c: {  	v20 =	vmul.f32 v56, v4;
	v21 =	vmul.f32 v40, v12;
	v51 =	vld [tilespmem:s22+$0x1D10]  }
0x28d: {  	v53 =	vld [tilespmem:s23+$0x1D10];
	v25 =	vadd.f32 v26, v25;
	v22 =	vadd.f32 v22, v28;
	v47 =	vmul.f32 v41, v13  }
0x28e: {  	v46 =	vld [tilespmem:s30+$0x1520];
	v49 =	vmul.f32 v42, v14;
	v29 =	vmul.f32 v43, v15  }
0x28f: {  	v59 =	vld [tilespmem:s31+$0x1520];
	v23 =	vmul.f32 v57, v5;
	v55 =	vmul.f32 v44, v6;
	v22 =	vadd.f32 v22, v25  }
0x290: {  	v40 =	vld [tilespmem:s30+$0x1530];
	v27 =	vmul.f32 v45, v7;
	v21 =	vadd.f32 v47, v21;
	v52 =	vadd.f32 v29, v49  }
0x291: {  	v24 =	vmul.f32 v48, v16;
	v42 =	vld [tilespmem:s3+$0x1520];
	[tilespmem:s30+$0x19510] =	vst v22;
	v60 =	vmul.f32 v50, v17  }
0x292: {  	v21 =	vadd.f32 v52, v21;
	v62 =	vmul.f32 v51, v18;
	v25 =	vmul.f32 v53, v19;
	v54 =	vld [tilespmem:s15+$0x1D20]  }
0x293: {  	v20 =	vadd.f32 v23, v20;
	v58 =	vadd.f32 v27, v55;
	v56 =	vld [tilespmem:s16+$0x1D20]  }
0x294: {  	v57 =	vld [tilespmem:s17+$0x1D20];
	[tilespmem:s31+$0x19510] =	vst v21;
	v24 =	vadd.f32 v60, v24;
	v25 =	vadd.f32 v25, v62  }
0x295: {  	v20 =	vadd.f32 v58, v20;
	v61 =	vld [tilespmem:s20+$0x1D20]  }
0x296: {  	v36 =	vld [tilespmem:s18+$0x1D20];
	v24 =	vadd.f32 v25, v24  }
0x297: {  	[tilespmem:s24+$0x19540] =	vst v20;
	v37 =	vld [tilespmem:s19+$0x1D20]  }
0x298: {  	v63 =	vmul.f32 v46, v8;
	v20 =	vld [tilespmem:s24+$0x1550];
	v28 =	vmul.f32 v54, v9;
	[tilespmem:s3+$0x19510] =	vst v24  }
0x299: {  	v38 =	vmul.f32 v56, v10;
	v22 =	vmul.f32 v57, v11;
	v45 =	vld [tilespmem:s21+$0x1D20]  }
0x29a: {  	v21 =	vmul.f32 v59, v12;
	v46 =	vld [tilespmem:s22+$0x1D20]  }
0x29b: {  	v48 =	vld [tilespmem:s23+$0x1D20];
	v23 =	vadd.f32 v28, v63;
	v22 =	vadd.f32 v22, v38;
	v41 =	vmul.f32 v61, v13  }
0x29c: {  	v39 =	vld [tilespmem:s14+$0x4D50];
	v43 =	vmul.f32 v36, v14;
	v44 =	vmul.f32 v37, v15  }
0x29d: {  	v52 =	vld [tilespmem:s31+$0x1530];
	v22 =	vadd.f32 v22, v23  }
0x29e: {  	v60 =	vld [tilespmem:s3+$0x1530];
	v21 =	vadd.f32 v41, v21;
	v47 =	vadd.f32 v44, v43  }
0x29f: {  	v24 =	vmul.f32 v42, v16;
	v56 =	vld [tilespmem:s14+$0x7D50];
	[tilespmem:s30+$0x19520] =	vst v22;
	v28 =	vmul.f32 v45, v17  }
0x2a0: {  	v21 =	vadd.f32 v47, v21;
	v29 =	vmul.f32 v46, v18;
	v23 =	vmul.f32 v48, v19;
	v49 =	vld [tilespmem:s15+$0x1D30]  }
0x2a1: {  	v50 =	vld [tilespmem:s16+$0x1D30]  }
0x2a2: {  	v51 =	vld [tilespmem:s17+$0x1D30];
	[tilespmem:s31+$0x19520] =	vst v21;
	v24 =	vadd.f32 v28, v24;
	v23 =	vadd.f32 v23, v29  }
0x2a3: {  	v53 =	vld [tilespmem:s20+$0x1D30]  }
0x2a4: {  	v54 =	vld [tilespmem:s18+$0x1D30];
	v23 =	vadd.f32 v23, v24  }
0x2a5: {  	v55 =	vld [tilespmem:s19+$0x1D30]  }
0x2a6: {  	v25 =	vmul.f32 v40, v8;
	v57 =	vld [tilespmem:s14+$0xAD50];
	v26 =	vmul.f32 v49, v9;
	[tilespmem:s3+$0x19520] =	vst v23  }
0x2a7: {  	v27 =	vmul.f32 v50, v10;
	v22 =	vmul.f32 v51, v11;
	v62 =	vld [tilespmem:s21+$0x1D30]  }
0x2a8: {  	v20 =	vmul.f32 v20, v4;
	v21 =	vmul.f32 v52, v12;
	v63 =	vld [tilespmem:s22+$0x1D30]  }
0x2a9: {  	v37 =	vld [tilespmem:s23+$0x1D30];
	v25 =	vadd.f32 v26, v25;
	v22 =	vadd.f32 v22, v27;
	v59 =	vmul.f32 v53, v13  }
0x2aa: {  	v58 =	vld [tilespmem:s30+$0x1540];
	v61 =	vmul.f32 v54, v14;
	v28 =	vmul.f32 v55, v15  }
0x2ab: {  	v42 =	vld [tilespmem:s31+$0x1540];
	v38 =	vmul.f32 v39, v5;
	v29 =	vmul.f32 v56, v6;
	v22 =	vadd.f32 v22, v25  }
0x2ac: {  	v24 =	vmul.f32 v57, v7;
	v51 =	vld [tilespmem:s30+$0x1550];
	v21 =	vadd.f32 v59, v21;
	v36 =	vadd.f32 v28, v61  }
0x2ad: {  	v23 =	vmul.f32 v60, v16;
	v53 =	vld [tilespmem:s3+$0x1540];
	[tilespmem:s30+$0x19530] =	vst v22;
	v43 =	vmul.f32 v62, v17  }
0x2ae: {  	v21 =	vadd.f32 v36, v21;
	v45 =	vmul.f32 v63, v18;
	v25 =	vmul.f32 v37, v19;
	v39 =	vld [tilespmem:s15+$0x1D40]  }
0x2af: {  	v20 =	vadd.f32 v38, v20;
	v24 =	vadd.f32 v24, v29;
	v40 =	vld [tilespmem:s16+$0x1D40]  }
0x2b0: {  	v41 =	vld [tilespmem:s17+$0x1D40];
	[tilespmem:s31+$0x19530] =	vst v21;
	v23 =	vadd.f32 v43, v23;
	v25 =	vadd.f32 v25, v45  }
0x2b1: {  	v20 =	vadd.f32 v24, v20;
	v44 =	vld [tilespmem:s20+$0x1D40]  }
0x2b2: {  	v47 =	vld [tilespmem:s18+$0x1D40];
	v23 =	vadd.f32 v25, v23  }
0x2b3: {  	[tilespmem:s24+$0x19550] =	vst v20;
	v48 =	vld [tilespmem:s19+$0x1D40]  }
0x2b4: {  	v46 =	vmul.f32 v58, v8;
	v20 =	vld [tilespmem:s24+$0x1560];
	v28 =	vmul.f32 v39, v9;
	[tilespmem:s3+$0x19530] =	vst v23  }
0x2b5: {  	v49 =	vmul.f32 v40, v10;
	v22 =	vmul.f32 v41, v11;
	v56 =	vld [tilespmem:s21+$0x1D40]  }
0x2b6: {  	v21 =	vmul.f32 v42, v12;
	v57 =	vld [tilespmem:s22+$0x1D40]  }
0x2b7: {  	v59 =	vld [tilespmem:s23+$0x1D40];
	v24 =	vadd.f32 v28, v46;
	v22 =	vadd.f32 v22, v49;
	v52 =	vmul.f32 v44, v13  }
0x2b8: {  	v50 =	vld [tilespmem:s14+$0x4D60];
	v54 =	vmul.f32 v47, v14;
	v55 =	vmul.f32 v48, v15  }
0x2b9: {  	v63 =	vld [tilespmem:s31+$0x1550];
	v22 =	vadd.f32 v22, v24  }
0x2ba: {  	v39 =	vld [tilespmem:s14+$0x7D60];
	v21 =	vadd.f32 v52, v21;
	v58 =	vadd.f32 v55, v54  }
0x2bb: {  	v23 =	vmul.f32 v53, v16;
	v40 =	vld [tilespmem:s14+$0xAD60];
	[tilespmem:s30+$0x19540] =	vst v22;
	v28 =	vmul.f32 v56, v17  }
0x2bc: {  	v21 =	vadd.f32 v58, v21;
	v29 =	vmul.f32 v57, v18;
	v24 =	vmul.f32 v59, v19;
	v60 =	vld [tilespmem:s15+$0x1D50]  }
0x2bd: {  	v61 =	vld [tilespmem:s16+$0x1D50]  }
0x2be: {  	v62 =	vld [tilespmem:s17+$0x1D50];
	[tilespmem:s31+$0x19540] =	vst v21;
	v23 =	vadd.f32 v28, v23;
	v24 =	vadd.f32 v24, v29  }
0x2bf: {  	v36 =	vld [tilespmem:s20+$0x1D50]  }
0x2c0: {  	v20 =	vmul.f32 v20, v4;
	v25 =	vmul.f32 v51, v8;
	v37 =	vld [tilespmem:s18+$0x1D50];
	v23 =	vadd.f32 v24, v23  }
0x2c1: {  	v49 =	vmul.f32 v50, v5;
	v29 =	vmul.f32 v39, v6;
	v38 =	vld [tilespmem:s19+$0x1D50]  }
0x2c2: {  	v43 =	vld [tilespmem:s3+$0x1550];
	v24 =	vmul.f32 v40, v7;
	v26 =	vmul.f32 v60, v9;
	[tilespmem:s3+$0x19540] =	vst v23  }
0x2c3: {  	v27 =	vmul.f32 v61, v10;
	v22 =	vmul.f32 v62, v11;
	v45 =	vld [tilespmem:s21+$0x1D50]  }
0x2c4: {  	v20 =	vadd.f32 v49, v20;
	v21 =	vmul.f32 v63, v12;
	v24 =	vadd.f32 v24, v29;
	v46 =	vld [tilespmem:s22+$0x1D50]  }
0x2c5: {  	v48 =	vld [tilespmem:s23+$0x1D50];
	v25 =	vadd.f32 v26, v25;
	v22 =	vadd.f32 v22, v27;
	v42 =	vmul.f32 v36, v13  }
0x2c6: {  	v34 =	vld [tilespmem:s3+$0x1560];
	v44 =	vmul.f32 v37, v14;
	v28 =	vmul.f32 v38, v15;
	v20 =	vadd.f32 v24, v20  }
0x2c7: {  	v41 =	vld [tilespmem:s30+$0x1560];
	v22 =	vadd.f32 v22, v25  }
0x2c8: {  	v53 =	vld [tilespmem:s31+$0x1560];
	v21 =	vadd.f32 v42, v21;
	v47 =	vadd.f32 v28, v44;
	[tilespmem:s24+$0x19560] =	vst v20  }
0x2c9: {  	v23 =	vmul.f32 v43, v16;
	v61 =	vld [tilespmem:s14+$0x4D70];
	[tilespmem:s30+$0x19550] =	vst v22;
	v54 =	vmul.f32 v45, v17  }
0x2ca: {  	v21 =	vadd.f32 v47, v21;
	v56 =	vmul.f32 v46, v18;
	v25 =	vmul.f32 v48, v19;
	v50 =	vld [tilespmem:s15+$0x1D60]  }
0x2cb: {  	v51 =	vld [tilespmem:s16+$0x1D60]  }
0x2cc: {  	v52 =	vld [tilespmem:s17+$0x1D60];
	[tilespmem:s31+$0x19550] =	vst v21;
	v23 =	vadd.f32 v54, v23;
	v25 =	vadd.f32 v25, v56  }
0x2cd: {  	v55 =	vld [tilespmem:s20+$0x1D60]  }
0x2ce: {  	v57 =	vld [tilespmem:s18+$0x1D60];
	v23 =	vadd.f32 v25, v23  }
0x2cf: {  	v58 =	vld [tilespmem:s19+$0x1D60]  }
0x2d0: {  	v59 =	vmul.f32 v41, v8;
	v63 =	vld [tilespmem:s14+$0x7D70];
	v60 =	vmul.f32 v50, v9;
	[tilespmem:s3+$0x19550] =	vst v23  }
0x2d1: {  	v62 =	vmul.f32 v51, v10;
	v22 =	vmul.f32 v52, v11;
	v36 =	vld [tilespmem:s21+$0x1D60]  }
0x2d2: {  	v21 =	vmul.f32 v53, v12;
	v37 =	vld [tilespmem:s22+$0x1D60]  }
0x2d3: {  	v38 =	vld [tilespmem:s23+$0x1D60];
	v20 =	vadd.f32 v60, v59;
	v22 =	vadd.f32 v22, v62;
	v33 =	vmul.f32 v55, v13  }
0x2d4: {  	v39 =	vld [tilespmem:s14+$0xAD70];
	v24 =	vmul.f32 v57, v14;
	v35 =	vmul.f32 v58, v15  }
0x2d5: {  	v45 =	vld [tilespmem:s24+$0x1570];
	v20 =	vadd.f32 v22, v20  }
0x2d6: {  	v46 =	vld [tilespmem:s30+$0x1570];
	v21 =	vadd.f32 v33, v21;
	v24 =	vadd.f32 v35, v24  }
0x2d7: {  	v42 =	vmul.f32 v34, v16;
	v47 =	vld [tilespmem:s31+$0x1570];
	v43 =	vmul.f32 v36, v17  }
0x2d8: {  	v50 =	vld [tilespmem:s3+$0x1570];
	[tilespmem:s30+$0x19560] =	vst v20;
	v21 =	vadd.f32 v24, v21;
	v22 =	vmul.f32 v37, v18;
	v26 =	vmul.f32 v38, v19  }
0x2d9: {  	v20 =	vld [tilespmem:s15+$0x1D70]  }
0x2da: {  	v40 =	vld [tilespmem:s16+$0x1D70];
	[tilespmem:s31+$0x19560] =	vst v21;
	v21 =	vadd.f32 v43, v42;
	v22 =	vadd.f32 v26, v22  }
0x2db: {  	v41 =	vld [tilespmem:s17+$0x1D70]  }
0x2dc: {  	v44 =	vld [tilespmem:s20+$0x1D70];
	v21 =	vadd.f32 v22, v21  }
0x2dd: {  	v48 =	vld [tilespmem:s18+$0x1D70]  }
0x2de: {  	v49 =	vld [tilespmem:s19+$0x1D70];
	[tilespmem:s3+$0x19560] =	vst v21  }
0x2df: {  	v5 =	vmul.f32 v61, v5;
	v4 =	vmul.f32 v45, v4;
	v51 =	vld [tilespmem:s21+$0x1D70]  }
0x2e0: {  	v6 =	vmul.f32 v63, v6;
	v7 =	vmul.f32 v39, v7;
	v52 =	vld [tilespmem:s22+$0x1D70]  }
0x2e1: {  	v4 =	vadd.f32 v5, v4;
	v5 =	vmul.f32 v46, v8;
	v53 =	vmul.f32 v20, v9;
	v54 =	vld [tilespmem:s23+$0x1D70]  }
0x2e2: {  	v6 =	vadd.f32 v7, v6;
	v55 =	vmul.f32 v40, v10;
	v56 =	vmul.f32 v41, v11  }
0x2e3: {  	v57 =	vmul.f32 v47, v12;
	v61 =	vmul.f32 v50, v16;
	v5 =	vadd.f32 v53, v5  }
0x2e4: {  	v58 =	vmul.f32 v44, v13;
	v7 =	vadd.f32 v56, v55;
	v59 =	vmul.f32 v48, v14  }
0x2e5: {  	v4 =	vadd.f32 v6, v4;
	v60 =	vmul.f32 v49, v15;
	v62 =	vmul.f32 v51, v17  }
0x2e6: {  	v5 =	vadd.f32 v7, v5;
	v63 =	vmul.f32 v52, v18;
	v9 =	vmul.f32 v54, v19  }
0x2e7: {  	p1 =	slt.u32 s13, $0x1C;
	v8 =	vadd.f32 v58, v57;
	v10 =	vadd.f32 v60, v59  }
.Ltmp0:
0x2e8: {  	v6 =	vadd.f32 v62, v61;
	v7 =	vadd.f32 v9, v63;
	(pc) =	sbr.rel @p1 .LBB2_3-.Ltmp0, $4  }
0x2e9: {  	[tilespmem:s24+$0x19570] =	vst v4;
	v4 =	vadd.f32 v10, v8  }
0x2ea: {  	[tilespmem:s30+$0x19570] =	vst v5;
	v5 =	vadd.f32 v7, v6  }
0x2eb: {  	s25 =	simm.s32 $0x1200;
	s13 =	sadd.s32 $0x4, s13;
	s12 =	sadd.s32 $0x200, s12;
	[tilespmem:s31+$0x19570] =	vst v4  }
0x2ec: {  	s7 =	simm.s32 $0x1280;
	s22 =	simm.s32 $0x1100;
	s23 =	simm.s32 $0x1180;
	[tilespmem:s3+$0x19570] =	vst v5  }
0x2ed: {  	s4 =	rddreg [dreg:$0xb]  }
0x2ee: {  	s1 =	smin.u32 s4, $0x3D  }
0x2ef: {  	s1 =	sshll.u32 s1, $0x5  }
0x2f0: {  	v4 =	vld [tilespmem:s1+$0x40]  }
0x2f1: {  	v5 =	vld [tilespmem:s1+$0x840];
	_ =	sdelay $0x4  }
0x2f2: {  	v6 =	vtrunc.f32 v4;
	v7 =	vtrunc.f32 v5  }
0x2f3: {  	v6 =	vcvt.f32.s32 v6;
	v7 =	vcvt.f32.s32 v7;
	_ =	sdelay $0x1  }
0x2f4: {  	v8 =	vcvt.s32.f32 v6;
	v9 =	vcvt.s32.f32 v7;
	v6 =	vmul.u32 $0xE0, v6;
	_ =	sdelay $0x1  }
0x2f5: {  	v4 =	vsub.f32 v4, v8;
	v5 =	vsub.f32 v5, v9;
	v6 =	vadd.s32 v0, v6  }
0x2f6: {  	v6 =	vadd.s32 v7, v6  }
0x2f7: {  	[tilespmem:$0x1000] =	vst v6;
	v7 =	vadd.s32 $0xE0, v6;
	v8 =	vsub.f32 $1.000000000e+00, v4;
	v9 =	vsub.f32 $1.000000000e+00, v5  }
0x2f8: {  	v52 =	vadd.s32 $0x1, v6;
	[tilespmem:$0x1020] =	vst v7  }
0x2f9: {  	v6 =	vadd.s32 $0xE1, v6;
	[tilespmem:$0x1040] =	vst v52;
	v53 =	vmul.f32 v9, v8  }
0x2fa: {  	[tilespmem:$0x1060] =	vst v6;
	v54 =	vmul.f32 v9, v4  }
0x2fb: {  	v55 =	vmul.f32 v5, v8;
	[tilespmem:$0x1100] =	vst v53  }
0x2fc: {  	v4 =	vmul.f32 v5, v4;
	[tilespmem:$0x1180] =	vst v54  }
0x2fd: {  	[tilespmem:$0x1200] =	vst v55  }
0x2fe: {  	[tilespmem:$0x1280] =	vst v4  }
0x2ff: {  	v4 =	vld [tilespmem:s1+$0x50]  }
0x300: {  	v5 =	vld [tilespmem:s1+$0x850];
	_ =	sdelay $0x4  }
0x301: {  	v56 =	vtrunc.f32 v4;
	v57 =	vtrunc.f32 v5  }
0x302: {  	v6 =	vcvt.f32.s32 v56;
	v7 =	vcvt.f32.s32 v57;
	_ =	sdelay $0x1  }
0x303: {  	v58 =	vcvt.s32.f32 v6;
	v59 =	vcvt.s32.f32 v7;
	v6 =	vmul.u32 $0xE0, v6;
	_ =	sdelay $0x1  }
0x304: {  	v4 =	vsub.f32 v4, v58;
	v5 =	vsub.f32 v5, v59;
	v6 =	vadd.s32 v0, v6  }
0x305: {  	v6 =	vadd.s32 v7, v6  }
0x306: {  	[tilespmem:$0x1010] =	vst v6;
	v7 =	vadd.s32 $0xE0, v6;
	v8 =	vsub.f32 $1.000000000e+00, v4;
	v9 =	vsub.f32 $1.000000000e+00, v5  }
0x307: {  	s26 =	rddreg [dreg:$0xa];
	v60 =	vadd.s32 $0x1, v6;
	[tilespmem:$0x1030] =	vst v7  }
0x308: {  	s31 =	sor.u32 $0x1, s4;
	s1 =	sshll.u32 s26, $0x6;
	v6 =	vadd.s32 $0xE1, v6;
	[tilespmem:$0x1050] =	vst v60;
	v61 =	vmul.f32 v9, v8  }
0x309: {  	p1 =	sgt.u32 s31, $0x3E;
	s1 =	sadd.s32 s29, s1;
	[tilespmem:$0x1070] =	vst v6;
	v62 =	vmul.f32 v9, v4  }
.Ltmp1:
0x30a: {  	s1 =	sshrl.u32 s1, $0x3;
	v63 =	vmul.f32 v5, v8;
	[tilespmem:$0x1110] =	vst v61;
	(pc) =	sbr.rel @p1 .LBB2_6-.Ltmp1, $4  }
0x30b: {  	s1 =	smul.u32 $0x180, s1;
	v4 =	vmul.f32 v5, v4;
	[tilespmem:$0x1190] =	vst v62  }
0x30c: {  	s3 =	rddreg [dreg:$0x2];
	[tilespmem:$0x1210] =	vst v63  }
0x30d: {  	s30 =	simm.s32 $0x19500;
	[dreg:$0xc] =	wrdreg s31;
	s1 =	sadd.s32 s3, s1;
	[tilespmem:$0x1290] =	vst v4  }
0x30e: {  	[hbm4b:s1+s28] =	stream.linear.scatter [tilespmem:s30], [sflag:$0x3], $0x3000, $0x38;
	[tilespmem:$0x1F500] =	vst v63  }
0x30f: {  	v4 =	vld [tilespmem:$0x1000];
	_ =	sdelay $0x4  }
0x310: {  	v5 =	vshrl.u32 v4, $0x3  }
0x311: {  	v5 =	vmul.u32 $0x18, v5  }
0x312: {  	v4 =	vand.u32 $0x7, v4  }
0x313: {  	v4 =	vor.u32 v4, v5  }
0x314: {  	v5 =	vperm.xlane v4, v1;
	_ =	sdelay $0x1  }
0x315: {  	v5 =	vadd.s32 v2, v5;
	_ =	sdelay $0x1  }
0x316: {  	v4 =	vperm.xlane v4, v3;
	_ =	sdelay $0x1  }
0x317: {  	s1 =	rddreg [dreg:$0x0];
	s3 =	simm.s32 $0x1500;
	v4 =	vadd.s32 v2, v4  }
0x318: {  	[tilespmem:s3], [sflag:$0x1] =	stream.indirect_vreg.gather [hbm4b:s1+s28], $0x80, v5, vm0, $0xb8;
	[tilespmem:$0x1F500] =	vst v63  }
0x319: {  	s4 =	simm.s32 $0x1D00;
	s3 =	rddreg [dreg:$0x7]  }
0x31a: {  	[tilespmem:s4], [sflag:$0x1] =	stream.indirect_vreg.gather [hbm4b:s3+s28], $0x80, v5, vm1, $0xb8;
	[tilespmem:$0x1F500] =	vst v63  }
0x31b: {  	s23 =	simm.s32 $0x2100  }
0x31c: {  	[tilespmem:s23], [sflag:$0x1] =	stream.indirect_vreg.gather [hbm4b:s1+s28], $0x80, v4, vm0, $0xb8;
	[tilespmem:$0x1F500] =	vst v63  }
0x31d: {  	s24 =	simm.s32 $0x2900  }
0x31e: {  	[tilespmem:s24], [sflag:$0x1] =	stream.indirect_vreg.gather [hbm4b:s3+s28], $0x80, v4, vm1, $0xb8;
	[tilespmem:$0x1F500] =	vst v63  }
0x31f: {  	v4 =	vld [tilespmem:$0x1010];
	_ =	sdelay $0x4  }
0x320: {  	v5 =	vshrl.u32 v4, $0x3  }
0x321: {  	v5 =	vmul.u32 $0x18, v5  }
0x322: {  	v4 =	vand.u32 $0x7, v4  }
0x323: {  	v4 =	vor.u32 v4, v5  }
0x324: {  	v5 =	vperm.xlane v4, v1;
	_ =	sdelay $0x1  }
0x325: {  	v5 =	vadd.s32 v2, v5;
	_ =	sdelay $0x1  }
0x326: {  	v4 =	vperm.xlane v4, v3;
	_ =	sdelay $0x1  }
0x327: {  	s25 =	simm.s32 $0x2D00;
	v4 =	vadd.s32 v2, v4  }
0x328: {  	[tilespmem:s25], [sflag:$0x1] =	stream.indirect_vreg.gather [hbm4b:s1+s28], $0x80, v5, vm0, $0xb8;
	[tilespmem:$0x1F500] =	vst v63  }
0x329: {  	s26 =	simm.s32 $0x3500  }
0x32a: {  	[tilespmem:s26], [sflag:$0x1] =	stream.indirect_vreg.gather [hbm4b:s3+s28], $0x80, v5, vm1, $0xb8;
	[tilespmem:$0x1F500] =	vst v63  }
0x32b: {  	s29 =	simm.s32 $0x3900  }
0x32c: {  	[tilespmem:s29], [sflag:$0x1] =	stream.indirect_vreg.gather [hbm4b:s1+s28], $0x80, v4, vm0, $0xb8;
	[tilespmem:$0x1F500] =	vst v63  }
0x32d: {  	s30 =	simm.s32 $0x4100  }
0x32e: {  	[tilespmem:s30], [sflag:$0x1] =	stream.indirect_vreg.gather [hbm4b:s3+s28], $0x80, v4, vm1, $0xb8;
	[tilespmem:$0x1F500] =	vst v63  }
0x32f: {  	v4 =	vld [tilespmem:$0x1020];
	_ =	sdelay $0x4  }
0x330: {  	v5 =	vshrl.u32 v4, $0x3  }
0x331: {  	v5 =	vmul.u32 $0x18, v5  }
0x332: {  	v4 =	vand.u32 $0x7, v4  }
0x333: {  	v4 =	vor.u32 v4, v5  }
0x334: {  	v5 =	vperm.xlane v4, v1;
	_ =	sdelay $0x1  }
0x335: {  	v5 =	vadd.s32 v2, v5;
	_ =	sdelay $0x1  }
0x336: {  	v4 =	vperm.xlane v4, v3;
	_ =	sdelay $0x1  }
0x337: {  	s31 =	simm.s32 $0x4500;
	v4 =	vadd.s32 v2, v4  }
0x338: {  	[tilespmem:s31], [sflag:$0x1] =	stream.indirect_vreg.gather [hbm4b:s1+s28], $0x80, v5, vm0, $0xb8;
	[tilespmem:$0x1F500] =	vst v63  }
0x339: {  	s5 =	simm.s32 $0x4D00  }
0x33a: {  	[tilespmem:s5], [sflag:$0x1] =	stream.indirect_vreg.gather [hbm4b:s3+s28], $0x80, v5, vm1, $0xb8;
	[tilespmem:$0x1F500] =	vst v63  }
0x33b: {  	s7 =	simm.s32 $0x5100  }
0x33c: {  	[tilespmem:s7], [sflag:$0x1] =	stream.indirect_vreg.gather [hbm4b:s1+s28], $0x80, v4, vm0, $0xb8;
	[tilespmem:$0x1F500] =	vst v63  }
0x33d: {  	s8 =	simm.s32 $0x5900  }
0x33e: {  	[tilespmem:s8], [sflag:$0x1] =	stream.indirect_vreg.gather [hbm4b:s3+s28], $0x80, v4, vm1, $0xb8;
	[tilespmem:$0x1F500] =	vst v63  }
0x33f: {  	v4 =	vld [tilespmem:$0x1030];
	_ =	sdelay $0x4  }
0x340: {  	v5 =	vshrl.u32 v4, $0x3  }
0x341: {  	v5 =	vmul.u32 $0x18, v5  }
0x342: {  	v4 =	vand.u32 $0x7, v4  }
0x343: {  	v4 =	vor.u32 v4, v5  }
0x344: {  	v5 =	vperm.xlane v4, v1;
	_ =	sdelay $0x1  }
0x345: {  	v5 =	vadd.s32 v2, v5;
	_ =	sdelay $0x1  }
0x346: {  	v4 =	vperm.xlane v4, v3;
	_ =	sdelay $0x1  }
0x347: {  	s9 =	simm.s32 $0x5D00;
	v4 =	vadd.s32 v2, v4  }
0x348: {  	[tilespmem:s9], [sflag:$0x1] =	stream.indirect_vreg.gather [hbm4b:s1+s28], $0x80, v5, vm0, $0xb8;
	[tilespmem:$0x1F500] =	vst v63  }
0x349: {  	s10 =	simm.s32 $0x6500  }
0x34a: {  	[tilespmem:s10], [sflag:$0x1] =	stream.indirect_vreg.gather [hbm4b:s3+s28], $0x80, v5, vm1, $0xb8;
	[tilespmem:$0x1F500] =	vst v63  }
0x34b: {  	s12 =	simm.s32 $0x6900  }
0x34c: {  	[tilespmem:s12], [sflag:$0x1] =	stream.indirect_vreg.gather [hbm4b:s1+s28], $0x80, v4, vm0, $0xb8;
	[tilespmem:$0x1F500] =	vst v63  }
0x34d: {  	s13 =	simm.s32 $0x7100  }
0x34e: {  	[tilespmem:s13], [sflag:$0x1] =	stream.indirect_vreg.gather [hbm4b:s3+s28], $0x80, v4, vm1, $0xb8;
	[tilespmem:$0x1F500] =	vst v63  }
0x34f: {  	v4 =	vld [tilespmem:$0x1040];
	_ =	sdelay $0x4  }
0x350: {  	v5 =	vshrl.u32 v4, $0x3  }
0x351: {  	v5 =	vmul.u32 $0x18, v5  }
0x352: {  	v4 =	vand.u32 $0x7, v4  }
0x353: {  	v4 =	vor.u32 v4, v5  }
0x354: {  	v5 =	vperm.xlane v4, v1;
	_ =	sdelay $0x1  }
0x355: {  	v5 =	vadd.s32 v2, v5;
	_ =	sdelay $0x1  }
0x356: {  	v4 =	vperm.xlane v4, v3;
	_ =	sdelay $0x1  }
0x357: {  	s14 =	simm.s32 $0x7500;
	v4 =	vadd.s32 v2, v4  }
0x358: {  	[tilespmem:s14], [sflag:$0x1] =	stream.indirect_vreg.gather [hbm4b:s1+s28], $0x80, v5, vm0, $0xb8;
	[tilespmem:$0x1F500] =	vst v63  }
0x359: {  	s15 =	simm.s32 $0x7D00  }
0x35a: {  	[tilespmem:s15], [sflag:$0x1] =	stream.indirect_vreg.gather [hbm4b:s3+s28], $0x80, v5, vm1, $0xb8;
	[tilespmem:$0x1F500] =	vst v63  }
0x35b: {  	s16 =	simm.s32 $0x8100  }
0x35c: {  	[tilespmem:s16], [sflag:$0x1] =	stream.indirect_vreg.gather [hbm4b:s1+s28], $0x80, v4, vm0, $0xb8;
	[tilespmem:$0x1F500] =	vst v63  }
0x35d: {  	s17 =	simm.s32 $0x8900  }
0x35e: {  	[tilespmem:s17], [sflag:$0x1] =	stream.indirect_vreg.gather [hbm4b:s3+s28], $0x80, v4, vm1, $0xb8;
	[tilespmem:$0x1F500] =	vst v63  }
0x35f: {  	v4 =	vld [tilespmem:$0x1050];
	_ =	sdelay $0x4  }
0x360: {  	v5 =	vshrl.u32 v4, $0x3  }
0x361: {  	v5 =	vmul.u32 $0x18, v5  }
0x362: {  	v4 =	vand.u32 $0x7, v4  }
0x363: {  	v4 =	vor.u32 v4, v5  }
0x364: {  	v5 =	vperm.xlane v4, v1;
	_ =	sdelay $0x1  }
0x365: {  	v5 =	vadd.s32 v2, v5;
	_ =	sdelay $0x1  }
0x366: {  	v4 =	vperm.xlane v4, v3;
	_ =	sdelay $0x1  }
0x367: {  	s18 =	simm.s32 $0x8D00;
	v4 =	vadd.s32 v2, v4  }
0x368: {  	[tilespmem:s18], [sflag:$0x1] =	stream.indirect_vreg.gather [hbm4b:s1+s28], $0x80, v5, vm0, $0xb8;
	[tilespmem:$0x1F500] =	vst v63  }
0x369: {  	s19 =	simm.s32 $0x9500  }
0x36a: {  	[tilespmem:s19], [sflag:$0x1] =	stream.indirect_vreg.gather [hbm4b:s3+s28], $0x80, v5, vm1, $0xb8;
	[tilespmem:$0x1F500] =	vst v63  }
0x36b: {  	s20 =	simm.s32 $0x9900  }
0x36c: {  	[tilespmem:s20], [sflag:$0x1] =	stream.indirect_vreg.gather [hbm4b:s1+s28], $0x80, v4, vm0, $0xb8;
	[tilespmem:$0x1F500] =	vst v63  }
0x36d: {  	s21 =	simm.s32 $0xA100  }
0x36e: {  	[tilespmem:s21], [sflag:$0x1] =	stream.indirect_vreg.gather [hbm4b:s3+s28], $0x80, v4, vm1, $0xb8;
	[tilespmem:$0x1F500] =	vst v63  }
0x36f: {  	v4 =	vld [tilespmem:$0x1060];
	_ =	sdelay $0x4  }
0x370: {  	v5 =	vshrl.u32 v4, $0x3  }
0x371: {  	v5 =	vmul.u32 $0x18, v5  }
0x372: {  	v4 =	vand.u32 $0x7, v4  }
0x373: {  	v4 =	vor.u32 v4, v5  }
0x374: {  	v5 =	vperm.xlane v4, v1;
	_ =	sdelay $0x1  }
0x375: {  	v5 =	vadd.s32 v2, v5;
	_ =	sdelay $0x1  }
0x376: {  	v4 =	vperm.xlane v4, v3;
	_ =	sdelay $0x1  }
0x377: {  	s22 =	simm.s32 $0xA500;
	v4 =	vadd.s32 v2, v4  }
0x378: {  	[tilespmem:s22], [sflag:$0x1] =	stream.indirect_vreg.gather [hbm4b:s1+s28], $0x80, v5, vm0, $0xb8;
	[tilespmem:$0x1F500] =	vst v63  }
0x379: {  	s23 =	simm.s32 $0xAD00  }
0x37a: {  	[tilespmem:s23], [sflag:$0x1] =	stream.indirect_vreg.gather [hbm4b:s3+s28], $0x80, v5, vm1, $0xb8;
	[tilespmem:$0x1F500] =	vst v63  }
0x37b: {  	s24 =	simm.s32 $0xB100  }
0x37c: {  	[tilespmem:s24], [sflag:$0x1] =	stream.indirect_vreg.gather [hbm4b:s1+s28], $0x80, v4, vm0, $0xb8;
	[tilespmem:$0x1F500] =	vst v63  }
0x37d: {  	s25 =	simm.s32 $0xB900  }
0x37e: {  	[tilespmem:s25], [sflag:$0x1] =	stream.indirect_vreg.gather [hbm4b:s3+s28], $0x80, v4, vm1, $0xb8;
	[tilespmem:$0x1F500] =	vst v63  }
0x37f: {  	v4 =	vld [tilespmem:$0x1070];
	_ =	sdelay $0x4  }
0x380: {  	v5 =	vshrl.u32 v4, $0x3  }
0x381: {  	v5 =	vmul.u32 $0x18, v5  }
0x382: {  	v4 =	vand.u32 $0x7, v4  }
0x383: {  	v4 =	vor.u32 v4, v5  }
0x384: {  	v5 =	vperm.xlane v4, v1;
	_ =	sdelay $0x1  }
0x385: {  	v5 =	vadd.s32 v2, v5;
	_ =	sdelay $0x1  }
0x386: {  	v4 =	vperm.xlane v4, v3;
	_ =	sdelay $0x1  }
0x387: {  	s26 =	simm.s32 $0xBD00;
	v4 =	vadd.s32 v2, v4  }
0x388: {  	[tilespmem:s26], [sflag:$0x1] =	stream.indirect_vreg.gather [hbm4b:s1+s28], $0x80, v5, vm0, $0xb8;
	[tilespmem:$0x1F500] =	vst v63  }
0x389: {  	s29 =	simm.s32 $0xC500  }
0x38a: {  	[tilespmem:s29], [sflag:$0x1] =	stream.indirect_vreg.gather [hbm4b:s3+s28], $0x80, v5, vm1, $0xb8;
	[tilespmem:$0x1F500] =	vst v63  }
0x38b: {  	s30 =	simm.s32 $0xC900  }
0x38c: {  	[tilespmem:s30], [sflag:$0x1] =	stream.indirect_vreg.gather [hbm4b:s1+s28], $0x80, v4, vm0, $0xb8;
	[tilespmem:$0x1F500] =	vst v63  }
0x38d: {  	s31 =	simm.s32 $0xD100  }
0x38e: {  	[tilespmem:s31], [sflag:$0x1] =	stream.indirect_vreg.gather [hbm4b:s3+s28], $0x80, v4, vm1, $0xb8;
	[tilespmem:$0x1F500] =	vst v63  }
.LBB2_6:
0x38f: {  	s1 =	simm.s32 $0x2  }
0x390: {  	_ =	swait.ge [sflag:s1], $0xC000  }
0x391: {  	[sflag:s1] =	ssyncset.done $0x0  }
0x392: {  	[sflag:s1] =	ssyncadd.s32 $0xFFFF4000;
	s1 =	simm.s32 @!p0 $0x4  }
0x393: {  	_ =	swait.ge @!p0 [sflag:s1], $0x3000  }
0x394: {  	[sflag:s1] =	ssyncset.done @!p0 $0x0  }
0x395: {  	s13 =	simm.s32 $0x0;
	s14 =	simm.s32 $0x0;
	[sflag:s1] =	ssyncadd.s32 @!p0 $0xFFFFD000  }
.LBB2_7:
0x396: {  	v4 =	vmov s14;
	s1 =	sshrl.u32 s14, $0x3  }
0x397: {  	v4 =	vand.u32 $0xFFFFFFFC, v4;
	s5 =	smul.u32 $0xC00, s1  }
0x398: {  	s31 =	sand.u32 $0x200, s13;
	v7 =	vbroadcast v4, $0x0  }
0x399: {  	s30 =	sor.u32 s31, s5  }
0x39a: {  	v8 =	vld [tilespmem:s30+$0xD500]  }
0x39b: {  	v9 =	vld [tilespmem:s30+$0x10500]  }
0x39c: {  	v10 =	vld [tilespmem:s30+$0x13500]  }
0x39d: {  	v11 =	vld [tilespmem:s30+$0x16500]  }
0x39e: {  	v4 =	vld.idx.msk [tilespmem:v7+s0+$0x0], $0xffff  }
0x39f: {  	v5 =	vld.idx.msk [tilespmem:v7+s2+$0x0], $0xffff  }
0x3a0: {  	v6 =	vld.idx.msk [tilespmem:v7+s11+$0x0], $0xffff  }
0x3a1: {  	v7 =	vld.idx.msk [tilespmem:v7+s6+$0x0], $0xffff;
	_ =	sdelay $0x3  }
0x3a2: {  	v8 =	vmul.f32 v8, v4;
	v9 =	vmul.f32 v9, v5  }
0x3a3: {  	v10 =	vmul.f32 v10, v6;
	v11 =	vmul.f32 v11, v7;
	_ =	sdelay $0x1  }
0x3a4: {  	v8 =	vadd.f32 v9, v8;
	v39 =	vadd.f32 v11, v10;
	_ =	sdelay $0x1  }
0x3a5: {  	v8 =	vadd.f32 v39, v8;
	_ =	sdelay $0x1  }
0x3a6: {  	s17 =	sadd.s32 $0x10500, s30;
	v40 =	vld [tilespmem:s30+$0xD510];
	[tilespmem:s30+$0x1C500] =	vst v8  }
0x3a7: {  	s3 =	sadd.s32 $0x13500, s30;
	v41 =	vld [tilespmem:s17+$0x10]  }
0x3a8: {  	s4 =	sadd.s32 $0x16500, s30;
	v42 =	vld [tilespmem:s3+$0x10]  }
0x3a9: {  	v43 =	vld [tilespmem:s4+$0x10];
	_ =	sdelay $0x3  }
0x3aa: {  	v8 =	vmul.f32 v40, v4;
	v9 =	vmul.f32 v41, v5  }
0x3ab: {  	v10 =	vmul.f32 v42, v6;
	v11 =	vmul.f32 v43, v7;
	_ =	sdelay $0x1  }
0x3ac: {  	v8 =	vadd.f32 v9, v8;
	v44 =	vadd.f32 v11, v10;
	_ =	sdelay $0x1  }
0x3ad: {  	v8 =	vadd.f32 v44, v8;
	_ =	sdelay $0x1  }
0x3ae: {  	v45 =	vld [tilespmem:s30+$0xD520];
	[tilespmem:s30+$0x1C510] =	vst v8  }
0x3af: {  	v46 =	vld [tilespmem:s17+$0x20]  }
0x3b0: {  	v47 =	vld [tilespmem:s3+$0x20]  }
0x3b1: {  	v48 =	vld [tilespmem:s4+$0x20];
	_ =	sdelay $0x3  }
0x3b2: {  	v8 =	vmul.f32 v45, v4;
	v9 =	vmul.f32 v46, v5  }
0x3b3: {  	v10 =	vmul.f32 v47, v6;
	v11 =	vmul.f32 v48, v7;
	_ =	sdelay $0x1  }
0x3b4: {  	v8 =	vadd.f32 v9, v8;
	v49 =	vadd.f32 v11, v10;
	_ =	sdelay $0x1  }
0x3b5: {  	v8 =	vadd.f32 v49, v8;
	_ =	sdelay $0x1  }
0x3b6: {  	v50 =	vld [tilespmem:s30+$0xD530];
	[tilespmem:s30+$0x1C520] =	vst v8  }
0x3b7: {  	v51 =	vld [tilespmem:s17+$0x30]  }
0x3b8: {  	v52 =	vld [tilespmem:s3+$0x30]  }
0x3b9: {  	v53 =	vld [tilespmem:s4+$0x30];
	_ =	sdelay $0x3  }
0x3ba: {  	v8 =	vmul.f32 v50, v4;
	v9 =	vmul.f32 v51, v5  }
0x3bb: {  	v10 =	vmul.f32 v52, v6;
	v11 =	vmul.f32 v53, v7;
	_ =	sdelay $0x1  }
0x3bc: {  	v8 =	vadd.f32 v9, v8;
	v54 =	vadd.f32 v11, v10;
	_ =	sdelay $0x1  }
0x3bd: {  	v8 =	vadd.f32 v54, v8;
	_ =	sdelay $0x1  }
0x3be: {  	v55 =	vld [tilespmem:s30+$0xD540];
	[tilespmem:s30+$0x1C530] =	vst v8  }
0x3bf: {  	v56 =	vld [tilespmem:s17+$0x40]  }
0x3c0: {  	v57 =	vld [tilespmem:s3+$0x40]  }
0x3c1: {  	v58 =	vld [tilespmem:s4+$0x40];
	_ =	sdelay $0x3  }
0x3c2: {  	v8 =	vmul.f32 v55, v4;
	v9 =	vmul.f32 v56, v5  }
0x3c3: {  	v10 =	vmul.f32 v57, v6;
	v11 =	vmul.f32 v58, v7;
	_ =	sdelay $0x1  }
0x3c4: {  	v8 =	vadd.f32 v9, v8;
	v59 =	vadd.f32 v11, v10;
	_ =	sdelay $0x1  }
0x3c5: {  	v8 =	vadd.f32 v59, v8;
	_ =	sdelay $0x1  }
0x3c6: {  	v60 =	vld [tilespmem:s30+$0xD550];
	[tilespmem:s30+$0x1C540] =	vst v8  }
0x3c7: {  	v61 =	vld [tilespmem:s17+$0x50]  }
0x3c8: {  	v62 =	vld [tilespmem:s3+$0x50]  }
0x3c9: {  	v63 =	vld [tilespmem:s4+$0x50];
	_ =	sdelay $0x3  }
0x3ca: {  	v8 =	vmul.f32 v60, v4;
	v9 =	vmul.f32 v61, v5  }
0x3cb: {  	v10 =	vmul.f32 v62, v6;
	v11 =	vmul.f32 v63, v7;
	_ =	sdelay $0x1  }
0x3cc: {  	v8 =	vadd.f32 v9, v8;
	v12 =	vadd.f32 v11, v10;
	_ =	sdelay $0x1  }
0x3cd: {  	v8 =	vadd.f32 v12, v8;
	_ =	sdelay $0x1  }
0x3ce: {  	v13 =	vld [tilespmem:s30+$0xD560];
	[tilespmem:s30+$0x1C550] =	vst v8  }
0x3cf: {  	v14 =	vld [tilespmem:s17+$0x60]  }
0x3d0: {  	v15 =	vld [tilespmem:s3+$0x60]  }
0x3d1: {  	v16 =	vld [tilespmem:s4+$0x60];
	_ =	sdelay $0x3  }
0x3d2: {  	v8 =	vmul.f32 v13, v4;
	v9 =	vmul.f32 v14, v5  }
0x3d3: {  	v10 =	vmul.f32 v15, v6;
	v11 =	vmul.f32 v16, v7;
	_ =	sdelay $0x1  }
0x3d4: {  	v8 =	vadd.f32 v9, v8;
	v17 =	vadd.f32 v11, v10;
	_ =	sdelay $0x1  }
0x3d5: {  	v8 =	vadd.f32 v17, v8;
	_ =	sdelay $0x1  }
0x3d6: {  	v18 =	vld [tilespmem:s30+$0xD570];
	[tilespmem:s30+$0x1C560] =	vst v8  }
0x3d7: {  	v19 =	vld [tilespmem:s17+$0x70]  }
0x3d8: {  	v20 =	vld [tilespmem:s3+$0x70]  }
0x3d9: {  	v21 =	vld [tilespmem:s4+$0x70];
	_ =	sdelay $0x3  }
0x3da: {  	v8 =	vmul.f32 v18, v4;
	v9 =	vmul.f32 v19, v5  }
0x3db: {  	v10 =	vmul.f32 v20, v6;
	v11 =	vmul.f32 v21, v7;
	_ =	sdelay $0x1  }
0x3dc: {  	v8 =	vadd.f32 v9, v8;
	v22 =	vadd.f32 v11, v10;
	_ =	sdelay $0x1  }
0x3dd: {  	v23 =	vld [tilespmem:s30+$0x10900];
	v8 =	vadd.f32 v22, v8  }
0x3de: {  	s10 =	sadd.s32 $0x400, s5;
	v24 =	vld [tilespmem:s30+$0x13900]  }
0x3df: {  	s12 =	sor.u32 s31, s10;
	v25 =	vld [tilespmem:s30+$0x16900];
	[tilespmem:s30+$0x1C570] =	vst v8  }
0x3e0: {  	v8 =	vld [tilespmem:s12+$0xD500];
	_ =	sdelay $0x3  }
0x3e1: {  	v9 =	vmul.f32 v23, v5;
	v10 =	vmul.f32 v24, v6  }
0x3e2: {  	v11 =	vmul.f32 v25, v7;
	v8 =	vmul.f32 v8, v4;
	_ =	sdelay $0x1  }
0x3e3: {  	v26 =	vadd.f32 v11, v10;
	v8 =	vadd.f32 v9, v8;
	_ =	sdelay $0x1  }
0x3e4: {  	v8 =	vadd.f32 v26, v8;
	_ =	sdelay $0x1  }
0x3e5: {  	s4 =	sadd.s32 $0x10900, s30;
	v27 =	vld [tilespmem:s12+$0xD510];
	[tilespmem:s12+$0x1C500] =	vst v8  }
0x3e6: {  	s1 =	sadd.s32 $0x13900, s30;
	v28 =	vld [tilespmem:s4+$0x10]  }
0x3e7: {  	s9 =	sadd.s32 $0x16900, s30;
	v29 =	vld [tilespmem:s1+$0x10]  }
0x3e8: {  	v30 =	vld [tilespmem:s9+$0x10];
	_ =	sdelay $0x3  }
0x3e9: {  	v8 =	vmul.f32 v27, v4;
	v9 =	vmul.f32 v28, v5  }
0x3ea: {  	v10 =	vmul.f32 v29, v6;
	v11 =	vmul.f32 v30, v7;
	_ =	sdelay $0x1  }
0x3eb: {  	v8 =	vadd.f32 v9, v8;
	v31 =	vadd.f32 v11, v10;
	_ =	sdelay $0x1  }
0x3ec: {  	v8 =	vadd.f32 v31, v8  }
0x3ed: {  	s18 =	sadd.s32 $0x1, s14;
	s19 =	sadd.s32 $0x80, s13  }
0x3ee: {  	s20 =	sadd.s32 $0x21, s14;
	s15 =	sadd.s32 $0x1080, s13;
	s16 =	sadd.s32 $0x41, s14;
	v32 =	vld [tilespmem:s12+$0xD520];
	[tilespmem:s12+$0x1C510] =	vst v8  }
0x3ef: {  	s22 =	sadd.s32 $0x2080, s13;
	s23 =	sadd.s32 $0x3080, s13;
	s25 =	sadd.s32 $0x100, s13;
	v33 =	vld [tilespmem:s4+$0x20]  }
0x3f0: {  	s26 =	sadd.s32 $0x22, s14;
	s7 =	sand.u32 $0x280, s19;
	s15 =	sand.u32 $0x280, s15;
	v34 =	vld [tilespmem:s1+$0x20]  }
0x3f1: {  	s16 =	sshrl.u32 s16, $0x3;
	s24 =	sand.u32 $0x280, s23;
	s19 =	sadd.s32 $0x1100, s13;
	v35 =	vld [tilespmem:s9+$0x20]  }
0x3f2: {  	s16 =	smul.u32 $0x3000, s16;
	v12 =	vmov s18;
	s18 =	sadd.s32 $0x61, s14;
	s3 =	sshrl.u32 s20, $0x3  }
0x3f3: {  	s21 =	sshrl.u32 s18, $0x3;
	s17 =	sadd.s32 $0x2, s14;
	s3 =	smul.u32 $0x3000, s3  }
0x3f4: {  	s8 =	sor.u32 s5, s7;
	s18 =	sshrl.u32 s26, $0x3;
	v43 =	vmov s17;
	s17 =	smul.u32 $0x3000, s21  }
0x3f5: {  	s16 =	sshra.s32 s16, $0x2;
	s18 =	smul.u32 $0x3000, s18;
	s3 =	sshra.s32 s3, $0x2;
	v8 =	vmul.f32 v32, v4;
	v9 =	vmul.f32 v33, v5  }
0x3f6: {  	v16 =	vld [tilespmem:s8+$0xD500];
	s20 =	sadd.s32 $0x42, s14;
	s17 =	sshra.s32 s17, $0x2;
	s15 =	sor.u32 s15, s3;
	v10 =	vmul.f32 v34, v6;
	v11 =	vmul.f32 v35, v7  }
0x3f7: {  	s20 =	sshrl.u32 s20, $0x3;
	s3 =	sand.u32 $0x280, s22;
	s17 =	sor.u32 s24, s17;
	v17 =	vld [tilespmem:s15+$0xD500]  }
0x3f8: {  	s20 =	smul.u32 $0x3000, s20;
	s16 =	sor.u32 s3, s16;
	v19 =	vld [tilespmem:s17+$0xD500];
	s3 =	sand.u32 $0x300, s25;
	v8 =	vadd.f32 v9, v8;
	v36 =	vadd.f32 v11, v10  }
0x3f9: {  	s19 =	sand.u32 $0x300, s19;
	s18 =	sshra.s32 s18, $0x2;
	v18 =	vld [tilespmem:s16+$0xD500];
	s25 =	sor.u32 s5, s3  }
0x3fa: {  	s24 =	sshra.s32 s20, $0x2;
	s20 =	sor.u32 s19, s18;
	v24 =	vld [tilespmem:s25+$0xD500];
	v8 =	vadd.f32 v36, v8  }
0x3fb: {  	v12 =	vand.u32 $0xFFFFFFFD, v12;
	v25 =	vld [tilespmem:s20+$0xD500]  }
0x3fc: {  	v42 =	vbroadcast v12, $0x0;
	v12 =	vand.u32 $0xFFFFFFFE, v43;
	v37 =	vld [tilespmem:s12+$0xD530];
	[tilespmem:s12+$0x1C520] =	vst v8  }
0x3fd: {  	v15 =	vbroadcast v12, $0x0;
	s22 =	sadd.s32 $0x2100, s13;
	v38 =	vld [tilespmem:s4+$0x30]  }
0x3fe: {  	s29 =	sadd.s32 $0x180, s13;
	s22 =	sand.u32 $0x300, s22;
	v39 =	vld [tilespmem:s1+$0x30]  }
0x3ff: {  	s18 =	sor.u32 s22, s24;
	s24 =	sand.u32 $0x380, s29;
	v40 =	vld [tilespmem:s9+$0x30]  }
0x400: {  	s21 =	sadd.s32 $0x62, s14;
	s26 =	sor.u32 s5, s24;
	v54 =	vld [tilespmem:s25+$0xD510]  }
0x401: {  	s21 =	sshrl.u32 s21, $0x3;
	v47 =	vld [tilespmem:s26+$0xD500]  }
0x402: {  	s21 =	smul.u32 $0x3000, s21;
	v22 =	vld [tilespmem:s8+$0xD510]  }
0x403: {  	s28 =	sadd.s32 $0x3100, s13;
	v12 =	vld.idx.msk [tilespmem:v15+s0+$0x0], $0xffff;
	v8 =	vmul.f32 v37, v4;
	v9 =	vmul.f32 v38, v5  }
0x404: {  	s19 =	sand.u32 $0x300, s28;
	s21 =	sshra.s32 s21, $0x2;
	s22 =	sadd.s32 $0x23, s14;
	v13 =	vld.idx.msk [tilespmem:v15+s2+$0x0], $0xffff;
	v10 =	vmul.f32 v39, v6;
	v11 =	vmul.f32 v40, v7  }
0x405: {  	s23 =	sadd.s32 $0x3, s14;
	s19 =	sor.u32 s19, s21;
	s21 =	sshrl.u32 s22, $0x3;
	v14 =	vld.idx.msk [tilespmem:v15+s11+$0x0], $0xffff  }
0x406: {  	s28 =	sadd.s32 $0x43, s14;
	v23 =	vmov s23;
	s23 =	sadd.s32 $0x1180, s13;
	s21 =	smul.u32 $0x3000, s21;
	v15 =	vld.idx.msk [tilespmem:v15+s6+$0x0], $0xffff;
	v8 =	vadd.f32 v9, v8;
	v41 =	vadd.f32 v11, v10  }
0x407: {  	s22 =	sand.u32 $0x380, s23;
	s23 =	sshrl.u32 s28, $0x3;
	s28 =	sadd.s32 $0x63, s14;
	v9 =	vld.idx.msk [tilespmem:v42+s2+$0x0], $0xffff  }
0x408: {  	s23 =	smul.u32 $0x3000, s23;
	s28 =	sshrl.u32 s28, $0x3;
	s21 =	sshra.s32 s21, $0x2;
	v10 =	vld.idx.msk [tilespmem:v42+s11+$0x0], $0xffff;
	v8 =	vadd.f32 v41, v8  }
0x409: {  	s29 =	sadd.s32 $0x2180, s13;
	s28 =	smul.u32 $0x3000, s28;
	s21 =	sor.u32 s22, s21;
	v11 =	vld.idx.msk [tilespmem:v42+s6+$0x0], $0xffff  }
0x40a: {  	s22 =	sand.u32 $0x380, s29;
	s23 =	sshra.s32 s23, $0x2;
	s29 =	sadd.s32 $0x3180, s13;
	[tilespmem:s12+$0x1C530] =	vst v8;
	v8 =	vld.idx.msk [tilespmem:v42+s0+$0x0], $0xffff  }
0x40b: {  	s22 =	sor.u32 s22, s23;
	v48 =	vld [tilespmem:s21+$0xD500];
	s29 =	sand.u32 $0x380, s29;
	s28 =	sshra.s32 s28, $0x2  }
0x40c: {  	s23 =	sor.u32 s29, s28;
	v49 =	vld [tilespmem:s22+$0xD500]  }
0x40d: {  	v51 =	vld [tilespmem:s23+$0xD500]  }
0x40e: {  	v26 =	vld [tilespmem:s18+$0xD500];
	v29 =	vmul.f32 v17, v9;
	v30 =	vmul.f32 v18, v10  }
0x40f: {  	v27 =	vld [tilespmem:s19+$0xD500];
	v19 =	vmul.f32 v19, v11;
	v28 =	vmul.f32 v16, v8  }
0x410: {  	v17 =	vld.idx.msk [tilespmem:v23+s2+$0x0], $0xffff  }
0x411: {  	v18 =	vld.idx.msk [tilespmem:v23+s11+$0x0], $0xffff;
	v44 =	vadd.f32 v19, v30;
	v28 =	vadd.f32 v29, v28  }
0x412: {  	v19 =	vld.idx.msk [tilespmem:v23+s6+$0x0], $0xffff  }
0x413: {  	v45 =	vmul.f32 v24, v12;
	v46 =	vmul.f32 v25, v13;
	v16 =	vld.idx.msk [tilespmem:v23+s0+$0x0], $0xffff;
	v28 =	vadd.f32 v44, v28  }
0x414: {  	v20 =	vld [tilespmem:s12+$0xD540];
	v26 =	vmul.f32 v26, v14;
	v27 =	vmul.f32 v27, v15  }
0x415: {  	v21 =	vld [tilespmem:s4+$0x40];
	[tilespmem:s8+$0x1C500] =	vst v28  }
0x416: {  	v50 =	vadd.f32 v27, v26;
	v23 =	vadd.f32 v46, v45;
	v52 =	vld [tilespmem:s15+$0xD510]  }
0x417: {  	v30 =	vmul.f32 v49, v18;
	v29 =	vmul.f32 v48, v17;
	v28 =	vld [tilespmem:s16+$0xD510]  }
0x418: {  	v23 =	vadd.f32 v50, v23;
	v26 =	vmul.f32 v51, v19;
	v25 =	vmul.f32 v47, v16;
	v53 =	vld [tilespmem:s17+$0xD510]  }
0x419: {  	v55 =	vld [tilespmem:s1+$0x40]  }
0x41a: {  	v56 =	vld [tilespmem:s9+$0x40];
	[tilespmem:s25+$0x1C500] =	vst v23;
	v26 =	vadd.f32 v26, v30;
	v25 =	vadd.f32 v29, v25  }
0x41b: {  	v31 =	vld [tilespmem:s20+$0xD510]  }
0x41c: {  	v22 =	vmul.f32 v22, v8;
	v32 =	vld [tilespmem:s18+$0xD510];
	v25 =	vadd.f32 v26, v25;
	v27 =	vmul.f32 v52, v9  }
0x41d: {  	v33 =	vld [tilespmem:s19+$0xD510];
	v28 =	vmul.f32 v28, v10;
	v24 =	vmul.f32 v53, v11  }
0x41e: {  	v59 =	vld [tilespmem:s26+$0xD510];
	v20 =	vmul.f32 v20, v4;
	[tilespmem:s26+$0x1C500] =	vst v25  }
0x41f: {  	v21 =	vmul.f32 v21, v5;
	v62 =	vld [tilespmem:s21+$0xD510];
	v22 =	vadd.f32 v27, v22;
	v24 =	vadd.f32 v24, v28  }
0x420: {  	v39 =	vmul.f32 v55, v6;
	v40 =	vmul.f32 v56, v7;
	v63 =	vld [tilespmem:s22+$0xD510]  }
0x421: {  	v23 =	vmul.f32 v54, v12;
	v58 =	vmul.f32 v31, v13;
	v37 =	vld [tilespmem:s23+$0xD510];
	v22 =	vadd.f32 v24, v22  }
0x422: {  	v57 =	vld [tilespmem:s8+$0xD520];
	v60 =	vmul.f32 v32, v14;
	v61 =	vmul.f32 v33, v15  }
0x423: {  	v20 =	vadd.f32 v21, v20;
	v43 =	vadd.f32 v40, v39;
	v44 =	vld [tilespmem:s25+$0xD520];
	[tilespmem:s8+$0x1C510] =	vst v22  }
0x424: {  	v35 =	vadd.f32 v58, v23;
	v36 =	vadd.f32 v61, v60;
	v38 =	vld [tilespmem:s15+$0xD520]  }
0x425: {  	v20 =	vadd.f32 v43, v20;
	v25 =	vmul.f32 v59, v16;
	v45 =	vmul.f32 v62, v17;
	v41 =	vld [tilespmem:s16+$0xD520]  }
0x426: {  	v47 =	vmul.f32 v63, v18;
	v24 =	vmul.f32 v37, v19;
	v22 =	vadd.f32 v36, v35;
	v42 =	vld [tilespmem:s17+$0xD520]  }
0x427: {  	v54 =	vld [tilespmem:s26+$0xD520];
	[tilespmem:s12+$0x1C540] =	vst v20  }
0x428: {  	v20 =	vld [tilespmem:s12+$0xD550];
	v25 =	vadd.f32 v45, v25;
	v24 =	vadd.f32 v24, v47;
	[tilespmem:s25+$0x1C510] =	vst v22  }
0x429: {  	v46 =	vld [tilespmem:s20+$0xD520]  }
0x42a: {  	v48 =	vmul.f32 v57, v8;
	v49 =	vld [tilespmem:s18+$0xD520];
	v24 =	vadd.f32 v24, v25;
	v27 =	vmul.f32 v38, v9  }
0x42b: {  	v50 =	vld [tilespmem:s19+$0xD520];
	v51 =	vmul.f32 v41, v10;
	v21 =	vmul.f32 v42, v11  }
0x42c: {  	v30 =	vld [tilespmem:s4+$0x50];
	[tilespmem:s26+$0x1C510] =	vst v24  }
0x42d: {  	v57 =	vld [tilespmem:s21+$0xD520];
	v23 =	vadd.f32 v27, v48;
	v21 =	vadd.f32 v21, v51  }
0x42e: {  	v58 =	vld [tilespmem:s22+$0xD520]  }
0x42f: {  	v22 =	vmul.f32 v44, v12;
	v61 =	vld [tilespmem:s23+$0xD520];
	v53 =	vmul.f32 v46, v13;
	v21 =	vadd.f32 v21, v23  }
0x430: {  	v52 =	vld [tilespmem:s8+$0xD530];
	v55 =	vmul.f32 v49, v14;
	v56 =	vmul.f32 v50, v15  }
0x431: {  	v37 =	vld [tilespmem:s25+$0xD530];
	[tilespmem:s8+$0x1C520] =	vst v21  }
0x432: {  	v59 =	vadd.f32 v53, v22;
	v60 =	vadd.f32 v56, v55;
	v62 =	vld [tilespmem:s15+$0xD530]  }
0x433: {  	v24 =	vmul.f32 v54, v16;
	v28 =	vmul.f32 v57, v17;
	v63 =	vld [tilespmem:s16+$0xD530]  }
0x434: {  	v29 =	vmul.f32 v58, v18;
	v23 =	vmul.f32 v61, v19;
	v21 =	vadd.f32 v60, v59;
	v36 =	vld [tilespmem:s17+$0xD530]  }
0x435: {  	v41 =	vld [tilespmem:s1+$0x50]  }
0x436: {  	v42 =	vld [tilespmem:s9+$0x50];
	v24 =	vadd.f32 v28, v24;
	v23 =	vadd.f32 v23, v29;
	[tilespmem:s25+$0x1C520] =	vst v21  }
0x437: {  	v38 =	vld [tilespmem:s20+$0xD530]  }
0x438: {  	v25 =	vmul.f32 v52, v8;
	v39 =	vld [tilespmem:s18+$0xD530];
	v23 =	vadd.f32 v23, v24;
	v26 =	vmul.f32 v62, v9  }
0x439: {  	v40 =	vld [tilespmem:s19+$0xD530];
	v27 =	vmul.f32 v63, v10;
	v22 =	vmul.f32 v36, v11  }
0x43a: {  	v20 =	vmul.f32 v20, v4;
	v46 =	vld [tilespmem:s26+$0xD530];
	[tilespmem:s26+$0x1C520] =	vst v23  }
0x43b: {  	v53 =	vmul.f32 v30, v5;
	v49 =	vld [tilespmem:s21+$0xD530];
	v43 =	vadd.f32 v26, v25;
	v22 =	vadd.f32 v22, v27  }
0x43c: {  	v28 =	vmul.f32 v41, v6;
	v29 =	vmul.f32 v42, v7;
	v50 =	vld [tilespmem:s22+$0xD530]  }
0x43d: {  	v21 =	vmul.f32 v37, v12;
	v52 =	vld [tilespmem:s23+$0xD530];
	v45 =	vmul.f32 v38, v13;
	v22 =	vadd.f32 v22, v43  }
0x43e: {  	v47 =	vmul.f32 v39, v14;
	v48 =	vmul.f32 v40, v15  }
0x43f: {  	v44 =	vld [tilespmem:s8+$0xD540];
	v20 =	vadd.f32 v53, v20;
	v57 =	vadd.f32 v29, v28;
	[tilespmem:s8+$0x1C530] =	vst v22  }
0x440: {  	v21 =	vadd.f32 v45, v21;
	v51 =	vadd.f32 v48, v47;
	v54 =	vld [tilespmem:s15+$0xD540]  }
0x441: {  	v23 =	vmul.f32 v46, v16;
	v20 =	vadd.f32 v57, v20;
	v59 =	vmul.f32 v49, v17;
	v55 =	vld [tilespmem:s16+$0xD540]  }
0x442: {  	v61 =	vmul.f32 v50, v18;
	v24 =	vmul.f32 v52, v19;
	v21 =	vadd.f32 v51, v21;
	v56 =	vld [tilespmem:s17+$0xD540]  }
0x443: {  	v58 =	vld [tilespmem:s25+$0xD540];
	[tilespmem:s12+$0x1C550] =	vst v20  }
0x444: {  	v20 =	vld [tilespmem:s12+$0xD560];
	v23 =	vadd.f32 v59, v23;
	v24 =	vadd.f32 v24, v61;
	[tilespmem:s25+$0x1C530] =	vst v21  }
0x445: {  	v60 =	vld [tilespmem:s20+$0xD540]  }
0x446: {  	v25 =	vmul.f32 v44, v8;
	v62 =	vld [tilespmem:s18+$0xD540];
	v23 =	vadd.f32 v24, v23;
	v27 =	vmul.f32 v54, v9  }
0x447: {  	v63 =	vld [tilespmem:s19+$0xD540];
	v36 =	vmul.f32 v55, v10;
	v22 =	vmul.f32 v56, v11  }
0x448: {  	v40 =	vld [tilespmem:s26+$0xD540];
	[tilespmem:s26+$0x1C530] =	vst v23  }
0x449: {  	v43 =	vld [tilespmem:s21+$0xD540];
	v37 =	vadd.f32 v27, v25;
	v22 =	vadd.f32 v22, v36  }
0x44a: {  	v44 =	vld [tilespmem:s22+$0xD540]  }
0x44b: {  	v21 =	vmul.f32 v58, v12;
	v46 =	vld [tilespmem:s23+$0xD540];
	v39 =	vmul.f32 v60, v13;
	v22 =	vadd.f32 v22, v37  }
0x44c: {  	v30 =	vld [tilespmem:s4+$0x60];
	v41 =	vmul.f32 v62, v14;
	v42 =	vmul.f32 v63, v15  }
0x44d: {  	v38 =	vld [tilespmem:s8+$0xD550];
	[tilespmem:s8+$0x1C540] =	vst v22  }
0x44e: {  	v21 =	vadd.f32 v39, v21;
	v45 =	vadd.f32 v42, v41;
	v47 =	vld [tilespmem:s15+$0xD550]  }
0x44f: {  	v23 =	vmul.f32 v40, v16;
	v28 =	vmul.f32 v43, v17;
	v48 =	vld [tilespmem:s16+$0xD550]  }
0x450: {  	v29 =	vmul.f32 v44, v18;
	v24 =	vmul.f32 v46, v19;
	v21 =	vadd.f32 v45, v21;
	v49 =	vld [tilespmem:s17+$0xD550]  }
0x451: {  	v50 =	vld [tilespmem:s25+$0xD550]  }
0x452: {  	v59 =	vld [tilespmem:s26+$0xD550];
	v23 =	vadd.f32 v28, v23;
	v24 =	vadd.f32 v24, v29;
	[tilespmem:s25+$0x1C540] =	vst v21  }
0x453: {  	v51 =	vld [tilespmem:s20+$0xD550]  }
0x454: {  	v25 =	vmul.f32 v38, v8;
	v52 =	vld [tilespmem:s18+$0xD550];
	v23 =	vadd.f32 v24, v23;
	v26 =	vmul.f32 v47, v9  }
0x455: {  	v53 =	vld [tilespmem:s19+$0xD550];
	v27 =	vmul.f32 v48, v10;
	v22 =	vmul.f32 v49, v11  }
0x456: {  	v54 =	vld [tilespmem:s1+$0x60];
	[tilespmem:s26+$0x1C540] =	vst v23  }
0x457: {  	v62 =	vld [tilespmem:s21+$0xD550];
	v56 =	vadd.f32 v26, v25;
	v22 =	vadd.f32 v22, v27  }
0x458: {  	v63 =	vld [tilespmem:s22+$0xD550]  }
0x459: {  	v21 =	vmul.f32 v50, v12;
	v36 =	vld [tilespmem:s23+$0xD550];
	v58 =	vmul.f32 v51, v13;
	v22 =	vadd.f32 v22, v56  }
0x45a: {  	v55 =	vld [tilespmem:s9+$0x60];
	v60 =	vmul.f32 v52, v14;
	v61 =	vmul.f32 v53, v15  }
0x45b: {  	v57 =	vld [tilespmem:s8+$0xD560];
	v20 =	vmul.f32 v20, v4;
	[tilespmem:s8+$0x1C550] =	vst v22  }
0x45c: {  	v37 =	vmul.f32 v30, v5;
	v21 =	vadd.f32 v58, v21;
	v35 =	vadd.f32 v61, v60;
	v38 =	vld [tilespmem:s15+$0xD560]  }
0x45d: {  	v23 =	vmul.f32 v59, v16;
	v43 =	vmul.f32 v62, v17;
	v39 =	vld [tilespmem:s16+$0xD560]  }
0x45e: {  	v45 =	vmul.f32 v63, v18;
	v24 =	vmul.f32 v36, v19;
	v21 =	vadd.f32 v35, v21;
	v40 =	vld [tilespmem:s17+$0xD560]  }
0x45f: {  	v28 =	vmul.f32 v54, v6;
	v29 =	vmul.f32 v55, v7  }
0x460: {  	v42 =	vld [tilespmem:s25+$0xD560];
	v23 =	vadd.f32 v43, v23;
	v24 =	vadd.f32 v24, v45;
	[tilespmem:s25+$0x1C550] =	vst v21  }
0x461: {  	v20 =	vadd.f32 v37, v20;
	v41 =	vadd.f32 v29, v28;
	v44 =	vld [tilespmem:s20+$0xD560]  }
0x462: {  	v25 =	vmul.f32 v57, v8;
	v46 =	vld [tilespmem:s18+$0xD560];
	v23 =	vadd.f32 v24, v23;
	v27 =	vmul.f32 v38, v9  }
0x463: {  	v20 =	vadd.f32 v41, v20;
	v47 =	vld [tilespmem:s19+$0xD560];
	v48 =	vmul.f32 v39, v10;
	v22 =	vmul.f32 v40, v11  }
0x464: {  	v52 =	vld [tilespmem:s26+$0xD560];
	[tilespmem:s26+$0x1C550] =	vst v23  }
0x465: {  	[tilespmem:s12+$0x1C560] =	vst v20;
	v55 =	vld [tilespmem:s21+$0xD560];
	v49 =	vadd.f32 v27, v25;
	v20 =	vadd.f32 v22, v48  }
0x466: {  	v56 =	vld [tilespmem:s22+$0xD560]  }
0x467: {  	v21 =	vmul.f32 v42, v12;
	v59 =	vld [tilespmem:s23+$0xD560];
	v51 =	vmul.f32 v44, v13;
	v20 =	vadd.f32 v20, v49  }
0x468: {  	v50 =	vld [tilespmem:s8+$0xD570];
	v53 =	vmul.f32 v46, v14;
	v54 =	vmul.f32 v47, v15  }
0x469: {  	v28 =	vld [tilespmem:s4+$0x70];
	[tilespmem:s8+$0x1C560] =	vst v20  }
0x46a: {  	v57 =	vadd.f32 v51, v21;
	v58 =	vadd.f32 v54, v53;
	v60 =	vld [tilespmem:s15+$0xD570]  }
0x46b: {  	v23 =	vmul.f32 v52, v16;
	v27 =	vmul.f32 v55, v17;
	v61 =	vld [tilespmem:s16+$0xD570]  }
0x46c: {  	v29 =	vmul.f32 v56, v18;
	v24 =	vmul.f32 v59, v19;
	v20 =	vadd.f32 v58, v57;
	v62 =	vld [tilespmem:s17+$0xD570]  }
0x46d: {  	v63 =	vld [tilespmem:s25+$0xD570]  }
0x46e: {  	v43 =	vld [tilespmem:s26+$0xD570];
	v23 =	vadd.f32 v27, v23;
	v24 =	vadd.f32 v24, v29;
	[tilespmem:s25+$0x1C560] =	vst v20  }
0x46f: {  	v36 =	vld [tilespmem:s20+$0xD570]  }
0x470: {  	v22 =	vmul.f32 v50, v8;
	v37 =	vld [tilespmem:s18+$0xD570];
	v23 =	vadd.f32 v24, v23;
	v25 =	vmul.f32 v60, v9  }
0x471: {  	v38 =	vld [tilespmem:s19+$0xD570];
	v26 =	vmul.f32 v61, v10;
	v21 =	vmul.f32 v62, v11  }
0x472: {  	v39 =	vld [tilespmem:s1+$0x70];
	[tilespmem:s26+$0x1C560] =	vst v23  }
0x473: {  	v46 =	vld [tilespmem:s21+$0xD570];
	v22 =	vadd.f32 v25, v22;
	v21 =	vadd.f32 v21, v26  }
0x474: {  	v47 =	vld [tilespmem:s22+$0xD570]  }
0x475: {  	v20 =	vmul.f32 v63, v12;
	v49 =	vld [tilespmem:s23+$0xD570];
	v42 =	vmul.f32 v36, v13;
	v21 =	vadd.f32 v21, v22  }
0x476: {  	v40 =	vld [tilespmem:s9+$0x70];
	v44 =	vmul.f32 v37, v14;
	v45 =	vmul.f32 v38, v15  }
0x477: {  	v41 =	vld [tilespmem:s12+$0xD570];
	s9 =	sor.u32 s7, s10;
	[tilespmem:s8+$0x1C570] =	vst v21  }
0x478: {  	v50 =	vmul.f32 v28, v5;
	v20 =	vadd.f32 v42, v20;
	v48 =	vadd.f32 v45, v44;
	v51 =	vld [tilespmem:s9+$0xD500]  }
0x479: {  	v58 =	vmul.f32 v43, v16;
	v59 =	vmul.f32 v46, v17;
	v53 =	vld [tilespmem:s15+$0xD900]  }
0x47a: {  	v61 =	vmul.f32 v47, v18;
	v22 =	vmul.f32 v49, v19;
	v20 =	vadd.f32 v48, v20;
	v55 =	vld [tilespmem:s16+$0xD900]  }
0x47b: {  	v52 =	vmul.f32 v40, v7;
	v27 =	vmul.f32 v39, v6;
	v57 =	vld [tilespmem:s17+$0xD900]  }
0x47c: {  	s4 =	sor.u32 s3, s10;
	v24 =	vmul.f32 v41, v4;
	v22 =	vadd.f32 v22, v61;
	v37 =	vld [tilespmem:s9+$0xD510];
	[tilespmem:s25+$0x1C570] =	vst v20;
	v20 =	vadd.f32 v59, v58  }
0x47d: {  	v56 =	vadd.f32 v52, v27;
	v60 =	vld [tilespmem:s4+$0xD500]  }
0x47e: {  	v54 =	vadd.f32 v50, v24;
	v62 =	vld [tilespmem:s20+$0xD900];
	v20 =	vadd.f32 v22, v20  }
0x47f: {  	v63 =	vld [tilespmem:s18+$0xD900];
	v32 =	vmul.f32 v51, v8;
	v33 =	vmul.f32 v53, v9  }
0x480: {  	v21 =	vadd.f32 v56, v54;
	s25 =	sor.u32 s24, s10;
	v34 =	vld [tilespmem:s19+$0xD900];
	v35 =	vmul.f32 v55, v10;
	v36 =	vmul.f32 v57, v11;
	[tilespmem:s26+$0x1C570] =	vst v20  }
0x481: {  	v39 =	vld [tilespmem:s25+$0xD500]  }
0x482: {  	[tilespmem:s12+$0x1C570] =	vst v21;
	v42 =	vld [tilespmem:s21+$0xD900];
	v23 =	vadd.f32 v33, v32;
	v21 =	vadd.f32 v36, v35  }
0x483: {  	v43 =	vld [tilespmem:s22+$0xD900]  }
0x484: {  	v45 =	vld [tilespmem:s23+$0xD900];
	v38 =	vmul.f32 v60, v12;
	v25 =	vmul.f32 v62, v13;
	v21 =	vadd.f32 v21, v23  }
0x485: {  	v49 =	vld [tilespmem:s4+$0xD510];
	v40 =	vmul.f32 v63, v14;
	v41 =	vmul.f32 v34, v15  }
0x486: {  	v54 =	vld [tilespmem:s30+$0x13D00];
	[tilespmem:s9+$0x1C500] =	vst v21  }
0x487: {  	v20 =	vadd.f32 v25, v38;
	v44 =	vadd.f32 v41, v40;
	v46 =	vld [tilespmem:s15+$0xD910]  }
0x488: {  	s5 =	sadd.s32 $0x800, s5;
	v26 =	vmul.f32 v39, v16;
	v28 =	vmul.f32 v42, v17;
	v47 =	vld [tilespmem:s16+$0xD910]  }
0x489: {  	s31 =	sor.u32 s31, s5;
	v20 =	vadd.f32 v44, v20;
	v29 =	vmul.f32 v43, v18;
	v23 =	vmul.f32 v45, v19;
	v48 =	vld [tilespmem:s17+$0xD910]  }
0x48a: {  	v22 =	vld [tilespmem:s31+$0xD500]  }
0x48b: {  	v53 =	vld [tilespmem:s30+$0x10D00];
	[tilespmem:s4+$0x1C500] =	vst v20;
	v26 =	vadd.f32 v28, v26;
	v23 =	vadd.f32 v23, v29  }
0x48c: {  	v50 =	vld [tilespmem:s20+$0xD910]  }
0x48d: {  	v24 =	vmul.f32 v37, v8;
	v51 =	vld [tilespmem:s18+$0xD910];
	v23 =	vadd.f32 v23, v26;
	v25 =	vmul.f32 v46, v9  }
0x48e: {  	v52 =	vld [tilespmem:s19+$0xD910];
	v27 =	vmul.f32 v47, v10;
	v21 =	vmul.f32 v48, v11  }
0x48f: {  	v57 =	vld [tilespmem:s25+$0xD510];
	[tilespmem:s25+$0x1C500] =	vst v23  }
0x490: {  	v60 =	vld [tilespmem:s21+$0xD910];
	v24 =	vadd.f32 v25, v24;
	v21 =	vadd.f32 v21, v27  }
0x491: {  	v61 =	vld [tilespmem:s22+$0xD910]  }
0x492: {  	v20 =	vmul.f32 v49, v12;
	v63 =	vld [tilespmem:s23+$0xD910];
	v56 =	vmul.f32 v50, v13;
	v21 =	vadd.f32 v21, v24  }
0x493: {  	v55 =	vld [tilespmem:s9+$0xD520];
	v58 =	vmul.f32 v51, v14;
	v59 =	vmul.f32 v52, v15  }
0x494: {  	v39 =	vld [tilespmem:s4+$0xD520];
	[tilespmem:s9+$0x1C510] =	vst v21  }
0x495: {  	v20 =	vadd.f32 v56, v20;
	v62 =	vadd.f32 v59, v58;
	v36 =	vld [tilespmem:s15+$0xD920]  }
0x496: {  	v23 =	vmul.f32 v57, v16;
	v30 =	vmul.f32 v60, v17;
	v37 =	vld [tilespmem:s16+$0xD920]  }
0x497: {  	v20 =	vadd.f32 v62, v20;
	v31 =	vmul.f32 v61, v18;
	v24 =	vmul.f32 v63, v19;
	v38 =	vld [tilespmem:s17+$0xD920]  }
0x498: {  	v43 =	vld [tilespmem:s30+$0x16D00]  }
0x499: {  	v44 =	vld [tilespmem:s9+$0xD530];
	[tilespmem:s4+$0x1C510] =	vst v20;
	v23 =	vadd.f32 v30, v23;
	v24 =	vadd.f32 v24, v31  }
0x49a: {  	v40 =	vld [tilespmem:s20+$0xD920]  }
0x49b: {  	v25 =	vmul.f32 v55, v8;
	v41 =	vld [tilespmem:s18+$0xD920];
	v23 =	vadd.f32 v24, v23;
	v26 =	vmul.f32 v36, v9  }
0x49c: {  	v42 =	vld [tilespmem:s19+$0xD920];
	v27 =	vmul.f32 v37, v10;
	v21 =	vmul.f32 v38, v11  }
0x49d: {  	v46 =	vld [tilespmem:s25+$0xD520];
	[tilespmem:s25+$0x1C510] =	vst v23  }
0x49e: {  	v28 =	vmul.f32 v53, v5;
	v48 =	vld [tilespmem:s21+$0xD920];
	v25 =	vadd.f32 v26, v25;
	v21 =	vadd.f32 v21, v27  }
0x49f: {  	v53 =	vmul.f32 v43, v7;
	v52 =	vmul.f32 v54, v6;
	v49 =	vld [tilespmem:s22+$0xD920]  }
0x4a0: {  	v20 =	vmul.f32 v39, v12;
	v51 =	vld [tilespmem:s23+$0xD920];
	v45 =	vmul.f32 v40, v13;
	v21 =	vadd.f32 v21, v25  }
0x4a1: {  	v59 =	vld [tilespmem:s4+$0xD530];
	v47 =	vmul.f32 v41, v14;
	v30 =	vmul.f32 v42, v15  }
0x4a2: {  	v57 =	vadd.f32 v53, v52;
	v52 =	vld [tilespmem:s4+$0xD540];
	[tilespmem:s9+$0x1C520] =	vst v21  }
0x4a3: {  	v20 =	vadd.f32 v45, v20;
	v50 =	vadd.f32 v30, v47;
	v54 =	vld [tilespmem:s15+$0xD930]  }
0x4a4: {  	v23 =	vmul.f32 v46, v16;
	v60 =	vmul.f32 v48, v17;
	v55 =	vld [tilespmem:s16+$0xD930]  }
0x4a5: {  	v20 =	vadd.f32 v50, v20;
	v62 =	vmul.f32 v49, v18;
	v25 =	vmul.f32 v51, v19;
	v58 =	vld [tilespmem:s17+$0xD930]  }
0x4a6: {  	v22 =	vmul.f32 v22, v4;
	v24 =	vld [tilespmem:s31+$0xD510]  }
0x4a7: {  	v41 =	vld [tilespmem:s9+$0xD540];
	[tilespmem:s4+$0x1C520] =	vst v20;
	v23 =	vadd.f32 v60, v23;
	v25 =	vadd.f32 v25, v62  }
0x4a8: {  	v56 =	vadd.f32 v28, v22;
	v61 =	vld [tilespmem:s20+$0xD930]  }
0x4a9: {  	v26 =	vmul.f32 v44, v8;
	v63 =	vld [tilespmem:s18+$0xD930];
	v23 =	vadd.f32 v25, v23;
	v35 =	vmul.f32 v54, v9  }
0x4aa: {  	v21 =	vadd.f32 v57, v56;
	v36 =	vld [tilespmem:s19+$0xD930];
	v38 =	vmul.f32 v55, v10;
	v27 =	vmul.f32 v58, v11  }
0x4ab: {  	v42 =	vld [tilespmem:s25+$0xD530];
	[tilespmem:s25+$0x1C520] =	vst v23  }
0x4ac: {  	[tilespmem:s31+$0x1C500] =	vst v21;
	v45 =	vld [tilespmem:s21+$0xD930];
	v21 =	vadd.f32 v35, v26;
	v40 =	vadd.f32 v27, v38  }
0x4ad: {  	v46 =	vld [tilespmem:s22+$0xD930]  }
0x4ae: {  	v20 =	vmul.f32 v59, v12;
	v48 =	vld [tilespmem:s23+$0xD930];
	v22 =	vmul.f32 v61, v13;
	v21 =	vadd.f32 v40, v21  }
0x4af: {  	v57 =	vld [tilespmem:s9+$0xD550];
	v43 =	vmul.f32 v63, v14;
	v44 =	vmul.f32 v36, v15  }
0x4b0: {  	v59 =	vld [tilespmem:s25+$0xD540];
	[tilespmem:s9+$0x1C530] =	vst v21  }
0x4b1: {  	v20 =	vadd.f32 v22, v20;
	v47 =	vadd.f32 v44, v43;
	v49 =	vld [tilespmem:s15+$0xD940]  }
0x4b2: {  	v23 =	vmul.f32 v42, v16;
	v29 =	vmul.f32 v45, v17;
	v50 =	vld [tilespmem:s16+$0xD940]  }
0x4b3: {  	s28 =	sadd.s32 $0x13D00, s30;
	v20 =	vadd.f32 v47, v20;
	v30 =	vmul.f32 v46, v18;
	v22 =	vmul.f32 v48, v19;
	v51 =	vld [tilespmem:s17+$0xD940]  }
0x4b4: {  	s29 =	sadd.s32 $0x16D00, s30;
	v39 =	vld [tilespmem:s28+$0x10]  }
0x4b5: {  	v56 =	vld [tilespmem:s29+$0x10];
	[tilespmem:s4+$0x1C530] =	vst v20;
	v23 =	vadd.f32 v29, v23;
	v22 =	vadd.f32 v22, v30  }
0x4b6: {  	v53 =	vld [tilespmem:s20+$0xD940]  }
0x4b7: {  	v26 =	vmul.f32 v41, v8;
	v54 =	vld [tilespmem:s18+$0xD940];
	v22 =	vadd.f32 v22, v23;
	v25 =	vmul.f32 v49, v9  }
0x4b8: {  	s26 =	sadd.s32 $0x10D00, s30;
	v55 =	vld [tilespmem:s19+$0xD940];
	v27 =	vmul.f32 v50, v10;
	v21 =	vmul.f32 v51, v11  }
0x4b9: {  	v37 =	vld [tilespmem:s26+$0x10];
	[tilespmem:s25+$0x1C530] =	vst v22  }
0x4ba: {  	v61 =	vld [tilespmem:s21+$0xD940];
	v25 =	vadd.f32 v25, v26;
	v21 =	vadd.f32 v21, v27  }
0x4bb: {  	v35 =	vmul.f32 v39, v6;
	v36 =	vmul.f32 v56, v7;
	v62 =	vld [tilespmem:s22+$0xD940]  }
0x4bc: {  	v20 =	vmul.f32 v52, v12;
	v34 =	vld [tilespmem:s23+$0xD940];
	v58 =	vmul.f32 v53, v13;
	v21 =	vadd.f32 v21, v25  }
0x4bd: {  	v42 =	vld [tilespmem:s4+$0xD550];
	v60 =	vmul.f32 v54, v14;
	v29 =	vmul.f32 v55, v15  }
0x4be: {  	v40 =	vadd.f32 v36, v35;
	v36 =	vld [tilespmem:s4+$0xD560];
	[tilespmem:s9+$0x1C540] =	vst v21  }
0x4bf: {  	v28 =	vmul.f32 v37, v5;
	v20 =	vadd.f32 v58, v20;
	v63 =	vadd.f32 v29, v60;
	v37 =	vld [tilespmem:s15+$0xD950]  }
0x4c0: {  	v22 =	vmul.f32 v59, v16;
	v43 =	vmul.f32 v61, v17;
	v38 =	vld [tilespmem:s16+$0xD950]  }
0x4c1: {  	v20 =	vadd.f32 v63, v20;
	v45 =	vmul.f32 v62, v18;
	v25 =	vmul.f32 v34, v19;
	v41 =	vld [tilespmem:s17+$0xD950]  }
0x4c2: {  	v24 =	vmul.f32 v24, v4;
	v23 =	vld [tilespmem:s31+$0xD520]  }
0x4c3: {  	v53 =	vld [tilespmem:s9+$0xD560];
	[tilespmem:s4+$0x1C540] =	vst v20;
	v22 =	vadd.f32 v43, v22;
	v25 =	vadd.f32 v25, v45  }
0x4c4: {  	v39 =	vadd.f32 v28, v24;
	v44 =	vld [tilespmem:s20+$0xD950]  }
0x4c5: {  	v26 =	vmul.f32 v57, v8;
	v46 =	vld [tilespmem:s18+$0xD950];
	v22 =	vadd.f32 v25, v22;
	v47 =	vmul.f32 v37, v9  }
0x4c6: {  	v21 =	vadd.f32 v40, v39;
	v48 =	vld [tilespmem:s19+$0xD950];
	v50 =	vmul.f32 v38, v10;
	v27 =	vmul.f32 v41, v11  }
0x4c7: {  	v54 =	vld [tilespmem:s25+$0xD550];
	[tilespmem:s25+$0x1C540] =	vst v22  }
0x4c8: {  	[tilespmem:s31+$0x1C510] =	vst v21;
	v57 =	vld [tilespmem:s21+$0xD950];
	v21 =	vadd.f32 v47, v26;
	v52 =	vadd.f32 v27, v50  }
0x4c9: {  	v58 =	vld [tilespmem:s22+$0xD950]  }
0x4ca: {  	v20 =	vmul.f32 v42, v12;
	v60 =	vld [tilespmem:s23+$0xD950];
	v24 =	vmul.f32 v44, v13;
	v21 =	vadd.f32 v52, v21  }
0x4cb: {  	v34 =	vld [tilespmem:s25+$0xD570];
	v55 =	vmul.f32 v46, v14;
	v56 =	vmul.f32 v48, v15  }
0x4cc: {  	v43 =	vld [tilespmem:s25+$0xD560];
	[tilespmem:s9+$0x1C550] =	vst v21  }
0x4cd: {  	v20 =	vadd.f32 v24, v20;
	v59 =	vadd.f32 v56, v55;
	v61 =	vld [tilespmem:s15+$0xD960]  }
0x4ce: {  	v22 =	vmul.f32 v54, v16;
	v29 =	vmul.f32 v57, v17;
	v62 =	vld [tilespmem:s16+$0xD960]  }
0x4cf: {  	v20 =	vadd.f32 v59, v20;
	v30 =	vmul.f32 v58, v18;
	v24 =	vmul.f32 v60, v19;
	v63 =	vld [tilespmem:s17+$0xD960]  }
0x4d0: {  	v49 =	vld [tilespmem:s26+$0x20]  }
0x4d1: {  	v51 =	vld [tilespmem:s28+$0x20];
	[tilespmem:s4+$0x1C550] =	vst v20;
	v22 =	vadd.f32 v29, v22;
	v24 =	vadd.f32 v24, v30  }
0x4d2: {  	v37 =	vld [tilespmem:s20+$0xD960]  }
0x4d3: {  	v26 =	vmul.f32 v53, v8;
	v38 =	vld [tilespmem:s18+$0xD960];
	v22 =	vadd.f32 v24, v22;
	v25 =	vmul.f32 v61, v9  }
0x4d4: {  	v39 =	vld [tilespmem:s19+$0xD960];
	v27 =	vmul.f32 v62, v10;
	v21 =	vmul.f32 v63, v11  }
0x4d5: {  	v40 =	vld [tilespmem:s29+$0x20];
	[tilespmem:s25+$0x1C550] =	vst v22  }
0x4d6: {  	v45 =	vld [tilespmem:s21+$0xD960];
	v25 =	vadd.f32 v25, v26;
	v21 =	vadd.f32 v21, v27  }
0x4d7: {  	v23 =	vmul.f32 v23, v4;
	v46 =	vld [tilespmem:s22+$0xD960]  }
0x4d8: {  	v20 =	vmul.f32 v36, v12;
	v48 =	vld [tilespmem:s23+$0xD960];
	v42 =	vmul.f32 v37, v13;
	v21 =	vadd.f32 v21, v25  }
0x4d9: {  	v41 =	vld [tilespmem:s9+$0xD570];
	v44 =	vmul.f32 v38, v14;
	v29 =	vmul.f32 v39, v15  }
0x4da: {  	v47 =	vmul.f32 v49, v5;
	v49 =	vmul.f32 v51, v6;
	v55 =	vld [tilespmem:s4+$0xD570];
	[tilespmem:s9+$0x1C560] =	vst v21  }
0x4db: {  	v50 =	vmul.f32 v40, v7;
	v20 =	vadd.f32 v42, v20;
	v25 =	vadd.f32 v29, v44;
	v51 =	vld [tilespmem:s15+$0xD970]  }
0x4dc: {  	v22 =	vmul.f32 v43, v16;
	v56 =	vmul.f32 v45, v17;
	v52 =	vld [tilespmem:s16+$0xD970]  }
0x4dd: {  	v20 =	vadd.f32 v25, v20;
	v58 =	vmul.f32 v46, v18;
	v27 =	vmul.f32 v48, v19;
	v54 =	vld [tilespmem:s17+$0xD970]  }
0x4de: {  	v53 =	vadd.f32 v50, v49;
	v24 =	vld [tilespmem:s31+$0xD530];
	v21 =	vadd.f32 v47, v23  }
0x4df: {  	[tilespmem:s4+$0x1C560] =	vst v20;
	v22 =	vadd.f32 v56, v22;
	v27 =	vadd.f32 v27, v58;
	v56 =	vld [tilespmem:s31+$0xD540]  }
0x4e0: {  	v21 =	vadd.f32 v53, v21;
	v57 =	vld [tilespmem:s20+$0xD970]  }
0x4e1: {  	v26 =	vmul.f32 v41, v8;
	v59 =	vld [tilespmem:s18+$0xD970];
	v22 =	vadd.f32 v27, v22;
	v60 =	vmul.f32 v51, v9  }
0x4e2: {  	v61 =	vld [tilespmem:s19+$0xD970];
	[tilespmem:s31+$0x1C520] =	vst v21;
	v25 =	vmul.f32 v52, v10;
	v28 =	vmul.f32 v54, v11  }
0x4e3: {  	v62 =	vld [tilespmem:s26+$0x30];
	[tilespmem:s25+$0x1C560] =	vst v22  }
0x4e4: {  	v37 =	vld [tilespmem:s21+$0xD970];
	v21 =	vadd.f32 v60, v26;
	v25 =	vadd.f32 v28, v25  }
0x4e5: {  	v38 =	vld [tilespmem:s22+$0xD970]  }
0x4e6: {  	v20 =	vmul.f32 v55, v12;
	v40 =	vld [tilespmem:s23+$0xD970];
	v23 =	vmul.f32 v57, v13;
	v21 =	vadd.f32 v25, v21  }
0x4e7: {  	v63 =	vld [tilespmem:s28+$0x30];
	v35 =	vmul.f32 v59, v14;
	v36 =	vmul.f32 v61, v15  }
0x4e8: {  	s30 =	sor.u32 s7, s5;
	v33 =	vld [tilespmem:s29+$0x30];
	[tilespmem:s9+$0x1C570] =	vst v21  }
0x4e9: {  	v20 =	vadd.f32 v23, v20;
	v39 =	vadd.f32 v36, v35;
	v42 =	vld [tilespmem:s30+$0xD500]  }
0x4ea: {  	v22 =	vmul.f32 v34, v16;
	v49 =	vmul.f32 v37, v17;
	v44 =	vld [tilespmem:s15+$0xDD00]  }
0x4eb: {  	v20 =	vadd.f32 v39, v20;
	v51 =	vmul.f32 v38, v18;
	v23 =	vmul.f32 v40, v19;
	v46 =	vld [tilespmem:s16+$0xDD00]  }
0x4ec: {  	v48 =	vld [tilespmem:s17+$0xDD00]  }
0x4ed: {  	s3 =	sor.u32 s3, s5;
	v59 =	vld [tilespmem:s30+$0xD510];
	[tilespmem:s4+$0x1C570] =	vst v20;
	v22 =	vadd.f32 v49, v22;
	v23 =	vadd.f32 v23, v51  }
0x4ee: {  	v50 =	vld [tilespmem:s3+$0xD500]  }
0x4ef: {  	v24 =	vmul.f32 v24, v4;
	v41 =	vmul.f32 v62, v5;
	v52 =	vld [tilespmem:s20+$0xDD00];
	v22 =	vadd.f32 v23, v22  }
0x4f0: {  	v43 =	vmul.f32 v63, v6;
	v27 =	vmul.f32 v33, v7;
	v53 =	vld [tilespmem:s18+$0xDD00]  }
0x4f1: {  	v45 =	vadd.f32 v41, v24;
	s4 =	sor.u32 s24, s5;
	v55 =	vld [tilespmem:s19+$0xDD00];
	[tilespmem:s25+$0x1C570] =	vst v22  }
0x4f2: {  	v47 =	vadd.f32 v27, v43;
	v26 =	vmul.f32 v42, v8;
	v54 =	vmul.f32 v44, v9;
	v61 =	vld [tilespmem:s4+$0xD500]  }
0x4f3: {  	v24 =	vmul.f32 v46, v10;
	v25 =	vmul.f32 v48, v11;
	v33 =	vld [tilespmem:s21+$0xDD00]  }
0x4f4: {  	v20 =	vadd.f32 v47, v45;
	v34 =	vld [tilespmem:s22+$0xDD00];
	v58 =	vadd.f32 v54, v26  }
0x4f5: {  	v36 =	vld [tilespmem:s23+$0xDD00];
	v24 =	vadd.f32 v25, v24;
	v60 =	vmul.f32 v50, v12;
	v21 =	vmul.f32 v52, v13  }
0x4f6: {  	v40 =	vld [tilespmem:s3+$0xD510];
	[tilespmem:s31+$0x1C530] =	vst v20;
	v62 =	vmul.f32 v53, v14;
	v63 =	vmul.f32 v55, v15  }
0x4f7: {  	v57 =	vld [tilespmem:s26+$0x40];
	v22 =	vadd.f32 v24, v58  }
0x4f8: {  	v45 =	vld [tilespmem:s29+$0x40];
	v21 =	vadd.f32 v21, v60;
	v35 =	vadd.f32 v63, v62  }
0x4f9: {  	v44 =	vld [tilespmem:s28+$0x40];
	[tilespmem:s30+$0x1C500] =	vst v22;
	v27 =	vmul.f32 v61, v16;
	v29 =	vmul.f32 v33, v17  }
0x4fa: {  	v21 =	vadd.f32 v35, v21;
	v30 =	vmul.f32 v34, v18;
	v24 =	vmul.f32 v36, v19;
	v37 =	vld [tilespmem:s15+$0xDD10]  }
0x4fb: {  	v38 =	vld [tilespmem:s16+$0xDD10]  }
0x4fc: {  	v39 =	vld [tilespmem:s17+$0xDD10];
	[tilespmem:s3+$0x1C500] =	vst v21;
	v27 =	vadd.f32 v29, v27;
	v24 =	vadd.f32 v24, v30  }
0x4fd: {  	v41 =	vld [tilespmem:s20+$0xDD10]  }
0x4fe: {  	v42 =	vld [tilespmem:s18+$0xDD10];
	v24 =	vadd.f32 v24, v27  }
0x4ff: {  	v43 =	vld [tilespmem:s19+$0xDD10]  }
0x500: {  	v48 =	vld [tilespmem:s4+$0xD510];
	v25 =	vmul.f32 v59, v8;
	v26 =	vmul.f32 v37, v9;
	[tilespmem:s4+$0x1C500] =	vst v24  }
0x501: {  	v28 =	vmul.f32 v38, v10;
	v22 =	vmul.f32 v39, v11;
	v50 =	vld [tilespmem:s21+$0xDD10]  }
0x502: {  	v20 =	vmul.f32 v56, v4;
	v21 =	vmul.f32 v40, v12;
	v51 =	vld [tilespmem:s22+$0xDD10]  }
0x503: {  	v53 =	vld [tilespmem:s23+$0xDD10];
	v25 =	vadd.f32 v26, v25;
	v22 =	vadd.f32 v22, v28;
	v47 =	vmul.f32 v41, v13  }
0x504: {  	v46 =	vld [tilespmem:s30+$0xD520];
	v49 =	vmul.f32 v42, v14;
	v29 =	vmul.f32 v43, v15  }
0x505: {  	v59 =	vld [tilespmem:s3+$0xD520];
	v23 =	vmul.f32 v57, v5;
	v55 =	vmul.f32 v44, v6;
	v22 =	vadd.f32 v22, v25  }
0x506: {  	v40 =	vld [tilespmem:s30+$0xD530];
	v27 =	vmul.f32 v45, v7;
	v21 =	vadd.f32 v47, v21;
	v52 =	vadd.f32 v29, v49  }
0x507: {  	v24 =	vmul.f32 v48, v16;
	v42 =	vld [tilespmem:s4+$0xD520];
	[tilespmem:s30+$0x1C510] =	vst v22;
	v60 =	vmul.f32 v50, v17  }
0x508: {  	v21 =	vadd.f32 v52, v21;
	v62 =	vmul.f32 v51, v18;
	v25 =	vmul.f32 v53, v19;
	v54 =	vld [tilespmem:s15+$0xDD20]  }
0x509: {  	v20 =	vadd.f32 v23, v20;
	v58 =	vadd.f32 v27, v55;
	v56 =	vld [tilespmem:s16+$0xDD20]  }
0x50a: {  	v57 =	vld [tilespmem:s17+$0xDD20];
	[tilespmem:s3+$0x1C510] =	vst v21;
	v24 =	vadd.f32 v60, v24;
	v25 =	vadd.f32 v25, v62  }
0x50b: {  	v20 =	vadd.f32 v58, v20;
	v61 =	vld [tilespmem:s20+$0xDD20]  }
0x50c: {  	v36 =	vld [tilespmem:s18+$0xDD20];
	v24 =	vadd.f32 v25, v24  }
0x50d: {  	[tilespmem:s31+$0x1C540] =	vst v20;
	v37 =	vld [tilespmem:s19+$0xDD20]  }
0x50e: {  	v63 =	vmul.f32 v46, v8;
	v20 =	vld [tilespmem:s31+$0xD550];
	v28 =	vmul.f32 v54, v9;
	[tilespmem:s4+$0x1C510] =	vst v24  }
0x50f: {  	v38 =	vmul.f32 v56, v10;
	v22 =	vmul.f32 v57, v11;
	v45 =	vld [tilespmem:s21+$0xDD20]  }
0x510: {  	v21 =	vmul.f32 v59, v12;
	v46 =	vld [tilespmem:s22+$0xDD20]  }
0x511: {  	v48 =	vld [tilespmem:s23+$0xDD20];
	v23 =	vadd.f32 v28, v63;
	v22 =	vadd.f32 v22, v38;
	v41 =	vmul.f32 v61, v13  }
0x512: {  	v39 =	vld [tilespmem:s26+$0x50];
	v43 =	vmul.f32 v36, v14;
	v44 =	vmul.f32 v37, v15  }
0x513: {  	v52 =	vld [tilespmem:s3+$0xD530];
	v22 =	vadd.f32 v22, v23  }
0x514: {  	v60 =	vld [tilespmem:s4+$0xD530];
	v21 =	vadd.f32 v41, v21;
	v47 =	vadd.f32 v44, v43  }
0x515: {  	v24 =	vmul.f32 v42, v16;
	v56 =	vld [tilespmem:s28+$0x50];
	[tilespmem:s30+$0x1C520] =	vst v22;
	v28 =	vmul.f32 v45, v17  }
0x516: {  	v21 =	vadd.f32 v47, v21;
	v29 =	vmul.f32 v46, v18;
	v23 =	vmul.f32 v48, v19;
	v49 =	vld [tilespmem:s15+$0xDD30]  }
0x517: {  	v50 =	vld [tilespmem:s16+$0xDD30]  }
0x518: {  	v51 =	vld [tilespmem:s17+$0xDD30];
	[tilespmem:s3+$0x1C520] =	vst v21;
	v24 =	vadd.f32 v28, v24;
	v23 =	vadd.f32 v23, v29  }
0x519: {  	v53 =	vld [tilespmem:s20+$0xDD30]  }
0x51a: {  	v54 =	vld [tilespmem:s18+$0xDD30];
	v23 =	vadd.f32 v23, v24  }
0x51b: {  	v55 =	vld [tilespmem:s19+$0xDD30]  }
0x51c: {  	v25 =	vmul.f32 v40, v8;
	v57 =	vld [tilespmem:s29+$0x50];
	v26 =	vmul.f32 v49, v9;
	[tilespmem:s4+$0x1C520] =	vst v23  }
0x51d: {  	v27 =	vmul.f32 v50, v10;
	v22 =	vmul.f32 v51, v11;
	v62 =	vld [tilespmem:s21+$0xDD30]  }
0x51e: {  	v20 =	vmul.f32 v20, v4;
	v21 =	vmul.f32 v52, v12;
	v63 =	vld [tilespmem:s22+$0xDD30]  }
0x51f: {  	v37 =	vld [tilespmem:s23+$0xDD30];
	v25 =	vadd.f32 v26, v25;
	v22 =	vadd.f32 v22, v27;
	v59 =	vmul.f32 v53, v13  }
0x520: {  	v58 =	vld [tilespmem:s30+$0xD540];
	v61 =	vmul.f32 v54, v14;
	v28 =	vmul.f32 v55, v15  }
0x521: {  	v42 =	vld [tilespmem:s3+$0xD540];
	v38 =	vmul.f32 v39, v5;
	v29 =	vmul.f32 v56, v6;
	v22 =	vadd.f32 v22, v25  }
0x522: {  	v24 =	vmul.f32 v57, v7;
	v51 =	vld [tilespmem:s30+$0xD550];
	v21 =	vadd.f32 v59, v21;
	v36 =	vadd.f32 v28, v61  }
0x523: {  	v23 =	vmul.f32 v60, v16;
	v53 =	vld [tilespmem:s4+$0xD540];
	[tilespmem:s30+$0x1C530] =	vst v22;
	v43 =	vmul.f32 v62, v17  }
0x524: {  	v21 =	vadd.f32 v36, v21;
	v45 =	vmul.f32 v63, v18;
	v25 =	vmul.f32 v37, v19;
	v39 =	vld [tilespmem:s15+$0xDD40]  }
0x525: {  	v20 =	vadd.f32 v38, v20;
	v24 =	vadd.f32 v24, v29;
	v40 =	vld [tilespmem:s16+$0xDD40]  }
0x526: {  	v41 =	vld [tilespmem:s17+$0xDD40];
	[tilespmem:s3+$0x1C530] =	vst v21;
	v23 =	vadd.f32 v43, v23;
	v25 =	vadd.f32 v25, v45  }
0x527: {  	v20 =	vadd.f32 v24, v20;
	v44 =	vld [tilespmem:s20+$0xDD40]  }
0x528: {  	v47 =	vld [tilespmem:s18+$0xDD40];
	v23 =	vadd.f32 v25, v23  }
0x529: {  	[tilespmem:s31+$0x1C550] =	vst v20;
	v48 =	vld [tilespmem:s19+$0xDD40]  }
0x52a: {  	v46 =	vmul.f32 v58, v8;
	v20 =	vld [tilespmem:s31+$0xD560];
	v28 =	vmul.f32 v39, v9;
	[tilespmem:s4+$0x1C530] =	vst v23  }
0x52b: {  	v49 =	vmul.f32 v40, v10;
	v22 =	vmul.f32 v41, v11;
	v56 =	vld [tilespmem:s21+$0xDD40]  }
0x52c: {  	v21 =	vmul.f32 v42, v12;
	v57 =	vld [tilespmem:s22+$0xDD40]  }
0x52d: {  	v59 =	vld [tilespmem:s23+$0xDD40];
	v24 =	vadd.f32 v28, v46;
	v22 =	vadd.f32 v22, v49;
	v52 =	vmul.f32 v44, v13  }
0x52e: {  	v50 =	vld [tilespmem:s26+$0x60];
	v54 =	vmul.f32 v47, v14;
	v55 =	vmul.f32 v48, v15  }
0x52f: {  	v63 =	vld [tilespmem:s3+$0xD550];
	v22 =	vadd.f32 v22, v24  }
0x530: {  	v39 =	vld [tilespmem:s28+$0x60];
	v21 =	vadd.f32 v52, v21;
	v58 =	vadd.f32 v55, v54  }
0x531: {  	v23 =	vmul.f32 v53, v16;
	v40 =	vld [tilespmem:s29+$0x60];
	[tilespmem:s30+$0x1C540] =	vst v22;
	v28 =	vmul.f32 v56, v17  }
0x532: {  	v21 =	vadd.f32 v58, v21;
	v29 =	vmul.f32 v57, v18;
	v24 =	vmul.f32 v59, v19;
	v60 =	vld [tilespmem:s15+$0xDD50]  }
0x533: {  	v61 =	vld [tilespmem:s16+$0xDD50]  }
0x534: {  	v62 =	vld [tilespmem:s17+$0xDD50];
	[tilespmem:s3+$0x1C540] =	vst v21;
	v23 =	vadd.f32 v28, v23;
	v24 =	vadd.f32 v24, v29  }
0x535: {  	v36 =	vld [tilespmem:s20+$0xDD50]  }
0x536: {  	v20 =	vmul.f32 v20, v4;
	v25 =	vmul.f32 v51, v8;
	v37 =	vld [tilespmem:s18+$0xDD50];
	v23 =	vadd.f32 v24, v23  }
0x537: {  	v49 =	vmul.f32 v50, v5;
	v29 =	vmul.f32 v39, v6;
	v38 =	vld [tilespmem:s19+$0xDD50]  }
0x538: {  	v43 =	vld [tilespmem:s4+$0xD550];
	v24 =	vmul.f32 v40, v7;
	v26 =	vmul.f32 v60, v9;
	[tilespmem:s4+$0x1C540] =	vst v23  }
0x539: {  	v27 =	vmul.f32 v61, v10;
	v22 =	vmul.f32 v62, v11;
	v45 =	vld [tilespmem:s21+$0xDD50]  }
0x53a: {  	v20 =	vadd.f32 v49, v20;
	v21 =	vmul.f32 v63, v12;
	v24 =	vadd.f32 v24, v29;
	v46 =	vld [tilespmem:s22+$0xDD50]  }
0x53b: {  	v48 =	vld [tilespmem:s23+$0xDD50];
	v25 =	vadd.f32 v26, v25;
	v22 =	vadd.f32 v22, v27;
	v42 =	vmul.f32 v36, v13  }
0x53c: {  	v34 =	vld [tilespmem:s4+$0xD560];
	v44 =	vmul.f32 v37, v14;
	v28 =	vmul.f32 v38, v15;
	v20 =	vadd.f32 v24, v20  }
0x53d: {  	v41 =	vld [tilespmem:s30+$0xD560];
	v22 =	vadd.f32 v22, v25  }
0x53e: {  	v53 =	vld [tilespmem:s3+$0xD560];
	v21 =	vadd.f32 v42, v21;
	v47 =	vadd.f32 v28, v44;
	[tilespmem:s31+$0x1C560] =	vst v20  }
0x53f: {  	v23 =	vmul.f32 v43, v16;
	v61 =	vld [tilespmem:s26+$0x70];
	[tilespmem:s30+$0x1C550] =	vst v22;
	v54 =	vmul.f32 v45, v17  }
0x540: {  	v21 =	vadd.f32 v47, v21;
	v56 =	vmul.f32 v46, v18;
	v25 =	vmul.f32 v48, v19;
	v50 =	vld [tilespmem:s15+$0xDD60]  }
0x541: {  	v51 =	vld [tilespmem:s16+$0xDD60]  }
0x542: {  	v52 =	vld [tilespmem:s17+$0xDD60];
	[tilespmem:s3+$0x1C550] =	vst v21;
	v23 =	vadd.f32 v54, v23;
	v25 =	vadd.f32 v25, v56  }
0x543: {  	v55 =	vld [tilespmem:s20+$0xDD60]  }
0x544: {  	v57 =	vld [tilespmem:s18+$0xDD60];
	v23 =	vadd.f32 v25, v23  }
0x545: {  	v58 =	vld [tilespmem:s19+$0xDD60]  }
0x546: {  	v59 =	vmul.f32 v41, v8;
	v63 =	vld [tilespmem:s28+$0x70];
	v60 =	vmul.f32 v50, v9;
	[tilespmem:s4+$0x1C550] =	vst v23  }
0x547: {  	v62 =	vmul.f32 v51, v10;
	v22 =	vmul.f32 v52, v11;
	v36 =	vld [tilespmem:s21+$0xDD60]  }
0x548: {  	v21 =	vmul.f32 v53, v12;
	v37 =	vld [tilespmem:s22+$0xDD60]  }
0x549: {  	v38 =	vld [tilespmem:s23+$0xDD60];
	v20 =	vadd.f32 v60, v59;
	v22 =	vadd.f32 v22, v62;
	v33 =	vmul.f32 v55, v13  }
0x54a: {  	v39 =	vld [tilespmem:s29+$0x70];
	v24 =	vmul.f32 v57, v14;
	v35 =	vmul.f32 v58, v15  }
0x54b: {  	v45 =	vld [tilespmem:s31+$0xD570];
	v20 =	vadd.f32 v22, v20  }
0x54c: {  	v46 =	vld [tilespmem:s30+$0xD570];
	v21 =	vadd.f32 v33, v21;
	v24 =	vadd.f32 v35, v24  }
0x54d: {  	v42 =	vmul.f32 v34, v16;
	v47 =	vld [tilespmem:s3+$0xD570];
	v43 =	vmul.f32 v36, v17  }
0x54e: {  	v50 =	vld [tilespmem:s4+$0xD570];
	[tilespmem:s30+$0x1C560] =	vst v20;
	v21 =	vadd.f32 v24, v21;
	v22 =	vmul.f32 v37, v18;
	v26 =	vmul.f32 v38, v19  }
0x54f: {  	v20 =	vld [tilespmem:s15+$0xDD70]  }
0x550: {  	v40 =	vld [tilespmem:s16+$0xDD70];
	[tilespmem:s3+$0x1C560] =	vst v21;
	v21 =	vadd.f32 v43, v42;
	v22 =	vadd.f32 v26, v22  }
0x551: {  	v41 =	vld [tilespmem:s17+$0xDD70]  }
0x552: {  	v44 =	vld [tilespmem:s20+$0xDD70];
	v21 =	vadd.f32 v22, v21  }
0x553: {  	v48 =	vld [tilespmem:s18+$0xDD70]  }
0x554: {  	v49 =	vld [tilespmem:s19+$0xDD70];
	[tilespmem:s4+$0x1C560] =	vst v21  }
0x555: {  	v5 =	vmul.f32 v61, v5;
	v4 =	vmul.f32 v45, v4;
	v51 =	vld [tilespmem:s21+$0xDD70]  }
0x556: {  	v6 =	vmul.f32 v63, v6;
	v7 =	vmul.f32 v39, v7;
	v52 =	vld [tilespmem:s22+$0xDD70]  }
0x557: {  	v4 =	vadd.f32 v5, v4;
	v5 =	vmul.f32 v46, v8;
	v53 =	vmul.f32 v20, v9;
	v54 =	vld [tilespmem:s23+$0xDD70]  }
0x558: {  	v6 =	vadd.f32 v7, v6;
	v55 =	vmul.f32 v40, v10;
	v56 =	vmul.f32 v41, v11  }
0x559: {  	v57 =	vmul.f32 v47, v12;
	v61 =	vmul.f32 v50, v16;
	v5 =	vadd.f32 v53, v5  }
0x55a: {  	v58 =	vmul.f32 v44, v13;
	v7 =	vadd.f32 v56, v55;
	v59 =	vmul.f32 v48, v14  }
0x55b: {  	v4 =	vadd.f32 v6, v4;
	v60 =	vmul.f32 v49, v15;
	v62 =	vmul.f32 v51, v17  }
0x55c: {  	v5 =	vadd.f32 v7, v5;
	v63 =	vmul.f32 v52, v18;
	v9 =	vmul.f32 v54, v19  }
0x55d: {  	p0 =	slt.u32 s14, $0x1C;
	v8 =	vadd.f32 v58, v57;
	v10 =	vadd.f32 v60, v59  }
.Ltmp2:
0x55e: {  	v6 =	vadd.f32 v62, v61;
	v7 =	vadd.f32 v9, v63;
	(pc) =	sbr.rel @p0 .LBB2_7-.Ltmp2, $4  }
0x55f: {  	[tilespmem:s31+$0x1C570] =	vst v4;
	v4 =	vadd.f32 v10, v8  }
0x560: {  	[tilespmem:s30+$0x1C570] =	vst v5;
	v5 =	vadd.f32 v7, v6  }
0x561: {  	[tilespmem:s3+$0x1C570] =	vst v4  }
0x562: {  	s14 =	sadd.s32 $0x4, s14;
	s13 =	sadd.s32 $0x200, s13;
	[tilespmem:s4+$0x1C570] =	vst v5  }
0x563: {  	s1 =	rddreg [dreg:$0xb]  }
0x564: {  	s1 =	smin.u32 s1, $0x3C  }
0x565: {  	s1 =	sshll.u32 s1, $0x5  }
0x566: {  	v4 =	vld [tilespmem:s1+$0x60]  }
0x567: {  	v5 =	vld [tilespmem:s1+$0x860];
	_ =	sdelay $0x4  }
0x568: {  	v6 =	vtrunc.f32 v4;
	v7 =	vtrunc.f32 v5  }
0x569: {  	v6 =	vcvt.f32.s32 v6;
	v7 =	vcvt.f32.s32 v7;
	_ =	sdelay $0x1  }
0x56a: {  	v8 =	vcvt.s32.f32 v6;
	v9 =	vcvt.s32.f32 v7;
	v6 =	vmul.u32 $0xE0, v6;
	_ =	sdelay $0x1  }
0x56b: {  	v4 =	vsub.f32 v4, v8;
	v5 =	vsub.f32 v5, v9;
	v6 =	vadd.s32 v0, v6  }
0x56c: {  	v6 =	vadd.s32 v7, v6  }
0x56d: {  	[tilespmem:$0x1080] =	vst v6;
	v7 =	vadd.s32 $0xE0, v6;
	v8 =	vsub.f32 $1.000000000e+00, v4;
	v9 =	vsub.f32 $1.000000000e+00, v5  }
0x56e: {  	v52 =	vadd.s32 $0x1, v6;
	[tilespmem:$0x10A0] =	vst v7  }
0x56f: {  	v6 =	vadd.s32 $0xE1, v6;
	[tilespmem:$0x10C0] =	vst v52;
	v53 =	vmul.f32 v9, v8  }
0x570: {  	[tilespmem:$0x10E0] =	vst v6;
	v54 =	vmul.f32 v9, v4  }
0x571: {  	v55 =	vmul.f32 v5, v8;
	[tilespmem:$0x1300] =	vst v53  }
0x572: {  	v4 =	vmul.f32 v5, v4;
	[tilespmem:$0x1380] =	vst v54  }
0x573: {  	[tilespmem:$0x1400] =	vst v55  }
0x574: {  	[tilespmem:$0x1480] =	vst v4  }
0x575: {  	v4 =	vld [tilespmem:s1+$0x70]  }
0x576: {  	v5 =	vld [tilespmem:s1+$0x870];
	_ =	sdelay $0x4  }
0x577: {  	v56 =	vtrunc.f32 v4;
	v57 =	vtrunc.f32 v5  }
0x578: {  	v6 =	vcvt.f32.s32 v56;
	v7 =	vcvt.f32.s32 v57;
	_ =	sdelay $0x1  }
0x579: {  	v58 =	vcvt.s32.f32 v6;
	v59 =	vcvt.s32.f32 v7;
	v6 =	vmul.u32 $0xE0, v6;
	_ =	sdelay $0x1  }
0x57a: {  	v4 =	vsub.f32 v4, v58;
	v5 =	vsub.f32 v5, v59;
	v6 =	vadd.s32 v0, v6  }
0x57b: {  	v6 =	vadd.s32 v7, v6  }
0x57c: {  	s31 =	rddreg [dreg:$0xc];
	[tilespmem:$0x1090] =	vst v6;
	v7 =	vadd.s32 $0xE0, v6;
	v8 =	vsub.f32 $1.000000000e+00, v4;
	v9 =	vsub.f32 $1.000000000e+00, v5  }
0x57d: {  	s5 =	rddreg [dreg:$0xa];
	v60 =	vadd.s32 $0x1, v6;
	[tilespmem:$0x10B0] =	vst v7  }
0x57e: {  	s29 =	rddreg [dreg:$0x4];
	s5 =	sadd.s32 $0x1, s5;
	s1 =	sshll.u32 s31, $0x5;
	v6 =	vadd.s32 $0xE1, v6;
	[tilespmem:$0x10D0] =	vst v60;
	v61 =	vmul.f32 v9, v8  }
0x57f: {  	p0 =	sne.s32 s5, $0x20;
	s1 =	sadd.s32 s29, s1;
	[tilespmem:$0x10F0] =	vst v6;
	v62 =	vmul.f32 v9, v4  }
.Ltmp3:
0x580: {  	s1 =	sshrl.u32 s1, $0x3;
	v63 =	vmul.f32 v5, v8;
	[tilespmem:$0x1310] =	vst v61;
	(pc) =	sbr.rel @p0 .LBB2_2-.Ltmp3, $4  }
0x581: {  	s26 =	rddreg [dreg:$0x2];
	s28 =	simm.s32 $0x0;
	s1 =	smul.u32 $0x180, s1;
	v4 =	vmul.f32 v5, v4;
	[tilespmem:$0x1390] =	vst v62  }
0x582: {  	s3 =	simm.s32 $0x1C500;
	s22 =	simm.s32 $0x1100;
	s23 =	simm.s32 $0x1180;
	[tilespmem:$0x1410] =	vst v63  }
0x583: {  	s25 =	simm.s32 $0x1200;
	s7 =	simm.s32 $0x1280;
	s1 =	sadd.s32 s26, s1;
	[tilespmem:$0x1490] =	vst v4  }
0x584: {  	[hbm4b:s1+s28] =	stream.linear.scatter [tilespmem:s3], [sflag:$0x4], $0x3000, $0x38;
	[tilespmem:$0x1F500] =	vst v63  }
0x585: {  	s1 =	simm.s32 $0x3  }
0x586: {  	_ =	swait.ge [sflag:s1], $0x3000  }
0x587: {  	[sflag:s1] =	ssyncset.done $0x0  }
0x588: {  	s3 =	simm.s32 $0x4;
	[sflag:s1] =	ssyncadd.s32 $0xFFFFD000  }
0x589: {  	_ =	swait.ge [sflag:s3], $0x3000  }
0x58a: {  	s4 =	rddreg [dreg:$0x9]  }
0x58b: {  	s31 =	rddreg [dreg:$0x8];
	s4 =	sadd.s32 $0x1, s4  }
0x58c: {  	p0 =	sne.s32 s4, s31  }
.Ltmp4:
0x58d: {  	_ = 	snop;
	(pc) =	sbr.rel @p0 .LBB2_1-.Ltmp4, $3  }
0x58e: {  	_ =	sdelay $0x1  }
0x58f: {  	[sflag:s3] =	ssyncset.done $0x0  }
0x590: {  	[sflag:s3] =	ssyncadd.s32 $0xFFFFD000  }
0x591: {  	_ =	sfence.sel $0x180000  }
0x592: {  	[bflag:$0x0] =	sbarrier.arrive $0xFFFF  }
0x593: {  	_ =	strace $0x90000047  }
0x594: {  	s0 =	stileid.u32;
	[bflag:$0x2] =	sbarrier.arrive $0xFFFF  }
0x595: {  	p0 =	sne.s32 s0, $0x0;
	s0 =	rddreg [dreg:$0x3]  }
0x596: {  	s0 =	sadd.s32 @!p0 $0x100000, s0  }
0x597: {  	[sflag:s0] =	ssyncadd.tile.s32 @!p0 $0x1;
	_ =	shalt  }
.Lfunc_end2:
_tile_overlayer_lowered:
.L_overlay_start_2:
0x598: {  	(tag) =	ssettag $0x2  }
0x599: {  	s0 =	rddreg [dreg:$0x0];
	s2 =	stileid.u32  }
0x59a: {  	s1 =	rddreg [dreg:$0x1];
	p0 =	sne.s32 s2, $0x0  }
0x59b: {  	s3 =	rddreg [dreg:$0x2];
	[bflag:$0x3] =	sbarrier.arrive $0xFFFF;
	s2 =	simm.s32 @!p0 $0x1C05  }
0x59c: {  	[timem:s3], [sflag:s2] =	dma.local @!p0 [hbm:s0], s1  }
0x59d: {  	s0 =	simm.s32 @!p0 $0x5  }
0x59e: {  	_ =	swait.ge @!p0 [sflag:s0], s1  }
0x59f: {  	s1 =	ssub.s32 @!p0 $0x0, s1;
	[sflag:s0] =	ssyncset.done @!p0 $0x0  }
0x5a0: {  	[sflag:s0] =	ssyncadd.s32 @!p0 s1  }
0x5a1: {  	[bflag:$0x3] =	sbarrier.arrive $0xFFFF  }
0x5a2: {  	_ =	shalt  }

</sc_bundles>
